<compile_context>
chip_gen: v7x
topology: tpu7x:2x2x1
jax: 0.10.2.dev20260603
libtpu: 0.0.44.dev20260713+nightly
codegen_flags: <defaults>
</compile_context>

<pallas_src>
import jax
import jax.numpy as jnp
from jax import lax
from jax.experimental import pallas as pl
from jax.experimental.pallas import tpu as pltpu
from jax.experimental.pallas import tpu_sc as plsc

N_NODES = 10000
N_EDGES = 320000
IN_CH = 128
OUT_CH = 128
HID = 256

N_TILES = 16
N_CORES = 2
CHUNK = 128
N_PAD = 10112
E_PAD = 323584
ROWS_PER_TILE = N_PAD // N_TILES



def _sc_mesh():
    return plsc.VectorSubcoreMesh(core_axis_name="c", subcore_axis_name="s")


DEG_W = 128
CH_EDGE = E_PAD // (N_CORES * N_TILES) // CHUNK
CHUNK_A = 64
CHA_SPLIT = E_PAD // N_TILES // CHUNK_A
CHA_EDGE = E_PAD // (N_CORES * N_TILES) // CHUNK_A


def _deg_body(dst_h, ones_h, zeros_h, out_h, dst_v, ones_v, deg_sp, ssem):
    c = lax.axis_index("c")
    s = lax.axis_index("s")
    r0 = s * ROWS_PER_TILE
    pltpu.sync_copy(zeros_h.at[pl.ds(r0, ROWS_PER_TILE)],
                    deg_sp.at[pl.ds(r0, ROWS_PER_TILE)])
    pltpu.sync_copy(ones_h, ones_v)
    pltpu.sync_copy(dst_h.at[c * N_TILES + s], dst_v)
    plsc.subcore_barrier()

    def scat(i, b):
        return pltpu.make_async_copy(ones_v, deg_sp.at[dst_v.at[i]],
                                     ssem.at[b])

    def chunk(i, carry):
        b = lax.rem(i, 2)

        @pl.when(i >= 2)
        def _():
            scat(i - 2, b).wait()

        scat(i, b).start(add=True)
        return carry

    lax.fori_loop(0, CH_EDGE, chunk, 0)
    scat(CH_EDGE - 2, lax.rem(CH_EDGE - 2, 2)).wait()
    scat(CH_EDGE - 1, lax.rem(CH_EDGE - 1, 2)).wait()
    plsc.subcore_barrier()
    pltpu.sync_copy(deg_sp.at[pl.ds(r0, ROWS_PER_TILE)],
                    out_h.at[c, pl.ds(r0, ROWS_PER_TILE)])


_deg_call = pl.kernel(
    _deg_body,
    out_type=jax.ShapeDtypeStruct((N_CORES, N_PAD, DEG_W), jnp.float32),
    mesh=_sc_mesh(),
    scratch_types=[
        pltpu.VMEM((CH_EDGE, CHUNK), jnp.int32),
        pltpu.VMEM((CHUNK, DEG_W), jnp.float32),
        pltpu.VMEM_SHARED((N_PAD, DEG_W), jnp.float32),
        pltpu.SemaphoreType.DMA((2,)),
    ],
)


def _make_agg(feature_split):
    NR = 5
    G = 3
    NI = 8
    CH0 = 220
    CH1 = 2 * CHA_EDGE - CH0

    def body(table_h, src_h, dst_h, zeros_h, out_h, idx_s, idx_d, rows_v,
             agg_sp, isem, dsem, gsem, ssem):
        c = lax.axis_index("c")
        s = lax.axis_index("s")
        r0 = s * ROWS_PER_TILE
        pltpu.sync_copy(zeros_h.at[pl.ds(r0, ROWS_PER_TILE)],
                        agg_sp.at[pl.ds(r0, ROWS_PER_TILE)])
        plsc.subcore_barrier()

        def pipeline(src_row, dst_row, n_chunks):
            def isrc(i):
                b = lax.rem(i, NI)
                return pltpu.make_async_copy(src_row(i), idx_s.at[b],
                                             isem.at[b])

            def idst(i):
                b = lax.rem(i, NI)
                return pltpu.make_async_copy(dst_row(i), idx_d.at[b],
                                             dsem.at[b])

            def gath(i):
                b = lax.rem(i, NR)
                return pltpu.make_async_copy(
                    table_h.at[idx_s.at[lax.rem(i, NI)]], rows_v.at[b],
                    gsem.at[b])

            def scat(i):
                b = lax.rem(i, NR)
                return pltpu.make_async_copy(
                    rows_v.at[b], agg_sp.at[idx_d.at[lax.rem(i, NI)]],
                    ssem.at[b])

            for k in range(G + 1):
                isrc(k).start()
                idst(k).start()
            for k in range(G):
                isrc(k).wait()
                idst(k).wait()
                gath(k).start()

            def chunk(i, carry):
                @pl.when(i >= NR - G)
                def _():
                    scat(i - (NR - G)).wait()

                gath(i).wait()
                scat(i).start(add=True)

                @pl.when(i + G < n_chunks)
                def _():
                    isrc(i + G).wait()
                    idst(i + G).wait()
                    gath(i + G).start()

                @pl.when(i + G + 1 < n_chunks)
                def _():
                    isrc(i + G + 1).start()
                    idst(i + G + 1).start()

                return carry

            lax.fori_loop(0, n_chunks, chunk, 0)
            for k in range(NR - G):
                scat(n_chunks - (NR - G) + k).wait()

        if feature_split:
            pipeline(lambda i: src_h.at[c, s, i], lambda i: dst_h.at[s, i],
                     CHA_SPLIT)
        else:
            @pl.when(c == 0)
            def _():
                pipeline(lambda i: src_h.at[c, s * CH0 + i],
                         lambda i: dst_h.at[s * CH0 + i], CH0)

            @pl.when(c == 1)
            def _():
                base = N_TILES * CH0 + s * CH1
                pipeline(lambda i: src_h.at[c, base + i],
                         lambda i: dst_h.at[base + i], CH1)

        plsc.subcore_barrier()
        pltpu.sync_copy(agg_sp.at[pl.ds(r0, ROWS_PER_TILE)],
                        out_h.at[c, pl.ds(r0, ROWS_PER_TILE)])

    return pl.kernel(
        body,
        out_type=jax.ShapeDtypeStruct((N_CORES, N_PAD, OUT_CH), jnp.float32),
        mesh=_sc_mesh(),
        scratch_types=[
            pltpu.VMEM((NI, CHUNK_A), jnp.int32),
            pltpu.VMEM((NI, CHUNK_A), jnp.int32),
            pltpu.VMEM((NR, CHUNK_A, OUT_CH), jnp.float32),
            pltpu.VMEM_SHARED((N_PAD, OUT_CH), jnp.float32),
            pltpu.SemaphoreType.DMA((NI,)),
            pltpu.SemaphoreType.DMA((NI,)),
            pltpu.SemaphoreType.DMA((NR,)),
            pltpu.SemaphoreType.DMA((NR,)),
        ],
    )


_agg_feat_call = _make_agg(feature_split=True)
_agg_edge_call = _make_agg(feature_split=False)



def _mm1_body(x_ref, w_ref, degp_ref, hs_ref, dinv_ref):
    deg = degp_ref[0] + degp_ref[1] + 1.0
    dinv = jax.lax.rsqrt(deg)
    h = jnp.dot(x_ref[...], w_ref[...], preferred_element_type=jnp.float32)
    hs = h * dinv
    hs_ref[0] = hs[:, :OUT_CH]
    hs_ref[1] = hs[:, OUT_CH:]
    dinv_ref[...] = dinv


def _mm2_body(agg_ref, hs1_ref, dinv_ref, b1_ref, w2_ref, hs2_ref):
    dinv = dinv_ref[...]
    xa = jnp.maximum((agg_ref[0] + hs1_ref[0]) * dinv + b1_ref[:, :OUT_CH], 0.0)
    xb = jnp.maximum((agg_ref[1] + hs1_ref[1]) * dinv + b1_ref[:, OUT_CH:], 0.0)
    w2 = w2_ref[...]
    h2 = (jnp.dot(xa, w2[:OUT_CH], preferred_element_type=jnp.float32)
          + jnp.dot(xb, w2[OUT_CH:], preferred_element_type=jnp.float32))
    hs2 = h2 * dinv
    hs2_ref[0] = hs2
    hs2_ref[1] = hs2


def _ep2_body(agg_ref, hs2_ref, dinv_ref, b2_ref, o_ref):
    acc = agg_ref[0] + agg_ref[1] + hs2_ref[0]
    o_ref[...] = jnp.maximum(acc * dinv_ref[...] + b2_ref[...], 0.0)


_TC_R = 1264
_GRID = (N_PAD // _TC_R,)


def _mm1_call(x_pad, W1, degp_col):
    return pl.pallas_call(
        _mm1_body,
        grid=_GRID,
        in_specs=[
            pl.BlockSpec((_TC_R, IN_CH), lambda i: (i, 0)),
            pl.BlockSpec((IN_CH, HID), lambda i: (0, 0)),
            pl.BlockSpec((2, _TC_R, 1), lambda i: (0, i, 0)),
        ],
        out_specs=[
            pl.BlockSpec((2, _TC_R, OUT_CH), lambda i: (0, i, 0)),
            pl.BlockSpec((_TC_R, 1), lambda i: (i, 0)),
        ],
        out_shape=[
            jax.ShapeDtypeStruct((2, N_PAD, OUT_CH), jnp.float32),
            jax.ShapeDtypeStruct((N_PAD, 1), jnp.float32),
        ],
    )(x_pad, W1, degp_col)


def _mm2_call(agg1, hs1, dinv, b1, W2):
    return pl.pallas_call(
        _mm2_body,
        grid=_GRID,
        in_specs=[
            pl.BlockSpec((2, _TC_R, OUT_CH), lambda i: (0, i, 0)),
            pl.BlockSpec((2, _TC_R, OUT_CH), lambda i: (0, i, 0)),
            pl.BlockSpec((_TC_R, 1), lambda i: (i, 0)),
            pl.BlockSpec((1, HID), lambda i: (0, 0)),
            pl.BlockSpec((HID, OUT_CH), lambda i: (0, 0)),
        ],
        out_specs=pl.BlockSpec((2, _TC_R, OUT_CH), lambda i: (0, i, 0)),
        out_shape=jax.ShapeDtypeStruct((2, N_PAD, OUT_CH), jnp.float32),
    )(agg1, hs1, dinv, b1, W2)


def _ep2_call(agg2, hs2d, dinv, b2):
    return pl.pallas_call(
        _ep2_body,
        grid=_GRID,
        in_specs=[
            pl.BlockSpec((2, _TC_R, OUT_CH), lambda i: (0, i, 0)),
            pl.BlockSpec((1, _TC_R, OUT_CH), lambda i: (0, i, 0)),
            pl.BlockSpec((_TC_R, 1), lambda i: (i, 0)),
            pl.BlockSpec((1, OUT_CH), lambda i: (0, 0)),
        ],
        out_specs=pl.BlockSpec((_TC_R, OUT_CH), lambda i: (i, 0)),
        out_shape=jax.ShapeDtypeStruct((N_PAD, OUT_CH), jnp.float32),
    )(agg2, hs2d, dinv, b2)



@jax.jit
def kernel(x, edge_index, W1, b1, W2, b2):
    src = edge_index[0].astype(jnp.int32)
    dst = edge_index[1].astype(jnp.int32)
    pad = E_PAD - N_EDGES
    fill_src = jnp.full((pad,), N_NODES, jnp.int32)
    fill_dst = N_NODES + (jnp.arange(pad, dtype=jnp.int32) % (N_PAD - N_NODES))
    src_p = jnp.concatenate([src, fill_src])
    dst_p = jnp.concatenate([dst, fill_dst])
    src3 = src_p.reshape(N_TILES, CHA_SPLIT, CHUNK_A)
    src4 = jnp.stack([src3, src3 + N_PAD])
    dst3 = dst_p.reshape(N_TILES, CHA_SPLIT, CHUNK_A)
    srcg = src_p.reshape(E_PAD // CHUNK_A, CHUNK_A)
    srcg2 = jnp.stack([srcg, srcg + N_PAD])
    dstg = dst_p.reshape(E_PAD // CHUNK_A, CHUNK_A)
    dstr_deg = dst_p.reshape(N_CORES * N_TILES, CH_EDGE, CHUNK)
    x_pad = jnp.pad(x, ((0, N_PAD - N_NODES), (0, 0)))
    zeros_nd = jnp.zeros((N_PAD, OUT_CH), jnp.float32)
    ones_c1 = jnp.ones((CHUNK, DEG_W), jnp.float32)

    degp = _deg_call(dstr_deg, ones_c1, zeros_nd)
    degp_col = degp[:, :, :1]
    hs1, dinv = _mm1_call(x_pad, W1, degp_col)
    agg1 = _agg_feat_call(hs1.reshape(2 * N_PAD, OUT_CH), src4, dst3,
                          zeros_nd)
    hs2d = _mm2_call(agg1, hs1, dinv, b1.reshape(1, HID), W2)
    agg2 = _agg_edge_call(hs2d.reshape(2 * N_PAD, OUT_CH), srcg2, dstg,
                          zeros_nd)
    out = _ep2_call(agg2, hs2d, dinv, b2.reshape(1, OUT_CH))
    return out[:N_NODES]

# --- scband reference (transcript-rebuilt; emitter-appended) ---
"""Pipeline reference for scband-grace-model-824633721720 (READ-ONLY COPY).

The authoritative reference and input builder live on the scoring server;
editing this copy changes nothing except your own understanding.
"""

import jax, jax.numpy as jnp
import numpy as np

N_NODES = 10000
N_EDGES = 320000
IN_CH = 128
OUT_CH = 128
HID = 2 * OUT_CH


def setup_inputs(seed: int = 0) -> dict:
    key = jax.random.key(seed)
    k1, k2, k3, k4, k5, k6 = jax.random.split(key, 6)
    x = jax.random.normal(k1, (N_NODES, IN_CH), dtype=jnp.float32)
    edge_index = jax.random.randint(k2, (2, N_EDGES), 0, N_NODES, dtype=jnp.int64)
    # GCNConv weights: layer1 in->2*out, layer2 2*out->out (k=2 encoder)
    W1 = jax.random.normal(k3, (IN_CH, HID), dtype=jnp.float32) * (1.0 / np.sqrt(IN_CH))
    b1 = jnp.zeros((HID,), dtype=jnp.float32)
    W2 = jax.random.normal(k4, (HID, OUT_CH), dtype=jnp.float32) * (1.0 / np.sqrt(HID))
    b2 = jnp.zeros((OUT_CH,), dtype=jnp.float32)
    return {"x": x, "edge_index": edge_index, "W1": W1, "b1": b1, "W2": W2, "b2": b2}


def gcn_conv(x, edge_index, W, b):
    # Faithful PyG GCNConv: add self-loops, symmetric normalization, linear, aggregate, bias
    N = x.shape[0]
    loops = jnp.arange(N, dtype=edge_index.dtype)
    src = jnp.concatenate([edge_index[0], loops])
    dst = jnp.concatenate([edge_index[1], loops])
    ones = jnp.ones(src.shape[0], dtype=x.dtype)
    deg = jnp.zeros((N,), dtype=x.dtype).at[dst].add(ones)
    deg_inv_sqrt = jnp.where(deg > 0, jax.lax.rsqrt(jnp.maximum(deg, 1e-12)), 0.0)
    norm = deg_inv_sqrt[src] * deg_inv_sqrt[dst]
    h = x @ W
    msg = h[src] * norm[:, None]
    out = jnp.zeros((N, W.shape[1]), dtype=x.dtype).at[dst].add(msg)
    return out + b


def reference(x, edge_index, W1, b1, W2, b2):
    # GraceModel.forward = GraceEncoder(k=2) with ReLU activation
    h = jax.nn.relu(gcn_conv(x, edge_index, W1, b1))
    h = jax.nn.relu(gcn_conv(h, edge_index, W2, b2))
    return h

if __name__ == "__main__":
    import jax
    _d = setup_inputs()
    print(jax.jit(kernel)(*tuple(_d.values())))

</pallas_src>

<mosaic_0001>
#map = affine_map<(d0, d1) -> (0, 0)>
#map1 = affine_map<(d0, d1) -> (0, 0, 0, 0)>
#map2 = affine_map<(d0, d1) -> (0, 0, 0)>
module attributes {stable_mosaic.version = 14 : i64} {
  func.func @body(%arg0: i32, %arg1: i32, %arg2: memref<20224x128xf32, #tpu.memory_space<hbm>>, %arg3: memref<2x16x316x64xi32, #tpu.memory_space<hbm>>, %arg4: memref<16x316x64xi32, #tpu.memory_space<hbm>>, %arg5: memref<10112x128xf32, #tpu.memory_space<hbm>>, %arg6: memref<2x10112x128xf32, #tpu.memory_space<hbm>>, %arg7: memref<8x64xi32, #tpu.memory_space<vmem>>, %arg8: memref<8x64xi32, #tpu.memory_space<vmem>>, %arg9: memref<5x64x128xf32, #tpu.memory_space<vmem>>, %arg10: memref<10112x128xf32, #tpu.memory_space<vmem_shared>>, %arg11: memref<8x!tpu.dma_semaphore, #tpu.memory_space<semaphore_mem>>, %arg12: memref<8x!tpu.dma_semaphore, #tpu.memory_space<semaphore_mem>>, %arg13: memref<5x!tpu.dma_semaphore, #tpu.memory_space<semaphore_mem>>, %arg14: memref<5x!tpu.dma_semaphore, #tpu.memory_space<semaphore_mem>>) attributes {dimension_semantics = [#tpu.dimension_semantics<core_parallel>, #tpu.dimension_semantics<subcore_parallel>], iteration_bounds = array<i64: 2, 16>, scalar_prefetch = 0 : i64, scratch_operands = 8 : i64, tpu.core_type = #tpu.core_type<sc_vector_subcore>, window_params = [{transform_indices = #map}, {transform_indices = #map1}, {transform_indices = #map2}, {transform_indices = #map}, {transform_indices = #map2}]} {
    %mul3A = arith.constant 632 : i32
    %mul3A_0 = arith.muli %arg1, %mul3A : i32
    "tpu.region"() ({
      %run_scoped3A = tpu.sem_alloc : memref<!tpu.dma_semaphore, #tpu.memory_space<semaphore_mem>>
      %dma_start3A_346 = arith.constant 0 : i32
      %dma_start3A_347 = tpu.memref_slice %arg10[%mul3A_0, %dma_start3A_346] : memref<10112x128xf32, #tpu.memory_space<vmem_shared>> -> memref<632x128xf32, #tpu.memory_space<vmem_shared>>
      %dma_start3A_348 = arith.constant 0 : i32
      %dma_start3A_349 = tpu.memref_slice %arg5[%mul3A_0, %dma_start3A_348] : memref<10112x128xf32, #tpu.memory_space<hbm>> -> memref<632x128xf32, #tpu.memory_space<hbm>>
      tpu.enqueue_dma source(%dma_start3A_349 : memref<632x128xf32, #tpu.memory_space<hbm>>) target(%dma_start3A_347 : memref<632x128xf32, #tpu.memory_space<vmem_shared>>) target_semaphore(%run_scoped3A : memref<!tpu.dma_semaphore, #tpu.memory_space<semaphore_mem>>)
      %dma_wait3A_350 = arith.constant 0 : i32
      %dma_wait3A_351 = tpu.memref_slice %arg10[%mul3A_0, %dma_wait3A_350] : memref<10112x128xf32, #tpu.memory_space<vmem_shared>> -> memref<632x128xf32, #tpu.memory_space<vmem_shared>>
      %dma_wait3A_352 = arith.constant 0 : i32
      %dma_wait3A_353 = tpu.memref_slice %arg5[%mul3A_0, %dma_wait3A_352] : memref<10112x128xf32, #tpu.memory_space<hbm>> -> memref<632x128xf32, #tpu.memory_space<hbm>>
      tpu.wait_dma2 semaphore(%run_scoped3A : memref<!tpu.dma_semaphore, #tpu.memory_space<semaphore_mem>>) src(%dma_wait3A_353 : memref<632x128xf32, #tpu.memory_space<hbm>>) dst(%dma_wait3A_351 : memref<632x128xf32, #tpu.memory_space<vmem_shared>>)
      tpu.yield
    }) : () -> ()
    %barrier3A = arith.constant 0 : index
    tpu.barrier barrier_id(%barrier3A)
    %rem3A = arith.constant 0 : i32
    %rem3A_1 = arith.constant 8 : i32
    %rem3A_2 = arith.remsi %rem3A, %rem3A_1 : i32
    %dma_start3A = arith.constant 0 : i32
    %dma_start3A_3 = arith.constant 0 : i32
    %dma_start3A_4 = tpu.memref_slice %arg7[%rem3A_2, %dma_start3A_3] : memref<8x64xi32, #tpu.memory_space<vmem>> -> memref<1x64xi32, #tpu.memory_space<vmem>>
    %dma_start3A_5 = tpu.memref_squeeze %dma_start3A_4 : memref<1x64xi32, #tpu.memory_space<vmem>> -> memref<64xi32, #tpu.memory_space<vmem>>
    %dma_start3A_6 = arith.constant 0 : i32
    %dma_start3A_7 = tpu.memref_slice %arg3[%arg0, %arg1, %dma_start3A, %dma_start3A_6] : memref<2x16x316x64xi32, #tpu.memory_space<hbm>> -> memref<1x1x1x64xi32, #tpu.memory_space<hbm>>
    %dma_start3A_8 = tpu.memref_squeeze %dma_start3A_7 : memref<1x1x1x64xi32, #tpu.memory_space<hbm>> -> memref<64xi32, #tpu.memory_space<hbm>>
    %dma_start3A_9 = tpu.memref_slice %arg11[%rem3A_2] : memref<8x!tpu.dma_semaphore, #tpu.memory_space<semaphore_mem>> -> memref<1x!tpu.dma_semaphore, #tpu.memory_space<semaphore_mem>>
    %dma_start3A_10 = tpu.memref_squeeze %dma_start3A_9 : memref<1x!tpu.dma_semaphore, #tpu.memory_space<semaphore_mem>> -> memref<!tpu.dma_semaphore, #tpu.memory_space<semaphore_mem>>
    %dma_start3A_11 = arith.constant 0 : i32
    %dma_start3A_12 = tpu.memref_slice %arg7[%rem3A_2, %dma_start3A_11] : memref<8x64xi32, #tpu.memory_space<vmem>> -> memref<1x64xi32, #tpu.memory_space<vmem>>
    %dma_start3A_13 = tpu.memref_squeeze %dma_start3A_12 : memref<1x64xi32, #tpu.memory_space<vmem>> -> memref<64xi32, #tpu.memory_space<vmem>>
    %dma_start3A_14 = arith.constant 0 : i32
    %dma_start3A_15 = tpu.memref_slice %arg3[%arg0, %arg1, %dma_start3A, %dma_start3A_14] : memref<2x16x316x64xi32, #tpu.memory_space<hbm>> -> memref<1x1x1x64xi32, #tpu.memory_space<hbm>>
    %dma_start3A_16 = tpu.memref_squeeze %dma_start3A_15 : memref<1x1x1x64xi32, #tpu.memory_space<hbm>> -> memref<64xi32, #tpu.memory_space<hbm>>
    tpu.enqueue_dma source(%dma_start3A_16 : memref<64xi32, #tpu.memory_space<hbm>>) target(%dma_start3A_13 : memref<64xi32, #tpu.memory_space<vmem>>) target_semaphore(%dma_start3A_10 : memref<!tpu.dma_semaphore, #tpu.memory_space<semaphore_mem>>)
    %rem3A_17 = arith.constant 0 : i32
    %rem3A_18 = arith.constant 8 : i32
    %rem3A_19 = arith.remsi %rem3A_17, %rem3A_18 : i32
    %dma_start3A_20 = arith.constant 0 : i32
    %dma_start3A_21 = arith.constant 0 : i32
    %dma_start3A_22 = tpu.memref_slice %arg8[%rem3A_19, %dma_start3A_21] : memref<8x64xi32, #tpu.memory_space<vmem>> -> memref<1x64xi32, #tpu.memory_space<vmem>>
    %dma_start3A_23 = tpu.memref_squeeze %dma_start3A_22 : memref<1x64xi32, #tpu.memory_space<vmem>> -> memref<64xi32, #tpu.memory_space<vmem>>
    %dma_start3A_24 = arith.constant 0 : i32
    %dma_start3A_25 = tpu.memref_slice %arg4[%arg1, %dma_start3A_20, %dma_start3A_24] : memref<16x316x64xi32, #tpu.memory_space<hbm>> -> memref<1x1x64xi32, #tpu.memory_space<hbm>>
    %dma_start3A_26 = tpu.memref_squeeze %dma_start3A_25 : memref<1x1x64xi32, #tpu.memory_space<hbm>> -> memref<64xi32, #tpu.memory_space<hbm>>
    %dma_start3A_27 = tpu.memref_slice %arg12[%rem3A_19] : memref<8x!tpu.dma_semaphore, #tpu.memory_space<semaphore_mem>> -> memref<1x!tpu.dma_semaphore, #tpu.memory_space<semaphore_mem>>
    %dma_start3A_28 = tpu.memref_squeeze %dma_start3A_27 : memref<1x!tpu.dma_semaphore, #tpu.memory_space<semaphore_mem>> -> memref<!tpu.dma_semaphore, #tpu.memory_space<semaphore_mem>>
    %dma_start3A_29 = arith.constant 0 : i32
    %dma_start3A_30 = tpu.memref_slice %arg8[%rem3A_19, %dma_start3A_29] : memref<8x64xi32, #tpu.memory_space<vmem>> -> memref<1x64xi32, #tpu.memory_space<vmem>>
    %dma_start3A_31 = tpu.memref_squeeze %dma_start3A_30 : memref<1x64xi32, #tpu.memory_space<vmem>> -> memref<64xi32, #tpu.memory_space<vmem>>
    %dma_start3A_32 = arith.constant 0 : i32
    %dma_start3A_33 = tpu.memref_slice %arg4[%arg1, %dma_start3A_20, %dma_start3A_32] : memref<16x316x64xi32, #tpu.memory_space<hbm>> -> memref<1x1x64xi32, #tpu.memory_space<hbm>>
    %dma_start3A_34 = tpu.memref_squeeze %dma_start3A_33 : memref<1x1x64xi32, #tpu.memory_space<hbm>> -> memref<64xi32, #tpu.memory_space<hbm>>
    tpu.enqueue_dma source(%dma_start3A_34 : memref<64xi32, #tpu.memory_space<hbm>>) target(%dma_start3A_31 : memref<64xi32, #tpu.memory_space<vmem>>) target_semaphore(%dma_start3A_28 : memref<!tpu.dma_semaphore, #tpu.memory_space<semaphore_mem>>)
    %rem3A_35 = arith.constant 1 : i32
    %rem3A_36 = arith.constant 8 : i32
    %rem3A_37 = arith.remsi %rem3A_35, %rem3A_36 : i32
    %dma_start3A_38 = arith.constant 1 : i32
    %dma_start3A_39 = arith.constant 0 : i32
    %dma_start3A_40 = tpu.memref_slice %arg7[%rem3A_37, %dma_start3A_39] : memref<8x64xi32, #tpu.memory_space<vmem>> -> memref<1x64xi32, #tpu.memory_space<vmem>>
    %dma_start3A_41 = tpu.memref_squeeze %dma_start3A_40 : memref<1x64xi32, #tpu.memory_space<vmem>> -> memref<64xi32, #tpu.memory_space<vmem>>
    %dma_start3A_42 = arith.constant 0 : i32
    %dma_start3A_43 = tpu.memref_slice %arg3[%arg0, %arg1, %dma_start3A_38, %dma_start3A_42] : memref<2x16x316x64xi32, #tpu.memory_space<hbm>> -> memref<1x1x1x64xi32, #tpu.memory_space<hbm>>
    %dma_start3A_44 = tpu.memref_squeeze %dma_start3A_43 : memref<1x1x1x64xi32, #tpu.memory_space<hbm>> -> memref<64xi32, #tpu.memory_space<hbm>>
    %dma_start3A_45 = tpu.memref_slice %arg11[%rem3A_37] : memref<8x!tpu.dma_semaphore, #tpu.memory_space<semaphore_mem>> -> memref<1x!tpu.dma_semaphore, #tpu.memory_space<semaphore_mem>>
    %dma_start3A_46 = tpu.memref_squeeze %dma_start3A_45 : memref<1x!tpu.dma_semaphore, #tpu.memory_space<semaphore_mem>> -> memref<!tpu.dma_semaphore, #tpu.memory_space<semaphore_mem>>
    %dma_start3A_47 = arith.constant 0 : i32
    %dma_start3A_48 = tpu.memref_slice %arg7[%rem3A_37, %dma_start3A_47] : memref<8x64xi32, #tpu.memory_space<vmem>> -> memref<1x64xi32, #tpu.memory_space<vmem>>
    %dma_start3A_49 = tpu.memref_squeeze %dma_start3A_48 : memref<1x64xi32, #tpu.memory_space<vmem>> -> memref<64xi32, #tpu.memory_space<vmem>>
    %dma_start3A_50 = arith.constant 0 : i32
    %dma_start3A_51 = tpu.memref_slice %arg3[%arg0, %arg1, %dma_start3A_38, %dma_start3A_50] : memref<2x16x316x64xi32, #tpu.memory_space<hbm>> -> memref<1x1x1x64xi32, #tpu.memory_space<hbm>>
    %dma_start3A_52 = tpu.memref_squeeze %dma_start3A_51 : memref<1x1x1x64xi32, #tpu.memory_space<hbm>> -> memref<64xi32, #tpu.memory_space<hbm>>
    tpu.enqueue_dma source(%dma_start3A_52 : memref<64xi32, #tpu.memory_space<hbm>>) target(%dma_start3A_49 : memref<64xi32, #tpu.memory_space<vmem>>) target_semaphore(%dma_start3A_46 : memref<!tpu.dma_semaphore, #tpu.memory_space<semaphore_mem>>)
    %rem3A_53 = arith.constant 1 : i32
    %rem3A_54 = arith.constant 8 : i32
    %rem3A_55 = arith.remsi %rem3A_53, %rem3A_54 : i32
    %dma_start3A_56 = arith.constant 1 : i32
    %dma_start3A_57 = arith.constant 0 : i32
    %dma_start3A_58 = tpu.memref_slice %arg8[%rem3A_55, %dma_start3A_57] : memref<8x64xi32, #tpu.memory_space<vmem>> -> memref<1x64xi32, #tpu.memory_space<vmem>>
    %dma_start3A_59 = tpu.memref_squeeze %dma_start3A_58 : memref<1x64xi32, #tpu.memory_space<vmem>> -> memref<64xi32, #tpu.memory_space<vmem>>
    %dma_start3A_60 = arith.constant 0 : i32
    %dma_start3A_61 = tpu.memref_slice %arg4[%arg1, %dma_start3A_56, %dma_start3A_60] : memref<16x316x64xi32, #tpu.memory_space<hbm>> -> memref<1x1x64xi32, #tpu.memory_space<hbm>>
    %dma_start3A_62 = tpu.memref_squeeze %dma_start3A_61 : memref<1x1x64xi32, #tpu.memory_space<hbm>> -> memref<64xi32, #tpu.memory_space<hbm>>
    %dma_start3A_63 = tpu.memref_slice %arg12[%rem3A_55] : memref<8x!tpu.dma_semaphore, #tpu.memory_space<semaphore_mem>> -> memref<1x!tpu.dma_semaphore, #tpu.memory_space<semaphore_mem>>
    %dma_start3A_64 = tpu.memref_squeeze %dma_start3A_63 : memref<1x!tpu.dma_semaphore, #tpu.memory_space<semaphore_mem>> -> memref<!tpu.dma_semaphore, #tpu.memory_space<semaphore_mem>>
    %dma_start3A_65 = arith.constant 0 : i32
    %dma_start3A_66 = tpu.memref_slice %arg8[%rem3A_55, %dma_start3A_65] : memref<8x64xi32, #tpu.memory_space<vmem>> -> memref<1x64xi32, #tpu.memory_space<vmem>>
    %dma_start3A_67 = tpu.memref_squeeze %dma_start3A_66 : memref<1x64xi32, #tpu.memory_space<vmem>> -> memref<64xi32, #tpu.memory_space<vmem>>
    %dma_start3A_68 = arith.constant 0 : i32
    %dma_start3A_69 = tpu.memref_slice %arg4[%arg1, %dma_start3A_56, %dma_start3A_68] : memref<16x316x64xi32, #tpu.memory_space<hbm>> -> memref<1x1x64xi32, #tpu.memory_space<hbm>>
    %dma_start3A_70 = tpu.memref_squeeze %dma_start3A_69 : memref<1x1x64xi32, #tpu.memory_space<hbm>> -> memref<64xi32, #tpu.memory_space<hbm>>
    tpu.enqueue_dma source(%dma_start3A_70 : memref<64xi32, #tpu.memory_space<hbm>>) target(%dma_start3A_67 : memref<64xi32, #tpu.memory_space<vmem>>) target_semaphore(%dma_start3A_64 : memref<!tpu.dma_semaphore, #tpu.memory_space<semaphore_mem>>)
    %rem3A_71 = arith.constant 2 : i32
    %rem3A_72 = arith.constant 8 : i32
    %rem3A_73 = arith.remsi %rem3A_71, %rem3A_72 : i32
    %dma_start3A_74 = arith.constant 2 : i32
    %dma_start3A_75 = arith.constant 0 : i32
    %dma_start3A_76 = tpu.memref_slice %arg7[%rem3A_73, %dma_start3A_75] : memref<8x64xi32, #tpu.memory_space<vmem>> -> memref<1x64xi32, #tpu.memory_space<vmem>>
    %dma_start3A_77 = tpu.memref_squeeze %dma_start3A_76 : memref<1x64xi32, #tpu.memory_space<vmem>> -> memref<64xi32, #tpu.memory_space<vmem>>
    %dma_start3A_78 = arith.constant 0 : i32
    %dma_start3A_79 = tpu.memref_slice %arg3[%arg0, %arg1, %dma_start3A_74, %dma_start3A_78] : memref<2x16x316x64xi32, #tpu.memory_space<hbm>> -> memref<1x1x1x64xi32, #tpu.memory_space<hbm>>
    %dma_start3A_80 = tpu.memref_squeeze %dma_start3A_79 : memref<1x1x1x64xi32, #tpu.memory_space<hbm>> -> memref<64xi32, #tpu.memory_space<hbm>>
    %dma_start3A_81 = tpu.memref_slice %arg11[%rem3A_73] : memref<8x!tpu.dma_semaphore, #tpu.memory_space<semaphore_mem>> -> memref<1x!tpu.dma_semaphore, #tpu.memory_space<semaphore_mem>>
    %dma_start3A_82 = tpu.memref_squeeze %dma_start3A_81 : memref<1x!tpu.dma_semaphore, #tpu.memory_space<semaphore_mem>> -> memref<!tpu.dma_semaphore, #tpu.memory_space<semaphore_mem>>
    %dma_start3A_83 = arith.constant 0 : i32
    %dma_start3A_84 = tpu.memref_slice %arg7[%rem3A_73, %dma_start3A_83] : memref<8x64xi32, #tpu.memory_space<vmem>> -> memref<1x64xi32, #tpu.memory_space<vmem>>
    %dma_start3A_85 = tpu.memref_squeeze %dma_start3A_84 : memref<1x64xi32, #tpu.memory_space<vmem>> -> memref<64xi32, #tpu.memory_space<vmem>>
    %dma_start3A_86 = arith.constant 0 : i32
    %dma_start3A_87 = tpu.memref_slice %arg3[%arg0, %arg1, %dma_start3A_74, %dma_start3A_86] : memref<2x16x316x64xi32, #tpu.memory_space<hbm>> -> memref<1x1x1x64xi32, #tpu.memory_space<hbm>>
    %dma_start3A_88 = tpu.memref_squeeze %dma_start3A_87 : memref<1x1x1x64xi32, #tpu.memory_space<hbm>> -> memref<64xi32, #tpu.memory_space<hbm>>
    tpu.enqueue_dma source(%dma_start3A_88 : memref<64xi32, #tpu.memory_space<hbm>>) target(%dma_start3A_85 : memref<64xi32, #tpu.memory_space<vmem>>) target_semaphore(%dma_start3A_82 : memref<!tpu.dma_semaphore, #tpu.memory_space<semaphore_mem>>)
    %rem3A_89 = arith.constant 2 : i32
    %rem3A_90 = arith.constant 8 : i32
    %rem3A_91 = arith.remsi %rem3A_89, %rem3A_90 : i32
    %dma_start3A_92 = arith.constant 2 : i32
    %dma_start3A_93 = arith.constant 0 : i32
    %dma_start3A_94 = tpu.memref_slice %arg8[%rem3A_91, %dma_start3A_93] : memref<8x64xi32, #tpu.memory_space<vmem>> -> memref<1x64xi32, #tpu.memory_space<vmem>>
    %dma_start3A_95 = tpu.memref_squeeze %dma_start3A_94 : memref<1x64xi32, #tpu.memory_space<vmem>> -> memref<64xi32, #tpu.memory_space<vmem>>
    %dma_start3A_96 = arith.constant 0 : i32
    %dma_start3A_97 = tpu.memref_slice %arg4[%arg1, %dma_start3A_92, %dma_start3A_96] : memref<16x316x64xi32, #tpu.memory_space<hbm>> -> memref<1x1x64xi32, #tpu.memory_space<hbm>>
    %dma_start3A_98 = tpu.memref_squeeze %dma_start3A_97 : memref<1x1x64xi32, #tpu.memory_space<hbm>> -> memref<64xi32, #tpu.memory_space<hbm>>
    %dma_start3A_99 = tpu.memref_slice %arg12[%rem3A_91] : memref<8x!tpu.dma_semaphore, #tpu.memory_space<semaphore_mem>> -> memref<1x!tpu.dma_semaphore, #tpu.memory_space<semaphore_mem>>
    %dma_start3A_100 = tpu.memref_squeeze %dma_start3A_99 : memref<1x!tpu.dma_semaphore, #tpu.memory_space<semaphore_mem>> -> memref<!tpu.dma_semaphore, #tpu.memory_space<semaphore_mem>>
    %dma_start3A_101 = arith.constant 0 : i32
    %dma_start3A_102 = tpu.memref_slice %arg8[%rem3A_91, %dma_start3A_101] : memref<8x64xi32, #tpu.memory_space<vmem>> -> memref<1x64xi32, #tpu.memory_space<vmem>>
    %dma_start3A_103 = tpu.memref_squeeze %dma_start3A_102 : memref<1x64xi32, #tpu.memory_space<vmem>> -> memref<64xi32, #tpu.memory_space<vmem>>
    %dma_start3A_104 = arith.constant 0 : i32
    %dma_start3A_105 = tpu.memref_slice %arg4[%arg1, %dma_start3A_92, %dma_start3A_104] : memref<16x316x64xi32, #tpu.memory_space<hbm>> -> memref<1x1x64xi32, #tpu.memory_space<hbm>>
    %dma_start3A_106 = tpu.memref_squeeze %dma_start3A_105 : memref<1x1x64xi32, #tpu.memory_space<hbm>> -> memref<64xi32, #tpu.memory_space<hbm>>
    tpu.enqueue_dma source(%dma_start3A_106 : memref<64xi32, #tpu.memory_space<hbm>>) target(%dma_start3A_103 : memref<64xi32, #tpu.memory_space<vmem>>) target_semaphore(%dma_start3A_100 : memref<!tpu.dma_semaphore, #tpu.memory_space<semaphore_mem>>)
    %rem3A_107 = arith.constant 3 : i32
    %rem3A_108 = arith.constant 8 : i32
    %rem3A_109 = arith.remsi %rem3A_107, %rem3A_108 : i32
    %dma_start3A_110 = arith.constant 3 : i32
    %dma_start3A_111 = arith.constant 0 : i32
    %dma_start3A_112 = tpu.memref_slice %arg7[%rem3A_109, %dma_start3A_111] : memref<8x64xi32, #tpu.memory_space<vmem>> -> memref<1x64xi32, #tpu.memory_space<vmem>>
    %dma_start3A_113 = tpu.memref_squeeze %dma_start3A_112 : memref<1x64xi32, #tpu.memory_space<vmem>> -> memref<64xi32, #tpu.memory_space<vmem>>
    %dma_start3A_114 = arith.constant 0 : i32
    %dma_start3A_115 = tpu.memref_slice %arg3[%arg0, %arg1, %dma_start3A_110, %dma_start3A_114] : memref<2x16x316x64xi32, #tpu.memory_space<hbm>> -> memref<1x1x1x64xi32, #tpu.memory_space<hbm>>
    %dma_start3A_116 = tpu.memref_squeeze %dma_start3A_115 : memref<1x1x1x64xi32, #tpu.memory_space<hbm>> -> memref<64xi32, #tpu.memory_space<hbm>>
    %dma_start3A_117 = tpu.memref_slice %arg11[%rem3A_109] : memref<8x!tpu.dma_semaphore, #tpu.memory_space<semaphore_mem>> -> memref<1x!tpu.dma_semaphore, #tpu.memory_space<semaphore_mem>>
    %dma_start3A_118 = tpu.memref_squeeze %dma_start3A_117 : memref<1x!tpu.dma_semaphore, #tpu.memory_space<semaphore_mem>> -> memref<!tpu.dma_semaphore, #tpu.memory_space<semaphore_mem>>
    %dma_start3A_119 = arith.constant 0 : i32
    %dma_start3A_120 = tpu.memref_slice %arg7[%rem3A_109, %dma_start3A_119] : memref<8x64xi32, #tpu.memory_space<vmem>> -> memref<1x64xi32, #tpu.memory_space<vmem>>
    %dma_start3A_121 = tpu.memref_squeeze %dma_start3A_120 : memref<1x64xi32, #tpu.memory_space<vmem>> -> memref<64xi32, #tpu.memory_space<vmem>>
    %dma_start3A_122 = arith.constant 0 : i32
    %dma_start3A_123 = tpu.memref_slice %arg3[%arg0, %arg1, %dma_start3A_110, %dma_start3A_122] : memref<2x16x316x64xi32, #tpu.memory_space<hbm>> -> memref<1x1x1x64xi32, #tpu.memory_space<hbm>>
    %dma_start3A_124 = tpu.memref_squeeze %dma_start3A_123 : memref<1x1x1x64xi32, #tpu.memory_space<hbm>> -> memref<64xi32, #tpu.memory_space<hbm>>
    tpu.enqueue_dma source(%dma_start3A_124 : memref<64xi32, #tpu.memory_space<hbm>>) target(%dma_start3A_121 : memref<64xi32, #tpu.memory_space<vmem>>) target_semaphore(%dma_start3A_118 : memref<!tpu.dma_semaphore, #tpu.memory_space<semaphore_mem>>)
    %rem3A_125 = arith.constant 3 : i32
    %rem3A_126 = arith.constant 8 : i32
    %rem3A_127 = arith.remsi %rem3A_125, %rem3A_126 : i32
    %dma_start3A_128 = arith.constant 3 : i32
    %dma_start3A_129 = arith.constant 0 : i32
    %dma_start3A_130 = tpu.memref_slice %arg8[%rem3A_127, %dma_start3A_129] : memref<8x64xi32, #tpu.memory_space<vmem>> -> memref<1x64xi32, #tpu.memory_space<vmem>>
    %dma_start3A_131 = tpu.memref_squeeze %dma_start3A_130 : memref<1x64xi32, #tpu.memory_space<vmem>> -> memref<64xi32, #tpu.memory_space<vmem>>
    %dma_start3A_132 = arith.constant 0 : i32
    %dma_start3A_133 = tpu.memref_slice %arg4[%arg1, %dma_start3A_128, %dma_start3A_132] : memref<16x316x64xi32, #tpu.memory_space<hbm>> -> memref<1x1x64xi32, #tpu.memory_space<hbm>>
    %dma_start3A_134 = tpu.memref_squeeze %dma_start3A_133 : memref<1x1x64xi32, #tpu.memory_space<hbm>> -> memref<64xi32, #tpu.memory_space<hbm>>
    %dma_start3A_135 = tpu.memref_slice %arg12[%rem3A_127] : memref<8x!tpu.dma_semaphore, #tpu.memory_space<semaphore_mem>> -> memref<1x!tpu.dma_semaphore, #tpu.memory_space<semaphore_mem>>
    %dma_start3A_136 = tpu.memref_squeeze %dma_start3A_135 : memref<1x!tpu.dma_semaphore, #tpu.memory_space<semaphore_mem>> -> memref<!tpu.dma_semaphore, #tpu.memory_space<semaphore_mem>>
    %dma_start3A_137 = arith.constant 0 : i32
    %dma_start3A_138 = tpu.memref_slice %arg8[%rem3A_127, %dma_start3A_137] : memref<8x64xi32, #tpu.memory_space<vmem>> -> memref<1x64xi32, #tpu.memory_space<vmem>>
    %dma_start3A_139 = tpu.memref_squeeze %dma_start3A_138 : memref<1x64xi32, #tpu.memory_space<vmem>> -> memref<64xi32, #tpu.memory_space<vmem>>
    %dma_start3A_140 = arith.constant 0 : i32
    %dma_start3A_141 = tpu.memref_slice %arg4[%arg1, %dma_start3A_128, %dma_start3A_140] : memref<16x316x64xi32, #tpu.memory_space<hbm>> -> memref<1x1x64xi32, #tpu.memory_space<hbm>>
    %dma_start3A_142 = tpu.memref_squeeze %dma_start3A_141 : memref<1x1x64xi32, #tpu.memory_space<hbm>> -> memref<64xi32, #tpu.memory_space<hbm>>
    tpu.enqueue_dma source(%dma_start3A_142 : memref<64xi32, #tpu.memory_space<hbm>>) target(%dma_start3A_139 : memref<64xi32, #tpu.memory_space<vmem>>) target_semaphore(%dma_start3A_136 : memref<!tpu.dma_semaphore, #tpu.memory_space<semaphore_mem>>)
    %rem3A_143 = arith.constant 0 : i32
    %rem3A_144 = arith.constant 8 : i32
    %rem3A_145 = arith.remsi %rem3A_143, %rem3A_144 : i32
    %dma_wait3A = arith.constant 0 : i32
    %dma_wait3A_146 = arith.constant 0 : i32
    %dma_wait3A_147 = tpu.memref_slice %arg7[%rem3A_145, %dma_wait3A_146] : memref<8x64xi32, #tpu.memory_space<vmem>> -> memref<1x64xi32, #tpu.memory_space<vmem>>
    %dma_wait3A_148 = tpu.memref_squeeze %dma_wait3A_147 : memref<1x64xi32, #tpu.memory_space<vmem>> -> memref<64xi32, #tpu.memory_space<vmem>>
    %dma_wait3A_149 = arith.constant 0 : i32
    %dma_wait3A_150 = tpu.memref_slice %arg3[%arg0, %arg1, %dma_wait3A, %dma_wait3A_149] : memref<2x16x316x64xi32, #tpu.memory_space<hbm>> -> memref<1x1x1x64xi32, #tpu.memory_space<hbm>>
    %dma_wait3A_151 = tpu.memref_squeeze %dma_wait3A_150 : memref<1x1x1x64xi32, #tpu.memory_space<hbm>> -> memref<64xi32, #tpu.memory_space<hbm>>
    %dma_wait3A_152 = tpu.memref_slice %arg11[%rem3A_145] : memref<8x!tpu.dma_semaphore, #tpu.memory_space<semaphore_mem>> -> memref<1x!tpu.dma_semaphore, #tpu.memory_space<semaphore_mem>>
    %dma_wait3A_153 = tpu.memref_squeeze %dma_wait3A_152 : memref<1x!tpu.dma_semaphore, #tpu.memory_space<semaphore_mem>> -> memref<!tpu.dma_semaphore, #tpu.memory_space<semaphore_mem>>
    %dma_wait3A_154 = arith.constant 0 : i32
    %dma_wait3A_155 = tpu.memref_slice %arg7[%rem3A_145, %dma_wait3A_154] : memref<8x64xi32, #tpu.memory_space<vmem>> -> memref<1x64xi32, #tpu.memory_space<vmem>>
    %dma_wait3A_156 = tpu.memref_squeeze %dma_wait3A_155 : memref<1x64xi32, #tpu.memory_space<vmem>> -> memref<64xi32, #tpu.memory_space<vmem>>
    %dma_wait3A_157 = arith.constant 0 : i32
    %dma_wait3A_158 = tpu.memref_slice %arg3[%arg0, %arg1, %dma_wait3A, %dma_wait3A_157] : memref<2x16x316x64xi32, #tpu.memory_space<hbm>> -> memref<1x1x1x64xi32, #tpu.memory_space<hbm>>
    %dma_wait3A_159 = tpu.memref_squeeze %dma_wait3A_158 : memref<1x1x1x64xi32, #tpu.memory_space<hbm>> -> memref<64xi32, #tpu.memory_space<hbm>>
    tpu.wait_dma2 semaphore(%dma_wait3A_153 : memref<!tpu.dma_semaphore, #tpu.memory_space<semaphore_mem>>) src(%dma_wait3A_159 : memref<64xi32, #tpu.memory_space<hbm>>) dst(%dma_wait3A_156 : memref<64xi32, #tpu.memory_space<vmem>>)
    %rem3A_160 = arith.constant 0 : i32
    %rem3A_161 = arith.constant 8 : i32
    %rem3A_162 = arith.remsi %rem3A_160, %rem3A_161 : i32
    %dma_wait3A_163 = arith.constant 0 : i32
    %dma_wait3A_164 = arith.constant 0 : i32
    %dma_wait3A_165 = tpu.memref_slice %arg8[%rem3A_162, %dma_wait3A_164] : memref<8x64xi32, #tpu.memory_space<vmem>> -> memref<1x64xi32, #tpu.memory_space<vmem>>
    %dma_wait3A_166 = tpu.memref_squeeze %dma_wait3A_165 : memref<1x64xi32, #tpu.memory_space<vmem>> -> memref<64xi32, #tpu.memory_space<vmem>>
    %dma_wait3A_167 = arith.constant 0 : i32
    %dma_wait3A_168 = tpu.memref_slice %arg4[%arg1, %dma_wait3A_163, %dma_wait3A_167] : memref<16x316x64xi32, #tpu.memory_space<hbm>> -> memref<1x1x64xi32, #tpu.memory_space<hbm>>
    %dma_wait3A_169 = tpu.memref_squeeze %dma_wait3A_168 : memref<1x1x64xi32, #tpu.memory_space<hbm>> -> memref<64xi32, #tpu.memory_space<hbm>>
    %dma_wait3A_170 = tpu.memref_slice %arg12[%rem3A_162] : memref<8x!tpu.dma_semaphore, #tpu.memory_space<semaphore_mem>> -> memref<1x!tpu.dma_semaphore, #tpu.memory_space<semaphore_mem>>
    %dma_wait3A_171 = tpu.memref_squeeze %dma_wait3A_170 : memref<1x!tpu.dma_semaphore, #tpu.memory_space<semaphore_mem>> -> memref<!tpu.dma_semaphore, #tpu.memory_space<semaphore_mem>>
    %dma_wait3A_172 = arith.constant 0 : i32
    %dma_wait3A_173 = tpu.memref_slice %arg8[%rem3A_162, %dma_wait3A_172] : memref<8x64xi32, #tpu.memory_space<vmem>> -> memref<1x64xi32, #tpu.memory_space<vmem>>
    %dma_wait3A_174 = tpu.memref_squeeze %dma_wait3A_173 : memref<1x64xi32, #tpu.memory_space<vmem>> -> memref<64xi32, #tpu.memory_space<vmem>>
    %dma_wait3A_175 = arith.constant 0 : i32
    %dma_wait3A_176 = tpu.memref_slice %arg4[%arg1, %dma_wait3A_163, %dma_wait3A_175] : memref<16x316x64xi32, #tpu.memory_space<hbm>> -> memref<1x1x64xi32, #tpu.memory_space<hbm>>
    %dma_wait3A_177 = tpu.memref_squeeze %dma_wait3A_176 : memref<1x1x64xi32, #tpu.memory_space<hbm>> -> memref<64xi32, #tpu.memory_space<hbm>>
    tpu.wait_dma2 semaphore(%dma_wait3A_171 : memref<!tpu.dma_semaphore, #tpu.memory_space<semaphore_mem>>) src(%dma_wait3A_177 : memref<64xi32, #tpu.memory_space<hbm>>) dst(%dma_wait3A_174 : memref<64xi32, #tpu.memory_space<vmem>>)
    %rem3A_178 = arith.constant 0 : i32
    %rem3A_179 = arith.constant 5 : i32
    %rem3A_180 = arith.remsi %rem3A_178, %rem3A_179 : i32
    %rem3A_181 = arith.constant 0 : i32
    %rem3A_182 = arith.constant 8 : i32
    %rem3A_183 = arith.remsi %rem3A_181, %rem3A_182 : i32
    %dma_start3A_184 = arith.constant 0 : i32
    %dma_start3A_185 = arith.constant 0 : i32
    %dma_start3A_186 = tpu.memref_slice %arg9[%rem3A_180, %dma_start3A_184, %dma_start3A_185] : memref<5x64x128xf32, #tpu.memory_space<vmem>> -> memref<1x64x128xf32, #tpu.memory_space<vmem>>
    %dma_start3A_187 = tpu.memref_squeeze %dma_start3A_186 : memref<1x64x128xf32, #tpu.memory_space<vmem>> -> memref<64x128xf32, #tpu.memory_space<vmem>>
    %dma_start3A_188 = arith.constant 0 : i32
    %dma_start3A_189 = tpu.memref_slice %arg7[%rem3A_183, %dma_start3A_188] : memref<8x64xi32, #tpu.memory_space<vmem>> -> memref<1x64xi32, #tpu.memory_space<vmem>>
    %dma_start3A_190 = tpu.memref_squeeze %dma_start3A_189 : memref<1x64xi32, #tpu.memory_space<vmem>> -> memref<64xi32, #tpu.memory_space<vmem>>
    %dma_start3A_191 = arith.constant 0 : i32
    %dma_start3A_192 = arith.constant 0 : i32
    %dma_start3A_193 = tpu.memref_slice %arg2[%dma_start3A_191, %dma_start3A_192] : memref<20224x128xf32, #tpu.memory_space<hbm>> -> memref<20224x128xf32, #tpu.memory_space<hbm>>
    %dma_start3A_194 = tpu.memref_slice %arg13[%rem3A_180] : memref<5x!tpu.dma_semaphore, #tpu.memory_space<semaphore_mem>> -> memref<1x!tpu.dma_semaphore, #tpu.memory_space<semaphore_mem>>
    %dma_start3A_195 = tpu.memref_squeeze %dma_start3A_194 : memref<1x!tpu.dma_semaphore, #tpu.memory_space<semaphore_mem>> -> memref<!tpu.dma_semaphore, #tpu.memory_space<semaphore_mem>>
    tpu.enqueue_indirect_dma source(%dma_start3A_193 : memref<20224x128xf32, #tpu.memory_space<hbm>>) target(%dma_start3A_187 : memref<64x128xf32, #tpu.memory_space<vmem>>) offsets(%dma_start3A_190 : memref<64xi32, #tpu.memory_space<vmem>>) semaphore(%dma_start3A_195 : memref<!tpu.dma_semaphore, #tpu.memory_space<semaphore_mem>>)
    %rem3A_196 = arith.constant 1 : i32
    %rem3A_197 = arith.constant 8 : i32
    %rem3A_198 = arith.remsi %rem3A_196, %rem3A_197 : i32
    %dma_wait3A_199 = arith.constant 1 : i32
    %dma_wait3A_200 = arith.constant 0 : i32
    %dma_wait3A_201 = tpu.memref_slice %arg7[%rem3A_198, %dma_wait3A_200] : memref<8x64xi32, #tpu.memory_space<vmem>> -> memref<1x64xi32, #tpu.memory_space<vmem>>
    %dma_wait3A_202 = tpu.memref_squeeze %dma_wait3A_201 : memref<1x64xi32, #tpu.memory_space<vmem>> -> memref<64xi32, #tpu.memory_space<vmem>>
    %dma_wait3A_203 = arith.constant 0 : i32
    %dma_wait3A_204 = tpu.memref_slice %arg3[%arg0, %arg1, %dma_wait3A_199, %dma_wait3A_203] : memref<2x16x316x64xi32, #tpu.memory_space<hbm>> -> memref<1x1x1x64xi32, #tpu.memory_space<hbm>>
    %dma_wait3A_205 = tpu.memref_squeeze %dma_wait3A_204 : memref<1x1x1x64xi32, #tpu.memory_space<hbm>> -> memref<64xi32, #tpu.memory_space<hbm>>
    %dma_wait3A_206 = tpu.memref_slice %arg11[%rem3A_198] : memref<8x!tpu.dma_semaphore, #tpu.memory_space<semaphore_mem>> -> memref<1x!tpu.dma_semaphore, #tpu.memory_space<semaphore_mem>>
    %dma_wait3A_207 = tpu.memref_squeeze %dma_wait3A_206 : memref<1x!tpu.dma_semaphore, #tpu.memory_space<semaphore_mem>> -> memref<!tpu.dma_semaphore, #tpu.memory_space<semaphore_mem>>
    %dma_wait3A_208 = arith.constant 0 : i32
    %dma_wait3A_209 = tpu.memref_slice %arg7[%rem3A_198, %dma_wait3A_208] : memref<8x64xi32, #tpu.memory_space<vmem>> -> memref<1x64xi32, #tpu.memory_space<vmem>>
    %dma_wait3A_210 = tpu.memref_squeeze %dma_wait3A_209 : memref<1x64xi32, #tpu.memory_space<vmem>> -> memref<64xi32, #tpu.memory_space<vmem>>
    %dma_wait3A_211 = arith.constant 0 : i32
    %dma_wait3A_212 = tpu.memref_slice %arg3[%arg0, %arg1, %dma_wait3A_199, %dma_wait3A_211] : memref<2x16x316x64xi32, #tpu.memory_space<hbm>> -> memref<1x1x1x64xi32, #tpu.memory_space<hbm>>
    %dma_wait3A_213 = tpu.memref_squeeze %dma_wait3A_212 : memref<1x1x1x64xi32, #tpu.memory_space<hbm>> -> memref<64xi32, #tpu.memory_space<hbm>>
    tpu.wait_dma2 semaphore(%dma_wait3A_207 : memref<!tpu.dma_semaphore, #tpu.memory_space<semaphore_mem>>) src(%dma_wait3A_213 : memref<64xi32, #tpu.memory_space<hbm>>) dst(%dma_wait3A_210 : memref<64xi32, #tpu.memory_space<vmem>>)
    %rem3A_214 = arith.constant 1 : i32
    %rem3A_215 = arith.constant 8 : i32
    %rem3A_216 = arith.remsi %rem3A_214, %rem3A_215 : i32
    %dma_wait3A_217 = arith.constant 1 : i32
    %dma_wait3A_218 = arith.constant 0 : i32
    %dma_wait3A_219 = tpu.memref_slice %arg8[%rem3A_216, %dma_wait3A_218] : memref<8x64xi32, #tpu.memory_space<vmem>> -> memref<1x64xi32, #tpu.memory_space<vmem>>
    %dma_wait3A_220 = tpu.memref_squeeze %dma_wait3A_219 : memref<1x64xi32, #tpu.memory_space<vmem>> -> memref<64xi32, #tpu.memory_space<vmem>>
    %dma_wait3A_221 = arith.constant 0 : i32
    %dma_wait3A_222 = tpu.memref_slice %arg4[%arg1, %dma_wait3A_217, %dma_wait3A_221] : memref<16x316x64xi32, #tpu.memory_space<hbm>> -> memref<1x1x64xi32, #tpu.memory_space<hbm>>
    %dma_wait3A_223 = tpu.memref_squeeze %dma_wait3A_222 : memref<1x1x64xi32, #tpu.memory_space<hbm>> -> memref<64xi32, #tpu.memory_space<hbm>>
    %dma_wait3A_224 = tpu.memref_slice %arg12[%rem3A_216] : memref<8x!tpu.dma_semaphore, #tpu.memory_space<semaphore_mem>> -> memref<1x!tpu.dma_semaphore, #tpu.memory_space<semaphore_mem>>
    %dma_wait3A_225 = tpu.memref_squeeze %dma_wait3A_224 : memref<1x!tpu.dma_semaphore, #tpu.memory_space<semaphore_mem>> -> memref<!tpu.dma_semaphore, #tpu.memory_space<semaphore_mem>>
    %dma_wait3A_226 = arith.constant 0 : i32
    %dma_wait3A_227 = tpu.memref_slice %arg8[%rem3A_216, %dma_wait3A_226] : memref<8x64xi32, #tpu.memory_space<vmem>> -> memref<1x64xi32, #tpu.memory_space<vmem>>
    %dma_wait3A_228 = tpu.memref_squeeze %dma_wait3A_227 : memref<1x64xi32, #tpu.memory_space<vmem>> -> memref<64xi32, #tpu.memory_space<vmem>>
    %dma_wait3A_229 = arith.constant 0 : i32
    %dma_wait3A_230 = tpu.memref_slice %arg4[%arg1, %dma_wait3A_217, %dma_wait3A_229] : memref<16x316x64xi32, #tpu.memory_space<hbm>> -> memref<1x1x64xi32, #tpu.memory_space<hbm>>
    %dma_wait3A_231 = tpu.memref_squeeze %dma_wait3A_230 : memref<1x1x64xi32, #tpu.memory_space<hbm>> -> memref<64xi32, #tpu.memory_space<hbm>>
    tpu.wait_dma2 semaphore(%dma_wait3A_225 : memref<!tpu.dma_semaphore, #tpu.memory_space<semaphore_mem>>) src(%dma_wait3A_231 : memref<64xi32, #tpu.memory_space<hbm>>) dst(%dma_wait3A_228 : memref<64xi32, #tpu.memory_space<vmem>>)
    %rem3A_232 = arith.constant 1 : i32
    %rem3A_233 = arith.constant 5 : i32
    %rem3A_234 = arith.remsi %rem3A_232, %rem3A_233 : i32
    %rem3A_235 = arith.constant 1 : i32
    %rem3A_236 = arith.constant 8 : i32
    %rem3A_237 = arith.remsi %rem3A_235, %rem3A_236 : i32
    %dma_start3A_238 = arith.constant 0 : i32
    %dma_start3A_239 = arith.constant 0 : i32
    %dma_start3A_240 = tpu.memref_slice %arg9[%rem3A_234, %dma_start3A_238, %dma_start3A_239] : memref<5x64x128xf32, #tpu.memory_space<vmem>> -> memref<1x64x128xf32, #tpu.memory_space<vmem>>
    %dma_start3A_241 = tpu.memref_squeeze %dma_start3A_240 : memref<1x64x128xf32, #tpu.memory_space<vmem>> -> memref<64x128xf32, #tpu.memory_space<vmem>>
    %dma_start3A_242 = arith.constant 0 : i32
    %dma_start3A_243 = tpu.memref_slice %arg7[%rem3A_237, %dma_start3A_242] : memref<8x64xi32, #tpu.memory_space<vmem>> -> memref<1x64xi32, #tpu.memory_space<vmem>>
    %dma_start3A_244 = tpu.memref_squeeze %dma_start3A_243 : memref<1x64xi32, #tpu.memory_space<vmem>> -> memref<64xi32, #tpu.memory_space<vmem>>
    %dma_start3A_245 = arith.constant 0 : i32
    %dma_start3A_246 = arith.constant 0 : i32
    %dma_start3A_247 = tpu.memref_slice %arg2[%dma_start3A_245, %dma_start3A_246] : memref<20224x128xf32, #tpu.memory_space<hbm>> -> memref<20224x128xf32, #tpu.memory_space<hbm>>
    %dma_start3A_248 = tpu.memref_slice %arg13[%rem3A_234] : memref<5x!tpu.dma_semaphore, #tpu.memory_space<semaphore_mem>> -> memref<1x!tpu.dma_semaphore, #tpu.memory_space<semaphore_mem>>
    %dma_start3A_249 = tpu.memref_squeeze %dma_start3A_248 : memref<1x!tpu.dma_semaphore, #tpu.memory_space<semaphore_mem>> -> memref<!tpu.dma_semaphore, #tpu.memory_space<semaphore_mem>>
    tpu.enqueue_indirect_dma source(%dma_start3A_247 : memref<20224x128xf32, #tpu.memory_space<hbm>>) target(%dma_start3A_241 : memref<64x128xf32, #tpu.memory_space<vmem>>) offsets(%dma_start3A_244 : memref<64xi32, #tpu.memory_space<vmem>>) semaphore(%dma_start3A_249 : memref<!tpu.dma_semaphore, #tpu.memory_space<semaphore_mem>>)
    %rem3A_250 = arith.constant 2 : i32
    %rem3A_251 = arith.constant 8 : i32
    %rem3A_252 = arith.remsi %rem3A_250, %rem3A_251 : i32
    %dma_wait3A_253 = arith.constant 2 : i32
    %dma_wait3A_254 = arith.constant 0 : i32
    %dma_wait3A_255 = tpu.memref_slice %arg7[%rem3A_252, %dma_wait3A_254] : memref<8x64xi32, #tpu.memory_space<vmem>> -> memref<1x64xi32, #tpu.memory_space<vmem>>
    %dma_wait3A_256 = tpu.memref_squeeze %dma_wait3A_255 : memref<1x64xi32, #tpu.memory_space<vmem>> -> memref<64xi32, #tpu.memory_space<vmem>>
    %dma_wait3A_257 = arith.constant 0 : i32
    %dma_wait3A_258 = tpu.memref_slice %arg3[%arg0, %arg1, %dma_wait3A_253, %dma_wait3A_257] : memref<2x16x316x64xi32, #tpu.memory_space<hbm>> -> memref<1x1x1x64xi32, #tpu.memory_space<hbm>>
    %dma_wait3A_259 = tpu.memref_squeeze %dma_wait3A_258 : memref<1x1x1x64xi32, #tpu.memory_space<hbm>> -> memref<64xi32, #tpu.memory_space<hbm>>
    %dma_wait3A_260 = tpu.memref_slice %arg11[%rem3A_252] : memref<8x!tpu.dma_semaphore, #tpu.memory_space<semaphore_mem>> -> memref<1x!tpu.dma_semaphore, #tpu.memory_space<semaphore_mem>>
    %dma_wait3A_261 = tpu.memref_squeeze %dma_wait3A_260 : memref<1x!tpu.dma_semaphore, #tpu.memory_space<semaphore_mem>> -> memref<!tpu.dma_semaphore, #tpu.memory_space<semaphore_mem>>
    %dma_wait3A_262 = arith.constant 0 : i32
    %dma_wait3A_263 = tpu.memref_slice %arg7[%rem3A_252, %dma_wait3A_262] : memref<8x64xi32, #tpu.memory_space<vmem>> -> memref<1x64xi32, #tpu.memory_space<vmem>>
    %dma_wait3A_264 = tpu.memref_squeeze %dma_wait3A_263 : memref<1x64xi32, #tpu.memory_space<vmem>> -> memref<64xi32, #tpu.memory_space<vmem>>
    %dma_wait3A_265 = arith.constant 0 : i32
    %dma_wait3A_266 = tpu.memref_slice %arg3[%arg0, %arg1, %dma_wait3A_253, %dma_wait3A_265] : memref<2x16x316x64xi32, #tpu.memory_space<hbm>> -> memref<1x1x1x64xi32, #tpu.memory_space<hbm>>
    %dma_wait3A_267 = tpu.memref_squeeze %dma_wait3A_266 : memref<1x1x1x64xi32, #tpu.memory_space<hbm>> -> memref<64xi32, #tpu.memory_space<hbm>>
    tpu.wait_dma2 semaphore(%dma_wait3A_261 : memref<!tpu.dma_semaphore, #tpu.memory_space<semaphore_mem>>) src(%dma_wait3A_267 : memref<64xi32, #tpu.memory_space<hbm>>) dst(%dma_wait3A_264 : memref<64xi32, #tpu.memory_space<vmem>>)
    %rem3A_268 = arith.constant 2 : i32
    %rem3A_269 = arith.constant 8 : i32
    %rem3A_270 = arith.remsi %rem3A_268, %rem3A_269 : i32
    %dma_wait3A_271 = arith.constant 2 : i32
    %dma_wait3A_272 = arith.constant 0 : i32
    %dma_wait3A_273 = tpu.memref_slice %arg8[%rem3A_270, %dma_wait3A_272] : memref<8x64xi32, #tpu.memory_space<vmem>> -> memref<1x64xi32, #tpu.memory_space<vmem>>
    %dma_wait3A_274 = tpu.memref_squeeze %dma_wait3A_273 : memref<1x64xi32, #tpu.memory_space<vmem>> -> memref<64xi32, #tpu.memory_space<vmem>>
    %dma_wait3A_275 = arith.constant 0 : i32
    %dma_wait3A_276 = tpu.memref_slice %arg4[%arg1, %dma_wait3A_271, %dma_wait3A_275] : memref<16x316x64xi32, #tpu.memory_space<hbm>> -> memref<1x1x64xi32, #tpu.memory_space<hbm>>
    %dma_wait3A_277 = tpu.memref_squeeze %dma_wait3A_276 : memref<1x1x64xi32, #tpu.memory_space<hbm>> -> memref<64xi32, #tpu.memory_space<hbm>>
    %dma_wait3A_278 = tpu.memref_slice %arg12[%rem3A_270] : memref<8x!tpu.dma_semaphore, #tpu.memory_space<semaphore_mem>> -> memref<1x!tpu.dma_semaphore, #tpu.memory_space<semaphore_mem>>
    %dma_wait3A_279 = tpu.memref_squeeze %dma_wait3A_278 : memref<1x!tpu.dma_semaphore, #tpu.memory_space<semaphore_mem>> -> memref<!tpu.dma_semaphore, #tpu.memory_space<semaphore_mem>>
    %dma_wait3A_280 = arith.constant 0 : i32
    %dma_wait3A_281 = tpu.memref_slice %arg8[%rem3A_270, %dma_wait3A_280] : memref<8x64xi32, #tpu.memory_space<vmem>> -> memref<1x64xi32, #tpu.memory_space<vmem>>
    %dma_wait3A_282 = tpu.memref_squeeze %dma_wait3A_281 : memref<1x64xi32, #tpu.memory_space<vmem>> -> memref<64xi32, #tpu.memory_space<vmem>>
    %dma_wait3A_283 = arith.constant 0 : i32
    %dma_wait3A_284 = tpu.memref_slice %arg4[%arg1, %dma_wait3A_271, %dma_wait3A_283] : memref<16x316x64xi32, #tpu.memory_space<hbm>> -> memref<1x1x64xi32, #tpu.memory_space<hbm>>
    %dma_wait3A_285 = tpu.memref_squeeze %dma_wait3A_284 : memref<1x1x64xi32, #tpu.memory_space<hbm>> -> memref<64xi32, #tpu.memory_space<hbm>>
    tpu.wait_dma2 semaphore(%dma_wait3A_279 : memref<!tpu.dma_semaphore, #tpu.memory_space<semaphore_mem>>) src(%dma_wait3A_285 : memref<64xi32, #tpu.memory_space<hbm>>) dst(%dma_wait3A_282 : memref<64xi32, #tpu.memory_space<vmem>>)
    %rem3A_286 = arith.constant 2 : i32
    %rem3A_287 = arith.constant 5 : i32
    %rem3A_288 = arith.remsi %rem3A_286, %rem3A_287 : i32
    %rem3A_289 = arith.constant 2 : i32
    %rem3A_290 = arith.constant 8 : i32
    %rem3A_291 = arith.remsi %rem3A_289, %rem3A_290 : i32
    %dma_start3A_292 = arith.constant 0 : i32
    %dma_start3A_293 = arith.constant 0 : i32
    %dma_start3A_294 = tpu.memref_slice %arg9[%rem3A_288, %dma_start3A_292, %dma_start3A_293] : memref<5x64x128xf32, #tpu.memory_space<vmem>> -> memref<1x64x128xf32, #tpu.memory_space<vmem>>
    %dma_start3A_295 = tpu.memref_squeeze %dma_start3A_294 : memref<1x64x128xf32, #tpu.memory_space<vmem>> -> memref<64x128xf32, #tpu.memory_space<vmem>>
    %dma_start3A_296 = arith.constant 0 : i32
    %dma_start3A_297 = tpu.memref_slice %arg7[%rem3A_291, %dma_start3A_296] : memref<8x64xi32, #tpu.memory_space<vmem>> -> memref<1x64xi32, #tpu.memory_space<vmem>>
    %dma_start3A_298 = tpu.memref_squeeze %dma_start3A_297 : memref<1x64xi32, #tpu.memory_space<vmem>> -> memref<64xi32, #tpu.memory_space<vmem>>
    %dma_start3A_299 = arith.constant 0 : i32
    %dma_start3A_300 = arith.constant 0 : i32
    %dma_start3A_301 = tpu.memref_slice %arg2[%dma_start3A_299, %dma_start3A_300] : memref<20224x128xf32, #tpu.memory_space<hbm>> -> memref<20224x128xf32, #tpu.memory_space<hbm>>
    %dma_start3A_302 = tpu.memref_slice %arg13[%rem3A_288] : memref<5x!tpu.dma_semaphore, #tpu.memory_space<semaphore_mem>> -> memref<1x!tpu.dma_semaphore, #tpu.memory_space<semaphore_mem>>
    %dma_start3A_303 = tpu.memref_squeeze %dma_start3A_302 : memref<1x!tpu.dma_semaphore, #tpu.memory_space<semaphore_mem>> -> memref<!tpu.dma_semaphore, #tpu.memory_space<semaphore_mem>>
    tpu.enqueue_indirect_dma source(%dma_start3A_301 : memref<20224x128xf32, #tpu.memory_space<hbm>>) target(%dma_start3A_295 : memref<64x128xf32, #tpu.memory_space<vmem>>) offsets(%dma_start3A_298 : memref<64xi32, #tpu.memory_space<vmem>>) semaphore(%dma_start3A_303 : memref<!tpu.dma_semaphore, #tpu.memory_space<semaphore_mem>>)
    %scan3A = arith.constant 0 : i32
    %scan3A_304 = arith.constant 0 : i32
    %scan3A_305 = arith.constant 316 : i32
    %scan3A_306 = arith.addi %scan3A_304, %scan3A_305 : i32
    %scan3A_307 = arith.constant 1 : i32
    scf.for %scan3A_346 = %scan3A_304 to %scan3A_306 step %scan3A_307  : i32 {
      %ge3A = arith.constant 2 : i32
      %ge3A_347 = arith.cmpi sge, %scan3A_346, %ge3A : i32
      %convert_element_type3A = arith.extui %ge3A_347 : i1 to i32
      %cond3A = arith.constant 0 : i32
      %cond3A_348 = arith.cmpi ne, %convert_element_type3A, %cond3A : i32
      scf.if %cond3A_348 {
        %sub3A = arith.constant 2 : i32
        %sub3A_395 = arith.subi %scan3A_346, %sub3A : i32
        %rem3A_396 = arith.constant 5 : i32
        %rem3A_397 = arith.remsi %sub3A_395, %rem3A_396 : i32
        %rem3A_398 = arith.constant 8 : i32
        %rem3A_399 = arith.remsi %sub3A_395, %rem3A_398 : i32
        %dma_wait3A_400 = arith.constant 0 : i32
        %dma_wait3A_401 = arith.constant 0 : i32
        %dma_wait3A_402 = tpu.memref_slice %arg9[%rem3A_397, %dma_wait3A_400, %dma_wait3A_401] : memref<5x64x128xf32, #tpu.memory_space<vmem>> -> memref<1x64x128xf32, #tpu.memory_space<vmem>>
        %dma_wait3A_403 = tpu.memref_squeeze %dma_wait3A_402 : memref<1x64x128xf32, #tpu.memory_space<vmem>> -> memref<64x128xf32, #tpu.memory_space<vmem>>
        %dma_wait3A_404 = arith.constant 0 : i32
        %dma_wait3A_405 = tpu.memref_slice %arg8[%rem3A_399, %dma_wait3A_404] : memref<8x64xi32, #tpu.memory_space<vmem>> -> memref<1x64xi32, #tpu.memory_space<vmem>>
        %dma_wait3A_406 = tpu.memref_squeeze %dma_wait3A_405 : memref<1x64xi32, #tpu.memory_space<vmem>> -> memref<64xi32, #tpu.memory_space<vmem>>
        %dma_wait3A_407 = arith.constant 0 : i32
        %dma_wait3A_408 = arith.constant 0 : i32
        %dma_wait3A_409 = tpu.memref_slice %arg10[%dma_wait3A_407, %dma_wait3A_408] : memref<10112x128xf32, #tpu.memory_space<vmem_shared>> -> memref<10112x128xf32, #tpu.memory_space<vmem_shared>>
        %dma_wait3A_410 = tpu.memref_slice %arg14[%rem3A_397] : memref<5x!tpu.dma_semaphore, #tpu.memory_space<semaphore_mem>> -> memref<1x!tpu.dma_semaphore, #tpu.memory_space<semaphore_mem>>
        %dma_wait3A_411 = tpu.memref_squeeze %dma_wait3A_410 : memref<1x!tpu.dma_semaphore, #tpu.memory_space<semaphore_mem>> -> memref<!tpu.dma_semaphore, #tpu.memory_space<semaphore_mem>>
        tpu.wait_indirect_dma semaphore(%dma_wait3A_411 : memref<!tpu.dma_semaphore, #tpu.memory_space<semaphore_mem>>) src(%dma_wait3A_403 : memref<64x128xf32, #tpu.memory_space<vmem>>) dst(%dma_wait3A_409 : memref<10112x128xf32, #tpu.memory_space<vmem_shared>>)
      } else {
      }
      %rem3A_349 = arith.constant 5 : i32
      %rem3A_350 = arith.remsi %scan3A_346, %rem3A_349 : i32
      %rem3A_351 = arith.constant 8 : i32
      %rem3A_352 = arith.remsi %scan3A_346, %rem3A_351 : i32
      %dma_wait3A_353 = arith.constant 0 : i32
      %dma_wait3A_354 = arith.constant 0 : i32
      %dma_wait3A_355 = tpu.memref_slice %arg9[%rem3A_350, %dma_wait3A_353, %dma_wait3A_354] : memref<5x64x128xf32, #tpu.memory_space<vmem>> -> memref<1x64x128xf32, #tpu.memory_space<vmem>>
      %dma_wait3A_356 = tpu.memref_squeeze %dma_wait3A_355 : memref<1x64x128xf32, #tpu.memory_space<vmem>> -> memref<64x128xf32, #tpu.memory_space<vmem>>
      %dma_wait3A_357 = arith.constant 0 : i32
      %dma_wait3A_358 = tpu.memref_slice %arg7[%rem3A_352, %dma_wait3A_357] : memref<8x64xi32, #tpu.memory_space<vmem>> -> memref<1x64xi32, #tpu.memory_space<vmem>>
      %dma_wait3A_359 = tpu.memref_squeeze %dma_wait3A_358 : memref<1x64xi32, #tpu.memory_space<vmem>> -> memref<64xi32, #tpu.memory_space<vmem>>
      %dma_wait3A_360 = arith.constant 0 : i32
      %dma_wait3A_361 = arith.constant 0 : i32
      %dma_wait3A_362 = tpu.memref_slice %arg2[%dma_wait3A_360, %dma_wait3A_361] : memref<20224x128xf32, #tpu.memory_space<hbm>> -> memref<20224x128xf32, #tpu.memory_space<hbm>>
      %dma_wait3A_363 = tpu.memref_slice %arg13[%rem3A_350] : memref<5x!tpu.dma_semaphore, #tpu.memory_space<semaphore_mem>> -> memref<1x!tpu.dma_semaphore, #tpu.memory_space<semaphore_mem>>
      %dma_wait3A_364 = tpu.memref_squeeze %dma_wait3A_363 : memref<1x!tpu.dma_semaphore, #tpu.memory_space<semaphore_mem>> -> memref<!tpu.dma_semaphore, #tpu.memory_space<semaphore_mem>>
      tpu.wait_indirect_dma semaphore(%dma_wait3A_364 : memref<!tpu.dma_semaphore, #tpu.memory_space<semaphore_mem>>) src(%dma_wait3A_362 : memref<20224x128xf32, #tpu.memory_space<hbm>>) dst(%dma_wait3A_356 : memref<64x128xf32, #tpu.memory_space<vmem>>)
      %rem3A_365 = arith.constant 5 : i32
      %rem3A_366 = arith.remsi %scan3A_346, %rem3A_365 : i32
      %rem3A_367 = arith.constant 8 : i32
      %rem3A_368 = arith.remsi %scan3A_346, %rem3A_367 : i32
      %dma_start3A_369 = arith.constant 0 : i32
      %dma_start3A_370 = arith.constant 0 : i32
      %dma_start3A_371 = tpu.memref_slice %arg9[%rem3A_366, %dma_start3A_369, %dma_start3A_370] : memref<5x64x128xf32, #tpu.memory_space<vmem>> -> memref<1x64x128xf32, #tpu.memory_space<vmem>>
      %dma_start3A_372 = tpu.memref_squeeze %dma_start3A_371 : memref<1x64x128xf32, #tpu.memory_space<vmem>> -> memref<64x128xf32, #tpu.memory_space<vmem>>
      %dma_start3A_373 = arith.constant 0 : i32
      %dma_start3A_374 = tpu.memref_slice %arg8[%rem3A_368, %dma_start3A_373] : memref<8x64xi32, #tpu.memory_space<vmem>> -> memref<1x64xi32, #tpu.memory_space<vmem>>
      %dma_start3A_375 = tpu.memref_squeeze %dma_start3A_374 : memref<1x64xi32, #tpu.memory_space<vmem>> -> memref<64xi32, #tpu.memory_space<vmem>>
      %dma_start3A_376 = arith.constant 0 : i32
      %dma_start3A_377 = arith.constant 0 : i32
      %dma_start3A_378 = tpu.memref_slice %arg10[%dma_start3A_376, %dma_start3A_377] : memref<10112x128xf32, #tpu.memory_space<vmem_shared>> -> memref<10112x128xf32, #tpu.memory_space<vmem_shared>>
      %dma_start3A_379 = tpu.memref_slice %arg14[%rem3A_366] : memref<5x!tpu.dma_semaphore, #tpu.memory_space<semaphore_mem>> -> memref<1x!tpu.dma_semaphore, #tpu.memory_space<semaphore_mem>>
      %dma_start3A_380 = tpu.memref_squeeze %dma_start3A_379 : memref<1x!tpu.dma_semaphore, #tpu.memory_space<semaphore_mem>> -> memref<!tpu.dma_semaphore, #tpu.memory_space<semaphore_mem>>
      tpu.enqueue_indirect_dma source(%dma_start3A_372 : memref<64x128xf32, #tpu.memory_space<vmem>>) target(%dma_start3A_378 : memref<10112x128xf32, #tpu.memory_space<vmem_shared>>) offsets(%dma_start3A_375 : memref<64xi32, #tpu.memory_space<vmem>>) semaphore(%dma_start3A_380 : memref<!tpu.dma_semaphore, #tpu.memory_space<semaphore_mem>>) {add = true}
      %add3A = arith.constant 3 : i32
      %add3A_381 = arith.addi %scan3A_346, %add3A : i32
      %lt3A = arith.constant 316 : i32
      %lt3A_382 = arith.cmpi slt, %add3A_381, %lt3A : i32
      %convert_element_type3A_383 = arith.extui %lt3A_382 : i1 to i32
      %cond3A_384 = arith.constant 0 : i32
      %cond3A_385 = arith.cmpi ne, %convert_element_type3A_383, %cond3A_384 : i32
      scf.if %cond3A_385 {
        %add3A_395 = arith.constant 3 : i32
        %add3A_396 = arith.addi %scan3A_346, %add3A_395 : i32
        %rem3A_397 = arith.constant 8 : i32
        %rem3A_398 = arith.remsi %add3A_396, %rem3A_397 : i32
        %dma_wait3A_399 = arith.constant 0 : i32
        %dma_wait3A_400 = tpu.memref_slice %arg7[%rem3A_398, %dma_wait3A_399] : memref<8x64xi32, #tpu.memory_space<vmem>> -> memref<1x64xi32, #tpu.memory_space<vmem>>
        %dma_wait3A_401 = tpu.memref_squeeze %dma_wait3A_400 : memref<1x64xi32, #tpu.memory_space<vmem>> -> memref<64xi32, #tpu.memory_space<vmem>>
        %dma_wait3A_402 = arith.constant 0 : i32
        %dma_wait3A_403 = tpu.memref_slice %arg3[%arg0, %arg1, %add3A_396, %dma_wait3A_402] : memref<2x16x316x64xi32, #tpu.memory_space<hbm>> -> memref<1x1x1x64xi32, #tpu.memory_space<hbm>>
        %dma_wait3A_404 = tpu.memref_squeeze %dma_wait3A_403 : memref<1x1x1x64xi32, #tpu.memory_space<hbm>> -> memref<64xi32, #tpu.memory_space<hbm>>
        %dma_wait3A_405 = tpu.memref_slice %arg11[%rem3A_398] : memref<8x!tpu.dma_semaphore, #tpu.memory_space<semaphore_mem>> -> memref<1x!tpu.dma_semaphore, #tpu.memory_space<semaphore_mem>>
        %dma_wait3A_406 = tpu.memref_squeeze %dma_wait3A_405 : memref<1x!tpu.dma_semaphore, #tpu.memory_space<semaphore_mem>> -> memref<!tpu.dma_semaphore, #tpu.memory_space<semaphore_mem>>
        %dma_wait3A_407 = arith.constant 0 : i32
        %dma_wait3A_408 = tpu.memref_slice %arg7[%rem3A_398, %dma_wait3A_407] : memref<8x64xi32, #tpu.memory_space<vmem>> -> memref<1x64xi32, #tpu.memory_space<vmem>>
        %dma_wait3A_409 = tpu.memref_squeeze %dma_wait3A_408 : memref<1x64xi32, #tpu.memory_space<vmem>> -> memref<64xi32, #tpu.memory_space<vmem>>
        %dma_wait3A_410 = arith.constant 0 : i32
        %dma_wait3A_411 = tpu.memref_slice %arg3[%arg0, %arg1, %add3A_396, %dma_wait3A_410] : memref<2x16x316x64xi32, #tpu.memory_space<hbm>> -> memref<1x1x1x64xi32, #tpu.memory_space<hbm>>
        %dma_wait3A_412 = tpu.memref_squeeze %dma_wait3A_411 : memref<1x1x1x64xi32, #tpu.memory_space<hbm>> -> memref<64xi32, #tpu.memory_space<hbm>>
        tpu.wait_dma2 semaphore(%dma_wait3A_406 : memref<!tpu.dma_semaphore, #tpu.memory_space<semaphore_mem>>) src(%dma_wait3A_412 : memref<64xi32, #tpu.memory_space<hbm>>) dst(%dma_wait3A_409 : memref<64xi32, #tpu.memory_space<vmem>>)
        %add3A_413 = arith.constant 3 : i32
        %add3A_414 = arith.addi %scan3A_346, %add3A_413 : i32
        %rem3A_415 = arith.constant 8 : i32
        %rem3A_416 = arith.remsi %add3A_414, %rem3A_415 : i32
        %dma_wait3A_417 = arith.constant 0 : i32
        %dma_wait3A_418 = tpu.memref_slice %arg8[%rem3A_416, %dma_wait3A_417] : memref<8x64xi32, #tpu.memory_space<vmem>> -> memref<1x64xi32, #tpu.memory_space<vmem>>
        %dma_wait3A_419 = tpu.memref_squeeze %dma_wait3A_418 : memref<1x64xi32, #tpu.memory_space<vmem>> -> memref<64xi32, #tpu.memory_space<vmem>>
        %dma_wait3A_420 = arith.constant 0 : i32
        %dma_wait3A_421 = tpu.memref_slice %arg4[%arg1, %add3A_414, %dma_wait3A_420] : memref<16x316x64xi32, #tpu.memory_space<hbm>> -> memref<1x1x64xi32, #tpu.memory_space<hbm>>
        %dma_wait3A_422 = tpu.memref_squeeze %dma_wait3A_421 : memref<1x1x64xi32, #tpu.memory_space<hbm>> -> memref<64xi32, #tpu.memory_space<hbm>>
        %dma_wait3A_423 = tpu.memref_slice %arg12[%rem3A_416] : memref<8x!tpu.dma_semaphore, #tpu.memory_space<semaphore_mem>> -> memref<1x!tpu.dma_semaphore, #tpu.memory_space<semaphore_mem>>
        %dma_wait3A_424 = tpu.memref_squeeze %dma_wait3A_423 : memref<1x!tpu.dma_semaphore, #tpu.memory_space<semaphore_mem>> -> memref<!tpu.dma_semaphore, #tpu.memory_space<semaphore_mem>>
        %dma_wait3A_425 = arith.constant 0 : i32
        %dma_wait3A_426 = tpu.memref_slice %arg8[%rem3A_416, %dma_wait3A_425] : memref<8x64xi32, #tpu.memory_space<vmem>> -> memref<1x64xi32, #tpu.memory_space<vmem>>
        %dma_wait3A_427 = tpu.memref_squeeze %dma_wait3A_426 : memref<1x64xi32, #tpu.memory_space<vmem>> -> memref<64xi32, #tpu.memory_space<vmem>>
        %dma_wait3A_428 = arith.constant 0 : i32
        %dma_wait3A_429 = tpu.memref_slice %arg4[%arg1, %add3A_414, %dma_wait3A_428] : memref<16x316x64xi32, #tpu.memory_space<hbm>> -> memref<1x1x64xi32, #tpu.memory_space<hbm>>
        %dma_wait3A_430 = tpu.memref_squeeze %dma_wait3A_429 : memref<1x1x64xi32, #tpu.memory_space<hbm>> -> memref<64xi32, #tpu.memory_space<hbm>>
        tpu.wait_dma2 semaphore(%dma_wait3A_424 : memref<!tpu.dma_semaphore, #tpu.memory_space<semaphore_mem>>) src(%dma_wait3A_430 : memref<64xi32, #tpu.memory_space<hbm>>) dst(%dma_wait3A_427 : memref<64xi32, #tpu.memory_space<vmem>>)
        %add3A_431 = arith.constant 3 : i32
        %add3A_432 = arith.addi %scan3A_346, %add3A_431 : i32
        %rem3A_433 = arith.constant 5 : i32
        %rem3A_434 = arith.remsi %add3A_432, %rem3A_433 : i32
        %rem3A_435 = arith.constant 8 : i32
        %rem3A_436 = arith.remsi %add3A_432, %rem3A_435 : i32
        %dma_start3A_437 = arith.constant 0 : i32
        %dma_start3A_438 = arith.constant 0 : i32
        %dma_start3A_439 = tpu.memref_slice %arg9[%rem3A_434, %dma_start3A_437, %dma_start3A_438] : memref<5x64x128xf32, #tpu.memory_space<vmem>> -> memref<1x64x128xf32, #tpu.memory_space<vmem>>
        %dma_start3A_440 = tpu.memref_squeeze %dma_start3A_439 : memref<1x64x128xf32, #tpu.memory_space<vmem>> -> memref<64x128xf32, #tpu.memory_space<vmem>>
        %dma_start3A_441 = arith.constant 0 : i32
        %dma_start3A_442 = tpu.memref_slice %arg7[%rem3A_436, %dma_start3A_441] : memref<8x64xi32, #tpu.memory_space<vmem>> -> memref<1x64xi32, #tpu.memory_space<vmem>>
        %dma_start3A_443 = tpu.memref_squeeze %dma_start3A_442 : memref<1x64xi32, #tpu.memory_space<vmem>> -> memref<64xi32, #tpu.memory_space<vmem>>
        %dma_start3A_444 = arith.constant 0 : i32
        %dma_start3A_445 = arith.constant 0 : i32
        %dma_start3A_446 = tpu.memref_slice %arg2[%dma_start3A_444, %dma_start3A_445] : memref<20224x128xf32, #tpu.memory_space<hbm>> -> memref<20224x128xf32, #tpu.memory_space<hbm>>
        %dma_start3A_447 = tpu.memref_slice %arg13[%rem3A_434] : memref<5x!tpu.dma_semaphore, #tpu.memory_space<semaphore_mem>> -> memref<1x!tpu.dma_semaphore, #tpu.memory_space<semaphore_mem>>
        %dma_start3A_448 = tpu.memref_squeeze %dma_start3A_447 : memref<1x!tpu.dma_semaphore, #tpu.memory_space<semaphore_mem>> -> memref<!tpu.dma_semaphore, #tpu.memory_space<semaphore_mem>>
        tpu.enqueue_indirect_dma source(%dma_start3A_446 : memref<20224x128xf32, #tpu.memory_space<hbm>>) target(%dma_start3A_440 : memref<64x128xf32, #tpu.memory_space<vmem>>) offsets(%dma_start3A_443 : memref<64xi32, #tpu.memory_space<vmem>>) semaphore(%dma_start3A_448 : memref<!tpu.dma_semaphore, #tpu.memory_space<semaphore_mem>>)
      } else {
      }
      %add3A_386 = arith.constant 3 : i32
      %add3A_387 = arith.addi %scan3A_346, %add3A_386 : i32
      %add3A_388 = arith.constant 1 : i32
      %add3A_389 = arith.addi %add3A_387, %add3A_388 : i32
      %lt3A_390 = arith.constant 316 : i32
      %lt3A_391 = arith.cmpi slt, %add3A_389, %lt3A_390 : i32
      %convert_element_type3A_392 = arith.extui %lt3A_391 : i1 to i32
      %cond3A_393 = arith.constant 0 : i32
      %cond3A_394 = arith.cmpi ne, %convert_element_type3A_392, %cond3A_393 : i32
      scf.if %cond3A_394 {
        %add3A_395 = arith.constant 3 : i32
        %add3A_396 = arith.addi %scan3A_346, %add3A_395 : i32
        %add3A_397 = arith.constant 1 : i32
        %add3A_398 = arith.addi %add3A_396, %add3A_397 : i32
        %rem3A_399 = arith.constant 8 : i32
        %rem3A_400 = arith.remsi %add3A_398, %rem3A_399 : i32
        %dma_start3A_401 = arith.constant 0 : i32
        %dma_start3A_402 = tpu.memref_slice %arg7[%rem3A_400, %dma_start3A_401] : memref<8x64xi32, #tpu.memory_space<vmem>> -> memref<1x64xi32, #tpu.memory_space<vmem>>
        %dma_start3A_403 = tpu.memref_squeeze %dma_start3A_402 : memref<1x64xi32, #tpu.memory_space<vmem>> -> memref<64xi32, #tpu.memory_space<vmem>>
        %dma_start3A_404 = arith.constant 0 : i32
        %dma_start3A_405 = tpu.memref_slice %arg3[%arg0, %arg1, %add3A_398, %dma_start3A_404] : memref<2x16x316x64xi32, #tpu.memory_space<hbm>> -> memref<1x1x1x64xi32, #tpu.memory_space<hbm>>
        %dma_start3A_406 = tpu.memref_squeeze %dma_start3A_405 : memref<1x1x1x64xi32, #tpu.memory_space<hbm>> -> memref<64xi32, #tpu.memory_space<hbm>>
        %dma_start3A_407 = tpu.memref_slice %arg11[%rem3A_400] : memref<8x!tpu.dma_semaphore, #tpu.memory_space<semaphore_mem>> -> memref<1x!tpu.dma_semaphore, #tpu.memory_space<semaphore_mem>>
        %dma_start3A_408 = tpu.memref_squeeze %dma_start3A_407 : memref<1x!tpu.dma_semaphore, #tpu.memory_space<semaphore_mem>> -> memref<!tpu.dma_semaphore, #tpu.memory_space<semaphore_mem>>
        %dma_start3A_409 = arith.constant 0 : i32
        %dma_start3A_410 = tpu.memref_slice %arg7[%rem3A_400, %dma_start3A_409] : memref<8x64xi32, #tpu.memory_space<vmem>> -> memref<1x64xi32, #tpu.memory_space<vmem>>
        %dma_start3A_411 = tpu.memref_squeeze %dma_start3A_410 : memref<1x64xi32, #tpu.memory_space<vmem>> -> memref<64xi32, #tpu.memory_space<vmem>>
        %dma_start3A_412 = arith.constant 0 : i32
        %dma_start3A_413 = tpu.memref_slice %arg3[%arg0, %arg1, %add3A_398, %dma_start3A_412] : memref<2x16x316x64xi32, #tpu.memory_space<hbm>> -> memref<1x1x1x64xi32, #tpu.memory_space<hbm>>
        %dma_start3A_414 = tpu.memref_squeeze %dma_start3A_413 : memref<1x1x1x64xi32, #tpu.memory_space<hbm>> -> memref<64xi32, #tpu.memory_space<hbm>>
        tpu.enqueue_dma source(%dma_start3A_414 : memref<64xi32, #tpu.memory_space<hbm>>) target(%dma_start3A_411 : memref<64xi32, #tpu.memory_space<vmem>>) target_semaphore(%dma_start3A_408 : memref<!tpu.dma_semaphore, #tpu.memory_space<semaphore_mem>>)
        %add3A_415 = arith.constant 3 : i32
        %add3A_416 = arith.addi %scan3A_346, %add3A_415 : i32
        %add3A_417 = arith.constant 1 : i32
        %add3A_418 = arith.addi %add3A_416, %add3A_417 : i32
        %rem3A_419 = arith.constant 8 : i32
        %rem3A_420 = arith.remsi %add3A_418, %rem3A_419 : i32
        %dma_start3A_421 = arith.constant 0 : i32
        %dma_start3A_422 = tpu.memref_slice %arg8[%rem3A_420, %dma_start3A_421] : memref<8x64xi32, #tpu.memory_space<vmem>> -> memref<1x64xi32, #tpu.memory_space<vmem>>
        %dma_start3A_423 = tpu.memref_squeeze %dma_start3A_422 : memref<1x64xi32, #tpu.memory_space<vmem>> -> memref<64xi32, #tpu.memory_space<vmem>>
        %dma_start3A_424 = arith.constant 0 : i32
        %dma_start3A_425 = tpu.memref_slice %arg4[%arg1, %add3A_418, %dma_start3A_424] : memref<16x316x64xi32, #tpu.memory_space<hbm>> -> memref<1x1x64xi32, #tpu.memory_space<hbm>>
        %dma_start3A_426 = tpu.memref_squeeze %dma_start3A_425 : memref<1x1x64xi32, #tpu.memory_space<hbm>> -> memref<64xi32, #tpu.memory_space<hbm>>
        %dma_start3A_427 = tpu.memref_slice %arg12[%rem3A_420] : memref<8x!tpu.dma_semaphore, #tpu.memory_space<semaphore_mem>> -> memref<1x!tpu.dma_semaphore, #tpu.memory_space<semaphore_mem>>
        %dma_start3A_428 = tpu.memref_squeeze %dma_start3A_427 : memref<1x!tpu.dma_semaphore, #tpu.memory_space<semaphore_mem>> -> memref<!tpu.dma_semaphore, #tpu.memory_space<semaphore_mem>>
        %dma_start3A_429 = arith.constant 0 : i32
        %dma_start3A_430 = tpu.memref_slice %arg8[%rem3A_420, %dma_start3A_429] : memref<8x64xi32, #tpu.memory_space<vmem>> -> memref<1x64xi32, #tpu.memory_space<vmem>>
        %dma_start3A_431 = tpu.memref_squeeze %dma_start3A_430 : memref<1x64xi32, #tpu.memory_space<vmem>> -> memref<64xi32, #tpu.memory_space<vmem>>
        %dma_start3A_432 = arith.constant 0 : i32
        %dma_start3A_433 = tpu.memref_slice %arg4[%arg1, %add3A_418, %dma_start3A_432] : memref<16x316x64xi32, #tpu.memory_space<hbm>> -> memref<1x1x64xi32, #tpu.memory_space<hbm>>
        %dma_start3A_434 = tpu.memref_squeeze %dma_start3A_433 : memref<1x1x64xi32, #tpu.memory_space<hbm>> -> memref<64xi32, #tpu.memory_space<hbm>>
        tpu.enqueue_dma source(%dma_start3A_434 : memref<64xi32, #tpu.memory_space<hbm>>) target(%dma_start3A_431 : memref<64xi32, #tpu.memory_space<vmem>>) target_semaphore(%dma_start3A_428 : memref<!tpu.dma_semaphore, #tpu.memory_space<semaphore_mem>>)
      } else {
      }
    }
    %scan3A_308 = arith.constant 316 : i32
    %rem3A_309 = arith.constant 314 : i32
    %rem3A_310 = arith.constant 5 : i32
    %rem3A_311 = arith.remsi %rem3A_309, %rem3A_310 : i32
    %rem3A_312 = arith.constant 314 : i32
    %rem3A_313 = arith.constant 8 : i32
    %rem3A_314 = arith.remsi %rem3A_312, %rem3A_313 : i32
    %dma_wait3A_315 = arith.constant 0 : i32
    %dma_wait3A_316 = arith.constant 0 : i32
    %dma_wait3A_317 = tpu.memref_slice %arg9[%rem3A_311, %dma_wait3A_315, %dma_wait3A_316] : memref<5x64x128xf32, #tpu.memory_space<vmem>> -> memref<1x64x128xf32, #tpu.memory_space<vmem>>
    %dma_wait3A_318 = tpu.memref_squeeze %dma_wait3A_317 : memref<1x64x128xf32, #tpu.memory_space<vmem>> -> memref<64x128xf32, #tpu.memory_space<vmem>>
    %dma_wait3A_319 = arith.constant 0 : i32
    %dma_wait3A_320 = tpu.memref_slice %arg8[%rem3A_314, %dma_wait3A_319] : memref<8x64xi32, #tpu.memory_space<vmem>> -> memref<1x64xi32, #tpu.memory_space<vmem>>
    %dma_wait3A_321 = tpu.memref_squeeze %dma_wait3A_320 : memref<1x64xi32, #tpu.memory_space<vmem>> -> memref<64xi32, #tpu.memory_space<vmem>>
    %dma_wait3A_322 = arith.constant 0 : i32
    %dma_wait3A_323 = arith.constant 0 : i32
    %dma_wait3A_324 = tpu.memref_slice %arg10[%dma_wait3A_322, %dma_wait3A_323] : memref<10112x128xf32, #tpu.memory_space<vmem_shared>> -> memref<10112x128xf32, #tpu.memory_space<vmem_shared>>
    %dma_wait3A_325 = tpu.memref_slice %arg14[%rem3A_311] : memref<5x!tpu.dma_semaphore, #tpu.memory_space<semaphore_mem>> -> memref<1x!tpu.dma_semaphore, #tpu.memory_space<semaphore_mem>>
    %dma_wait3A_326 = tpu.memref_squeeze %dma_wait3A_325 : memref<1x!tpu.dma_semaphore, #tpu.memory_space<semaphore_mem>> -> memref<!tpu.dma_semaphore, #tpu.memory_space<semaphore_mem>>
    tpu.wait_indirect_dma semaphore(%dma_wait3A_326 : memref<!tpu.dma_semaphore, #tpu.memory_space<semaphore_mem>>) src(%dma_wait3A_318 : memref<64x128xf32, #tpu.memory_space<vmem>>) dst(%dma_wait3A_324 : memref<10112x128xf32, #tpu.memory_space<vmem_shared>>)
    %rem3A_327 = arith.constant 315 : i32
    %rem3A_328 = arith.constant 5 : i32
    %rem3A_329 = arith.remsi %rem3A_327, %rem3A_328 : i32
    %rem3A_330 = arith.constant 315 : i32
    %rem3A_331 = arith.constant 8 : i32
    %rem3A_332 = arith.remsi %rem3A_330, %rem3A_331 : i32
    %dma_wait3A_333 = arith.constant 0 : i32
    %dma_wait3A_334 = arith.constant 0 : i32
    %dma_wait3A_335 = tpu.memref_slice %arg9[%rem3A_329, %dma_wait3A_333, %dma_wait3A_334] : memref<5x64x128xf32, #tpu.memory_space<vmem>> -> memref<1x64x128xf32, #tpu.memory_space<vmem>>
    %dma_wait3A_336 = tpu.memref_squeeze %dma_wait3A_335 : memref<1x64x128xf32, #tpu.memory_space<vmem>> -> memref<64x128xf32, #tpu.memory_space<vmem>>
    %dma_wait3A_337 = arith.constant 0 : i32
    %dma_wait3A_338 = tpu.memref_slice %arg8[%rem3A_332, %dma_wait3A_337] : memref<8x64xi32, #tpu.memory_space<vmem>> -> memref<1x64xi32, #tpu.memory_space<vmem>>
    %dma_wait3A_339 = tpu.memref_squeeze %dma_wait3A_338 : memref<1x64xi32, #tpu.memory_space<vmem>> -> memref<64xi32, #tpu.memory_space<vmem>>
    %dma_wait3A_340 = arith.constant 0 : i32
    %dma_wait3A_341 = arith.constant 0 : i32
    %dma_wait3A_342 = tpu.memref_slice %arg10[%dma_wait3A_340, %dma_wait3A_341] : memref<10112x128xf32, #tpu.memory_space<vmem_shared>> -> memref<10112x128xf32, #tpu.memory_space<vmem_shared>>
    %dma_wait3A_343 = tpu.memref_slice %arg14[%rem3A_329] : memref<5x!tpu.dma_semaphore, #tpu.memory_space<semaphore_mem>> -> memref<1x!tpu.dma_semaphore, #tpu.memory_space<semaphore_mem>>
    %dma_wait3A_344 = tpu.memref_squeeze %dma_wait3A_343 : memref<1x!tpu.dma_semaphore, #tpu.memory_space<semaphore_mem>> -> memref<!tpu.dma_semaphore, #tpu.memory_space<semaphore_mem>>
    tpu.wait_indirect_dma semaphore(%dma_wait3A_344 : memref<!tpu.dma_semaphore, #tpu.memory_space<semaphore_mem>>) src(%dma_wait3A_336 : memref<64x128xf32, #tpu.memory_space<vmem>>) dst(%dma_wait3A_342 : memref<10112x128xf32, #tpu.memory_space<vmem_shared>>)
    %barrier3A_345 = arith.constant 0 : index
    tpu.barrier barrier_id(%barrier3A_345)
    "tpu.region"() ({
      %run_scoped3A = tpu.sem_alloc : memref<!tpu.dma_semaphore, #tpu.memory_space<semaphore_mem>>
      %dma_start3A_346 = arith.constant 0 : i32
      %dma_start3A_347 = tpu.memref_slice %arg6[%arg0, %mul3A_0, %dma_start3A_346] : memref<2x10112x128xf32, #tpu.memory_space<hbm>> -> memref<1x632x128xf32, #tpu.memory_space<hbm>>
      %dma_start3A_348 = tpu.memref_squeeze %dma_start3A_347 : memref<1x632x128xf32, #tpu.memory_space<hbm>> -> memref<632x128xf32, #tpu.memory_space<hbm>>
      %dma_start3A_349 = arith.constant 0 : i32
      %dma_start3A_350 = tpu.memref_slice %arg10[%mul3A_0, %dma_start3A_349] : memref<10112x128xf32, #tpu.memory_space<vmem_shared>> -> memref<632x128xf32, #tpu.memory_space<vmem_shared>>
      tpu.enqueue_dma source(%dma_start3A_350 : memref<632x128xf32, #tpu.memory_space<vmem_shared>>) target(%dma_start3A_348 : memref<632x128xf32, #tpu.memory_space<hbm>>) target_semaphore(%run_scoped3A : memref<!tpu.dma_semaphore, #tpu.memory_space<semaphore_mem>>)
      %dma_wait3A_351 = arith.constant 0 : i32
      %dma_wait3A_352 = tpu.memref_slice %arg6[%arg0, %mul3A_0, %dma_wait3A_351] : memref<2x10112x128xf32, #tpu.memory_space<hbm>> -> memref<1x632x128xf32, #tpu.memory_space<hbm>>
      %dma_wait3A_353 = tpu.memref_squeeze %dma_wait3A_352 : memref<1x632x128xf32, #tpu.memory_space<hbm>> -> memref<632x128xf32, #tpu.memory_space<hbm>>
      %dma_wait3A_354 = arith.constant 0 : i32
      %dma_wait3A_355 = tpu.memref_slice %arg10[%mul3A_0, %dma_wait3A_354] : memref<10112x128xf32, #tpu.memory_space<vmem_shared>> -> memref<632x128xf32, #tpu.memory_space<vmem_shared>>
      tpu.wait_dma2 semaphore(%run_scoped3A : memref<!tpu.dma_semaphore, #tpu.memory_space<semaphore_mem>>) src(%dma_wait3A_355 : memref<632x128xf32, #tpu.memory_space<vmem_shared>>) dst(%dma_wait3A_353 : memref<632x128xf32, #tpu.memory_space<hbm>>)
      tpu.yield
    }) : () -> ()
    return
  }
}

#map = affine_map<(d0, d1) -> (0, 0, 0)>
#map1 = affine_map<(d0, d1) -> (0, 0)>
module attributes {stable_mosaic.version = 14 : i64} {
  func.func @_deg_body(%arg0: i32, %arg1: i32, %arg2: memref<32x79x128xi32, #tpu.memory_space<hbm>>, %arg3: memref<128x128xf32, #tpu.memory_space<hbm>>, %arg4: memref<10112x128xf32, #tpu.memory_space<hbm>>, %arg5: memref<2x10112x128xf32, #tpu.memory_space<hbm>>, %arg6: memref<79x128xi32, #tpu.memory_space<vmem>>, %arg7: memref<128x128xf32, #tpu.memory_space<vmem>>, %arg8: memref<10112x128xf32, #tpu.memory_space<vmem_shared>>, %arg9: memref<2x!tpu.dma_semaphore, #tpu.memory_space<semaphore_mem>>) attributes {dimension_semantics = [#tpu.dimension_semantics<core_parallel>, #tpu.dimension_semantics<subcore_parallel>], iteration_bounds = array<i64: 2, 16>, scalar_prefetch = 0 : i64, scratch_operands = 4 : i64, tpu.core_type = #tpu.core_type<sc_vector_subcore>, window_params = [{transform_indices = #map}, {transform_indices = #map1}, {transform_indices = #map1}, {transform_indices = #map}]} {
    %mul3A = arith.constant 632 : i32
    %mul3A_0 = arith.muli %arg1, %mul3A : i32
    "tpu.region"() ({
      %run_scoped3A = tpu.sem_alloc : memref<!tpu.dma_semaphore, #tpu.memory_space<semaphore_mem>>
      %dma_start3A = arith.constant 0 : i32
      %dma_start3A_31 = tpu.memref_slice %arg8[%mul3A_0, %dma_start3A] : memref<10112x128xf32, #tpu.memory_space<vmem_shared>> -> memref<632x128xf32, #tpu.memory_space<vmem_shared>>
      %dma_start3A_32 = arith.constant 0 : i32
      %dma_start3A_33 = tpu.memref_slice %arg4[%mul3A_0, %dma_start3A_32] : memref<10112x128xf32, #tpu.memory_space<hbm>> -> memref<632x128xf32, #tpu.memory_space<hbm>>
      tpu.enqueue_dma source(%dma_start3A_33 : memref<632x128xf32, #tpu.memory_space<hbm>>) target(%dma_start3A_31 : memref<632x128xf32, #tpu.memory_space<vmem_shared>>) target_semaphore(%run_scoped3A : memref<!tpu.dma_semaphore, #tpu.memory_space<semaphore_mem>>)
      %dma_wait3A_34 = arith.constant 0 : i32
      %dma_wait3A_35 = tpu.memref_slice %arg8[%mul3A_0, %dma_wait3A_34] : memref<10112x128xf32, #tpu.memory_space<vmem_shared>> -> memref<632x128xf32, #tpu.memory_space<vmem_shared>>
      %dma_wait3A_36 = arith.constant 0 : i32
      %dma_wait3A_37 = tpu.memref_slice %arg4[%mul3A_0, %dma_wait3A_36] : memref<10112x128xf32, #tpu.memory_space<hbm>> -> memref<632x128xf32, #tpu.memory_space<hbm>>
      tpu.wait_dma2 semaphore(%run_scoped3A : memref<!tpu.dma_semaphore, #tpu.memory_space<semaphore_mem>>) src(%dma_wait3A_37 : memref<632x128xf32, #tpu.memory_space<hbm>>) dst(%dma_wait3A_35 : memref<632x128xf32, #tpu.memory_space<vmem_shared>>)
      tpu.yield
    }) : () -> ()
    "tpu.region"() ({
      %run_scoped3A = tpu.sem_alloc : memref<!tpu.dma_semaphore, #tpu.memory_space<semaphore_mem>>
      tpu.enqueue_dma source(%arg3 : memref<128x128xf32, #tpu.memory_space<hbm>>) target(%arg7 : memref<128x128xf32, #tpu.memory_space<vmem>>) target_semaphore(%run_scoped3A : memref<!tpu.dma_semaphore, #tpu.memory_space<semaphore_mem>>)
      tpu.wait_dma2 semaphore(%run_scoped3A : memref<!tpu.dma_semaphore, #tpu.memory_space<semaphore_mem>>) src(%arg3 : memref<128x128xf32, #tpu.memory_space<hbm>>) dst(%arg7 : memref<128x128xf32, #tpu.memory_space<vmem>>)
      tpu.yield
    }) : () -> ()
    %mul3A_1 = arith.constant 16 : i32
    %mul3A_2 = arith.muli %arg0, %mul3A_1 : i32
    %add3A = arith.addi %mul3A_2, %arg1 : i32
    "tpu.region"() ({
      %run_scoped3A = tpu.sem_alloc : memref<!tpu.dma_semaphore, #tpu.memory_space<semaphore_mem>>
      %dma_start3A = arith.constant 0 : i32
      %dma_start3A_31 = arith.constant 0 : i32
      %dma_start3A_32 = tpu.memref_slice %arg2[%add3A, %dma_start3A, %dma_start3A_31] : memref<32x79x128xi32, #tpu.memory_space<hbm>> -> memref<1x79x128xi32, #tpu.memory_space<hbm>>
      %dma_start3A_33 = tpu.memref_squeeze %dma_start3A_32 : memref<1x79x128xi32, #tpu.memory_space<hbm>> -> memref<79x128xi32, #tpu.memory_space<hbm>>
      %dma_start3A_34 = arith.constant 0 : i32
      %dma_start3A_35 = arith.constant 0 : i32
      %dma_start3A_36 = tpu.memref_slice %arg2[%add3A, %dma_start3A_34, %dma_start3A_35] : memref<32x79x128xi32, #tpu.memory_space<hbm>> -> memref<1x79x128xi32, #tpu.memory_space<hbm>>
      %dma_start3A_37 = tpu.memref_squeeze %dma_start3A_36 : memref<1x79x128xi32, #tpu.memory_space<hbm>> -> memref<79x128xi32, #tpu.memory_space<hbm>>
      tpu.enqueue_dma source(%dma_start3A_37 : memref<79x128xi32, #tpu.memory_space<hbm>>) target(%arg6 : memref<79x128xi32, #tpu.memory_space<vmem>>) target_semaphore(%run_scoped3A : memref<!tpu.dma_semaphore, #tpu.memory_space<semaphore_mem>>)
      %dma_wait3A_38 = arith.constant 0 : i32
      %dma_wait3A_39 = arith.constant 0 : i32
      %dma_wait3A_40 = tpu.memref_slice %arg2[%add3A, %dma_wait3A_38, %dma_wait3A_39] : memref<32x79x128xi32, #tpu.memory_space<hbm>> -> memref<1x79x128xi32, #tpu.memory_space<hbm>>
      %dma_wait3A_41 = tpu.memref_squeeze %dma_wait3A_40 : memref<1x79x128xi32, #tpu.memory_space<hbm>> -> memref<79x128xi32, #tpu.memory_space<hbm>>
      %dma_wait3A_42 = arith.constant 0 : i32
      %dma_wait3A_43 = arith.constant 0 : i32
      %dma_wait3A_44 = tpu.memref_slice %arg2[%add3A, %dma_wait3A_42, %dma_wait3A_43] : memref<32x79x128xi32, #tpu.memory_space<hbm>> -> memref<1x79x128xi32, #tpu.memory_space<hbm>>
      %dma_wait3A_45 = tpu.memref_squeeze %dma_wait3A_44 : memref<1x79x128xi32, #tpu.memory_space<hbm>> -> memref<79x128xi32, #tpu.memory_space<hbm>>
      tpu.wait_dma2 semaphore(%run_scoped3A : memref<!tpu.dma_semaphore, #tpu.memory_space<semaphore_mem>>) src(%dma_wait3A_45 : memref<79x128xi32, #tpu.memory_space<hbm>>) dst(%arg6 : memref<79x128xi32, #tpu.memory_space<vmem>>)
      tpu.yield
    }) : () -> ()
    %barrier3A = arith.constant 0 : index
    tpu.barrier barrier_id(%barrier3A)
    %scan3A = arith.constant 0 : i32
    %scan3A_3 = arith.constant 0 : i32
    %scan3A_4 = arith.constant 79 : i32
    %scan3A_5 = arith.addi %scan3A_3, %scan3A_4 : i32
    %scan3A_6 = arith.constant 1 : i32
    scf.for %scan3A_31 = %scan3A_3 to %scan3A_5 step %scan3A_6  : i32 {
      %rem3A_32 = arith.constant 2 : i32
      %rem3A_33 = arith.remsi %scan3A_31, %rem3A_32 : i32
      %ge3A = arith.constant 2 : i32
      %ge3A_34 = arith.cmpi sge, %scan3A_31, %ge3A : i32
      %convert_element_type3A = arith.extui %ge3A_34 : i1 to i32
      %cond3A = arith.constant 0 : i32
      %cond3A_35 = arith.cmpi ne, %convert_element_type3A, %cond3A : i32
      scf.if %cond3A_35 {
        %sub3A = arith.constant 2 : i32
        %sub3A_43 = arith.subi %scan3A_31, %sub3A : i32
        %dma_wait3A_44 = arith.constant 0 : i32
        %dma_wait3A_45 = tpu.memref_slice %arg6[%sub3A_43, %dma_wait3A_44] : memref<79x128xi32, #tpu.memory_space<vmem>> -> memref<1x128xi32, #tpu.memory_space<vmem>>
        %dma_wait3A_46 = tpu.memref_squeeze %dma_wait3A_45 : memref<1x128xi32, #tpu.memory_space<vmem>> -> memref<128xi32, #tpu.memory_space<vmem>>
        %dma_wait3A_47 = arith.constant 0 : i32
        %dma_wait3A_48 = arith.constant 0 : i32
        %dma_wait3A_49 = tpu.memref_slice %arg8[%dma_wait3A_47, %dma_wait3A_48] : memref<10112x128xf32, #tpu.memory_space<vmem_shared>> -> memref<10112x128xf32, #tpu.memory_space<vmem_shared>>
        %dma_wait3A_50 = tpu.memref_slice %arg9[%rem3A_33] : memref<2x!tpu.dma_semaphore, #tpu.memory_space<semaphore_mem>> -> memref<1x!tpu.dma_semaphore, #tpu.memory_space<semaphore_mem>>
        %dma_wait3A_51 = tpu.memref_squeeze %dma_wait3A_50 : memref<1x!tpu.dma_semaphore, #tpu.memory_space<semaphore_mem>> -> memref<!tpu.dma_semaphore, #tpu.memory_space<semaphore_mem>>
        tpu.wait_indirect_dma semaphore(%dma_wait3A_51 : memref<!tpu.dma_semaphore, #tpu.memory_space<semaphore_mem>>) src(%arg7 : memref<128x128xf32, #tpu.memory_space<vmem>>) dst(%dma_wait3A_49 : memref<10112x128xf32, #tpu.memory_space<vmem_shared>>)
      } else {
      }
      %dma_start3A = arith.constant 0 : i32
      %dma_start3A_36 = tpu.memref_slice %arg6[%scan3A_31, %dma_start3A] : memref<79x128xi32, #tpu.memory_space<vmem>> -> memref<1x128xi32, #tpu.memory_space<vmem>>
      %dma_start3A_37 = tpu.memref_squeeze %dma_start3A_36 : memref<1x128xi32, #tpu.memory_space<vmem>> -> memref<128xi32, #tpu.memory_space<vmem>>
      %dma_start3A_38 = arith.constant 0 : i32
      %dma_start3A_39 = arith.constant 0 : i32
      %dma_start3A_40 = tpu.memref_slice %arg8[%dma_start3A_38, %dma_start3A_39] : memref<10112x128xf32, #tpu.memory_space<vmem_shared>> -> memref<10112x128xf32, #tpu.memory_space<vmem_shared>>
      %dma_start3A_41 = tpu.memref_slice %arg9[%rem3A_33] : memref<2x!tpu.dma_semaphore, #tpu.memory_space<semaphore_mem>> -> memref<1x!tpu.dma_semaphore, #tpu.memory_space<semaphore_mem>>
      %dma_start3A_42 = tpu.memref_squeeze %dma_start3A_41 : memref<1x!tpu.dma_semaphore, #tpu.memory_space<semaphore_mem>> -> memref<!tpu.dma_semaphore, #tpu.memory_space<semaphore_mem>>
      tpu.enqueue_indirect_dma source(%arg7 : memref<128x128xf32, #tpu.memory_space<vmem>>) target(%dma_start3A_40 : memref<10112x128xf32, #tpu.memory_space<vmem_shared>>) offsets(%dma_start3A_37 : memref<128xi32, #tpu.memory_space<vmem>>) semaphore(%dma_start3A_42 : memref<!tpu.dma_semaphore, #tpu.memory_space<semaphore_mem>>) {add = true}
    }
    %scan3A_7 = arith.constant 79 : i32
    %rem3A = arith.constant 77 : i32
    %rem3A_8 = arith.constant 2 : i32
    %rem3A_9 = arith.remsi %rem3A, %rem3A_8 : i32
    %dma_wait3A = arith.constant 77 : i32
    %dma_wait3A_10 = arith.constant 0 : i32
    %dma_wait3A_11 = tpu.memref_slice %arg6[%dma_wait3A, %dma_wait3A_10] : memref<79x128xi32, #tpu.memory_space<vmem>> -> memref<1x128xi32, #tpu.memory_space<vmem>>
    %dma_wait3A_12 = tpu.memref_squeeze %dma_wait3A_11 : memref<1x128xi32, #tpu.memory_space<vmem>> -> memref<128xi32, #tpu.memory_space<vmem>>
    %dma_wait3A_13 = arith.constant 0 : i32
    %dma_wait3A_14 = arith.constant 0 : i32
    %dma_wait3A_15 = tpu.memref_slice %arg8[%dma_wait3A_13, %dma_wait3A_14] : memref<10112x128xf32, #tpu.memory_space<vmem_shared>> -> memref<10112x128xf32, #tpu.memory_space<vmem_shared>>
    %dma_wait3A_16 = tpu.memref_slice %arg9[%rem3A_9] : memref<2x!tpu.dma_semaphore, #tpu.memory_space<semaphore_mem>> -> memref<1x!tpu.dma_semaphore, #tpu.memory_space<semaphore_mem>>
    %dma_wait3A_17 = tpu.memref_squeeze %dma_wait3A_16 : memref<1x!tpu.dma_semaphore, #tpu.memory_space<semaphore_mem>> -> memref<!tpu.dma_semaphore, #tpu.memory_space<semaphore_mem>>
    tpu.wait_indirect_dma semaphore(%dma_wait3A_17 : memref<!tpu.dma_semaphore, #tpu.memory_space<semaphore_mem>>) src(%arg7 : memref<128x128xf32, #tpu.memory_space<vmem>>) dst(%dma_wait3A_15 : memref<10112x128xf32, #tpu.memory_space<vmem_shared>>)
    %rem3A_18 = arith.constant 78 : i32
    %rem3A_19 = arith.constant 2 : i32
    %rem3A_20 = arith.remsi %rem3A_18, %rem3A_19 : i32
    %dma_wait3A_21 = arith.constant 78 : i32
    %dma_wait3A_22 = arith.constant 0 : i32
    %dma_wait3A_23 = tpu.memref_slice %arg6[%dma_wait3A_21, %dma_wait3A_22] : memref<79x128xi32, #tpu.memory_space<vmem>> -> memref<1x128xi32, #tpu.memory_space<vmem>>
    %dma_wait3A_24 = tpu.memref_squeeze %dma_wait3A_23 : memref<1x128xi32, #tpu.memory_space<vmem>> -> memref<128xi32, #tpu.memory_space<vmem>>
    %dma_wait3A_25 = arith.constant 0 : i32
    %dma_wait3A_26 = arith.constant 0 : i32
    %dma_wait3A_27 = tpu.memref_slice %arg8[%dma_wait3A_25, %dma_wait3A_26] : memref<10112x128xf32, #tpu.memory_space<vmem_shared>> -> memref<10112x128xf32, #tpu.memory_space<vmem_shared>>
    %dma_wait3A_28 = tpu.memref_slice %arg9[%rem3A_20] : memref<2x!tpu.dma_semaphore, #tpu.memory_space<semaphore_mem>> -> memref<1x!tpu.dma_semaphore, #tpu.memory_space<semaphore_mem>>
    %dma_wait3A_29 = tpu.memref_squeeze %dma_wait3A_28 : memref<1x!tpu.dma_semaphore, #tpu.memory_space<semaphore_mem>> -> memref<!tpu.dma_semaphore, #tpu.memory_space<semaphore_mem>>
    tpu.wait_indirect_dma semaphore(%dma_wait3A_29 : memref<!tpu.dma_semaphore, #tpu.memory_space<semaphore_mem>>) src(%arg7 : memref<128x128xf32, #tpu.memory_space<vmem>>) dst(%dma_wait3A_27 : memref<10112x128xf32, #tpu.memory_space<vmem_shared>>)
    %barrier3A_30 = arith.constant 0 : index
    tpu.barrier barrier_id(%barrier3A_30)
    "tpu.region"() ({
      %run_scoped3A = tpu.sem_alloc : memref<!tpu.dma_semaphore, #tpu.memory_space<semaphore_mem>>
      %dma_start3A = arith.constant 0 : i32
      %dma_start3A_31 = tpu.memref_slice %arg5[%arg0, %mul3A_0, %dma_start3A] : memref<2x10112x128xf32, #tpu.memory_space<hbm>> -> memref<1x632x128xf32, #tpu.memory_space<hbm>>
      %dma_start3A_32 = tpu.memref_squeeze %dma_start3A_31 : memref<1x632x128xf32, #tpu.memory_space<hbm>> -> memref<632x128xf32, #tpu.memory_space<hbm>>
      %dma_start3A_33 = arith.constant 0 : i32
      %dma_start3A_34 = tpu.memref_slice %arg8[%mul3A_0, %dma_start3A_33] : memref<10112x128xf32, #tpu.memory_space<vmem_shared>> -> memref<632x128xf32, #tpu.memory_space<vmem_shared>>
      tpu.enqueue_dma source(%dma_start3A_34 : memref<632x128xf32, #tpu.memory_space<vmem_shared>>) target(%dma_start3A_32 : memref<632x128xf32, #tpu.memory_space<hbm>>) target_semaphore(%run_scoped3A : memref<!tpu.dma_semaphore, #tpu.memory_space<semaphore_mem>>)
      %dma_wait3A_35 = arith.constant 0 : i32
      %dma_wait3A_36 = tpu.memref_slice %arg5[%arg0, %mul3A_0, %dma_wait3A_35] : memref<2x10112x128xf32, #tpu.memory_space<hbm>> -> memref<1x632x128xf32, #tpu.memory_space<hbm>>
      %dma_wait3A_37 = tpu.memref_squeeze %dma_wait3A_36 : memref<1x632x128xf32, #tpu.memory_space<hbm>> -> memref<632x128xf32, #tpu.memory_space<hbm>>
      %dma_wait3A_38 = arith.constant 0 : i32
      %dma_wait3A_39 = tpu.memref_slice %arg8[%mul3A_0, %dma_wait3A_38] : memref<10112x128xf32, #tpu.memory_space<vmem_shared>> -> memref<632x128xf32, #tpu.memory_space<vmem_shared>>
      tpu.wait_dma2 semaphore(%run_scoped3A : memref<!tpu.dma_semaphore, #tpu.memory_space<semaphore_mem>>) src(%dma_wait3A_39 : memref<632x128xf32, #tpu.memory_space<vmem_shared>>) dst(%dma_wait3A_37 : memref<632x128xf32, #tpu.memory_space<hbm>>)
      tpu.yield
    }) : () -> ()
    return
  }
}

#map = affine_map<(d0, d1) -> (0, 0)>
#map1 = affine_map<(d0, d1) -> (0, 0, 0)>
module attributes {stable_mosaic.version = 14 : i64} {
  func.func @body(%arg0: i32, %arg1: i32, %arg2: memref<20224x128xf32, #tpu.memory_space<hbm>>, %arg3: memref<2x5056x64xi32, #tpu.memory_space<hbm>>, %arg4: memref<5056x64xi32, #tpu.memory_space<hbm>>, %arg5: memref<10112x128xf32, #tpu.memory_space<hbm>>, %arg6: memref<2x10112x128xf32, #tpu.memory_space<hbm>>, %arg7: memref<8x64xi32, #tpu.memory_space<vmem>>, %arg8: memref<8x64xi32, #tpu.memory_space<vmem>>, %arg9: memref<5x64x128xf32, #tpu.memory_space<vmem>>, %arg10: memref<10112x128xf32, #tpu.memory_space<vmem_shared>>, %arg11: memref<8x!tpu.dma_semaphore, #tpu.memory_space<semaphore_mem>>, %arg12: memref<8x!tpu.dma_semaphore, #tpu.memory_space<semaphore_mem>>, %arg13: memref<5x!tpu.dma_semaphore, #tpu.memory_space<semaphore_mem>>, %arg14: memref<5x!tpu.dma_semaphore, #tpu.memory_space<semaphore_mem>>) attributes {dimension_semantics = [#tpu.dimension_semantics<core_parallel>, #tpu.dimension_semantics<subcore_parallel>], iteration_bounds = array<i64: 2, 16>, scalar_prefetch = 0 : i64, scratch_operands = 8 : i64, tpu.core_type = #tpu.core_type<sc_vector_subcore>, window_params = [{transform_indices = #map}, {transform_indices = #map1}, {transform_indices = #map}, {transform_indices = #map}, {transform_indices = #map1}]} {
    %mul3A = arith.constant 632 : i32
    %mul3A_0 = arith.muli %arg1, %mul3A : i32
    "tpu.region"() ({
      %run_scoped3A = tpu.sem_alloc : memref<!tpu.dma_semaphore, #tpu.memory_space<semaphore_mem>>
      %dma_start3A = arith.constant 0 : i32
      %dma_start3A_9 = tpu.memref_slice %arg10[%mul3A_0, %dma_start3A] : memref<10112x128xf32, #tpu.memory_space<vmem_shared>> -> memref<632x128xf32, #tpu.memory_space<vmem_shared>>
      %dma_start3A_10 = arith.constant 0 : i32
      %dma_start3A_11 = tpu.memref_slice %arg5[%mul3A_0, %dma_start3A_10] : memref<10112x128xf32, #tpu.memory_space<hbm>> -> memref<632x128xf32, #tpu.memory_space<hbm>>
      tpu.enqueue_dma source(%dma_start3A_11 : memref<632x128xf32, #tpu.memory_space<hbm>>) target(%dma_start3A_9 : memref<632x128xf32, #tpu.memory_space<vmem_shared>>) target_semaphore(%run_scoped3A : memref<!tpu.dma_semaphore, #tpu.memory_space<semaphore_mem>>)
      %dma_wait3A = arith.constant 0 : i32
      %dma_wait3A_12 = tpu.memref_slice %arg10[%mul3A_0, %dma_wait3A] : memref<10112x128xf32, #tpu.memory_space<vmem_shared>> -> memref<632x128xf32, #tpu.memory_space<vmem_shared>>
      %dma_wait3A_13 = arith.constant 0 : i32
      %dma_wait3A_14 = tpu.memref_slice %arg5[%mul3A_0, %dma_wait3A_13] : memref<10112x128xf32, #tpu.memory_space<hbm>> -> memref<632x128xf32, #tpu.memory_space<hbm>>
      tpu.wait_dma2 semaphore(%run_scoped3A : memref<!tpu.dma_semaphore, #tpu.memory_space<semaphore_mem>>) src(%dma_wait3A_14 : memref<632x128xf32, #tpu.memory_space<hbm>>) dst(%dma_wait3A_12 : memref<632x128xf32, #tpu.memory_space<vmem_shared>>)
      tpu.yield
    }) : () -> ()
    %barrier3A = arith.constant 0 : index
    tpu.barrier barrier_id(%barrier3A)
    %eq3A = arith.constant 0 : i32
    %eq3A_1 = arith.cmpi eq, %arg0, %eq3A : i32
    %convert_element_type3A = arith.extui %eq3A_1 : i1 to i32
    %cond3A = arith.constant 0 : i32
    %cond3A_2 = arith.cmpi ne, %convert_element_type3A, %cond3A : i32
    scf.if %cond3A_2 {
      %rem3A = arith.constant 0 : i32
      %rem3A_9 = arith.constant 8 : i32
      %rem3A_10 = arith.remsi %rem3A, %rem3A_9 : i32
      %mul3A_11 = arith.constant 220 : i32
      %mul3A_12 = arith.muli %arg1, %mul3A_11 : i32
      %add3A = arith.constant 0 : i32
      %add3A_13 = arith.addi %mul3A_12, %add3A : i32
      %dma_start3A = arith.constant 0 : i32
      %dma_start3A_14 = tpu.memref_slice %arg7[%rem3A_10, %dma_start3A] : memref<8x64xi32, #tpu.memory_space<vmem>> -> memref<1x64xi32, #tpu.memory_space<vmem>>
      %dma_start3A_15 = tpu.memref_squeeze %dma_start3A_14 : memref<1x64xi32, #tpu.memory_space<vmem>> -> memref<64xi32, #tpu.memory_space<vmem>>
      %dma_start3A_16 = arith.constant 0 : i32
      %dma_start3A_17 = tpu.memref_slice %arg3[%arg0, %add3A_13, %dma_start3A_16] : memref<2x5056x64xi32, #tpu.memory_space<hbm>> -> memref<1x1x64xi32, #tpu.memory_space<hbm>>
      %dma_start3A_18 = tpu.memref_squeeze %dma_start3A_17 : memref<1x1x64xi32, #tpu.memory_space<hbm>> -> memref<64xi32, #tpu.memory_space<hbm>>
      %dma_start3A_19 = tpu.memref_slice %arg11[%rem3A_10] : memref<8x!tpu.dma_semaphore, #tpu.memory_space<semaphore_mem>> -> memref<1x!tpu.dma_semaphore, #tpu.memory_space<semaphore_mem>>
      %dma_start3A_20 = tpu.memref_squeeze %dma_start3A_19 : memref<1x!tpu.dma_semaphore, #tpu.memory_space<semaphore_mem>> -> memref<!tpu.dma_semaphore, #tpu.memory_space<semaphore_mem>>
      %dma_start3A_21 = arith.constant 0 : i32
      %dma_start3A_22 = tpu.memref_slice %arg7[%rem3A_10, %dma_start3A_21] : memref<8x64xi32, #tpu.memory_space<vmem>> -> memref<1x64xi32, #tpu.memory_space<vmem>>
      %dma_start3A_23 = tpu.memref_squeeze %dma_start3A_22 : memref<1x64xi32, #tpu.memory_space<vmem>> -> memref<64xi32, #tpu.memory_space<vmem>>
      %dma_start3A_24 = arith.constant 0 : i32
      %dma_start3A_25 = tpu.memref_slice %arg3[%arg0, %add3A_13, %dma_start3A_24] : memref<2x5056x64xi32, #tpu.memory_space<hbm>> -> memref<1x1x64xi32, #tpu.memory_space<hbm>>
      %dma_start3A_26 = tpu.memref_squeeze %dma_start3A_25 : memref<1x1x64xi32, #tpu.memory_space<hbm>> -> memref<64xi32, #tpu.memory_space<hbm>>
      tpu.enqueue_dma source(%dma_start3A_26 : memref<64xi32, #tpu.memory_space<hbm>>) target(%dma_start3A_23 : memref<64xi32, #tpu.memory_space<vmem>>) target_semaphore(%dma_start3A_20 : memref<!tpu.dma_semaphore, #tpu.memory_space<semaphore_mem>>)
      %rem3A_27 = arith.constant 0 : i32
      %rem3A_28 = arith.constant 8 : i32
      %rem3A_29 = arith.remsi %rem3A_27, %rem3A_28 : i32
      %mul3A_30 = arith.constant 220 : i32
      %mul3A_31 = arith.muli %arg1, %mul3A_30 : i32
      %add3A_32 = arith.constant 0 : i32
      %add3A_33 = arith.addi %mul3A_31, %add3A_32 : i32
      %dma_start3A_34 = arith.constant 0 : i32
      %dma_start3A_35 = tpu.memref_slice %arg8[%rem3A_29, %dma_start3A_34] : memref<8x64xi32, #tpu.memory_space<vmem>> -> memref<1x64xi32, #tpu.memory_space<vmem>>
      %dma_start3A_36 = tpu.memref_squeeze %dma_start3A_35 : memref<1x64xi32, #tpu.memory_space<vmem>> -> memref<64xi32, #tpu.memory_space<vmem>>
      %dma_start3A_37 = arith.constant 0 : i32
      %dma_start3A_38 = tpu.memref_slice %arg4[%add3A_33, %dma_start3A_37] : memref<5056x64xi32, #tpu.memory_space<hbm>> -> memref<1x64xi32, #tpu.memory_space<hbm>>
      %dma_start3A_39 = tpu.memref_squeeze %dma_start3A_38 : memref<1x64xi32, #tpu.memory_space<hbm>> -> memref<64xi32, #tpu.memory_space<hbm>>
      %dma_start3A_40 = tpu.memref_slice %arg12[%rem3A_29] : memref<8x!tpu.dma_semaphore, #tpu.memory_space<semaphore_mem>> -> memref<1x!tpu.dma_semaphore, #tpu.memory_space<semaphore_mem>>
      %dma_start3A_41 = tpu.memref_squeeze %dma_start3A_40 : memref<1x!tpu.dma_semaphore, #tpu.memory_space<semaphore_mem>> -> memref<!tpu.dma_semaphore, #tpu.memory_space<semaphore_mem>>
      %dma_start3A_42 = arith.constant 0 : i32
      %dma_start3A_43 = tpu.memref_slice %arg8[%rem3A_29, %dma_start3A_42] : memref<8x64xi32, #tpu.memory_space<vmem>> -> memref<1x64xi32, #tpu.memory_space<vmem>>
      %dma_start3A_44 = tpu.memref_squeeze %dma_start3A_43 : memref<1x64xi32, #tpu.memory_space<vmem>> -> memref<64xi32, #tpu.memory_space<vmem>>
      %dma_start3A_45 = arith.constant 0 : i32
      %dma_start3A_46 = tpu.memref_slice %arg4[%add3A_33, %dma_start3A_45] : memref<5056x64xi32, #tpu.memory_space<hbm>> -> memref<1x64xi32, #tpu.memory_space<hbm>>
      %dma_start3A_47 = tpu.memref_squeeze %dma_start3A_46 : memref<1x64xi32, #tpu.memory_space<hbm>> -> memref<64xi32, #tpu.memory_space<hbm>>
      tpu.enqueue_dma source(%dma_start3A_47 : memref<64xi32, #tpu.memory_space<hbm>>) target(%dma_start3A_44 : memref<64xi32, #tpu.memory_space<vmem>>) target_semaphore(%dma_start3A_41 : memref<!tpu.dma_semaphore, #tpu.memory_space<semaphore_mem>>)
      %rem3A_48 = arith.constant 1 : i32
      %rem3A_49 = arith.constant 8 : i32
      %rem3A_50 = arith.remsi %rem3A_48, %rem3A_49 : i32
      %mul3A_51 = arith.constant 220 : i32
      %mul3A_52 = arith.muli %arg1, %mul3A_51 : i32
      %add3A_53 = arith.constant 1 : i32
      %add3A_54 = arith.addi %mul3A_52, %add3A_53 : i32
      %dma_start3A_55 = arith.constant 0 : i32
      %dma_start3A_56 = tpu.memref_slice %arg7[%rem3A_50, %dma_start3A_55] : memref<8x64xi32, #tpu.memory_space<vmem>> -> memref<1x64xi32, #tpu.memory_space<vmem>>
      %dma_start3A_57 = tpu.memref_squeeze %dma_start3A_56 : memref<1x64xi32, #tpu.memory_space<vmem>> -> memref<64xi32, #tpu.memory_space<vmem>>
      %dma_start3A_58 = arith.constant 0 : i32
      %dma_start3A_59 = tpu.memref_slice %arg3[%arg0, %add3A_54, %dma_start3A_58] : memref<2x5056x64xi32, #tpu.memory_space<hbm>> -> memref<1x1x64xi32, #tpu.memory_space<hbm>>
      %dma_start3A_60 = tpu.memref_squeeze %dma_start3A_59 : memref<1x1x64xi32, #tpu.memory_space<hbm>> -> memref<64xi32, #tpu.memory_space<hbm>>
      %dma_start3A_61 = tpu.memref_slice %arg11[%rem3A_50] : memref<8x!tpu.dma_semaphore, #tpu.memory_space<semaphore_mem>> -> memref<1x!tpu.dma_semaphore, #tpu.memory_space<semaphore_mem>>
      %dma_start3A_62 = tpu.memref_squeeze %dma_start3A_61 : memref<1x!tpu.dma_semaphore, #tpu.memory_space<semaphore_mem>> -> memref<!tpu.dma_semaphore, #tpu.memory_space<semaphore_mem>>
      %dma_start3A_63 = arith.constant 0 : i32
      %dma_start3A_64 = tpu.memref_slice %arg7[%rem3A_50, %dma_start3A_63] : memref<8x64xi32, #tpu.memory_space<vmem>> -> memref<1x64xi32, #tpu.memory_space<vmem>>
      %dma_start3A_65 = tpu.memref_squeeze %dma_start3A_64 : memref<1x64xi32, #tpu.memory_space<vmem>> -> memref<64xi32, #tpu.memory_space<vmem>>
      %dma_start3A_66 = arith.constant 0 : i32
      %dma_start3A_67 = tpu.memref_slice %arg3[%arg0, %add3A_54, %dma_start3A_66] : memref<2x5056x64xi32, #tpu.memory_space<hbm>> -> memref<1x1x64xi32, #tpu.memory_space<hbm>>
      %dma_start3A_68 = tpu.memref_squeeze %dma_start3A_67 : memref<1x1x64xi32, #tpu.memory_space<hbm>> -> memref<64xi32, #tpu.memory_space<hbm>>
      tpu.enqueue_dma source(%dma_start3A_68 : memref<64xi32, #tpu.memory_space<hbm>>) target(%dma_start3A_65 : memref<64xi32, #tpu.memory_space<vmem>>) target_semaphore(%dma_start3A_62 : memref<!tpu.dma_semaphore, #tpu.memory_space<semaphore_mem>>)
      %rem3A_69 = arith.constant 1 : i32
      %rem3A_70 = arith.constant 8 : i32
      %rem3A_71 = arith.remsi %rem3A_69, %rem3A_70 : i32
      %mul3A_72 = arith.constant 220 : i32
      %mul3A_73 = arith.muli %arg1, %mul3A_72 : i32
      %add3A_74 = arith.constant 1 : i32
      %add3A_75 = arith.addi %mul3A_73, %add3A_74 : i32
      %dma_start3A_76 = arith.constant 0 : i32
      %dma_start3A_77 = tpu.memref_slice %arg8[%rem3A_71, %dma_start3A_76] : memref<8x64xi32, #tpu.memory_space<vmem>> -> memref<1x64xi32, #tpu.memory_space<vmem>>
      %dma_start3A_78 = tpu.memref_squeeze %dma_start3A_77 : memref<1x64xi32, #tpu.memory_space<vmem>> -> memref<64xi32, #tpu.memory_space<vmem>>
      %dma_start3A_79 = arith.constant 0 : i32
      %dma_start3A_80 = tpu.memref_slice %arg4[%add3A_75, %dma_start3A_79] : memref<5056x64xi32, #tpu.memory_space<hbm>> -> memref<1x64xi32, #tpu.memory_space<hbm>>
      %dma_start3A_81 = tpu.memref_squeeze %dma_start3A_80 : memref<1x64xi32, #tpu.memory_space<hbm>> -> memref<64xi32, #tpu.memory_space<hbm>>
      %dma_start3A_82 = tpu.memref_slice %arg12[%rem3A_71] : memref<8x!tpu.dma_semaphore, #tpu.memory_space<semaphore_mem>> -> memref<1x!tpu.dma_semaphore, #tpu.memory_space<semaphore_mem>>
      %dma_start3A_83 = tpu.memref_squeeze %dma_start3A_82 : memref<1x!tpu.dma_semaphore, #tpu.memory_space<semaphore_mem>> -> memref<!tpu.dma_semaphore, #tpu.memory_space<semaphore_mem>>
      %dma_start3A_84 = arith.constant 0 : i32
      %dma_start3A_85 = tpu.memref_slice %arg8[%rem3A_71, %dma_start3A_84] : memref<8x64xi32, #tpu.memory_space<vmem>> -> memref<1x64xi32, #tpu.memory_space<vmem>>
      %dma_start3A_86 = tpu.memref_squeeze %dma_start3A_85 : memref<1x64xi32, #tpu.memory_space<vmem>> -> memref<64xi32, #tpu.memory_space<vmem>>
      %dma_start3A_87 = arith.constant 0 : i32
      %dma_start3A_88 = tpu.memref_slice %arg4[%add3A_75, %dma_start3A_87] : memref<5056x64xi32, #tpu.memory_space<hbm>> -> memref<1x64xi32, #tpu.memory_space<hbm>>
      %dma_start3A_89 = tpu.memref_squeeze %dma_start3A_88 : memref<1x64xi32, #tpu.memory_space<hbm>> -> memref<64xi32, #tpu.memory_space<hbm>>
      tpu.enqueue_dma source(%dma_start3A_89 : memref<64xi32, #tpu.memory_space<hbm>>) target(%dma_start3A_86 : memref<64xi32, #tpu.memory_space<vmem>>) target_semaphore(%dma_start3A_83 : memref<!tpu.dma_semaphore, #tpu.memory_space<semaphore_mem>>)
      %rem3A_90 = arith.constant 2 : i32
      %rem3A_91 = arith.constant 8 : i32
      %rem3A_92 = arith.remsi %rem3A_90, %rem3A_91 : i32
      %mul3A_93 = arith.constant 220 : i32
      %mul3A_94 = arith.muli %arg1, %mul3A_93 : i32
      %add3A_95 = arith.constant 2 : i32
      %add3A_96 = arith.addi %mul3A_94, %add3A_95 : i32
      %dma_start3A_97 = arith.constant 0 : i32
      %dma_start3A_98 = tpu.memref_slice %arg7[%rem3A_92, %dma_start3A_97] : memref<8x64xi32, #tpu.memory_space<vmem>> -> memref<1x64xi32, #tpu.memory_space<vmem>>
      %dma_start3A_99 = tpu.memref_squeeze %dma_start3A_98 : memref<1x64xi32, #tpu.memory_space<vmem>> -> memref<64xi32, #tpu.memory_space<vmem>>
      %dma_start3A_100 = arith.constant 0 : i32
      %dma_start3A_101 = tpu.memref_slice %arg3[%arg0, %add3A_96, %dma_start3A_100] : memref<2x5056x64xi32, #tpu.memory_space<hbm>> -> memref<1x1x64xi32, #tpu.memory_space<hbm>>
      %dma_start3A_102 = tpu.memref_squeeze %dma_start3A_101 : memref<1x1x64xi32, #tpu.memory_space<hbm>> -> memref<64xi32, #tpu.memory_space<hbm>>
      %dma_start3A_103 = tpu.memref_slice %arg11[%rem3A_92] : memref<8x!tpu.dma_semaphore, #tpu.memory_space<semaphore_mem>> -> memref<1x!tpu.dma_semaphore, #tpu.memory_space<semaphore_mem>>
      %dma_start3A_104 = tpu.memref_squeeze %dma_start3A_103 : memref<1x!tpu.dma_semaphore, #tpu.memory_space<semaphore_mem>> -> memref<!tpu.dma_semaphore, #tpu.memory_space<semaphore_mem>>
      %dma_start3A_105 = arith.constant 0 : i32
      %dma_start3A_106 = tpu.memref_slice %arg7[%rem3A_92, %dma_start3A_105] : memref<8x64xi32, #tpu.memory_space<vmem>> -> memref<1x64xi32, #tpu.memory_space<vmem>>
      %dma_start3A_107 = tpu.memref_squeeze %dma_start3A_106 : memref<1x64xi32, #tpu.memory_space<vmem>> -> memref<64xi32, #tpu.memory_space<vmem>>
      %dma_start3A_108 = arith.constant 0 : i32
      %dma_start3A_109 = tpu.memref_slice %arg3[%arg0, %add3A_96, %dma_start3A_108] : memref<2x5056x64xi32, #tpu.memory_space<hbm>> -> memref<1x1x64xi32, #tpu.memory_space<hbm>>
      %dma_start3A_110 = tpu.memref_squeeze %dma_start3A_109 : memref<1x1x64xi32, #tpu.memory_space<hbm>> -> memref<64xi32, #tpu.memory_space<hbm>>
      tpu.enqueue_dma source(%dma_start3A_110 : memref<64xi32, #tpu.memory_space<hbm>>) target(%dma_start3A_107 : memref<64xi32, #tpu.memory_space<vmem>>) target_semaphore(%dma_start3A_104 : memref<!tpu.dma_semaphore, #tpu.memory_space<semaphore_mem>>)
      %rem3A_111 = arith.constant 2 : i32
      %rem3A_112 = arith.constant 8 : i32
      %rem3A_113 = arith.remsi %rem3A_111, %rem3A_112 : i32
      %mul3A_114 = arith.constant 220 : i32
      %mul3A_115 = arith.muli %arg1, %mul3A_114 : i32
      %add3A_116 = arith.constant 2 : i32
      %add3A_117 = arith.addi %mul3A_115, %add3A_116 : i32
      %dma_start3A_118 = arith.constant 0 : i32
      %dma_start3A_119 = tpu.memref_slice %arg8[%rem3A_113, %dma_start3A_118] : memref<8x64xi32, #tpu.memory_space<vmem>> -> memref<1x64xi32, #tpu.memory_space<vmem>>
      %dma_start3A_120 = tpu.memref_squeeze %dma_start3A_119 : memref<1x64xi32, #tpu.memory_space<vmem>> -> memref<64xi32, #tpu.memory_space<vmem>>
      %dma_start3A_121 = arith.constant 0 : i32
      %dma_start3A_122 = tpu.memref_slice %arg4[%add3A_117, %dma_start3A_121] : memref<5056x64xi32, #tpu.memory_space<hbm>> -> memref<1x64xi32, #tpu.memory_space<hbm>>
      %dma_start3A_123 = tpu.memref_squeeze %dma_start3A_122 : memref<1x64xi32, #tpu.memory_space<hbm>> -> memref<64xi32, #tpu.memory_space<hbm>>
      %dma_start3A_124 = tpu.memref_slice %arg12[%rem3A_113] : memref<8x!tpu.dma_semaphore, #tpu.memory_space<semaphore_mem>> -> memref<1x!tpu.dma_semaphore, #tpu.memory_space<semaphore_mem>>
      %dma_start3A_125 = tpu.memref_squeeze %dma_start3A_124 : memref<1x!tpu.dma_semaphore, #tpu.memory_space<semaphore_mem>> -> memref<!tpu.dma_semaphore, #tpu.memory_space<semaphore_mem>>
      %dma_start3A_126 = arith.constant 0 : i32
      %dma_start3A_127 = tpu.memref_slice %arg8[%rem3A_113, %dma_start3A_126] : memref<8x64xi32, #tpu.memory_space<vmem>> -> memref<1x64xi32, #tpu.memory_space<vmem>>
      %dma_start3A_128 = tpu.memref_squeeze %dma_start3A_127 : memref<1x64xi32, #tpu.memory_space<vmem>> -> memref<64xi32, #tpu.memory_space<vmem>>
      %dma_start3A_129 = arith.constant 0 : i32
      %dma_start3A_130 = tpu.memref_slice %arg4[%add3A_117, %dma_start3A_129] : memref<5056x64xi32, #tpu.memory_space<hbm>> -> memref<1x64xi32, #tpu.memory_space<hbm>>
      %dma_start3A_131 = tpu.memref_squeeze %dma_start3A_130 : memref<1x64xi32, #tpu.memory_space<hbm>> -> memref<64xi32, #tpu.memory_space<hbm>>
      tpu.enqueue_dma source(%dma_start3A_131 : memref<64xi32, #tpu.memory_space<hbm>>) target(%dma_start3A_128 : memref<64xi32, #tpu.memory_space<vmem>>) target_semaphore(%dma_start3A_125 : memref<!tpu.dma_semaphore, #tpu.memory_space<semaphore_mem>>)
      %rem3A_132 = arith.constant 3 : i32
      %rem3A_133 = arith.constant 8 : i32
      %rem3A_134 = arith.remsi %rem3A_132, %rem3A_133 : i32
      %mul3A_135 = arith.constant 220 : i32
      %mul3A_136 = arith.muli %arg1, %mul3A_135 : i32
      %add3A_137 = arith.constant 3 : i32
      %add3A_138 = arith.addi %mul3A_136, %add3A_137 : i32
      %dma_start3A_139 = arith.constant 0 : i32
      %dma_start3A_140 = tpu.memref_slice %arg7[%rem3A_134, %dma_start3A_139] : memref<8x64xi32, #tpu.memory_space<vmem>> -> memref<1x64xi32, #tpu.memory_space<vmem>>
      %dma_start3A_141 = tpu.memref_squeeze %dma_start3A_140 : memref<1x64xi32, #tpu.memory_space<vmem>> -> memref<64xi32, #tpu.memory_space<vmem>>
      %dma_start3A_142 = arith.constant 0 : i32
      %dma_start3A_143 = tpu.memref_slice %arg3[%arg0, %add3A_138, %dma_start3A_142] : memref<2x5056x64xi32, #tpu.memory_space<hbm>> -> memref<1x1x64xi32, #tpu.memory_space<hbm>>
      %dma_start3A_144 = tpu.memref_squeeze %dma_start3A_143 : memref<1x1x64xi32, #tpu.memory_space<hbm>> -> memref<64xi32, #tpu.memory_space<hbm>>
      %dma_start3A_145 = tpu.memref_slice %arg11[%rem3A_134] : memref<8x!tpu.dma_semaphore, #tpu.memory_space<semaphore_mem>> -> memref<1x!tpu.dma_semaphore, #tpu.memory_space<semaphore_mem>>
      %dma_start3A_146 = tpu.memref_squeeze %dma_start3A_145 : memref<1x!tpu.dma_semaphore, #tpu.memory_space<semaphore_mem>> -> memref<!tpu.dma_semaphore, #tpu.memory_space<semaphore_mem>>
      %dma_start3A_147 = arith.constant 0 : i32
      %dma_start3A_148 = tpu.memref_slice %arg7[%rem3A_134, %dma_start3A_147] : memref<8x64xi32, #tpu.memory_space<vmem>> -> memref<1x64xi32, #tpu.memory_space<vmem>>
      %dma_start3A_149 = tpu.memref_squeeze %dma_start3A_148 : memref<1x64xi32, #tpu.memory_space<vmem>> -> memref<64xi32, #tpu.memory_space<vmem>>
      %dma_start3A_150 = arith.constant 0 : i32
      %dma_start3A_151 = tpu.memref_slice %arg3[%arg0, %add3A_138, %dma_start3A_150] : memref<2x5056x64xi32, #tpu.memory_space<hbm>> -> memref<1x1x64xi32, #tpu.memory_space<hbm>>
      %dma_start3A_152 = tpu.memref_squeeze %dma_start3A_151 : memref<1x1x64xi32, #tpu.memory_space<hbm>> -> memref<64xi32, #tpu.memory_space<hbm>>
      tpu.enqueue_dma source(%dma_start3A_152 : memref<64xi32, #tpu.memory_space<hbm>>) target(%dma_start3A_149 : memref<64xi32, #tpu.memory_space<vmem>>) target_semaphore(%dma_start3A_146 : memref<!tpu.dma_semaphore, #tpu.memory_space<semaphore_mem>>)
      %rem3A_153 = arith.constant 3 : i32
      %rem3A_154 = arith.constant 8 : i32
      %rem3A_155 = arith.remsi %rem3A_153, %rem3A_154 : i32
      %mul3A_156 = arith.constant 220 : i32
      %mul3A_157 = arith.muli %arg1, %mul3A_156 : i32
      %add3A_158 = arith.constant 3 : i32
      %add3A_159 = arith.addi %mul3A_157, %add3A_158 : i32
      %dma_start3A_160 = arith.constant 0 : i32
      %dma_start3A_161 = tpu.memref_slice %arg8[%rem3A_155, %dma_start3A_160] : memref<8x64xi32, #tpu.memory_space<vmem>> -> memref<1x64xi32, #tpu.memory_space<vmem>>
      %dma_start3A_162 = tpu.memref_squeeze %dma_start3A_161 : memref<1x64xi32, #tpu.memory_space<vmem>> -> memref<64xi32, #tpu.memory_space<vmem>>
      %dma_start3A_163 = arith.constant 0 : i32
      %dma_start3A_164 = tpu.memref_slice %arg4[%add3A_159, %dma_start3A_163] : memref<5056x64xi32, #tpu.memory_space<hbm>> -> memref<1x64xi32, #tpu.memory_space<hbm>>
      %dma_start3A_165 = tpu.memref_squeeze %dma_start3A_164 : memref<1x64xi32, #tpu.memory_space<hbm>> -> memref<64xi32, #tpu.memory_space<hbm>>
      %dma_start3A_166 = tpu.memref_slice %arg12[%rem3A_155] : memref<8x!tpu.dma_semaphore, #tpu.memory_space<semaphore_mem>> -> memref<1x!tpu.dma_semaphore, #tpu.memory_space<semaphore_mem>>
      %dma_start3A_167 = tpu.memref_squeeze %dma_start3A_166 : memref<1x!tpu.dma_semaphore, #tpu.memory_space<semaphore_mem>> -> memref<!tpu.dma_semaphore, #tpu.memory_space<semaphore_mem>>
      %dma_start3A_168 = arith.constant 0 : i32
      %dma_start3A_169 = tpu.memref_slice %arg8[%rem3A_155, %dma_start3A_168] : memref<8x64xi32, #tpu.memory_space<vmem>> -> memref<1x64xi32, #tpu.memory_space<vmem>>
      %dma_start3A_170 = tpu.memref_squeeze %dma_start3A_169 : memref<1x64xi32, #tpu.memory_space<vmem>> -> memref<64xi32, #tpu.memory_space<vmem>>
      %dma_start3A_171 = arith.constant 0 : i32
      %dma_start3A_172 = tpu.memref_slice %arg4[%add3A_159, %dma_start3A_171] : memref<5056x64xi32, #tpu.memory_space<hbm>> -> memref<1x64xi32, #tpu.memory_space<hbm>>
      %dma_start3A_173 = tpu.memref_squeeze %dma_start3A_172 : memref<1x64xi32, #tpu.memory_space<hbm>> -> memref<64xi32, #tpu.memory_space<hbm>>
      tpu.enqueue_dma source(%dma_start3A_173 : memref<64xi32, #tpu.memory_space<hbm>>) target(%dma_start3A_170 : memref<64xi32, #tpu.memory_space<vmem>>) target_semaphore(%dma_start3A_167 : memref<!tpu.dma_semaphore, #tpu.memory_space<semaphore_mem>>)
      %rem3A_174 = arith.constant 0 : i32
      %rem3A_175 = arith.constant 8 : i32
      %rem3A_176 = arith.remsi %rem3A_174, %rem3A_175 : i32
      %mul3A_177 = arith.constant 220 : i32
      %mul3A_178 = arith.muli %arg1, %mul3A_177 : i32
      %add3A_179 = arith.constant 0 : i32
      %add3A_180 = arith.addi %mul3A_178, %add3A_179 : i32
      %dma_wait3A = arith.constant 0 : i32
      %dma_wait3A_181 = tpu.memref_slice %arg7[%rem3A_176, %dma_wait3A] : memref<8x64xi32, #tpu.memory_space<vmem>> -> memref<1x64xi32, #tpu.memory_space<vmem>>
      %dma_wait3A_182 = tpu.memref_squeeze %dma_wait3A_181 : memref<1x64xi32, #tpu.memory_space<vmem>> -> memref<64xi32, #tpu.memory_space<vmem>>
      %dma_wait3A_183 = arith.constant 0 : i32
      %dma_wait3A_184 = tpu.memref_slice %arg3[%arg0, %add3A_180, %dma_wait3A_183] : memref<2x5056x64xi32, #tpu.memory_space<hbm>> -> memref<1x1x64xi32, #tpu.memory_space<hbm>>
      %dma_wait3A_185 = tpu.memref_squeeze %dma_wait3A_184 : memref<1x1x64xi32, #tpu.memory_space<hbm>> -> memref<64xi32, #tpu.memory_space<hbm>>
      %dma_wait3A_186 = tpu.memref_slice %arg11[%rem3A_176] : memref<8x!tpu.dma_semaphore, #tpu.memory_space<semaphore_mem>> -> memref<1x!tpu.dma_semaphore, #tpu.memory_space<semaphore_mem>>
      %dma_wait3A_187 = tpu.memref_squeeze %dma_wait3A_186 : memref<1x!tpu.dma_semaphore, #tpu.memory_space<semaphore_mem>> -> memref<!tpu.dma_semaphore, #tpu.memory_space<semaphore_mem>>
      %dma_wait3A_188 = arith.constant 0 : i32
      %dma_wait3A_189 = tpu.memref_slice %arg7[%rem3A_176, %dma_wait3A_188] : memref<8x64xi32, #tpu.memory_space<vmem>> -> memref<1x64xi32, #tpu.memory_space<vmem>>
      %dma_wait3A_190 = tpu.memref_squeeze %dma_wait3A_189 : memref<1x64xi32, #tpu.memory_space<vmem>> -> memref<64xi32, #tpu.memory_space<vmem>>
      %dma_wait3A_191 = arith.constant 0 : i32
      %dma_wait3A_192 = tpu.memref_slice %arg3[%arg0, %add3A_180, %dma_wait3A_191] : memref<2x5056x64xi32, #tpu.memory_space<hbm>> -> memref<1x1x64xi32, #tpu.memory_space<hbm>>
      %dma_wait3A_193 = tpu.memref_squeeze %dma_wait3A_192 : memref<1x1x64xi32, #tpu.memory_space<hbm>> -> memref<64xi32, #tpu.memory_space<hbm>>
      tpu.wait_dma2 semaphore(%dma_wait3A_187 : memref<!tpu.dma_semaphore, #tpu.memory_space<semaphore_mem>>) src(%dma_wait3A_193 : memref<64xi32, #tpu.memory_space<hbm>>) dst(%dma_wait3A_190 : memref<64xi32, #tpu.memory_space<vmem>>)
      %rem3A_194 = arith.constant 0 : i32
      %rem3A_195 = arith.constant 8 : i32
      %rem3A_196 = arith.remsi %rem3A_194, %rem3A_195 : i32
      %mul3A_197 = arith.constant 220 : i32
      %mul3A_198 = arith.muli %arg1, %mul3A_197 : i32
      %add3A_199 = arith.constant 0 : i32
      %add3A_200 = arith.addi %mul3A_198, %add3A_199 : i32
      %dma_wait3A_201 = arith.constant 0 : i32
      %dma_wait3A_202 = tpu.memref_slice %arg8[%rem3A_196, %dma_wait3A_201] : memref<8x64xi32, #tpu.memory_space<vmem>> -> memref<1x64xi32, #tpu.memory_space<vmem>>
      %dma_wait3A_203 = tpu.memref_squeeze %dma_wait3A_202 : memref<1x64xi32, #tpu.memory_space<vmem>> -> memref<64xi32, #tpu.memory_space<vmem>>
      %dma_wait3A_204 = arith.constant 0 : i32
      %dma_wait3A_205 = tpu.memref_slice %arg4[%add3A_200, %dma_wait3A_204] : memref<5056x64xi32, #tpu.memory_space<hbm>> -> memref<1x64xi32, #tpu.memory_space<hbm>>
      %dma_wait3A_206 = tpu.memref_squeeze %dma_wait3A_205 : memref<1x64xi32, #tpu.memory_space<hbm>> -> memref<64xi32, #tpu.memory_space<hbm>>
      %dma_wait3A_207 = tpu.memref_slice %arg12[%rem3A_196] : memref<8x!tpu.dma_semaphore, #tpu.memory_space<semaphore_mem>> -> memref<1x!tpu.dma_semaphore, #tpu.memory_space<semaphore_mem>>
      %dma_wait3A_208 = tpu.memref_squeeze %dma_wait3A_207 : memref<1x!tpu.dma_semaphore, #tpu.memory_space<semaphore_mem>> -> memref<!tpu.dma_semaphore, #tpu.memory_space<semaphore_mem>>
      %dma_wait3A_209 = arith.constant 0 : i32
      %dma_wait3A_210 = tpu.memref_slice %arg8[%rem3A_196, %dma_wait3A_209] : memref<8x64xi32, #tpu.memory_space<vmem>> -> memref<1x64xi32, #tpu.memory_space<vmem>>
      %dma_wait3A_211 = tpu.memref_squeeze %dma_wait3A_210 : memref<1x64xi32, #tpu.memory_space<vmem>> -> memref<64xi32, #tpu.memory_space<vmem>>
      %dma_wait3A_212 = arith.constant 0 : i32
      %dma_wait3A_213 = tpu.memref_slice %arg4[%add3A_200, %dma_wait3A_212] : memref<5056x64xi32, #tpu.memory_space<hbm>> -> memref<1x64xi32, #tpu.memory_space<hbm>>
      %dma_wait3A_214 = tpu.memref_squeeze %dma_wait3A_213 : memref<1x64xi32, #tpu.memory_space<hbm>> -> memref<64xi32, #tpu.memory_space<hbm>>
      tpu.wait_dma2 semaphore(%dma_wait3A_208 : memref<!tpu.dma_semaphore, #tpu.memory_space<semaphore_mem>>) src(%dma_wait3A_214 : memref<64xi32, #tpu.memory_space<hbm>>) dst(%dma_wait3A_211 : memref<64xi32, #tpu.memory_space<vmem>>)
      %rem3A_215 = arith.constant 0 : i32
      %rem3A_216 = arith.constant 5 : i32
      %rem3A_217 = arith.remsi %rem3A_215, %rem3A_216 : i32
      %rem3A_218 = arith.constant 0 : i32
      %rem3A_219 = arith.constant 8 : i32
      %rem3A_220 = arith.remsi %rem3A_218, %rem3A_219 : i32
      %dma_start3A_221 = arith.constant 0 : i32
      %dma_start3A_222 = arith.constant 0 : i32
      %dma_start3A_223 = tpu.memref_slice %arg9[%rem3A_217, %dma_start3A_221, %dma_start3A_222] : memref<5x64x128xf32, #tpu.memory_space<vmem>> -> memref<1x64x128xf32, #tpu.memory_space<vmem>>
      %dma_start3A_224 = tpu.memref_squeeze %dma_start3A_223 : memref<1x64x128xf32, #tpu.memory_space<vmem>> -> memref<64x128xf32, #tpu.memory_space<vmem>>
      %dma_start3A_225 = arith.constant 0 : i32
      %dma_start3A_226 = tpu.memref_slice %arg7[%rem3A_220, %dma_start3A_225] : memref<8x64xi32, #tpu.memory_space<vmem>> -> memref<1x64xi32, #tpu.memory_space<vmem>>
      %dma_start3A_227 = tpu.memref_squeeze %dma_start3A_226 : memref<1x64xi32, #tpu.memory_space<vmem>> -> memref<64xi32, #tpu.memory_space<vmem>>
      %dma_start3A_228 = arith.constant 0 : i32
      %dma_start3A_229 = arith.constant 0 : i32
      %dma_start3A_230 = tpu.memref_slice %arg2[%dma_start3A_228, %dma_start3A_229] : memref<20224x128xf32, #tpu.memory_space<hbm>> -> memref<20224x128xf32, #tpu.memory_space<hbm>>
      %dma_start3A_231 = tpu.memref_slice %arg13[%rem3A_217] : memref<5x!tpu.dma_semaphore, #tpu.memory_space<semaphore_mem>> -> memref<1x!tpu.dma_semaphore, #tpu.memory_space<semaphore_mem>>
      %dma_start3A_232 = tpu.memref_squeeze %dma_start3A_231 : memref<1x!tpu.dma_semaphore, #tpu.memory_space<semaphore_mem>> -> memref<!tpu.dma_semaphore, #tpu.memory_space<semaphore_mem>>
      tpu.enqueue_indirect_dma source(%dma_start3A_230 : memref<20224x128xf32, #tpu.memory_space<hbm>>) target(%dma_start3A_224 : memref<64x128xf32, #tpu.memory_space<vmem>>) offsets(%dma_start3A_227 : memref<64xi32, #tpu.memory_space<vmem>>) semaphore(%dma_start3A_232 : memref<!tpu.dma_semaphore, #tpu.memory_space<semaphore_mem>>)
      %rem3A_233 = arith.constant 1 : i32
      %rem3A_234 = arith.constant 8 : i32
      %rem3A_235 = arith.remsi %rem3A_233, %rem3A_234 : i32
      %mul3A_236 = arith.constant 220 : i32
      %mul3A_237 = arith.muli %arg1, %mul3A_236 : i32
      %add3A_238 = arith.constant 1 : i32
      %add3A_239 = arith.addi %mul3A_237, %add3A_238 : i32
      %dma_wait3A_240 = arith.constant 0 : i32
      %dma_wait3A_241 = tpu.memref_slice %arg7[%rem3A_235, %dma_wait3A_240] : memref<8x64xi32, #tpu.memory_space<vmem>> -> memref<1x64xi32, #tpu.memory_space<vmem>>
      %dma_wait3A_242 = tpu.memref_squeeze %dma_wait3A_241 : memref<1x64xi32, #tpu.memory_space<vmem>> -> memref<64xi32, #tpu.memory_space<vmem>>
      %dma_wait3A_243 = arith.constant 0 : i32
      %dma_wait3A_244 = tpu.memref_slice %arg3[%arg0, %add3A_239, %dma_wait3A_243] : memref<2x5056x64xi32, #tpu.memory_space<hbm>> -> memref<1x1x64xi32, #tpu.memory_space<hbm>>
      %dma_wait3A_245 = tpu.memref_squeeze %dma_wait3A_244 : memref<1x1x64xi32, #tpu.memory_space<hbm>> -> memref<64xi32, #tpu.memory_space<hbm>>
      %dma_wait3A_246 = tpu.memref_slice %arg11[%rem3A_235] : memref<8x!tpu.dma_semaphore, #tpu.memory_space<semaphore_mem>> -> memref<1x!tpu.dma_semaphore, #tpu.memory_space<semaphore_mem>>
      %dma_wait3A_247 = tpu.memref_squeeze %dma_wait3A_246 : memref<1x!tpu.dma_semaphore, #tpu.memory_space<semaphore_mem>> -> memref<!tpu.dma_semaphore, #tpu.memory_space<semaphore_mem>>
      %dma_wait3A_248 = arith.constant 0 : i32
      %dma_wait3A_249 = tpu.memref_slice %arg7[%rem3A_235, %dma_wait3A_248] : memref<8x64xi32, #tpu.memory_space<vmem>> -> memref<1x64xi32, #tpu.memory_space<vmem>>
      %dma_wait3A_250 = tpu.memref_squeeze %dma_wait3A_249 : memref<1x64xi32, #tpu.memory_space<vmem>> -> memref<64xi32, #tpu.memory_space<vmem>>
      %dma_wait3A_251 = arith.constant 0 : i32
      %dma_wait3A_252 = tpu.memref_slice %arg3[%arg0, %add3A_239, %dma_wait3A_251] : memref<2x5056x64xi32, #tpu.memory_space<hbm>> -> memref<1x1x64xi32, #tpu.memory_space<hbm>>
      %dma_wait3A_253 = tpu.memref_squeeze %dma_wait3A_252 : memref<1x1x64xi32, #tpu.memory_space<hbm>> -> memref<64xi32, #tpu.memory_space<hbm>>
      tpu.wait_dma2 semaphore(%dma_wait3A_247 : memref<!tpu.dma_semaphore, #tpu.memory_space<semaphore_mem>>) src(%dma_wait3A_253 : memref<64xi32, #tpu.memory_space<hbm>>) dst(%dma_wait3A_250 : memref<64xi32, #tpu.memory_space<vmem>>)
      %rem3A_254 = arith.constant 1 : i32
      %rem3A_255 = arith.constant 8 : i32
      %rem3A_256 = arith.remsi %rem3A_254, %rem3A_255 : i32
      %mul3A_257 = arith.constant 220 : i32
      %mul3A_258 = arith.muli %arg1, %mul3A_257 : i32
      %add3A_259 = arith.constant 1 : i32
      %add3A_260 = arith.addi %mul3A_258, %add3A_259 : i32
      %dma_wait3A_261 = arith.constant 0 : i32
      %dma_wait3A_262 = tpu.memref_slice %arg8[%rem3A_256, %dma_wait3A_261] : memref<8x64xi32, #tpu.memory_space<vmem>> -> memref<1x64xi32, #tpu.memory_space<vmem>>
      %dma_wait3A_263 = tpu.memref_squeeze %dma_wait3A_262 : memref<1x64xi32, #tpu.memory_space<vmem>> -> memref<64xi32, #tpu.memory_space<vmem>>
      %dma_wait3A_264 = arith.constant 0 : i32
      %dma_wait3A_265 = tpu.memref_slice %arg4[%add3A_260, %dma_wait3A_264] : memref<5056x64xi32, #tpu.memory_space<hbm>> -> memref<1x64xi32, #tpu.memory_space<hbm>>
      %dma_wait3A_266 = tpu.memref_squeeze %dma_wait3A_265 : memref<1x64xi32, #tpu.memory_space<hbm>> -> memref<64xi32, #tpu.memory_space<hbm>>
      %dma_wait3A_267 = tpu.memref_slice %arg12[%rem3A_256] : memref<8x!tpu.dma_semaphore, #tpu.memory_space<semaphore_mem>> -> memref<1x!tpu.dma_semaphore, #tpu.memory_space<semaphore_mem>>
      %dma_wait3A_268 = tpu.memref_squeeze %dma_wait3A_267 : memref<1x!tpu.dma_semaphore, #tpu.memory_space<semaphore_mem>> -> memref<!tpu.dma_semaphore, #tpu.memory_space<semaphore_mem>>
      %dma_wait3A_269 = arith.constant 0 : i32
      %dma_wait3A_270 = tpu.memref_slice %arg8[%rem3A_256, %dma_wait3A_269] : memref<8x64xi32, #tpu.memory_space<vmem>> -> memref<1x64xi32, #tpu.memory_space<vmem>>
      %dma_wait3A_271 = tpu.memref_squeeze %dma_wait3A_270 : memref<1x64xi32, #tpu.memory_space<vmem>> -> memref<64xi32, #tpu.memory_space<vmem>>
      %dma_wait3A_272 = arith.constant 0 : i32
      %dma_wait3A_273 = tpu.memref_slice %arg4[%add3A_260, %dma_wait3A_272] : memref<5056x64xi32, #tpu.memory_space<hbm>> -> memref<1x64xi32, #tpu.memory_space<hbm>>
      %dma_wait3A_274 = tpu.memref_squeeze %dma_wait3A_273 : memref<1x64xi32, #tpu.memory_space<hbm>> -> memref<64xi32, #tpu.memory_space<hbm>>
      tpu.wait_dma2 semaphore(%dma_wait3A_268 : memref<!tpu.dma_semaphore, #tpu.memory_space<semaphore_mem>>) src(%dma_wait3A_274 : memref<64xi32, #tpu.memory_space<hbm>>) dst(%dma_wait3A_271 : memref<64xi32, #tpu.memory_space<vmem>>)
      %rem3A_275 = arith.constant 1 : i32
      %rem3A_276 = arith.constant 5 : i32
      %rem3A_277 = arith.remsi %rem3A_275, %rem3A_276 : i32
      %rem3A_278 = arith.constant 1 : i32
      %rem3A_279 = arith.constant 8 : i32
      %rem3A_280 = arith.remsi %rem3A_278, %rem3A_279 : i32
      %dma_start3A_281 = arith.constant 0 : i32
      %dma_start3A_282 = arith.constant 0 : i32
      %dma_start3A_283 = tpu.memref_slice %arg9[%rem3A_277, %dma_start3A_281, %dma_start3A_282] : memref<5x64x128xf32, #tpu.memory_space<vmem>> -> memref<1x64x128xf32, #tpu.memory_space<vmem>>
      %dma_start3A_284 = tpu.memref_squeeze %dma_start3A_283 : memref<1x64x128xf32, #tpu.memory_space<vmem>> -> memref<64x128xf32, #tpu.memory_space<vmem>>
      %dma_start3A_285 = arith.constant 0 : i32
      %dma_start3A_286 = tpu.memref_slice %arg7[%rem3A_280, %dma_start3A_285] : memref<8x64xi32, #tpu.memory_space<vmem>> -> memref<1x64xi32, #tpu.memory_space<vmem>>
      %dma_start3A_287 = tpu.memref_squeeze %dma_start3A_286 : memref<1x64xi32, #tpu.memory_space<vmem>> -> memref<64xi32, #tpu.memory_space<vmem>>
      %dma_start3A_288 = arith.constant 0 : i32
      %dma_start3A_289 = arith.constant 0 : i32
      %dma_start3A_290 = tpu.memref_slice %arg2[%dma_start3A_288, %dma_start3A_289] : memref<20224x128xf32, #tpu.memory_space<hbm>> -> memref<20224x128xf32, #tpu.memory_space<hbm>>
      %dma_start3A_291 = tpu.memref_slice %arg13[%rem3A_277] : memref<5x!tpu.dma_semaphore, #tpu.memory_space<semaphore_mem>> -> memref<1x!tpu.dma_semaphore, #tpu.memory_space<semaphore_mem>>
      %dma_start3A_292 = tpu.memref_squeeze %dma_start3A_291 : memref<1x!tpu.dma_semaphore, #tpu.memory_space<semaphore_mem>> -> memref<!tpu.dma_semaphore, #tpu.memory_space<semaphore_mem>>
      tpu.enqueue_indirect_dma source(%dma_start3A_290 : memref<20224x128xf32, #tpu.memory_space<hbm>>) target(%dma_start3A_284 : memref<64x128xf32, #tpu.memory_space<vmem>>) offsets(%dma_start3A_287 : memref<64xi32, #tpu.memory_space<vmem>>) semaphore(%dma_start3A_292 : memref<!tpu.dma_semaphore, #tpu.memory_space<semaphore_mem>>)
      %rem3A_293 = arith.constant 2 : i32
      %rem3A_294 = arith.constant 8 : i32
      %rem3A_295 = arith.remsi %rem3A_293, %rem3A_294 : i32
      %mul3A_296 = arith.constant 220 : i32
      %mul3A_297 = arith.muli %arg1, %mul3A_296 : i32
      %add3A_298 = arith.constant 2 : i32
      %add3A_299 = arith.addi %mul3A_297, %add3A_298 : i32
      %dma_wait3A_300 = arith.constant 0 : i32
      %dma_wait3A_301 = tpu.memref_slice %arg7[%rem3A_295, %dma_wait3A_300] : memref<8x64xi32, #tpu.memory_space<vmem>> -> memref<1x64xi32, #tpu.memory_space<vmem>>
      %dma_wait3A_302 = tpu.memref_squeeze %dma_wait3A_301 : memref<1x64xi32, #tpu.memory_space<vmem>> -> memref<64xi32, #tpu.memory_space<vmem>>
      %dma_wait3A_303 = arith.constant 0 : i32
      %dma_wait3A_304 = tpu.memref_slice %arg3[%arg0, %add3A_299, %dma_wait3A_303] : memref<2x5056x64xi32, #tpu.memory_space<hbm>> -> memref<1x1x64xi32, #tpu.memory_space<hbm>>
      %dma_wait3A_305 = tpu.memref_squeeze %dma_wait3A_304 : memref<1x1x64xi32, #tpu.memory_space<hbm>> -> memref<64xi32, #tpu.memory_space<hbm>>
      %dma_wait3A_306 = tpu.memref_slice %arg11[%rem3A_295] : memref<8x!tpu.dma_semaphore, #tpu.memory_space<semaphore_mem>> -> memref<1x!tpu.dma_semaphore, #tpu.memory_space<semaphore_mem>>
      %dma_wait3A_307 = tpu.memref_squeeze %dma_wait3A_306 : memref<1x!tpu.dma_semaphore, #tpu.memory_space<semaphore_mem>> -> memref<!tpu.dma_semaphore, #tpu.memory_space<semaphore_mem>>
      %dma_wait3A_308 = arith.constant 0 : i32
      %dma_wait3A_309 = tpu.memref_slice %arg7[%rem3A_295, %dma_wait3A_308] : memref<8x64xi32, #tpu.memory_space<vmem>> -> memref<1x64xi32, #tpu.memory_space<vmem>>
      %dma_wait3A_310 = tpu.memref_squeeze %dma_wait3A_309 : memref<1x64xi32, #tpu.memory_space<vmem>> -> memref<64xi32, #tpu.memory_space<vmem>>
      %dma_wait3A_311 = arith.constant 0 : i32
      %dma_wait3A_312 = tpu.memref_slice %arg3[%arg0, %add3A_299, %dma_wait3A_311] : memref<2x5056x64xi32, #tpu.memory_space<hbm>> -> memref<1x1x64xi32, #tpu.memory_space<hbm>>
      %dma_wait3A_313 = tpu.memref_squeeze %dma_wait3A_312 : memref<1x1x64xi32, #tpu.memory_space<hbm>> -> memref<64xi32, #tpu.memory_space<hbm>>
      tpu.wait_dma2 semaphore(%dma_wait3A_307 : memref<!tpu.dma_semaphore, #tpu.memory_space<semaphore_mem>>) src(%dma_wait3A_313 : memref<64xi32, #tpu.memory_space<hbm>>) dst(%dma_wait3A_310 : memref<64xi32, #tpu.memory_space<vmem>>)
      %rem3A_314 = arith.constant 2 : i32
      %rem3A_315 = arith.constant 8 : i32
      %rem3A_316 = arith.remsi %rem3A_314, %rem3A_315 : i32
      %mul3A_317 = arith.constant 220 : i32
      %mul3A_318 = arith.muli %arg1, %mul3A_317 : i32
      %add3A_319 = arith.constant 2 : i32
      %add3A_320 = arith.addi %mul3A_318, %add3A_319 : i32
      %dma_wait3A_321 = arith.constant 0 : i32
      %dma_wait3A_322 = tpu.memref_slice %arg8[%rem3A_316, %dma_wait3A_321] : memref<8x64xi32, #tpu.memory_space<vmem>> -> memref<1x64xi32, #tpu.memory_space<vmem>>
      %dma_wait3A_323 = tpu.memref_squeeze %dma_wait3A_322 : memref<1x64xi32, #tpu.memory_space<vmem>> -> memref<64xi32, #tpu.memory_space<vmem>>
      %dma_wait3A_324 = arith.constant 0 : i32
      %dma_wait3A_325 = tpu.memref_slice %arg4[%add3A_320, %dma_wait3A_324] : memref<5056x64xi32, #tpu.memory_space<hbm>> -> memref<1x64xi32, #tpu.memory_space<hbm>>
      %dma_wait3A_326 = tpu.memref_squeeze %dma_wait3A_325 : memref<1x64xi32, #tpu.memory_space<hbm>> -> memref<64xi32, #tpu.memory_space<hbm>>
      %dma_wait3A_327 = tpu.memref_slice %arg12[%rem3A_316] : memref<8x!tpu.dma_semaphore, #tpu.memory_space<semaphore_mem>> -> memref<1x!tpu.dma_semaphore, #tpu.memory_space<semaphore_mem>>
      %dma_wait3A_328 = tpu.memref_squeeze %dma_wait3A_327 : memref<1x!tpu.dma_semaphore, #tpu.memory_space<semaphore_mem>> -> memref<!tpu.dma_semaphore, #tpu.memory_space<semaphore_mem>>
      %dma_wait3A_329 = arith.constant 0 : i32
      %dma_wait3A_330 = tpu.memref_slice %arg8[%rem3A_316, %dma_wait3A_329] : memref<8x64xi32, #tpu.memory_space<vmem>> -> memref<1x64xi32, #tpu.memory_space<vmem>>
      %dma_wait3A_331 = tpu.memref_squeeze %dma_wait3A_330 : memref<1x64xi32, #tpu.memory_space<vmem>> -> memref<64xi32, #tpu.memory_space<vmem>>
      %dma_wait3A_332 = arith.constant 0 : i32
      %dma_wait3A_333 = tpu.memref_slice %arg4[%add3A_320, %dma_wait3A_332] : memref<5056x64xi32, #tpu.memory_space<hbm>> -> memref<1x64xi32, #tpu.memory_space<hbm>>
      %dma_wait3A_334 = tpu.memref_squeeze %dma_wait3A_333 : memref<1x64xi32, #tpu.memory_space<hbm>> -> memref<64xi32, #tpu.memory_space<hbm>>
      tpu.wait_dma2 semaphore(%dma_wait3A_328 : memref<!tpu.dma_semaphore, #tpu.memory_space<semaphore_mem>>) src(%dma_wait3A_334 : memref<64xi32, #tpu.memory_space<hbm>>) dst(%dma_wait3A_331 : memref<64xi32, #tpu.memory_space<vmem>>)
      %rem3A_335 = arith.constant 2 : i32
      %rem3A_336 = arith.constant 5 : i32
      %rem3A_337 = arith.remsi %rem3A_335, %rem3A_336 : i32
      %rem3A_338 = arith.constant 2 : i32
      %rem3A_339 = arith.constant 8 : i32
      %rem3A_340 = arith.remsi %rem3A_338, %rem3A_339 : i32
      %dma_start3A_341 = arith.constant 0 : i32
      %dma_start3A_342 = arith.constant 0 : i32
      %dma_start3A_343 = tpu.memref_slice %arg9[%rem3A_337, %dma_start3A_341, %dma_start3A_342] : memref<5x64x128xf32, #tpu.memory_space<vmem>> -> memref<1x64x128xf32, #tpu.memory_space<vmem>>
      %dma_start3A_344 = tpu.memref_squeeze %dma_start3A_343 : memref<1x64x128xf32, #tpu.memory_space<vmem>> -> memref<64x128xf32, #tpu.memory_space<vmem>>
      %dma_start3A_345 = arith.constant 0 : i32
      %dma_start3A_346 = tpu.memref_slice %arg7[%rem3A_340, %dma_start3A_345] : memref<8x64xi32, #tpu.memory_space<vmem>> -> memref<1x64xi32, #tpu.memory_space<vmem>>
      %dma_start3A_347 = tpu.memref_squeeze %dma_start3A_346 : memref<1x64xi32, #tpu.memory_space<vmem>> -> memref<64xi32, #tpu.memory_space<vmem>>
      %dma_start3A_348 = arith.constant 0 : i32
      %dma_start3A_349 = arith.constant 0 : i32
      %dma_start3A_350 = tpu.memref_slice %arg2[%dma_start3A_348, %dma_start3A_349] : memref<20224x128xf32, #tpu.memory_space<hbm>> -> memref<20224x128xf32, #tpu.memory_space<hbm>>
      %dma_start3A_351 = tpu.memref_slice %arg13[%rem3A_337] : memref<5x!tpu.dma_semaphore, #tpu.memory_space<semaphore_mem>> -> memref<1x!tpu.dma_semaphore, #tpu.memory_space<semaphore_mem>>
      %dma_start3A_352 = tpu.memref_squeeze %dma_start3A_351 : memref<1x!tpu.dma_semaphore, #tpu.memory_space<semaphore_mem>> -> memref<!tpu.dma_semaphore, #tpu.memory_space<semaphore_mem>>
      tpu.enqueue_indirect_dma source(%dma_start3A_350 : memref<20224x128xf32, #tpu.memory_space<hbm>>) target(%dma_start3A_344 : memref<64x128xf32, #tpu.memory_space<vmem>>) offsets(%dma_start3A_347 : memref<64xi32, #tpu.memory_space<vmem>>) semaphore(%dma_start3A_352 : memref<!tpu.dma_semaphore, #tpu.memory_space<semaphore_mem>>)
      %scan3A = arith.constant 0 : i32
      %scan3A_353 = arith.constant 0 : i32
      %scan3A_354 = arith.constant 220 : i32
      %scan3A_355 = arith.addi %scan3A_353, %scan3A_354 : i32
      %scan3A_356 = arith.constant 1 : i32
      scf.for %scan3A_394 = %scan3A_353 to %scan3A_355 step %scan3A_356  : i32 {
        %ge3A = arith.constant 2 : i32
        %ge3A_395 = arith.cmpi sge, %scan3A_394, %ge3A : i32
        %convert_element_type3A_396 = arith.extui %ge3A_395 : i1 to i32
        %cond3A_397 = arith.constant 0 : i32
        %cond3A_398 = arith.cmpi ne, %convert_element_type3A_396, %cond3A_397 : i32
        scf.if %cond3A_398 {
          %sub3A = arith.constant 2 : i32
          %sub3A_446 = arith.subi %scan3A_394, %sub3A : i32
          %rem3A_447 = arith.constant 5 : i32
          %rem3A_448 = arith.remsi %sub3A_446, %rem3A_447 : i32
          %rem3A_449 = arith.constant 8 : i32
          %rem3A_450 = arith.remsi %sub3A_446, %rem3A_449 : i32
          %dma_wait3A_451 = arith.constant 0 : i32
          %dma_wait3A_452 = arith.constant 0 : i32
          %dma_wait3A_453 = tpu.memref_slice %arg9[%rem3A_448, %dma_wait3A_451, %dma_wait3A_452] : memref<5x64x128xf32, #tpu.memory_space<vmem>> -> memref<1x64x128xf32, #tpu.memory_space<vmem>>
          %dma_wait3A_454 = tpu.memref_squeeze %dma_wait3A_453 : memref<1x64x128xf32, #tpu.memory_space<vmem>> -> memref<64x128xf32, #tpu.memory_space<vmem>>
          %dma_wait3A_455 = arith.constant 0 : i32
          %dma_wait3A_456 = tpu.memref_slice %arg8[%rem3A_450, %dma_wait3A_455] : memref<8x64xi32, #tpu.memory_space<vmem>> -> memref<1x64xi32, #tpu.memory_space<vmem>>
          %dma_wait3A_457 = tpu.memref_squeeze %dma_wait3A_456 : memref<1x64xi32, #tpu.memory_space<vmem>> -> memref<64xi32, #tpu.memory_space<vmem>>
          %dma_wait3A_458 = arith.constant 0 : i32
          %dma_wait3A_459 = arith.constant 0 : i32
          %dma_wait3A_460 = tpu.memref_slice %arg10[%dma_wait3A_458, %dma_wait3A_459] : memref<10112x128xf32, #tpu.memory_space<vmem_shared>> -> memref<10112x128xf32, #tpu.memory_space<vmem_shared>>
          %dma_wait3A_461 = tpu.memref_slice %arg14[%rem3A_448] : memref<5x!tpu.dma_semaphore, #tpu.memory_space<semaphore_mem>> -> memref<1x!tpu.dma_semaphore, #tpu.memory_space<semaphore_mem>>
          %dma_wait3A_462 = tpu.memref_squeeze %dma_wait3A_461 : memref<1x!tpu.dma_semaphore, #tpu.memory_space<semaphore_mem>> -> memref<!tpu.dma_semaphore, #tpu.memory_space<semaphore_mem>>
          tpu.wait_indirect_dma semaphore(%dma_wait3A_462 : memref<!tpu.dma_semaphore, #tpu.memory_space<semaphore_mem>>) src(%dma_wait3A_454 : memref<64x128xf32, #tpu.memory_space<vmem>>) dst(%dma_wait3A_460 : memref<10112x128xf32, #tpu.memory_space<vmem_shared>>)
        } else {
        }
        %rem3A_399 = arith.constant 5 : i32
        %rem3A_400 = arith.remsi %scan3A_394, %rem3A_399 : i32
        %rem3A_401 = arith.constant 8 : i32
        %rem3A_402 = arith.remsi %scan3A_394, %rem3A_401 : i32
        %dma_wait3A_403 = arith.constant 0 : i32
        %dma_wait3A_404 = arith.constant 0 : i32
        %dma_wait3A_405 = tpu.memref_slice %arg9[%rem3A_400, %dma_wait3A_403, %dma_wait3A_404] : memref<5x64x128xf32, #tpu.memory_space<vmem>> -> memref<1x64x128xf32, #tpu.memory_space<vmem>>
        %dma_wait3A_406 = tpu.memref_squeeze %dma_wait3A_405 : memref<1x64x128xf32, #tpu.memory_space<vmem>> -> memref<64x128xf32, #tpu.memory_space<vmem>>
        %dma_wait3A_407 = arith.constant 0 : i32
        %dma_wait3A_408 = tpu.memref_slice %arg7[%rem3A_402, %dma_wait3A_407] : memref<8x64xi32, #tpu.memory_space<vmem>> -> memref<1x64xi32, #tpu.memory_space<vmem>>
        %dma_wait3A_409 = tpu.memref_squeeze %dma_wait3A_408 : memref<1x64xi32, #tpu.memory_space<vmem>> -> memref<64xi32, #tpu.memory_space<vmem>>
        %dma_wait3A_410 = arith.constant 0 : i32
        %dma_wait3A_411 = arith.constant 0 : i32
        %dma_wait3A_412 = tpu.memref_slice %arg2[%dma_wait3A_410, %dma_wait3A_411] : memref<20224x128xf32, #tpu.memory_space<hbm>> -> memref<20224x128xf32, #tpu.memory_space<hbm>>
        %dma_wait3A_413 = tpu.memref_slice %arg13[%rem3A_400] : memref<5x!tpu.dma_semaphore, #tpu.memory_space<semaphore_mem>> -> memref<1x!tpu.dma_semaphore, #tpu.memory_space<semaphore_mem>>
        %dma_wait3A_414 = tpu.memref_squeeze %dma_wait3A_413 : memref<1x!tpu.dma_semaphore, #tpu.memory_space<semaphore_mem>> -> memref<!tpu.dma_semaphore, #tpu.memory_space<semaphore_mem>>
        tpu.wait_indirect_dma semaphore(%dma_wait3A_414 : memref<!tpu.dma_semaphore, #tpu.memory_space<semaphore_mem>>) src(%dma_wait3A_412 : memref<20224x128xf32, #tpu.memory_space<hbm>>) dst(%dma_wait3A_406 : memref<64x128xf32, #tpu.memory_space<vmem>>)
        %rem3A_415 = arith.constant 5 : i32
        %rem3A_416 = arith.remsi %scan3A_394, %rem3A_415 : i32
        %rem3A_417 = arith.constant 8 : i32
        %rem3A_418 = arith.remsi %scan3A_394, %rem3A_417 : i32
        %dma_start3A_419 = arith.constant 0 : i32
        %dma_start3A_420 = arith.constant 0 : i32
        %dma_start3A_421 = tpu.memref_slice %arg9[%rem3A_416, %dma_start3A_419, %dma_start3A_420] : memref<5x64x128xf32, #tpu.memory_space<vmem>> -> memref<1x64x128xf32, #tpu.memory_space<vmem>>
        %dma_start3A_422 = tpu.memref_squeeze %dma_start3A_421 : memref<1x64x128xf32, #tpu.memory_space<vmem>> -> memref<64x128xf32, #tpu.memory_space<vmem>>
        %dma_start3A_423 = arith.constant 0 : i32
        %dma_start3A_424 = tpu.memref_slice %arg8[%rem3A_418, %dma_start3A_423] : memref<8x64xi32, #tpu.memory_space<vmem>> -> memref<1x64xi32, #tpu.memory_space<vmem>>
        %dma_start3A_425 = tpu.memref_squeeze %dma_start3A_424 : memref<1x64xi32, #tpu.memory_space<vmem>> -> memref<64xi32, #tpu.memory_space<vmem>>
        %dma_start3A_426 = arith.constant 0 : i32
        %dma_start3A_427 = arith.constant 0 : i32
        %dma_start3A_428 = tpu.memref_slice %arg10[%dma_start3A_426, %dma_start3A_427] : memref<10112x128xf32, #tpu.memory_space<vmem_shared>> -> memref<10112x128xf32, #tpu.memory_space<vmem_shared>>
        %dma_start3A_429 = tpu.memref_slice %arg14[%rem3A_416] : memref<5x!tpu.dma_semaphore, #tpu.memory_space<semaphore_mem>> -> memref<1x!tpu.dma_semaphore, #tpu.memory_space<semaphore_mem>>
        %dma_start3A_430 = tpu.memref_squeeze %dma_start3A_429 : memref<1x!tpu.dma_semaphore, #tpu.memory_space<semaphore_mem>> -> memref<!tpu.dma_semaphore, #tpu.memory_space<semaphore_mem>>
        tpu.enqueue_indirect_dma source(%dma_start3A_422 : memref<64x128xf32, #tpu.memory_space<vmem>>) target(%dma_start3A_428 : memref<10112x128xf32, #tpu.memory_space<vmem_shared>>) offsets(%dma_start3A_425 : memref<64xi32, #tpu.memory_space<vmem>>) semaphore(%dma_start3A_430 : memref<!tpu.dma_semaphore, #tpu.memory_space<semaphore_mem>>) {add = true}
        %add3A_431 = arith.constant 3 : i32
        %add3A_432 = arith.addi %scan3A_394, %add3A_431 : i32
        %lt3A = arith.constant 220 : i32
        %lt3A_433 = arith.cmpi slt, %add3A_432, %lt3A : i32
        %convert_element_type3A_434 = arith.extui %lt3A_433 : i1 to i32
        %cond3A_435 = arith.constant 0 : i32
        %cond3A_436 = arith.cmpi ne, %convert_element_type3A_434, %cond3A_435 : i32
        scf.if %cond3A_436 {
          %add3A_446 = arith.constant 3 : i32
          %add3A_447 = arith.addi %scan3A_394, %add3A_446 : i32
          %rem3A_448 = arith.constant 8 : i32
          %rem3A_449 = arith.remsi %add3A_447, %rem3A_448 : i32
          %mul3A_450 = arith.constant 220 : i32
          %mul3A_451 = arith.muli %arg1, %mul3A_450 : i32
          %add3A_452 = arith.addi %mul3A_451, %add3A_447 : i32
          %dma_wait3A_453 = arith.constant 0 : i32
          %dma_wait3A_454 = tpu.memref_slice %arg7[%rem3A_449, %dma_wait3A_453] : memref<8x64xi32, #tpu.memory_space<vmem>> -> memref<1x64xi32, #tpu.memory_space<vmem>>
          %dma_wait3A_455 = tpu.memref_squeeze %dma_wait3A_454 : memref<1x64xi32, #tpu.memory_space<vmem>> -> memref<64xi32, #tpu.memory_space<vmem>>
          %dma_wait3A_456 = arith.constant 0 : i32
          %dma_wait3A_457 = tpu.memref_slice %arg3[%arg0, %add3A_452, %dma_wait3A_456] : memref<2x5056x64xi32, #tpu.memory_space<hbm>> -> memref<1x1x64xi32, #tpu.memory_space<hbm>>
          %dma_wait3A_458 = tpu.memref_squeeze %dma_wait3A_457 : memref<1x1x64xi32, #tpu.memory_space<hbm>> -> memref<64xi32, #tpu.memory_space<hbm>>
          %dma_wait3A_459 = tpu.memref_slice %arg11[%rem3A_449] : memref<8x!tpu.dma_semaphore, #tpu.memory_space<semaphore_mem>> -> memref<1x!tpu.dma_semaphore, #tpu.memory_space<semaphore_mem>>
          %dma_wait3A_460 = tpu.memref_squeeze %dma_wait3A_459 : memref<1x!tpu.dma_semaphore, #tpu.memory_space<semaphore_mem>> -> memref<!tpu.dma_semaphore, #tpu.memory_space<semaphore_mem>>
          %dma_wait3A_461 = arith.constant 0 : i32
          %dma_wait3A_462 = tpu.memref_slice %arg7[%rem3A_449, %dma_wait3A_461] : memref<8x64xi32, #tpu.memory_space<vmem>> -> memref<1x64xi32, #tpu.memory_space<vmem>>
          %dma_wait3A_463 = tpu.memref_squeeze %dma_wait3A_462 : memref<1x64xi32, #tpu.memory_space<vmem>> -> memref<64xi32, #tpu.memory_space<vmem>>
          %dma_wait3A_464 = arith.constant 0 : i32
          %dma_wait3A_465 = tpu.memref_slice %arg3[%arg0, %add3A_452, %dma_wait3A_464] : memref<2x5056x64xi32, #tpu.memory_space<hbm>> -> memref<1x1x64xi32, #tpu.memory_space<hbm>>
          %dma_wait3A_466 = tpu.memref_squeeze %dma_wait3A_465 : memref<1x1x64xi32, #tpu.memory_space<hbm>> -> memref<64xi32, #tpu.memory_space<hbm>>
          tpu.wait_dma2 semaphore(%dma_wait3A_460 : memref<!tpu.dma_semaphore, #tpu.memory_space<semaphore_mem>>) src(%dma_wait3A_466 : memref<64xi32, #tpu.memory_space<hbm>>) dst(%dma_wait3A_463 : memref<64xi32, #tpu.memory_space<vmem>>)
          %add3A_467 = arith.constant 3 : i32
          %add3A_468 = arith.addi %scan3A_394, %add3A_467 : i32
          %rem3A_469 = arith.constant 8 : i32
          %rem3A_470 = arith.remsi %add3A_468, %rem3A_469 : i32
          %mul3A_471 = arith.constant 220 : i32
          %mul3A_472 = arith.muli %arg1, %mul3A_471 : i32
          %add3A_473 = arith.addi %mul3A_472, %add3A_468 : i32
          %dma_wait3A_474 = arith.constant 0 : i32
          %dma_wait3A_475 = tpu.memref_slice %arg8[%rem3A_470, %dma_wait3A_474] : memref<8x64xi32, #tpu.memory_space<vmem>> -> memref<1x64xi32, #tpu.memory_space<vmem>>
          %dma_wait3A_476 = tpu.memref_squeeze %dma_wait3A_475 : memref<1x64xi32, #tpu.memory_space<vmem>> -> memref<64xi32, #tpu.memory_space<vmem>>
          %dma_wait3A_477 = arith.constant 0 : i32
          %dma_wait3A_478 = tpu.memref_slice %arg4[%add3A_473, %dma_wait3A_477] : memref<5056x64xi32, #tpu.memory_space<hbm>> -> memref<1x64xi32, #tpu.memory_space<hbm>>
          %dma_wait3A_479 = tpu.memref_squeeze %dma_wait3A_478 : memref<1x64xi32, #tpu.memory_space<hbm>> -> memref<64xi32, #tpu.memory_space<hbm>>
          %dma_wait3A_480 = tpu.memref_slice %arg12[%rem3A_470] : memref<8x!tpu.dma_semaphore, #tpu.memory_space<semaphore_mem>> -> memref<1x!tpu.dma_semaphore, #tpu.memory_space<semaphore_mem>>
          %dma_wait3A_481 = tpu.memref_squeeze %dma_wait3A_480 : memref<1x!tpu.dma_semaphore, #tpu.memory_space<semaphore_mem>> -> memref<!tpu.dma_semaphore, #tpu.memory_space<semaphore_mem>>
          %dma_wait3A_482 = arith.constant 0 : i32
          %dma_wait3A_483 = tpu.memref_slice %arg8[%rem3A_470, %dma_wait3A_482] : memref<8x64xi32, #tpu.memory_space<vmem>> -> memref<1x64xi32, #tpu.memory_space<vmem>>
          %dma_wait3A_484 = tpu.memref_squeeze %dma_wait3A_483 : memref<1x64xi32, #tpu.memory_space<vmem>> -> memref<64xi32, #tpu.memory_space<vmem>>
          %dma_wait3A_485 = arith.constant 0 : i32
          %dma_wait3A_486 = tpu.memref_slice %arg4[%add3A_473, %dma_wait3A_485] : memref<5056x64xi32, #tpu.memory_space<hbm>> -> memref<1x64xi32, #tpu.memory_space<hbm>>
          %dma_wait3A_487 = tpu.memref_squeeze %dma_wait3A_486 : memref<1x64xi32, #tpu.memory_space<hbm>> -> memref<64xi32, #tpu.memory_space<hbm>>
          tpu.wait_dma2 semaphore(%dma_wait3A_481 : memref<!tpu.dma_semaphore, #tpu.memory_space<semaphore_mem>>) src(%dma_wait3A_487 : memref<64xi32, #tpu.memory_space<hbm>>) dst(%dma_wait3A_484 : memref<64xi32, #tpu.memory_space<vmem>>)
          %add3A_488 = arith.constant 3 : i32
          %add3A_489 = arith.addi %scan3A_394, %add3A_488 : i32
          %rem3A_490 = arith.constant 5 : i32
          %rem3A_491 = arith.remsi %add3A_489, %rem3A_490 : i32
          %rem3A_492 = arith.constant 8 : i32
          %rem3A_493 = arith.remsi %add3A_489, %rem3A_492 : i32
          %dma_start3A_494 = arith.constant 0 : i32
          %dma_start3A_495 = arith.constant 0 : i32
          %dma_start3A_496 = tpu.memref_slice %arg9[%rem3A_491, %dma_start3A_494, %dma_start3A_495] : memref<5x64x128xf32, #tpu.memory_space<vmem>> -> memref<1x64x128xf32, #tpu.memory_space<vmem>>
          %dma_start3A_497 = tpu.memref_squeeze %dma_start3A_496 : memref<1x64x128xf32, #tpu.memory_space<vmem>> -> memref<64x128xf32, #tpu.memory_space<vmem>>
          %dma_start3A_498 = arith.constant 0 : i32
          %dma_start3A_499 = tpu.memref_slice %arg7[%rem3A_493, %dma_start3A_498] : memref<8x64xi32, #tpu.memory_space<vmem>> -> memref<1x64xi32, #tpu.memory_space<vmem>>
          %dma_start3A_500 = tpu.memref_squeeze %dma_start3A_499 : memref<1x64xi32, #tpu.memory_space<vmem>> -> memref<64xi32, #tpu.memory_space<vmem>>
          %dma_start3A_501 = arith.constant 0 : i32
          %dma_start3A_502 = arith.constant 0 : i32
          %dma_start3A_503 = tpu.memref_slice %arg2[%dma_start3A_501, %dma_start3A_502] : memref<20224x128xf32, #tpu.memory_space<hbm>> -> memref<20224x128xf32, #tpu.memory_space<hbm>>
          %dma_start3A_504 = tpu.memref_slice %arg13[%rem3A_491] : memref<5x!tpu.dma_semaphore, #tpu.memory_space<semaphore_mem>> -> memref<1x!tpu.dma_semaphore, #tpu.memory_space<semaphore_mem>>
          %dma_start3A_505 = tpu.memref_squeeze %dma_start3A_504 : memref<1x!tpu.dma_semaphore, #tpu.memory_space<semaphore_mem>> -> memref<!tpu.dma_semaphore, #tpu.memory_space<semaphore_mem>>
          tpu.enqueue_indirect_dma source(%dma_start3A_503 : memref<20224x128xf32, #tpu.memory_space<hbm>>) target(%dma_start3A_497 : memref<64x128xf32, #tpu.memory_space<vmem>>) offsets(%dma_start3A_500 : memref<64xi32, #tpu.memory_space<vmem>>) semaphore(%dma_start3A_505 : memref<!tpu.dma_semaphore, #tpu.memory_space<semaphore_mem>>)
        } else {
        }
        %add3A_437 = arith.constant 3 : i32
        %add3A_438 = arith.addi %scan3A_394, %add3A_437 : i32
        %add3A_439 = arith.constant 1 : i32
        %add3A_440 = arith.addi %add3A_438, %add3A_439 : i32
        %lt3A_441 = arith.constant 220 : i32
        %lt3A_442 = arith.cmpi slt, %add3A_440, %lt3A_441 : i32
        %convert_element_type3A_443 = arith.extui %lt3A_442 : i1 to i32
        %cond3A_444 = arith.constant 0 : i32
        %cond3A_445 = arith.cmpi ne, %convert_element_type3A_443, %cond3A_444 : i32
        scf.if %cond3A_445 {
          %add3A_446 = arith.constant 3 : i32
          %add3A_447 = arith.addi %scan3A_394, %add3A_446 : i32
          %add3A_448 = arith.constant 1 : i32
          %add3A_449 = arith.addi %add3A_447, %add3A_448 : i32
          %rem3A_450 = arith.constant 8 : i32
          %rem3A_451 = arith.remsi %add3A_449, %rem3A_450 : i32
          %mul3A_452 = arith.constant 220 : i32
          %mul3A_453 = arith.muli %arg1, %mul3A_452 : i32
          %add3A_454 = arith.addi %mul3A_453, %add3A_449 : i32
          %dma_start3A_455 = arith.constant 0 : i32
          %dma_start3A_456 = tpu.memref_slice %arg7[%rem3A_451, %dma_start3A_455] : memref<8x64xi32, #tpu.memory_space<vmem>> -> memref<1x64xi32, #tpu.memory_space<vmem>>
          %dma_start3A_457 = tpu.memref_squeeze %dma_start3A_456 : memref<1x64xi32, #tpu.memory_space<vmem>> -> memref<64xi32, #tpu.memory_space<vmem>>
          %dma_start3A_458 = arith.constant 0 : i32
          %dma_start3A_459 = tpu.memref_slice %arg3[%arg0, %add3A_454, %dma_start3A_458] : memref<2x5056x64xi32, #tpu.memory_space<hbm>> -> memref<1x1x64xi32, #tpu.memory_space<hbm>>
          %dma_start3A_460 = tpu.memref_squeeze %dma_start3A_459 : memref<1x1x64xi32, #tpu.memory_space<hbm>> -> memref<64xi32, #tpu.memory_space<hbm>>
          %dma_start3A_461 = tpu.memref_slice %arg11[%rem3A_451] : memref<8x!tpu.dma_semaphore, #tpu.memory_space<semaphore_mem>> -> memref<1x!tpu.dma_semaphore, #tpu.memory_space<semaphore_mem>>
          %dma_start3A_462 = tpu.memref_squeeze %dma_start3A_461 : memref<1x!tpu.dma_semaphore, #tpu.memory_space<semaphore_mem>> -> memref<!tpu.dma_semaphore, #tpu.memory_space<semaphore_mem>>
          %dma_start3A_463 = arith.constant 0 : i32
          %dma_start3A_464 = tpu.memref_slice %arg7[%rem3A_451, %dma_start3A_463] : memref<8x64xi32, #tpu.memory_space<vmem>> -> memref<1x64xi32, #tpu.memory_space<vmem>>
          %dma_start3A_465 = tpu.memref_squeeze %dma_start3A_464 : memref<1x64xi32, #tpu.memory_space<vmem>> -> memref<64xi32, #tpu.memory_space<vmem>>
          %dma_start3A_466 = arith.constant 0 : i32
          %dma_start3A_467 = tpu.memref_slice %arg3[%arg0, %add3A_454, %dma_start3A_466] : memref<2x5056x64xi32, #tpu.memory_space<hbm>> -> memref<1x1x64xi32, #tpu.memory_space<hbm>>
          %dma_start3A_468 = tpu.memref_squeeze %dma_start3A_467 : memref<1x1x64xi32, #tpu.memory_space<hbm>> -> memref<64xi32, #tpu.memory_space<hbm>>
          tpu.enqueue_dma source(%dma_start3A_468 : memref<64xi32, #tpu.memory_space<hbm>>) target(%dma_start3A_465 : memref<64xi32, #tpu.memory_space<vmem>>) target_semaphore(%dma_start3A_462 : memref<!tpu.dma_semaphore, #tpu.memory_space<semaphore_mem>>)
          %add3A_469 = arith.constant 3 : i32
          %add3A_470 = arith.addi %scan3A_394, %add3A_469 : i32
          %add3A_471 = arith.constant 1 : i32
          %add3A_472 = arith.addi %add3A_470, %add3A_471 : i32
          %rem3A_473 = arith.constant 8 : i32
          %rem3A_474 = arith.remsi %add3A_472, %rem3A_473 : i32
          %mul3A_475 = arith.constant 220 : i32
          %mul3A_476 = arith.muli %arg1, %mul3A_475 : i32
          %add3A_477 = arith.addi %mul3A_476, %add3A_472 : i32
          %dma_start3A_478 = arith.constant 0 : i32
          %dma_start3A_479 = tpu.memref_slice %arg8[%rem3A_474, %dma_start3A_478] : memref<8x64xi32, #tpu.memory_space<vmem>> -> memref<1x64xi32, #tpu.memory_space<vmem>>
          %dma_start3A_480 = tpu.memref_squeeze %dma_start3A_479 : memref<1x64xi32, #tpu.memory_space<vmem>> -> memref<64xi32, #tpu.memory_space<vmem>>
          %dma_start3A_481 = arith.constant 0 : i32
          %dma_start3A_482 = tpu.memref_slice %arg4[%add3A_477, %dma_start3A_481] : memref<5056x64xi32, #tpu.memory_space<hbm>> -> memref<1x64xi32, #tpu.memory_space<hbm>>
          %dma_start3A_483 = tpu.memref_squeeze %dma_start3A_482 : memref<1x64xi32, #tpu.memory_space<hbm>> -> memref<64xi32, #tpu.memory_space<hbm>>
          %dma_start3A_484 = tpu.memref_slice %arg12[%rem3A_474] : memref<8x!tpu.dma_semaphore, #tpu.memory_space<semaphore_mem>> -> memref<1x!tpu.dma_semaphore, #tpu.memory_space<semaphore_mem>>
          %dma_start3A_485 = tpu.memref_squeeze %dma_start3A_484 : memref<1x!tpu.dma_semaphore, #tpu.memory_space<semaphore_mem>> -> memref<!tpu.dma_semaphore, #tpu.memory_space<semaphore_mem>>
          %dma_start3A_486 = arith.constant 0 : i32
          %dma_start3A_487 = tpu.memref_slice %arg8[%rem3A_474, %dma_start3A_486] : memref<8x64xi32, #tpu.memory_space<vmem>> -> memref<1x64xi32, #tpu.memory_space<vmem>>
          %dma_start3A_488 = tpu.memref_squeeze %dma_start3A_487 : memref<1x64xi32, #tpu.memory_space<vmem>> -> memref<64xi32, #tpu.memory_space<vmem>>
          %dma_start3A_489 = arith.constant 0 : i32
          %dma_start3A_490 = tpu.memref_slice %arg4[%add3A_477, %dma_start3A_489] : memref<5056x64xi32, #tpu.memory_space<hbm>> -> memref<1x64xi32, #tpu.memory_space<hbm>>
          %dma_start3A_491 = tpu.memref_squeeze %dma_start3A_490 : memref<1x64xi32, #tpu.memory_space<hbm>> -> memref<64xi32, #tpu.memory_space<hbm>>
          tpu.enqueue_dma source(%dma_start3A_491 : memref<64xi32, #tpu.memory_space<hbm>>) target(%dma_start3A_488 : memref<64xi32, #tpu.memory_space<vmem>>) target_semaphore(%dma_start3A_485 : memref<!tpu.dma_semaphore, #tpu.memory_space<semaphore_mem>>)
        } else {
        }
      }
      %scan3A_357 = arith.constant 220 : i32
      %rem3A_358 = arith.constant 218 : i32
      %rem3A_359 = arith.constant 5 : i32
      %rem3A_360 = arith.remsi %rem3A_358, %rem3A_359 : i32
      %rem3A_361 = arith.constant 218 : i32
      %rem3A_362 = arith.constant 8 : i32
      %rem3A_363 = arith.remsi %rem3A_361, %rem3A_362 : i32
      %dma_wait3A_364 = arith.constant 0 : i32
      %dma_wait3A_365 = arith.constant 0 : i32
      %dma_wait3A_366 = tpu.memref_slice %arg9[%rem3A_360, %dma_wait3A_364, %dma_wait3A_365] : memref<5x64x128xf32, #tpu.memory_space<vmem>> -> memref<1x64x128xf32, #tpu.memory_space<vmem>>
      %dma_wait3A_367 = tpu.memref_squeeze %dma_wait3A_366 : memref<1x64x128xf32, #tpu.memory_space<vmem>> -> memref<64x128xf32, #tpu.memory_space<vmem>>
      %dma_wait3A_368 = arith.constant 0 : i32
      %dma_wait3A_369 = tpu.memref_slice %arg8[%rem3A_363, %dma_wait3A_368] : memref<8x64xi32, #tpu.memory_space<vmem>> -> memref<1x64xi32, #tpu.memory_space<vmem>>
      %dma_wait3A_370 = tpu.memref_squeeze %dma_wait3A_369 : memref<1x64xi32, #tpu.memory_space<vmem>> -> memref<64xi32, #tpu.memory_space<vmem>>
      %dma_wait3A_371 = arith.constant 0 : i32
      %dma_wait3A_372 = arith.constant 0 : i32
      %dma_wait3A_373 = tpu.memref_slice %arg10[%dma_wait3A_371, %dma_wait3A_372] : memref<10112x128xf32, #tpu.memory_space<vmem_shared>> -> memref<10112x128xf32, #tpu.memory_space<vmem_shared>>
      %dma_wait3A_374 = tpu.memref_slice %arg14[%rem3A_360] : memref<5x!tpu.dma_semaphore, #tpu.memory_space<semaphore_mem>> -> memref<1x!tpu.dma_semaphore, #tpu.memory_space<semaphore_mem>>
      %dma_wait3A_375 = tpu.memref_squeeze %dma_wait3A_374 : memref<1x!tpu.dma_semaphore, #tpu.memory_space<semaphore_mem>> -> memref<!tpu.dma_semaphore, #tpu.memory_space<semaphore_mem>>
      tpu.wait_indirect_dma semaphore(%dma_wait3A_375 : memref<!tpu.dma_semaphore, #tpu.memory_space<semaphore_mem>>) src(%dma_wait3A_367 : memref<64x128xf32, #tpu.memory_space<vmem>>) dst(%dma_wait3A_373 : memref<10112x128xf32, #tpu.memory_space<vmem_shared>>)
      %rem3A_376 = arith.constant 219 : i32
      %rem3A_377 = arith.constant 5 : i32
      %rem3A_378 = arith.remsi %rem3A_376, %rem3A_377 : i32
      %rem3A_379 = arith.constant 219 : i32
      %rem3A_380 = arith.constant 8 : i32
      %rem3A_381 = arith.remsi %rem3A_379, %rem3A_380 : i32
      %dma_wait3A_382 = arith.constant 0 : i32
      %dma_wait3A_383 = arith.constant 0 : i32
      %dma_wait3A_384 = tpu.memref_slice %arg9[%rem3A_378, %dma_wait3A_382, %dma_wait3A_383] : memref<5x64x128xf32, #tpu.memory_space<vmem>> -> memref<1x64x128xf32, #tpu.memory_space<vmem>>
      %dma_wait3A_385 = tpu.memref_squeeze %dma_wait3A_384 : memref<1x64x128xf32, #tpu.memory_space<vmem>> -> memref<64x128xf32, #tpu.memory_space<vmem>>
      %dma_wait3A_386 = arith.constant 0 : i32
      %dma_wait3A_387 = tpu.memref_slice %arg8[%rem3A_381, %dma_wait3A_386] : memref<8x64xi32, #tpu.memory_space<vmem>> -> memref<1x64xi32, #tpu.memory_space<vmem>>
      %dma_wait3A_388 = tpu.memref_squeeze %dma_wait3A_387 : memref<1x64xi32, #tpu.memory_space<vmem>> -> memref<64xi32, #tpu.memory_space<vmem>>
      %dma_wait3A_389 = arith.constant 0 : i32
      %dma_wait3A_390 = arith.constant 0 : i32
      %dma_wait3A_391 = tpu.memref_slice %arg10[%dma_wait3A_389, %dma_wait3A_390] : memref<10112x128xf32, #tpu.memory_space<vmem_shared>> -> memref<10112x128xf32, #tpu.memory_space<vmem_shared>>
      %dma_wait3A_392 = tpu.memref_slice %arg14[%rem3A_378] : memref<5x!tpu.dma_semaphore, #tpu.memory_space<semaphore_mem>> -> memref<1x!tpu.dma_semaphore, #tpu.memory_space<semaphore_mem>>
      %dma_wait3A_393 = tpu.memref_squeeze %dma_wait3A_392 : memref<1x!tpu.dma_semaphore, #tpu.memory_space<semaphore_mem>> -> memref<!tpu.dma_semaphore, #tpu.memory_space<semaphore_mem>>
      tpu.wait_indirect_dma semaphore(%dma_wait3A_393 : memref<!tpu.dma_semaphore, #tpu.memory_space<semaphore_mem>>) src(%dma_wait3A_385 : memref<64x128xf32, #tpu.memory_space<vmem>>) dst(%dma_wait3A_391 : memref<10112x128xf32, #tpu.memory_space<vmem_shared>>)
    } else {
    }
    %eq3A_3 = arith.constant 1 : i32
    %eq3A_4 = arith.cmpi eq, %arg0, %eq3A_3 : i32
    %convert_element_type3A_5 = arith.extui %eq3A_4 : i1 to i32
    %cond3A_6 = arith.constant 0 : i32
    %cond3A_7 = arith.cmpi ne, %convert_element_type3A_5, %cond3A_6 : i32
    scf.if %cond3A_7 {
      %mul3A_9 = arith.constant 96 : i32
      %mul3A_10 = arith.muli %arg1, %mul3A_9 : i32
      %add3A = arith.constant 3520 : i32
      %add3A_11 = arith.addi %add3A, %mul3A_10 : i32
      %rem3A = arith.constant 0 : i32
      %rem3A_12 = arith.constant 8 : i32
      %rem3A_13 = arith.remsi %rem3A, %rem3A_12 : i32
      %add3A_14 = arith.constant 0 : i32
      %add3A_15 = arith.addi %add3A_11, %add3A_14 : i32
      %dma_start3A = arith.constant 0 : i32
      %dma_start3A_16 = tpu.memref_slice %arg7[%rem3A_13, %dma_start3A] : memref<8x64xi32, #tpu.memory_space<vmem>> -> memref<1x64xi32, #tpu.memory_space<vmem>>
      %dma_start3A_17 = tpu.memref_squeeze %dma_start3A_16 : memref<1x64xi32, #tpu.memory_space<vmem>> -> memref<64xi32, #tpu.memory_space<vmem>>
      %dma_start3A_18 = arith.constant 0 : i32
      %dma_start3A_19 = tpu.memref_slice %arg3[%arg0, %add3A_15, %dma_start3A_18] : memref<2x5056x64xi32, #tpu.memory_space<hbm>> -> memref<1x1x64xi32, #tpu.memory_space<hbm>>
      %dma_start3A_20 = tpu.memref_squeeze %dma_start3A_19 : memref<1x1x64xi32, #tpu.memory_space<hbm>> -> memref<64xi32, #tpu.memory_space<hbm>>
      %dma_start3A_21 = tpu.memref_slice %arg11[%rem3A_13] : memref<8x!tpu.dma_semaphore, #tpu.memory_space<semaphore_mem>> -> memref<1x!tpu.dma_semaphore, #tpu.memory_space<semaphore_mem>>
      %dma_start3A_22 = tpu.memref_squeeze %dma_start3A_21 : memref<1x!tpu.dma_semaphore, #tpu.memory_space<semaphore_mem>> -> memref<!tpu.dma_semaphore, #tpu.memory_space<semaphore_mem>>
      %dma_start3A_23 = arith.constant 0 : i32
      %dma_start3A_24 = tpu.memref_slice %arg7[%rem3A_13, %dma_start3A_23] : memref<8x64xi32, #tpu.memory_space<vmem>> -> memref<1x64xi32, #tpu.memory_space<vmem>>
      %dma_start3A_25 = tpu.memref_squeeze %dma_start3A_24 : memref<1x64xi32, #tpu.memory_space<vmem>> -> memref<64xi32, #tpu.memory_space<vmem>>
      %dma_start3A_26 = arith.constant 0 : i32
      %dma_start3A_27 = tpu.memref_slice %arg3[%arg0, %add3A_15, %dma_start3A_26] : memref<2x5056x64xi32, #tpu.memory_space<hbm>> -> memref<1x1x64xi32, #tpu.memory_space<hbm>>
      %dma_start3A_28 = tpu.memref_squeeze %dma_start3A_27 : memref<1x1x64xi32, #tpu.memory_space<hbm>> -> memref<64xi32, #tpu.memory_space<hbm>>
      tpu.enqueue_dma source(%dma_start3A_28 : memref<64xi32, #tpu.memory_space<hbm>>) target(%dma_start3A_25 : memref<64xi32, #tpu.memory_space<vmem>>) target_semaphore(%dma_start3A_22 : memref<!tpu.dma_semaphore, #tpu.memory_space<semaphore_mem>>)
      %rem3A_29 = arith.constant 0 : i32
      %rem3A_30 = arith.constant 8 : i32
      %rem3A_31 = arith.remsi %rem3A_29, %rem3A_30 : i32
      %add3A_32 = arith.constant 0 : i32
      %add3A_33 = arith.addi %add3A_11, %add3A_32 : i32
      %dma_start3A_34 = arith.constant 0 : i32
      %dma_start3A_35 = tpu.memref_slice %arg8[%rem3A_31, %dma_start3A_34] : memref<8x64xi32, #tpu.memory_space<vmem>> -> memref<1x64xi32, #tpu.memory_space<vmem>>
      %dma_start3A_36 = tpu.memref_squeeze %dma_start3A_35 : memref<1x64xi32, #tpu.memory_space<vmem>> -> memref<64xi32, #tpu.memory_space<vmem>>
      %dma_start3A_37 = arith.constant 0 : i32
      %dma_start3A_38 = tpu.memref_slice %arg4[%add3A_33, %dma_start3A_37] : memref<5056x64xi32, #tpu.memory_space<hbm>> -> memref<1x64xi32, #tpu.memory_space<hbm>>
      %dma_start3A_39 = tpu.memref_squeeze %dma_start3A_38 : memref<1x64xi32, #tpu.memory_space<hbm>> -> memref<64xi32, #tpu.memory_space<hbm>>
      %dma_start3A_40 = tpu.memref_slice %arg12[%rem3A_31] : memref<8x!tpu.dma_semaphore, #tpu.memory_space<semaphore_mem>> -> memref<1x!tpu.dma_semaphore, #tpu.memory_space<semaphore_mem>>
      %dma_start3A_41 = tpu.memref_squeeze %dma_start3A_40 : memref<1x!tpu.dma_semaphore, #tpu.memory_space<semaphore_mem>> -> memref<!tpu.dma_semaphore, #tpu.memory_space<semaphore_mem>>
      %dma_start3A_42 = arith.constant 0 : i32
      %dma_start3A_43 = tpu.memref_slice %arg8[%rem3A_31, %dma_start3A_42] : memref<8x64xi32, #tpu.memory_space<vmem>> -> memref<1x64xi32, #tpu.memory_space<vmem>>
      %dma_start3A_44 = tpu.memref_squeeze %dma_start3A_43 : memref<1x64xi32, #tpu.memory_space<vmem>> -> memref<64xi32, #tpu.memory_space<vmem>>
      %dma_start3A_45 = arith.constant 0 : i32
      %dma_start3A_46 = tpu.memref_slice %arg4[%add3A_33, %dma_start3A_45] : memref<5056x64xi32, #tpu.memory_space<hbm>> -> memref<1x64xi32, #tpu.memory_space<hbm>>
      %dma_start3A_47 = tpu.memref_squeeze %dma_start3A_46 : memref<1x64xi32, #tpu.memory_space<hbm>> -> memref<64xi32, #tpu.memory_space<hbm>>
      tpu.enqueue_dma source(%dma_start3A_47 : memref<64xi32, #tpu.memory_space<hbm>>) target(%dma_start3A_44 : memref<64xi32, #tpu.memory_space<vmem>>) target_semaphore(%dma_start3A_41 : memref<!tpu.dma_semaphore, #tpu.memory_space<semaphore_mem>>)
      %rem3A_48 = arith.constant 1 : i32
      %rem3A_49 = arith.constant 8 : i32
      %rem3A_50 = arith.remsi %rem3A_48, %rem3A_49 : i32
      %add3A_51 = arith.constant 1 : i32
      %add3A_52 = arith.addi %add3A_11, %add3A_51 : i32
      %dma_start3A_53 = arith.constant 0 : i32
      %dma_start3A_54 = tpu.memref_slice %arg7[%rem3A_50, %dma_start3A_53] : memref<8x64xi32, #tpu.memory_space<vmem>> -> memref<1x64xi32, #tpu.memory_space<vmem>>
      %dma_start3A_55 = tpu.memref_squeeze %dma_start3A_54 : memref<1x64xi32, #tpu.memory_space<vmem>> -> memref<64xi32, #tpu.memory_space<vmem>>
      %dma_start3A_56 = arith.constant 0 : i32
      %dma_start3A_57 = tpu.memref_slice %arg3[%arg0, %add3A_52, %dma_start3A_56] : memref<2x5056x64xi32, #tpu.memory_space<hbm>> -> memref<1x1x64xi32, #tpu.memory_space<hbm>>
      %dma_start3A_58 = tpu.memref_squeeze %dma_start3A_57 : memref<1x1x64xi32, #tpu.memory_space<hbm>> -> memref<64xi32, #tpu.memory_space<hbm>>
      %dma_start3A_59 = tpu.memref_slice %arg11[%rem3A_50] : memref<8x!tpu.dma_semaphore, #tpu.memory_space<semaphore_mem>> -> memref<1x!tpu.dma_semaphore, #tpu.memory_space<semaphore_mem>>
      %dma_start3A_60 = tpu.memref_squeeze %dma_start3A_59 : memref<1x!tpu.dma_semaphore, #tpu.memory_space<semaphore_mem>> -> memref<!tpu.dma_semaphore, #tpu.memory_space<semaphore_mem>>
      %dma_start3A_61 = arith.constant 0 : i32
      %dma_start3A_62 = tpu.memref_slice %arg7[%rem3A_50, %dma_start3A_61] : memref<8x64xi32, #tpu.memory_space<vmem>> -> memref<1x64xi32, #tpu.memory_space<vmem>>
      %dma_start3A_63 = tpu.memref_squeeze %dma_start3A_62 : memref<1x64xi32, #tpu.memory_space<vmem>> -> memref<64xi32, #tpu.memory_space<vmem>>
      %dma_start3A_64 = arith.constant 0 : i32
      %dma_start3A_65 = tpu.memref_slice %arg3[%arg0, %add3A_52, %dma_start3A_64] : memref<2x5056x64xi32, #tpu.memory_space<hbm>> -> memref<1x1x64xi32, #tpu.memory_space<hbm>>
      %dma_start3A_66 = tpu.memref_squeeze %dma_start3A_65 : memref<1x1x64xi32, #tpu.memory_space<hbm>> -> memref<64xi32, #tpu.memory_space<hbm>>
      tpu.enqueue_dma source(%dma_start3A_66 : memref<64xi32, #tpu.memory_space<hbm>>) target(%dma_start3A_63 : memref<64xi32, #tpu.memory_space<vmem>>) target_semaphore(%dma_start3A_60 : memref<!tpu.dma_semaphore, #tpu.memory_space<semaphore_mem>>)
      %rem3A_67 = arith.constant 1 : i32
      %rem3A_68 = arith.constant 8 : i32
      %rem3A_69 = arith.remsi %rem3A_67, %rem3A_68 : i32
      %add3A_70 = arith.constant 1 : i32
      %add3A_71 = arith.addi %add3A_11, %add3A_70 : i32
      %dma_start3A_72 = arith.constant 0 : i32
      %dma_start3A_73 = tpu.memref_slice %arg8[%rem3A_69, %dma_start3A_72] : memref<8x64xi32, #tpu.memory_space<vmem>> -> memref<1x64xi32, #tpu.memory_space<vmem>>
      %dma_start3A_74 = tpu.memref_squeeze %dma_start3A_73 : memref<1x64xi32, #tpu.memory_space<vmem>> -> memref<64xi32, #tpu.memory_space<vmem>>
      %dma_start3A_75 = arith.constant 0 : i32
      %dma_start3A_76 = tpu.memref_slice %arg4[%add3A_71, %dma_start3A_75] : memref<5056x64xi32, #tpu.memory_space<hbm>> -> memref<1x64xi32, #tpu.memory_space<hbm>>
      %dma_start3A_77 = tpu.memref_squeeze %dma_start3A_76 : memref<1x64xi32, #tpu.memory_space<hbm>> -> memref<64xi32, #tpu.memory_space<hbm>>
      %dma_start3A_78 = tpu.memref_slice %arg12[%rem3A_69] : memref<8x!tpu.dma_semaphore, #tpu.memory_space<semaphore_mem>> -> memref<1x!tpu.dma_semaphore, #tpu.memory_space<semaphore_mem>>
      %dma_start3A_79 = tpu.memref_squeeze %dma_start3A_78 : memref<1x!tpu.dma_semaphore, #tpu.memory_space<semaphore_mem>> -> memref<!tpu.dma_semaphore, #tpu.memory_space<semaphore_mem>>
      %dma_start3A_80 = arith.constant 0 : i32
      %dma_start3A_81 = tpu.memref_slice %arg8[%rem3A_69, %dma_start3A_80] : memref<8x64xi32, #tpu.memory_space<vmem>> -> memref<1x64xi32, #tpu.memory_space<vmem>>
      %dma_start3A_82 = tpu.memref_squeeze %dma_start3A_81 : memref<1x64xi32, #tpu.memory_space<vmem>> -> memref<64xi32, #tpu.memory_space<vmem>>
      %dma_start3A_83 = arith.constant 0 : i32
      %dma_start3A_84 = tpu.memref_slice %arg4[%add3A_71, %dma_start3A_83] : memref<5056x64xi32, #tpu.memory_space<hbm>> -> memref<1x64xi32, #tpu.memory_space<hbm>>
      %dma_start3A_85 = tpu.memref_squeeze %dma_start3A_84 : memref<1x64xi32, #tpu.memory_space<hbm>> -> memref<64xi32, #tpu.memory_space<hbm>>
      tpu.enqueue_dma source(%dma_start3A_85 : memref<64xi32, #tpu.memory_space<hbm>>) target(%dma_start3A_82 : memref<64xi32, #tpu.memory_space<vmem>>) target_semaphore(%dma_start3A_79 : memref<!tpu.dma_semaphore, #tpu.memory_space<semaphore_mem>>)
      %rem3A_86 = arith.constant 2 : i32
      %rem3A_87 = arith.constant 8 : i32
      %rem3A_88 = arith.remsi %rem3A_86, %rem3A_87 : i32
      %add3A_89 = arith.constant 2 : i32
      %add3A_90 = arith.addi %add3A_11, %add3A_89 : i32
      %dma_start3A_91 = arith.constant 0 : i32
      %dma_start3A_92 = tpu.memref_slice %arg7[%rem3A_88, %dma_start3A_91] : memref<8x64xi32, #tpu.memory_space<vmem>> -> memref<1x64xi32, #tpu.memory_space<vmem>>
      %dma_start3A_93 = tpu.memref_squeeze %dma_start3A_92 : memref<1x64xi32, #tpu.memory_space<vmem>> -> memref<64xi32, #tpu.memory_space<vmem>>
      %dma_start3A_94 = arith.constant 0 : i32
      %dma_start3A_95 = tpu.memref_slice %arg3[%arg0, %add3A_90, %dma_start3A_94] : memref<2x5056x64xi32, #tpu.memory_space<hbm>> -> memref<1x1x64xi32, #tpu.memory_space<hbm>>
      %dma_start3A_96 = tpu.memref_squeeze %dma_start3A_95 : memref<1x1x64xi32, #tpu.memory_space<hbm>> -> memref<64xi32, #tpu.memory_space<hbm>>
      %dma_start3A_97 = tpu.memref_slice %arg11[%rem3A_88] : memref<8x!tpu.dma_semaphore, #tpu.memory_space<semaphore_mem>> -> memref<1x!tpu.dma_semaphore, #tpu.memory_space<semaphore_mem>>
      %dma_start3A_98 = tpu.memref_squeeze %dma_start3A_97 : memref<1x!tpu.dma_semaphore, #tpu.memory_space<semaphore_mem>> -> memref<!tpu.dma_semaphore, #tpu.memory_space<semaphore_mem>>
      %dma_start3A_99 = arith.constant 0 : i32
      %dma_start3A_100 = tpu.memref_slice %arg7[%rem3A_88, %dma_start3A_99] : memref<8x64xi32, #tpu.memory_space<vmem>> -> memref<1x64xi32, #tpu.memory_space<vmem>>
      %dma_start3A_101 = tpu.memref_squeeze %dma_start3A_100 : memref<1x64xi32, #tpu.memory_space<vmem>> -> memref<64xi32, #tpu.memory_space<vmem>>
      %dma_start3A_102 = arith.constant 0 : i32
      %dma_start3A_103 = tpu.memref_slice %arg3[%arg0, %add3A_90, %dma_start3A_102] : memref<2x5056x64xi32, #tpu.memory_space<hbm>> -> memref<1x1x64xi32, #tpu.memory_space<hbm>>
      %dma_start3A_104 = tpu.memref_squeeze %dma_start3A_103 : memref<1x1x64xi32, #tpu.memory_space<hbm>> -> memref<64xi32, #tpu.memory_space<hbm>>
      tpu.enqueue_dma source(%dma_start3A_104 : memref<64xi32, #tpu.memory_space<hbm>>) target(%dma_start3A_101 : memref<64xi32, #tpu.memory_space<vmem>>) target_semaphore(%dma_start3A_98 : memref<!tpu.dma_semaphore, #tpu.memory_space<semaphore_mem>>)
      %rem3A_105 = arith.constant 2 : i32
      %rem3A_106 = arith.constant 8 : i32
      %rem3A_107 = arith.remsi %rem3A_105, %rem3A_106 : i32
      %add3A_108 = arith.constant 2 : i32
      %add3A_109 = arith.addi %add3A_11, %add3A_108 : i32
      %dma_start3A_110 = arith.constant 0 : i32
      %dma_start3A_111 = tpu.memref_slice %arg8[%rem3A_107, %dma_start3A_110] : memref<8x64xi32, #tpu.memory_space<vmem>> -> memref<1x64xi32, #tpu.memory_space<vmem>>
      %dma_start3A_112 = tpu.memref_squeeze %dma_start3A_111 : memref<1x64xi32, #tpu.memory_space<vmem>> -> memref<64xi32, #tpu.memory_space<vmem>>
      %dma_start3A_113 = arith.constant 0 : i32
      %dma_start3A_114 = tpu.memref_slice %arg4[%add3A_109, %dma_start3A_113] : memref<5056x64xi32, #tpu.memory_space<hbm>> -> memref<1x64xi32, #tpu.memory_space<hbm>>
      %dma_start3A_115 = tpu.memref_squeeze %dma_start3A_114 : memref<1x64xi32, #tpu.memory_space<hbm>> -> memref<64xi32, #tpu.memory_space<hbm>>
      %dma_start3A_116 = tpu.memref_slice %arg12[%rem3A_107] : memref<8x!tpu.dma_semaphore, #tpu.memory_space<semaphore_mem>> -> memref<1x!tpu.dma_semaphore, #tpu.memory_space<semaphore_mem>>
      %dma_start3A_117 = tpu.memref_squeeze %dma_start3A_116 : memref<1x!tpu.dma_semaphore, #tpu.memory_space<semaphore_mem>> -> memref<!tpu.dma_semaphore, #tpu.memory_space<semaphore_mem>>
      %dma_start3A_118 = arith.constant 0 : i32
      %dma_start3A_119 = tpu.memref_slice %arg8[%rem3A_107, %dma_start3A_118] : memref<8x64xi32, #tpu.memory_space<vmem>> -> memref<1x64xi32, #tpu.memory_space<vmem>>
      %dma_start3A_120 = tpu.memref_squeeze %dma_start3A_119 : memref<1x64xi32, #tpu.memory_space<vmem>> -> memref<64xi32, #tpu.memory_space<vmem>>
      %dma_start3A_121 = arith.constant 0 : i32
      %dma_start3A_122 = tpu.memref_slice %arg4[%add3A_109, %dma_start3A_121] : memref<5056x64xi32, #tpu.memory_space<hbm>> -> memref<1x64xi32, #tpu.memory_space<hbm>>
      %dma_start3A_123 = tpu.memref_squeeze %dma_start3A_122 : memref<1x64xi32, #tpu.memory_space<hbm>> -> memref<64xi32, #tpu.memory_space<hbm>>
      tpu.enqueue_dma source(%dma_start3A_123 : memref<64xi32, #tpu.memory_space<hbm>>) target(%dma_start3A_120 : memref<64xi32, #tpu.memory_space<vmem>>) target_semaphore(%dma_start3A_117 : memref<!tpu.dma_semaphore, #tpu.memory_space<semaphore_mem>>)
      %rem3A_124 = arith.constant 3 : i32
      %rem3A_125 = arith.constant 8 : i32
      %rem3A_126 = arith.remsi %rem3A_124, %rem3A_125 : i32
      %add3A_127 = arith.constant 3 : i32
      %add3A_128 = arith.addi %add3A_11, %add3A_127 : i32
      %dma_start3A_129 = arith.constant 0 : i32
      %dma_start3A_130 = tpu.memref_slice %arg7[%rem3A_126, %dma_start3A_129] : memref<8x64xi32, #tpu.memory_space<vmem>> -> memref<1x64xi32, #tpu.memory_space<vmem>>
      %dma_start3A_131 = tpu.memref_squeeze %dma_start3A_130 : memref<1x64xi32, #tpu.memory_space<vmem>> -> memref<64xi32, #tpu.memory_space<vmem>>
      %dma_start3A_132 = arith.constant 0 : i32
      %dma_start3A_133 = tpu.memref_slice %arg3[%arg0, %add3A_128, %dma_start3A_132] : memref<2x5056x64xi32, #tpu.memory_space<hbm>> -> memref<1x1x64xi32, #tpu.memory_space<hbm>>
      %dma_start3A_134 = tpu.memref_squeeze %dma_start3A_133 : memref<1x1x64xi32, #tpu.memory_space<hbm>> -> memref<64xi32, #tpu.memory_space<hbm>>
      %dma_start3A_135 = tpu.memref_slice %arg11[%rem3A_126] : memref<8x!tpu.dma_semaphore, #tpu.memory_space<semaphore_mem>> -> memref<1x!tpu.dma_semaphore, #tpu.memory_space<semaphore_mem>>
      %dma_start3A_136 = tpu.memref_squeeze %dma_start3A_135 : memref<1x!tpu.dma_semaphore, #tpu.memory_space<semaphore_mem>> -> memref<!tpu.dma_semaphore, #tpu.memory_space<semaphore_mem>>
      %dma_start3A_137 = arith.constant 0 : i32
      %dma_start3A_138 = tpu.memref_slice %arg7[%rem3A_126, %dma_start3A_137] : memref<8x64xi32, #tpu.memory_space<vmem>> -> memref<1x64xi32, #tpu.memory_space<vmem>>
      %dma_start3A_139 = tpu.memref_squeeze %dma_start3A_138 : memref<1x64xi32, #tpu.memory_space<vmem>> -> memref<64xi32, #tpu.memory_space<vmem>>
      %dma_start3A_140 = arith.constant 0 : i32
      %dma_start3A_141 = tpu.memref_slice %arg3[%arg0, %add3A_128, %dma_start3A_140] : memref<2x5056x64xi32, #tpu.memory_space<hbm>> -> memref<1x1x64xi32, #tpu.memory_space<hbm>>
      %dma_start3A_142 = tpu.memref_squeeze %dma_start3A_141 : memref<1x1x64xi32, #tpu.memory_space<hbm>> -> memref<64xi32, #tpu.memory_space<hbm>>
      tpu.enqueue_dma source(%dma_start3A_142 : memref<64xi32, #tpu.memory_space<hbm>>) target(%dma_start3A_139 : memref<64xi32, #tpu.memory_space<vmem>>) target_semaphore(%dma_start3A_136 : memref<!tpu.dma_semaphore, #tpu.memory_space<semaphore_mem>>)
      %rem3A_143 = arith.constant 3 : i32
      %rem3A_144 = arith.constant 8 : i32
      %rem3A_145 = arith.remsi %rem3A_143, %rem3A_144 : i32
      %add3A_146 = arith.constant 3 : i32
      %add3A_147 = arith.addi %add3A_11, %add3A_146 : i32
      %dma_start3A_148 = arith.constant 0 : i32
      %dma_start3A_149 = tpu.memref_slice %arg8[%rem3A_145, %dma_start3A_148] : memref<8x64xi32, #tpu.memory_space<vmem>> -> memref<1x64xi32, #tpu.memory_space<vmem>>
      %dma_start3A_150 = tpu.memref_squeeze %dma_start3A_149 : memref<1x64xi32, #tpu.memory_space<vmem>> -> memref<64xi32, #tpu.memory_space<vmem>>
      %dma_start3A_151 = arith.constant 0 : i32
      %dma_start3A_152 = tpu.memref_slice %arg4[%add3A_147, %dma_start3A_151] : memref<5056x64xi32, #tpu.memory_space<hbm>> -> memref<1x64xi32, #tpu.memory_space<hbm>>
      %dma_start3A_153 = tpu.memref_squeeze %dma_start3A_152 : memref<1x64xi32, #tpu.memory_space<hbm>> -> memref<64xi32, #tpu.memory_space<hbm>>
      %dma_start3A_154 = tpu.memref_slice %arg12[%rem3A_145] : memref<8x!tpu.dma_semaphore, #tpu.memory_space<semaphore_mem>> -> memref<1x!tpu.dma_semaphore, #tpu.memory_space<semaphore_mem>>
      %dma_start3A_155 = tpu.memref_squeeze %dma_start3A_154 : memref<1x!tpu.dma_semaphore, #tpu.memory_space<semaphore_mem>> -> memref<!tpu.dma_semaphore, #tpu.memory_space<semaphore_mem>>
      %dma_start3A_156 = arith.constant 0 : i32
      %dma_start3A_157 = tpu.memref_slice %arg8[%rem3A_145, %dma_start3A_156] : memref<8x64xi32, #tpu.memory_space<vmem>> -> memref<1x64xi32, #tpu.memory_space<vmem>>
      %dma_start3A_158 = tpu.memref_squeeze %dma_start3A_157 : memref<1x64xi32, #tpu.memory_space<vmem>> -> memref<64xi32, #tpu.memory_space<vmem>>
      %dma_start3A_159 = arith.constant 0 : i32
      %dma_start3A_160 = tpu.memref_slice %arg4[%add3A_147, %dma_start3A_159] : memref<5056x64xi32, #tpu.memory_space<hbm>> -> memref<1x64xi32, #tpu.memory_space<hbm>>
      %dma_start3A_161 = tpu.memref_squeeze %dma_start3A_160 : memref<1x64xi32, #tpu.memory_space<hbm>> -> memref<64xi32, #tpu.memory_space<hbm>>
      tpu.enqueue_dma source(%dma_start3A_161 : memref<64xi32, #tpu.memory_space<hbm>>) target(%dma_start3A_158 : memref<64xi32, #tpu.memory_space<vmem>>) target_semaphore(%dma_start3A_155 : memref<!tpu.dma_semaphore, #tpu.memory_space<semaphore_mem>>)
      %rem3A_162 = arith.constant 0 : i32
      %rem3A_163 = arith.constant 8 : i32
      %rem3A_164 = arith.remsi %rem3A_162, %rem3A_163 : i32
      %add3A_165 = arith.constant 0 : i32
      %add3A_166 = arith.addi %add3A_11, %add3A_165 : i32
      %dma_wait3A = arith.constant 0 : i32
      %dma_wait3A_167 = tpu.memref_slice %arg7[%rem3A_164, %dma_wait3A] : memref<8x64xi32, #tpu.memory_space<vmem>> -> memref<1x64xi32, #tpu.memory_space<vmem>>
      %dma_wait3A_168 = tpu.memref_squeeze %dma_wait3A_167 : memref<1x64xi32, #tpu.memory_space<vmem>> -> memref<64xi32, #tpu.memory_space<vmem>>
      %dma_wait3A_169 = arith.constant 0 : i32
      %dma_wait3A_170 = tpu.memref_slice %arg3[%arg0, %add3A_166, %dma_wait3A_169] : memref<2x5056x64xi32, #tpu.memory_space<hbm>> -> memref<1x1x64xi32, #tpu.memory_space<hbm>>
      %dma_wait3A_171 = tpu.memref_squeeze %dma_wait3A_170 : memref<1x1x64xi32, #tpu.memory_space<hbm>> -> memref<64xi32, #tpu.memory_space<hbm>>
      %dma_wait3A_172 = tpu.memref_slice %arg11[%rem3A_164] : memref<8x!tpu.dma_semaphore, #tpu.memory_space<semaphore_mem>> -> memref<1x!tpu.dma_semaphore, #tpu.memory_space<semaphore_mem>>
      %dma_wait3A_173 = tpu.memref_squeeze %dma_wait3A_172 : memref<1x!tpu.dma_semaphore, #tpu.memory_space<semaphore_mem>> -> memref<!tpu.dma_semaphore, #tpu.memory_space<semaphore_mem>>
      %dma_wait3A_174 = arith.constant 0 : i32
      %dma_wait3A_175 = tpu.memref_slice %arg7[%rem3A_164, %dma_wait3A_174] : memref<8x64xi32, #tpu.memory_space<vmem>> -> memref<1x64xi32, #tpu.memory_space<vmem>>
      %dma_wait3A_176 = tpu.memref_squeeze %dma_wait3A_175 : memref<1x64xi32, #tpu.memory_space<vmem>> -> memref<64xi32, #tpu.memory_space<vmem>>
      %dma_wait3A_177 = arith.constant 0 : i32
      %dma_wait3A_178 = tpu.memref_slice %arg3[%arg0, %add3A_166, %dma_wait3A_177] : memref<2x5056x64xi32, #tpu.memory_space<hbm>> -> memref<1x1x64xi32, #tpu.memory_space<hbm>>
      %dma_wait3A_179 = tpu.memref_squeeze %dma_wait3A_178 : memref<1x1x64xi32, #tpu.memory_space<hbm>> -> memref<64xi32, #tpu.memory_space<hbm>>
      tpu.wait_dma2 semaphore(%dma_wait3A_173 : memref<!tpu.dma_semaphore, #tpu.memory_space<semaphore_mem>>) src(%dma_wait3A_179 : memref<64xi32, #tpu.memory_space<hbm>>) dst(%dma_wait3A_176 : memref<64xi32, #tpu.memory_space<vmem>>)
      %rem3A_180 = arith.constant 0 : i32
      %rem3A_181 = arith.constant 8 : i32
      %rem3A_182 = arith.remsi %rem3A_180, %rem3A_181 : i32
      %add3A_183 = arith.constant 0 : i32
      %add3A_184 = arith.addi %add3A_11, %add3A_183 : i32
      %dma_wait3A_185 = arith.constant 0 : i32
      %dma_wait3A_186 = tpu.memref_slice %arg8[%rem3A_182, %dma_wait3A_185] : memref<8x64xi32, #tpu.memory_space<vmem>> -> memref<1x64xi32, #tpu.memory_space<vmem>>
      %dma_wait3A_187 = tpu.memref_squeeze %dma_wait3A_186 : memref<1x64xi32, #tpu.memory_space<vmem>> -> memref<64xi32, #tpu.memory_space<vmem>>
      %dma_wait3A_188 = arith.constant 0 : i32
      %dma_wait3A_189 = tpu.memref_slice %arg4[%add3A_184, %dma_wait3A_188] : memref<5056x64xi32, #tpu.memory_space<hbm>> -> memref<1x64xi32, #tpu.memory_space<hbm>>
      %dma_wait3A_190 = tpu.memref_squeeze %dma_wait3A_189 : memref<1x64xi32, #tpu.memory_space<hbm>> -> memref<64xi32, #tpu.memory_space<hbm>>
      %dma_wait3A_191 = tpu.memref_slice %arg12[%rem3A_182] : memref<8x!tpu.dma_semaphore, #tpu.memory_space<semaphore_mem>> -> memref<1x!tpu.dma_semaphore, #tpu.memory_space<semaphore_mem>>
      %dma_wait3A_192 = tpu.memref_squeeze %dma_wait3A_191 : memref<1x!tpu.dma_semaphore, #tpu.memory_space<semaphore_mem>> -> memref<!tpu.dma_semaphore, #tpu.memory_space<semaphore_mem>>
      %dma_wait3A_193 = arith.constant 0 : i32
      %dma_wait3A_194 = tpu.memref_slice %arg8[%rem3A_182, %dma_wait3A_193] : memref<8x64xi32, #tpu.memory_space<vmem>> -> memref<1x64xi32, #tpu.memory_space<vmem>>
      %dma_wait3A_195 = tpu.memref_squeeze %dma_wait3A_194 : memref<1x64xi32, #tpu.memory_space<vmem>> -> memref<64xi32, #tpu.memory_space<vmem>>
      %dma_wait3A_196 = arith.constant 0 : i32
      %dma_wait3A_197 = tpu.memref_slice %arg4[%add3A_184, %dma_wait3A_196] : memref<5056x64xi32, #tpu.memory_space<hbm>> -> memref<1x64xi32, #tpu.memory_space<hbm>>
      %dma_wait3A_198 = tpu.memref_squeeze %dma_wait3A_197 : memref<1x64xi32, #tpu.memory_space<hbm>> -> memref<64xi32, #tpu.memory_space<hbm>>
      tpu.wait_dma2 semaphore(%dma_wait3A_192 : memref<!tpu.dma_semaphore, #tpu.memory_space<semaphore_mem>>) src(%dma_wait3A_198 : memref<64xi32, #tpu.memory_space<hbm>>) dst(%dma_wait3A_195 : memref<64xi32, #tpu.memory_space<vmem>>)
      %rem3A_199 = arith.constant 0 : i32
      %rem3A_200 = arith.constant 5 : i32
      %rem3A_201 = arith.remsi %rem3A_199, %rem3A_200 : i32
      %rem3A_202 = arith.constant 0 : i32
      %rem3A_203 = arith.constant 8 : i32
      %rem3A_204 = arith.remsi %rem3A_202, %rem3A_203 : i32
      %dma_start3A_205 = arith.constant 0 : i32
      %dma_start3A_206 = arith.constant 0 : i32
      %dma_start3A_207 = tpu.memref_slice %arg9[%rem3A_201, %dma_start3A_205, %dma_start3A_206] : memref<5x64x128xf32, #tpu.memory_space<vmem>> -> memref<1x64x128xf32, #tpu.memory_space<vmem>>
      %dma_start3A_208 = tpu.memref_squeeze %dma_start3A_207 : memref<1x64x128xf32, #tpu.memory_space<vmem>> -> memref<64x128xf32, #tpu.memory_space<vmem>>
      %dma_start3A_209 = arith.constant 0 : i32
      %dma_start3A_210 = tpu.memref_slice %arg7[%rem3A_204, %dma_start3A_209] : memref<8x64xi32, #tpu.memory_space<vmem>> -> memref<1x64xi32, #tpu.memory_space<vmem>>
      %dma_start3A_211 = tpu.memref_squeeze %dma_start3A_210 : memref<1x64xi32, #tpu.memory_space<vmem>> -> memref<64xi32, #tpu.memory_space<vmem>>
      %dma_start3A_212 = arith.constant 0 : i32
      %dma_start3A_213 = arith.constant 0 : i32
      %dma_start3A_214 = tpu.memref_slice %arg2[%dma_start3A_212, %dma_start3A_213] : memref<20224x128xf32, #tpu.memory_space<hbm>> -> memref<20224x128xf32, #tpu.memory_space<hbm>>
      %dma_start3A_215 = tpu.memref_slice %arg13[%rem3A_201] : memref<5x!tpu.dma_semaphore, #tpu.memory_space<semaphore_mem>> -> memref<1x!tpu.dma_semaphore, #tpu.memory_space<semaphore_mem>>
      %dma_start3A_216 = tpu.memref_squeeze %dma_start3A_215 : memref<1x!tpu.dma_semaphore, #tpu.memory_space<semaphore_mem>> -> memref<!tpu.dma_semaphore, #tpu.memory_space<semaphore_mem>>
      tpu.enqueue_indirect_dma source(%dma_start3A_214 : memref<20224x128xf32, #tpu.memory_space<hbm>>) target(%dma_start3A_208 : memref<64x128xf32, #tpu.memory_space<vmem>>) offsets(%dma_start3A_211 : memref<64xi32, #tpu.memory_space<vmem>>) semaphore(%dma_start3A_216 : memref<!tpu.dma_semaphore, #tpu.memory_space<semaphore_mem>>)
      %rem3A_217 = arith.constant 1 : i32
      %rem3A_218 = arith.constant 8 : i32
      %rem3A_219 = arith.remsi %rem3A_217, %rem3A_218 : i32
      %add3A_220 = arith.constant 1 : i32
      %add3A_221 = arith.addi %add3A_11, %add3A_220 : i32
      %dma_wait3A_222 = arith.constant 0 : i32
      %dma_wait3A_223 = tpu.memref_slice %arg7[%rem3A_219, %dma_wait3A_222] : memref<8x64xi32, #tpu.memory_space<vmem>> -> memref<1x64xi32, #tpu.memory_space<vmem>>
      %dma_wait3A_224 = tpu.memref_squeeze %dma_wait3A_223 : memref<1x64xi32, #tpu.memory_space<vmem>> -> memref<64xi32, #tpu.memory_space<vmem>>
      %dma_wait3A_225 = arith.constant 0 : i32
      %dma_wait3A_226 = tpu.memref_slice %arg3[%arg0, %add3A_221, %dma_wait3A_225] : memref<2x5056x64xi32, #tpu.memory_space<hbm>> -> memref<1x1x64xi32, #tpu.memory_space<hbm>>
      %dma_wait3A_227 = tpu.memref_squeeze %dma_wait3A_226 : memref<1x1x64xi32, #tpu.memory_space<hbm>> -> memref<64xi32, #tpu.memory_space<hbm>>
      %dma_wait3A_228 = tpu.memref_slice %arg11[%rem3A_219] : memref<8x!tpu.dma_semaphore, #tpu.memory_space<semaphore_mem>> -> memref<1x!tpu.dma_semaphore, #tpu.memory_space<semaphore_mem>>
      %dma_wait3A_229 = tpu.memref_squeeze %dma_wait3A_228 : memref<1x!tpu.dma_semaphore, #tpu.memory_space<semaphore_mem>> -> memref<!tpu.dma_semaphore, #tpu.memory_space<semaphore_mem>>
      %dma_wait3A_230 = arith.constant 0 : i32
      %dma_wait3A_231 = tpu.memref_slice %arg7[%rem3A_219, %dma_wait3A_230] : memref<8x64xi32, #tpu.memory_space<vmem>> -> memref<1x64xi32, #tpu.memory_space<vmem>>
      %dma_wait3A_232 = tpu.memref_squeeze %dma_wait3A_231 : memref<1x64xi32, #tpu.memory_space<vmem>> -> memref<64xi32, #tpu.memory_space<vmem>>
      %dma_wait3A_233 = arith.constant 0 : i32
      %dma_wait3A_234 = tpu.memref_slice %arg3[%arg0, %add3A_221, %dma_wait3A_233] : memref<2x5056x64xi32, #tpu.memory_space<hbm>> -> memref<1x1x64xi32, #tpu.memory_space<hbm>>
      %dma_wait3A_235 = tpu.memref_squeeze %dma_wait3A_234 : memref<1x1x64xi32, #tpu.memory_space<hbm>> -> memref<64xi32, #tpu.memory_space<hbm>>
      tpu.wait_dma2 semaphore(%dma_wait3A_229 : memref<!tpu.dma_semaphore, #tpu.memory_space<semaphore_mem>>) src(%dma_wait3A_235 : memref<64xi32, #tpu.memory_space<hbm>>) dst(%dma_wait3A_232 : memref<64xi32, #tpu.memory_space<vmem>>)
      %rem3A_236 = arith.constant 1 : i32
      %rem3A_237 = arith.constant 8 : i32
      %rem3A_238 = arith.remsi %rem3A_236, %rem3A_237 : i32
      %add3A_239 = arith.constant 1 : i32
      %add3A_240 = arith.addi %add3A_11, %add3A_239 : i32
      %dma_wait3A_241 = arith.constant 0 : i32
      %dma_wait3A_242 = tpu.memref_slice %arg8[%rem3A_238, %dma_wait3A_241] : memref<8x64xi32, #tpu.memory_space<vmem>> -> memref<1x64xi32, #tpu.memory_space<vmem>>
      %dma_wait3A_243 = tpu.memref_squeeze %dma_wait3A_242 : memref<1x64xi32, #tpu.memory_space<vmem>> -> memref<64xi32, #tpu.memory_space<vmem>>
      %dma_wait3A_244 = arith.constant 0 : i32
      %dma_wait3A_245 = tpu.memref_slice %arg4[%add3A_240, %dma_wait3A_244] : memref<5056x64xi32, #tpu.memory_space<hbm>> -> memref<1x64xi32, #tpu.memory_space<hbm>>
      %dma_wait3A_246 = tpu.memref_squeeze %dma_wait3A_245 : memref<1x64xi32, #tpu.memory_space<hbm>> -> memref<64xi32, #tpu.memory_space<hbm>>
      %dma_wait3A_247 = tpu.memref_slice %arg12[%rem3A_238] : memref<8x!tpu.dma_semaphore, #tpu.memory_space<semaphore_mem>> -> memref<1x!tpu.dma_semaphore, #tpu.memory_space<semaphore_mem>>
      %dma_wait3A_248 = tpu.memref_squeeze %dma_wait3A_247 : memref<1x!tpu.dma_semaphore, #tpu.memory_space<semaphore_mem>> -> memref<!tpu.dma_semaphore, #tpu.memory_space<semaphore_mem>>
      %dma_wait3A_249 = arith.constant 0 : i32
      %dma_wait3A_250 = tpu.memref_slice %arg8[%rem3A_238, %dma_wait3A_249] : memref<8x64xi32, #tpu.memory_space<vmem>> -> memref<1x64xi32, #tpu.memory_space<vmem>>
      %dma_wait3A_251 = tpu.memref_squeeze %dma_wait3A_250 : memref<1x64xi32, #tpu.memory_space<vmem>> -> memref<64xi32, #tpu.memory_space<vmem>>
      %dma_wait3A_252 = arith.constant 0 : i32
      %dma_wait3A_253 = tpu.memref_slice %arg4[%add3A_240, %dma_wait3A_252] : memref<5056x64xi32, #tpu.memory_space<hbm>> -> memref<1x64xi32, #tpu.memory_space<hbm>>
      %dma_wait3A_254 = tpu.memref_squeeze %dma_wait3A_253 : memref<1x64xi32, #tpu.memory_space<hbm>> -> memref<64xi32, #tpu.memory_space<hbm>>
      tpu.wait_dma2 semaphore(%dma_wait3A_248 : memref<!tpu.dma_semaphore, #tpu.memory_space<semaphore_mem>>) src(%dma_wait3A_254 : memref<64xi32, #tpu.memory_space<hbm>>) dst(%dma_wait3A_251 : memref<64xi32, #tpu.memory_space<vmem>>)
      %rem3A_255 = arith.constant 1 : i32
      %rem3A_256 = arith.constant 5 : i32
      %rem3A_257 = arith.remsi %rem3A_255, %rem3A_256 : i32
      %rem3A_258 = arith.constant 1 : i32
      %rem3A_259 = arith.constant 8 : i32
      %rem3A_260 = arith.remsi %rem3A_258, %rem3A_259 : i32
      %dma_start3A_261 = arith.constant 0 : i32
      %dma_start3A_262 = arith.constant 0 : i32
      %dma_start3A_263 = tpu.memref_slice %arg9[%rem3A_257, %dma_start3A_261, %dma_start3A_262] : memref<5x64x128xf32, #tpu.memory_space<vmem>> -> memref<1x64x128xf32, #tpu.memory_space<vmem>>
      %dma_start3A_264 = tpu.memref_squeeze %dma_start3A_263 : memref<1x64x128xf32, #tpu.memory_space<vmem>> -> memref<64x128xf32, #tpu.memory_space<vmem>>
      %dma_start3A_265 = arith.constant 0 : i32
      %dma_start3A_266 = tpu.memref_slice %arg7[%rem3A_260, %dma_start3A_265] : memref<8x64xi32, #tpu.memory_space<vmem>> -> memref<1x64xi32, #tpu.memory_space<vmem>>
      %dma_start3A_267 = tpu.memref_squeeze %dma_start3A_266 : memref<1x64xi32, #tpu.memory_space<vmem>> -> memref<64xi32, #tpu.memory_space<vmem>>
      %dma_start3A_268 = arith.constant 0 : i32
      %dma_start3A_269 = arith.constant 0 : i32
      %dma_start3A_270 = tpu.memref_slice %arg2[%dma_start3A_268, %dma_start3A_269] : memref<20224x128xf32, #tpu.memory_space<hbm>> -> memref<20224x128xf32, #tpu.memory_space<hbm>>
      %dma_start3A_271 = tpu.memref_slice %arg13[%rem3A_257] : memref<5x!tpu.dma_semaphore, #tpu.memory_space<semaphore_mem>> -> memref<1x!tpu.dma_semaphore, #tpu.memory_space<semaphore_mem>>
      %dma_start3A_272 = tpu.memref_squeeze %dma_start3A_271 : memref<1x!tpu.dma_semaphore, #tpu.memory_space<semaphore_mem>> -> memref<!tpu.dma_semaphore, #tpu.memory_space<semaphore_mem>>
      tpu.enqueue_indirect_dma source(%dma_start3A_270 : memref<20224x128xf32, #tpu.memory_space<hbm>>) target(%dma_start3A_264 : memref<64x128xf32, #tpu.memory_space<vmem>>) offsets(%dma_start3A_267 : memref<64xi32, #tpu.memory_space<vmem>>) semaphore(%dma_start3A_272 : memref<!tpu.dma_semaphore, #tpu.memory_space<semaphore_mem>>)
      %rem3A_273 = arith.constant 2 : i32
      %rem3A_274 = arith.constant 8 : i32
      %rem3A_275 = arith.remsi %rem3A_273, %rem3A_274 : i32
      %add3A_276 = arith.constant 2 : i32
      %add3A_277 = arith.addi %add3A_11, %add3A_276 : i32
      %dma_wait3A_278 = arith.constant 0 : i32
      %dma_wait3A_279 = tpu.memref_slice %arg7[%rem3A_275, %dma_wait3A_278] : memref<8x64xi32, #tpu.memory_space<vmem>> -> memref<1x64xi32, #tpu.memory_space<vmem>>
      %dma_wait3A_280 = tpu.memref_squeeze %dma_wait3A_279 : memref<1x64xi32, #tpu.memory_space<vmem>> -> memref<64xi32, #tpu.memory_space<vmem>>
      %dma_wait3A_281 = arith.constant 0 : i32
      %dma_wait3A_282 = tpu.memref_slice %arg3[%arg0, %add3A_277, %dma_wait3A_281] : memref<2x5056x64xi32, #tpu.memory_space<hbm>> -> memref<1x1x64xi32, #tpu.memory_space<hbm>>
      %dma_wait3A_283 = tpu.memref_squeeze %dma_wait3A_282 : memref<1x1x64xi32, #tpu.memory_space<hbm>> -> memref<64xi32, #tpu.memory_space<hbm>>
      %dma_wait3A_284 = tpu.memref_slice %arg11[%rem3A_275] : memref<8x!tpu.dma_semaphore, #tpu.memory_space<semaphore_mem>> -> memref<1x!tpu.dma_semaphore, #tpu.memory_space<semaphore_mem>>
      %dma_wait3A_285 = tpu.memref_squeeze %dma_wait3A_284 : memref<1x!tpu.dma_semaphore, #tpu.memory_space<semaphore_mem>> -> memref<!tpu.dma_semaphore, #tpu.memory_space<semaphore_mem>>
      %dma_wait3A_286 = arith.constant 0 : i32
      %dma_wait3A_287 = tpu.memref_slice %arg7[%rem3A_275, %dma_wait3A_286] : memref<8x64xi32, #tpu.memory_space<vmem>> -> memref<1x64xi32, #tpu.memory_space<vmem>>
      %dma_wait3A_288 = tpu.memref_squeeze %dma_wait3A_287 : memref<1x64xi32, #tpu.memory_space<vmem>> -> memref<64xi32, #tpu.memory_space<vmem>>
      %dma_wait3A_289 = arith.constant 0 : i32
      %dma_wait3A_290 = tpu.memref_slice %arg3[%arg0, %add3A_277, %dma_wait3A_289] : memref<2x5056x64xi32, #tpu.memory_space<hbm>> -> memref<1x1x64xi32, #tpu.memory_space<hbm>>
      %dma_wait3A_291 = tpu.memref_squeeze %dma_wait3A_290 : memref<1x1x64xi32, #tpu.memory_space<hbm>> -> memref<64xi32, #tpu.memory_space<hbm>>
      tpu.wait_dma2 semaphore(%dma_wait3A_285 : memref<!tpu.dma_semaphore, #tpu.memory_space<semaphore_mem>>) src(%dma_wait3A_291 : memref<64xi32, #tpu.memory_space<hbm>>) dst(%dma_wait3A_288 : memref<64xi32, #tpu.memory_space<vmem>>)
      %rem3A_292 = arith.constant 2 : i32
      %rem3A_293 = arith.constant 8 : i32
      %rem3A_294 = arith.remsi %rem3A_292, %rem3A_293 : i32
      %add3A_295 = arith.constant 2 : i32
      %add3A_296 = arith.addi %add3A_11, %add3A_295 : i32
      %dma_wait3A_297 = arith.constant 0 : i32
      %dma_wait3A_298 = tpu.memref_slice %arg8[%rem3A_294, %dma_wait3A_297] : memref<8x64xi32, #tpu.memory_space<vmem>> -> memref<1x64xi32, #tpu.memory_space<vmem>>
      %dma_wait3A_299 = tpu.memref_squeeze %dma_wait3A_298 : memref<1x64xi32, #tpu.memory_space<vmem>> -> memref<64xi32, #tpu.memory_space<vmem>>
      %dma_wait3A_300 = arith.constant 0 : i32
      %dma_wait3A_301 = tpu.memref_slice %arg4[%add3A_296, %dma_wait3A_300] : memref<5056x64xi32, #tpu.memory_space<hbm>> -> memref<1x64xi32, #tpu.memory_space<hbm>>
      %dma_wait3A_302 = tpu.memref_squeeze %dma_wait3A_301 : memref<1x64xi32, #tpu.memory_space<hbm>> -> memref<64xi32, #tpu.memory_space<hbm>>
      %dma_wait3A_303 = tpu.memref_slice %arg12[%rem3A_294] : memref<8x!tpu.dma_semaphore, #tpu.memory_space<semaphore_mem>> -> memref<1x!tpu.dma_semaphore, #tpu.memory_space<semaphore_mem>>
      %dma_wait3A_304 = tpu.memref_squeeze %dma_wait3A_303 : memref<1x!tpu.dma_semaphore, #tpu.memory_space<semaphore_mem>> -> memref<!tpu.dma_semaphore, #tpu.memory_space<semaphore_mem>>
      %dma_wait3A_305 = arith.constant 0 : i32
      %dma_wait3A_306 = tpu.memref_slice %arg8[%rem3A_294, %dma_wait3A_305] : memref<8x64xi32, #tpu.memory_space<vmem>> -> memref<1x64xi32, #tpu.memory_space<vmem>>
      %dma_wait3A_307 = tpu.memref_squeeze %dma_wait3A_306 : memref<1x64xi32, #tpu.memory_space<vmem>> -> memref<64xi32, #tpu.memory_space<vmem>>
      %dma_wait3A_308 = arith.constant 0 : i32
      %dma_wait3A_309 = tpu.memref_slice %arg4[%add3A_296, %dma_wait3A_308] : memref<5056x64xi32, #tpu.memory_space<hbm>> -> memref<1x64xi32, #tpu.memory_space<hbm>>
      %dma_wait3A_310 = tpu.memref_squeeze %dma_wait3A_309 : memref<1x64xi32, #tpu.memory_space<hbm>> -> memref<64xi32, #tpu.memory_space<hbm>>
      tpu.wait_dma2 semaphore(%dma_wait3A_304 : memref<!tpu.dma_semaphore, #tpu.memory_space<semaphore_mem>>) src(%dma_wait3A_310 : memref<64xi32, #tpu.memory_space<hbm>>) dst(%dma_wait3A_307 : memref<64xi32, #tpu.memory_space<vmem>>)
      %rem3A_311 = arith.constant 2 : i32
      %rem3A_312 = arith.constant 5 : i32
      %rem3A_313 = arith.remsi %rem3A_311, %rem3A_312 : i32
      %rem3A_314 = arith.constant 2 : i32
      %rem3A_315 = arith.constant 8 : i32
      %rem3A_316 = arith.remsi %rem3A_314, %rem3A_315 : i32
      %dma_start3A_317 = arith.constant 0 : i32
      %dma_start3A_318 = arith.constant 0 : i32
      %dma_start3A_319 = tpu.memref_slice %arg9[%rem3A_313, %dma_start3A_317, %dma_start3A_318] : memref<5x64x128xf32, #tpu.memory_space<vmem>> -> memref<1x64x128xf32, #tpu.memory_space<vmem>>
      %dma_start3A_320 = tpu.memref_squeeze %dma_start3A_319 : memref<1x64x128xf32, #tpu.memory_space<vmem>> -> memref<64x128xf32, #tpu.memory_space<vmem>>
      %dma_start3A_321 = arith.constant 0 : i32
      %dma_start3A_322 = tpu.memref_slice %arg7[%rem3A_316, %dma_start3A_321] : memref<8x64xi32, #tpu.memory_space<vmem>> -> memref<1x64xi32, #tpu.memory_space<vmem>>
      %dma_start3A_323 = tpu.memref_squeeze %dma_start3A_322 : memref<1x64xi32, #tpu.memory_space<vmem>> -> memref<64xi32, #tpu.memory_space<vmem>>
      %dma_start3A_324 = arith.constant 0 : i32
      %dma_start3A_325 = arith.constant 0 : i32
      %dma_start3A_326 = tpu.memref_slice %arg2[%dma_start3A_324, %dma_start3A_325] : memref<20224x128xf32, #tpu.memory_space<hbm>> -> memref<20224x128xf32, #tpu.memory_space<hbm>>
      %dma_start3A_327 = tpu.memref_slice %arg13[%rem3A_313] : memref<5x!tpu.dma_semaphore, #tpu.memory_space<semaphore_mem>> -> memref<1x!tpu.dma_semaphore, #tpu.memory_space<semaphore_mem>>
      %dma_start3A_328 = tpu.memref_squeeze %dma_start3A_327 : memref<1x!tpu.dma_semaphore, #tpu.memory_space<semaphore_mem>> -> memref<!tpu.dma_semaphore, #tpu.memory_space<semaphore_mem>>
      tpu.enqueue_indirect_dma source(%dma_start3A_326 : memref<20224x128xf32, #tpu.memory_space<hbm>>) target(%dma_start3A_320 : memref<64x128xf32, #tpu.memory_space<vmem>>) offsets(%dma_start3A_323 : memref<64xi32, #tpu.memory_space<vmem>>) semaphore(%dma_start3A_328 : memref<!tpu.dma_semaphore, #tpu.memory_space<semaphore_mem>>)
      %scan3A = arith.constant 0 : i32
      %scan3A_329 = arith.constant 0 : i32
      %scan3A_330 = arith.constant 96 : i32
      %scan3A_331 = arith.addi %scan3A_329, %scan3A_330 : i32
      %scan3A_332 = arith.constant 1 : i32
      scf.for %scan3A_370 = %scan3A_329 to %scan3A_331 step %scan3A_332  : i32 {
        %ge3A = arith.constant 2 : i32
        %ge3A_371 = arith.cmpi sge, %scan3A_370, %ge3A : i32
        %convert_element_type3A_372 = arith.extui %ge3A_371 : i1 to i32
        %cond3A_373 = arith.constant 0 : i32
        %cond3A_374 = arith.cmpi ne, %convert_element_type3A_372, %cond3A_373 : i32
        scf.if %cond3A_374 {
          %sub3A = arith.constant 2 : i32
          %sub3A_422 = arith.subi %scan3A_370, %sub3A : i32
          %rem3A_423 = arith.constant 5 : i32
          %rem3A_424 = arith.remsi %sub3A_422, %rem3A_423 : i32
          %rem3A_425 = arith.constant 8 : i32
          %rem3A_426 = arith.remsi %sub3A_422, %rem3A_425 : i32
          %dma_wait3A_427 = arith.constant 0 : i32
          %dma_wait3A_428 = arith.constant 0 : i32
          %dma_wait3A_429 = tpu.memref_slice %arg9[%rem3A_424, %dma_wait3A_427, %dma_wait3A_428] : memref<5x64x128xf32, #tpu.memory_space<vmem>> -> memref<1x64x128xf32, #tpu.memory_space<vmem>>
          %dma_wait3A_430 = tpu.memref_squeeze %dma_wait3A_429 : memref<1x64x128xf32, #tpu.memory_space<vmem>> -> memref<64x128xf32, #tpu.memory_space<vmem>>
          %dma_wait3A_431 = arith.constant 0 : i32
          %dma_wait3A_432 = tpu.memref_slice %arg8[%rem3A_426, %dma_wait3A_431] : memref<8x64xi32, #tpu.memory_space<vmem>> -> memref<1x64xi32, #tpu.memory_space<vmem>>
          %dma_wait3A_433 = tpu.memref_squeeze %dma_wait3A_432 : memref<1x64xi32, #tpu.memory_space<vmem>> -> memref<64xi32, #tpu.memory_space<vmem>>
          %dma_wait3A_434 = arith.constant 0 : i32
          %dma_wait3A_435 = arith.constant 0 : i32
          %dma_wait3A_436 = tpu.memref_slice %arg10[%dma_wait3A_434, %dma_wait3A_435] : memref<10112x128xf32, #tpu.memory_space<vmem_shared>> -> memref<10112x128xf32, #tpu.memory_space<vmem_shared>>
          %dma_wait3A_437 = tpu.memref_slice %arg14[%rem3A_424] : memref<5x!tpu.dma_semaphore, #tpu.memory_space<semaphore_mem>> -> memref<1x!tpu.dma_semaphore, #tpu.memory_space<semaphore_mem>>
          %dma_wait3A_438 = tpu.memref_squeeze %dma_wait3A_437 : memref<1x!tpu.dma_semaphore, #tpu.memory_space<semaphore_mem>> -> memref<!tpu.dma_semaphore, #tpu.memory_space<semaphore_mem>>
          tpu.wait_indirect_dma semaphore(%dma_wait3A_438 : memref<!tpu.dma_semaphore, #tpu.memory_space<semaphore_mem>>) src(%dma_wait3A_430 : memref<64x128xf32, #tpu.memory_space<vmem>>) dst(%dma_wait3A_436 : memref<10112x128xf32, #tpu.memory_space<vmem_shared>>)
        } else {
        }
        %rem3A_375 = arith.constant 5 : i32
        %rem3A_376 = arith.remsi %scan3A_370, %rem3A_375 : i32
        %rem3A_377 = arith.constant 8 : i32
        %rem3A_378 = arith.remsi %scan3A_370, %rem3A_377 : i32
        %dma_wait3A_379 = arith.constant 0 : i32
        %dma_wait3A_380 = arith.constant 0 : i32
        %dma_wait3A_381 = tpu.memref_slice %arg9[%rem3A_376, %dma_wait3A_379, %dma_wait3A_380] : memref<5x64x128xf32, #tpu.memory_space<vmem>> -> memref<1x64x128xf32, #tpu.memory_space<vmem>>
        %dma_wait3A_382 = tpu.memref_squeeze %dma_wait3A_381 : memref<1x64x128xf32, #tpu.memory_space<vmem>> -> memref<64x128xf32, #tpu.memory_space<vmem>>
        %dma_wait3A_383 = arith.constant 0 : i32
        %dma_wait3A_384 = tpu.memref_slice %arg7[%rem3A_378, %dma_wait3A_383] : memref<8x64xi32, #tpu.memory_space<vmem>> -> memref<1x64xi32, #tpu.memory_space<vmem>>
        %dma_wait3A_385 = tpu.memref_squeeze %dma_wait3A_384 : memref<1x64xi32, #tpu.memory_space<vmem>> -> memref<64xi32, #tpu.memory_space<vmem>>
        %dma_wait3A_386 = arith.constant 0 : i32
        %dma_wait3A_387 = arith.constant 0 : i32
        %dma_wait3A_388 = tpu.memref_slice %arg2[%dma_wait3A_386, %dma_wait3A_387] : memref<20224x128xf32, #tpu.memory_space<hbm>> -> memref<20224x128xf32, #tpu.memory_space<hbm>>
        %dma_wait3A_389 = tpu.memref_slice %arg13[%rem3A_376] : memref<5x!tpu.dma_semaphore, #tpu.memory_space<semaphore_mem>> -> memref<1x!tpu.dma_semaphore, #tpu.memory_space<semaphore_mem>>
        %dma_wait3A_390 = tpu.memref_squeeze %dma_wait3A_389 : memref<1x!tpu.dma_semaphore, #tpu.memory_space<semaphore_mem>> -> memref<!tpu.dma_semaphore, #tpu.memory_space<semaphore_mem>>
        tpu.wait_indirect_dma semaphore(%dma_wait3A_390 : memref<!tpu.dma_semaphore, #tpu.memory_space<semaphore_mem>>) src(%dma_wait3A_388 : memref<20224x128xf32, #tpu.memory_space<hbm>>) dst(%dma_wait3A_382 : memref<64x128xf32, #tpu.memory_space<vmem>>)
        %rem3A_391 = arith.constant 5 : i32
        %rem3A_392 = arith.remsi %scan3A_370, %rem3A_391 : i32
        %rem3A_393 = arith.constant 8 : i32
        %rem3A_394 = arith.remsi %scan3A_370, %rem3A_393 : i32
        %dma_start3A_395 = arith.constant 0 : i32
        %dma_start3A_396 = arith.constant 0 : i32
        %dma_start3A_397 = tpu.memref_slice %arg9[%rem3A_392, %dma_start3A_395, %dma_start3A_396] : memref<5x64x128xf32, #tpu.memory_space<vmem>> -> memref<1x64x128xf32, #tpu.memory_space<vmem>>
        %dma_start3A_398 = tpu.memref_squeeze %dma_start3A_397 : memref<1x64x128xf32, #tpu.memory_space<vmem>> -> memref<64x128xf32, #tpu.memory_space<vmem>>
        %dma_start3A_399 = arith.constant 0 : i32
        %dma_start3A_400 = tpu.memref_slice %arg8[%rem3A_394, %dma_start3A_399] : memref<8x64xi32, #tpu.memory_space<vmem>> -> memref<1x64xi32, #tpu.memory_space<vmem>>
        %dma_start3A_401 = tpu.memref_squeeze %dma_start3A_400 : memref<1x64xi32, #tpu.memory_space<vmem>> -> memref<64xi32, #tpu.memory_space<vmem>>
        %dma_start3A_402 = arith.constant 0 : i32
        %dma_start3A_403 = arith.constant 0 : i32
        %dma_start3A_404 = tpu.memref_slice %arg10[%dma_start3A_402, %dma_start3A_403] : memref<10112x128xf32, #tpu.memory_space<vmem_shared>> -> memref<10112x128xf32, #tpu.memory_space<vmem_shared>>
        %dma_start3A_405 = tpu.memref_slice %arg14[%rem3A_392] : memref<5x!tpu.dma_semaphore, #tpu.memory_space<semaphore_mem>> -> memref<1x!tpu.dma_semaphore, #tpu.memory_space<semaphore_mem>>
        %dma_start3A_406 = tpu.memref_squeeze %dma_start3A_405 : memref<1x!tpu.dma_semaphore, #tpu.memory_space<semaphore_mem>> -> memref<!tpu.dma_semaphore, #tpu.memory_space<semaphore_mem>>
        tpu.enqueue_indirect_dma source(%dma_start3A_398 : memref<64x128xf32, #tpu.memory_space<vmem>>) target(%dma_start3A_404 : memref<10112x128xf32, #tpu.memory_space<vmem_shared>>) offsets(%dma_start3A_401 : memref<64xi32, #tpu.memory_space<vmem>>) semaphore(%dma_start3A_406 : memref<!tpu.dma_semaphore, #tpu.memory_space<semaphore_mem>>) {add = true}
        %add3A_407 = arith.constant 3 : i32
        %add3A_408 = arith.addi %scan3A_370, %add3A_407 : i32
        %lt3A = arith.constant 96 : i32
        %lt3A_409 = arith.cmpi slt, %add3A_408, %lt3A : i32
        %convert_element_type3A_410 = arith.extui %lt3A_409 : i1 to i32
        %cond3A_411 = arith.constant 0 : i32
        %cond3A_412 = arith.cmpi ne, %convert_element_type3A_410, %cond3A_411 : i32
        scf.if %cond3A_412 {
          %add3A_422 = arith.constant 3 : i32
          %add3A_423 = arith.addi %scan3A_370, %add3A_422 : i32
          %rem3A_424 = arith.constant 8 : i32
          %rem3A_425 = arith.remsi %add3A_423, %rem3A_424 : i32
          %add3A_426 = arith.addi %add3A_11, %add3A_423 : i32
          %dma_wait3A_427 = arith.constant 0 : i32
          %dma_wait3A_428 = tpu.memref_slice %arg7[%rem3A_425, %dma_wait3A_427] : memref<8x64xi32, #tpu.memory_space<vmem>> -> memref<1x64xi32, #tpu.memory_space<vmem>>
          %dma_wait3A_429 = tpu.memref_squeeze %dma_wait3A_428 : memref<1x64xi32, #tpu.memory_space<vmem>> -> memref<64xi32, #tpu.memory_space<vmem>>
          %dma_wait3A_430 = arith.constant 0 : i32
          %dma_wait3A_431 = tpu.memref_slice %arg3[%arg0, %add3A_426, %dma_wait3A_430] : memref<2x5056x64xi32, #tpu.memory_space<hbm>> -> memref<1x1x64xi32, #tpu.memory_space<hbm>>
          %dma_wait3A_432 = tpu.memref_squeeze %dma_wait3A_431 : memref<1x1x64xi32, #tpu.memory_space<hbm>> -> memref<64xi32, #tpu.memory_space<hbm>>
          %dma_wait3A_433 = tpu.memref_slice %arg11[%rem3A_425] : memref<8x!tpu.dma_semaphore, #tpu.memory_space<semaphore_mem>> -> memref<1x!tpu.dma_semaphore, #tpu.memory_space<semaphore_mem>>
          %dma_wait3A_434 = tpu.memref_squeeze %dma_wait3A_433 : memref<1x!tpu.dma_semaphore, #tpu.memory_space<semaphore_mem>> -> memref<!tpu.dma_semaphore, #tpu.memory_space<semaphore_mem>>
          %dma_wait3A_435 = arith.constant 0 : i32
          %dma_wait3A_436 = tpu.memref_slice %arg7[%rem3A_425, %dma_wait3A_435] : memref<8x64xi32, #tpu.memory_space<vmem>> -> memref<1x64xi32, #tpu.memory_space<vmem>>
          %dma_wait3A_437 = tpu.memref_squeeze %dma_wait3A_436 : memref<1x64xi32, #tpu.memory_space<vmem>> -> memref<64xi32, #tpu.memory_space<vmem>>
          %dma_wait3A_438 = arith.constant 0 : i32
          %dma_wait3A_439 = tpu.memref_slice %arg3[%arg0, %add3A_426, %dma_wait3A_438] : memref<2x5056x64xi32, #tpu.memory_space<hbm>> -> memref<1x1x64xi32, #tpu.memory_space<hbm>>
          %dma_wait3A_440 = tpu.memref_squeeze %dma_wait3A_439 : memref<1x1x64xi32, #tpu.memory_space<hbm>> -> memref<64xi32, #tpu.memory_space<hbm>>
          tpu.wait_dma2 semaphore(%dma_wait3A_434 : memref<!tpu.dma_semaphore, #tpu.memory_space<semaphore_mem>>) src(%dma_wait3A_440 : memref<64xi32, #tpu.memory_space<hbm>>) dst(%dma_wait3A_437 : memref<64xi32, #tpu.memory_space<vmem>>)
          %add3A_441 = arith.constant 3 : i32
          %add3A_442 = arith.addi %scan3A_370, %add3A_441 : i32
          %rem3A_443 = arith.constant 8 : i32
          %rem3A_444 = arith.remsi %add3A_442, %rem3A_443 : i32
          %add3A_445 = arith.addi %add3A_11, %add3A_442 : i32
          %dma_wait3A_446 = arith.constant 0 : i32
          %dma_wait3A_447 = tpu.memref_slice %arg8[%rem3A_444, %dma_wait3A_446] : memref<8x64xi32, #tpu.memory_space<vmem>> -> memref<1x64xi32, #tpu.memory_space<vmem>>
          %dma_wait3A_448 = tpu.memref_squeeze %dma_wait3A_447 : memref<1x64xi32, #tpu.memory_space<vmem>> -> memref<64xi32, #tpu.memory_space<vmem>>
          %dma_wait3A_449 = arith.constant 0 : i32
          %dma_wait3A_450 = tpu.memref_slice %arg4[%add3A_445, %dma_wait3A_449] : memref<5056x64xi32, #tpu.memory_space<hbm>> -> memref<1x64xi32, #tpu.memory_space<hbm>>
          %dma_wait3A_451 = tpu.memref_squeeze %dma_wait3A_450 : memref<1x64xi32, #tpu.memory_space<hbm>> -> memref<64xi32, #tpu.memory_space<hbm>>
          %dma_wait3A_452 = tpu.memref_slice %arg12[%rem3A_444] : memref<8x!tpu.dma_semaphore, #tpu.memory_space<semaphore_mem>> -> memref<1x!tpu.dma_semaphore, #tpu.memory_space<semaphore_mem>>
          %dma_wait3A_453 = tpu.memref_squeeze %dma_wait3A_452 : memref<1x!tpu.dma_semaphore, #tpu.memory_space<semaphore_mem>> -> memref<!tpu.dma_semaphore, #tpu.memory_space<semaphore_mem>>
          %dma_wait3A_454 = arith.constant 0 : i32
          %dma_wait3A_455 = tpu.memref_slice %arg8[%rem3A_444, %dma_wait3A_454] : memref<8x64xi32, #tpu.memory_space<vmem>> -> memref<1x64xi32, #tpu.memory_space<vmem>>
          %dma_wait3A_456 = tpu.memref_squeeze %dma_wait3A_455 : memref<1x64xi32, #tpu.memory_space<vmem>> -> memref<64xi32, #tpu.memory_space<vmem>>
          %dma_wait3A_457 = arith.constant 0 : i32
          %dma_wait3A_458 = tpu.memref_slice %arg4[%add3A_445, %dma_wait3A_457] : memref<5056x64xi32, #tpu.memory_space<hbm>> -> memref<1x64xi32, #tpu.memory_space<hbm>>
          %dma_wait3A_459 = tpu.memref_squeeze %dma_wait3A_458 : memref<1x64xi32, #tpu.memory_space<hbm>> -> memref<64xi32, #tpu.memory_space<hbm>>
          tpu.wait_dma2 semaphore(%dma_wait3A_453 : memref<!tpu.dma_semaphore, #tpu.memory_space<semaphore_mem>>) src(%dma_wait3A_459 : memref<64xi32, #tpu.memory_space<hbm>>) dst(%dma_wait3A_456 : memref<64xi32, #tpu.memory_space<vmem>>)
          %add3A_460 = arith.constant 3 : i32
          %add3A_461 = arith.addi %scan3A_370, %add3A_460 : i32
          %rem3A_462 = arith.constant 5 : i32
          %rem3A_463 = arith.remsi %add3A_461, %rem3A_462 : i32
          %rem3A_464 = arith.constant 8 : i32
          %rem3A_465 = arith.remsi %add3A_461, %rem3A_464 : i32
          %dma_start3A_466 = arith.constant 0 : i32
          %dma_start3A_467 = arith.constant 0 : i32
          %dma_start3A_468 = tpu.memref_slice %arg9[%rem3A_463, %dma_start3A_466, %dma_start3A_467] : memref<5x64x128xf32, #tpu.memory_space<vmem>> -> memref<1x64x128xf32, #tpu.memory_space<vmem>>
          %dma_start3A_469 = tpu.memref_squeeze %dma_start3A_468 : memref<1x64x128xf32, #tpu.memory_space<vmem>> -> memref<64x128xf32, #tpu.memory_space<vmem>>
          %dma_start3A_470 = arith.constant 0 : i32
          %dma_start3A_471 = tpu.memref_slice %arg7[%rem3A_465, %dma_start3A_470] : memref<8x64xi32, #tpu.memory_space<vmem>> -> memref<1x64xi32, #tpu.memory_space<vmem>>
          %dma_start3A_472 = tpu.memref_squeeze %dma_start3A_471 : memref<1x64xi32, #tpu.memory_space<vmem>> -> memref<64xi32, #tpu.memory_space<vmem>>
          %dma_start3A_473 = arith.constant 0 : i32
          %dma_start3A_474 = arith.constant 0 : i32
          %dma_start3A_475 = tpu.memref_slice %arg2[%dma_start3A_473, %dma_start3A_474] : memref<20224x128xf32, #tpu.memory_space<hbm>> -> memref<20224x128xf32, #tpu.memory_space<hbm>>
          %dma_start3A_476 = tpu.memref_slice %arg13[%rem3A_463] : memref<5x!tpu.dma_semaphore, #tpu.memory_space<semaphore_mem>> -> memref<1x!tpu.dma_semaphore, #tpu.memory_space<semaphore_mem>>
          %dma_start3A_477 = tpu.memref_squeeze %dma_start3A_476 : memref<1x!tpu.dma_semaphore, #tpu.memory_space<semaphore_mem>> -> memref<!tpu.dma_semaphore, #tpu.memory_space<semaphore_mem>>
          tpu.enqueue_indirect_dma source(%dma_start3A_475 : memref<20224x128xf32, #tpu.memory_space<hbm>>) target(%dma_start3A_469 : memref<64x128xf32, #tpu.memory_space<vmem>>) offsets(%dma_start3A_472 : memref<64xi32, #tpu.memory_space<vmem>>) semaphore(%dma_start3A_477 : memref<!tpu.dma_semaphore, #tpu.memory_space<semaphore_mem>>)
        } else {
        }
        %add3A_413 = arith.constant 3 : i32
        %add3A_414 = arith.addi %scan3A_370, %add3A_413 : i32
        %add3A_415 = arith.constant 1 : i32
        %add3A_416 = arith.addi %add3A_414, %add3A_415 : i32
        %lt3A_417 = arith.constant 96 : i32
        %lt3A_418 = arith.cmpi slt, %add3A_416, %lt3A_417 : i32
        %convert_element_type3A_419 = arith.extui %lt3A_418 : i1 to i32
        %cond3A_420 = arith.constant 0 : i32
        %cond3A_421 = arith.cmpi ne, %convert_element_type3A_419, %cond3A_420 : i32
        scf.if %cond3A_421 {
          %add3A_422 = arith.constant 3 : i32
          %add3A_423 = arith.addi %scan3A_370, %add3A_422 : i32
          %add3A_424 = arith.constant 1 : i32
          %add3A_425 = arith.addi %add3A_423, %add3A_424 : i32
          %rem3A_426 = arith.constant 8 : i32
          %rem3A_427 = arith.remsi %add3A_425, %rem3A_426 : i32
          %add3A_428 = arith.addi %add3A_11, %add3A_425 : i32
          %dma_start3A_429 = arith.constant 0 : i32
          %dma_start3A_430 = tpu.memref_slice %arg7[%rem3A_427, %dma_start3A_429] : memref<8x64xi32, #tpu.memory_space<vmem>> -> memref<1x64xi32, #tpu.memory_space<vmem>>
          %dma_start3A_431 = tpu.memref_squeeze %dma_start3A_430 : memref<1x64xi32, #tpu.memory_space<vmem>> -> memref<64xi32, #tpu.memory_space<vmem>>
          %dma_start3A_432 = arith.constant 0 : i32
          %dma_start3A_433 = tpu.memref_slice %arg3[%arg0, %add3A_428, %dma_start3A_432] : memref<2x5056x64xi32, #tpu.memory_space<hbm>> -> memref<1x1x64xi32, #tpu.memory_space<hbm>>
          %dma_start3A_434 = tpu.memref_squeeze %dma_start3A_433 : memref<1x1x64xi32, #tpu.memory_space<hbm>> -> memref<64xi32, #tpu.memory_space<hbm>>
          %dma_start3A_435 = tpu.memref_slice %arg11[%rem3A_427] : memref<8x!tpu.dma_semaphore, #tpu.memory_space<semaphore_mem>> -> memref<1x!tpu.dma_semaphore, #tpu.memory_space<semaphore_mem>>
          %dma_start3A_436 = tpu.memref_squeeze %dma_start3A_435 : memref<1x!tpu.dma_semaphore, #tpu.memory_space<semaphore_mem>> -> memref<!tpu.dma_semaphore, #tpu.memory_space<semaphore_mem>>
          %dma_start3A_437 = arith.constant 0 : i32
          %dma_start3A_438 = tpu.memref_slice %arg7[%rem3A_427, %dma_start3A_437] : memref<8x64xi32, #tpu.memory_space<vmem>> -> memref<1x64xi32, #tpu.memory_space<vmem>>
          %dma_start3A_439 = tpu.memref_squeeze %dma_start3A_438 : memref<1x64xi32, #tpu.memory_space<vmem>> -> memref<64xi32, #tpu.memory_space<vmem>>
          %dma_start3A_440 = arith.constant 0 : i32
          %dma_start3A_441 = tpu.memref_slice %arg3[%arg0, %add3A_428, %dma_start3A_440] : memref<2x5056x64xi32, #tpu.memory_space<hbm>> -> memref<1x1x64xi32, #tpu.memory_space<hbm>>
          %dma_start3A_442 = tpu.memref_squeeze %dma_start3A_441 : memref<1x1x64xi32, #tpu.memory_space<hbm>> -> memref<64xi32, #tpu.memory_space<hbm>>
          tpu.enqueue_dma source(%dma_start3A_442 : memref<64xi32, #tpu.memory_space<hbm>>) target(%dma_start3A_439 : memref<64xi32, #tpu.memory_space<vmem>>) target_semaphore(%dma_start3A_436 : memref<!tpu.dma_semaphore, #tpu.memory_space<semaphore_mem>>)
          %add3A_443 = arith.constant 3 : i32
          %add3A_444 = arith.addi %scan3A_370, %add3A_443 : i32
          %add3A_445 = arith.constant 1 : i32
          %add3A_446 = arith.addi %add3A_444, %add3A_445 : i32
          %rem3A_447 = arith.constant 8 : i32
          %rem3A_448 = arith.remsi %add3A_446, %rem3A_447 : i32
          %add3A_449 = arith.addi %add3A_11, %add3A_446 : i32
          %dma_start3A_450 = arith.constant 0 : i32
          %dma_start3A_451 = tpu.memref_slice %arg8[%rem3A_448, %dma_start3A_450] : memref<8x64xi32, #tpu.memory_space<vmem>> -> memref<1x64xi32, #tpu.memory_space<vmem>>
          %dma_start3A_452 = tpu.memref_squeeze %dma_start3A_451 : memref<1x64xi32, #tpu.memory_space<vmem>> -> memref<64xi32, #tpu.memory_space<vmem>>
          %dma_start3A_453 = arith.constant 0 : i32
          %dma_start3A_454 = tpu.memref_slice %arg4[%add3A_449, %dma_start3A_453] : memref<5056x64xi32, #tpu.memory_space<hbm>> -> memref<1x64xi32, #tpu.memory_space<hbm>>
          %dma_start3A_455 = tpu.memref_squeeze %dma_start3A_454 : memref<1x64xi32, #tpu.memory_space<hbm>> -> memref<64xi32, #tpu.memory_space<hbm>>
          %dma_start3A_456 = tpu.memref_slice %arg12[%rem3A_448] : memref<8x!tpu.dma_semaphore, #tpu.memory_space<semaphore_mem>> -> memref<1x!tpu.dma_semaphore, #tpu.memory_space<semaphore_mem>>
          %dma_start3A_457 = tpu.memref_squeeze %dma_start3A_456 : memref<1x!tpu.dma_semaphore, #tpu.memory_space<semaphore_mem>> -> memref<!tpu.dma_semaphore, #tpu.memory_space<semaphore_mem>>
          %dma_start3A_458 = arith.constant 0 : i32
          %dma_start3A_459 = tpu.memref_slice %arg8[%rem3A_448, %dma_start3A_458] : memref<8x64xi32, #tpu.memory_space<vmem>> -> memref<1x64xi32, #tpu.memory_space<vmem>>
          %dma_start3A_460 = tpu.memref_squeeze %dma_start3A_459 : memref<1x64xi32, #tpu.memory_space<vmem>> -> memref<64xi32, #tpu.memory_space<vmem>>
          %dma_start3A_461 = arith.constant 0 : i32
          %dma_start3A_462 = tpu.memref_slice %arg4[%add3A_449, %dma_start3A_461] : memref<5056x64xi32, #tpu.memory_space<hbm>> -> memref<1x64xi32, #tpu.memory_space<hbm>>
          %dma_start3A_463 = tpu.memref_squeeze %dma_start3A_462 : memref<1x64xi32, #tpu.memory_space<hbm>> -> memref<64xi32, #tpu.memory_space<hbm>>
          tpu.enqueue_dma source(%dma_start3A_463 : memref<64xi32, #tpu.memory_space<hbm>>) target(%dma_start3A_460 : memref<64xi32, #tpu.memory_space<vmem>>) target_semaphore(%dma_start3A_457 : memref<!tpu.dma_semaphore, #tpu.memory_space<semaphore_mem>>)
        } else {
        }
      }
      %scan3A_333 = arith.constant 96 : i32
      %rem3A_334 = arith.constant 94 : i32
      %rem3A_335 = arith.constant 5 : i32
      %rem3A_336 = arith.remsi %rem3A_334, %rem3A_335 : i32
      %rem3A_337 = arith.constant 94 : i32
      %rem3A_338 = arith.constant 8 : i32
      %rem3A_339 = arith.remsi %rem3A_337, %rem3A_338 : i32
      %dma_wait3A_340 = arith.constant 0 : i32
      %dma_wait3A_341 = arith.constant 0 : i32
      %dma_wait3A_342 = tpu.memref_slice %arg9[%rem3A_336, %dma_wait3A_340, %dma_wait3A_341] : memref<5x64x128xf32, #tpu.memory_space<vmem>> -> memref<1x64x128xf32, #tpu.memory_space<vmem>>
      %dma_wait3A_343 = tpu.memref_squeeze %dma_wait3A_342 : memref<1x64x128xf32, #tpu.memory_space<vmem>> -> memref<64x128xf32, #tpu.memory_space<vmem>>
      %dma_wait3A_344 = arith.constant 0 : i32
      %dma_wait3A_345 = tpu.memref_slice %arg8[%rem3A_339, %dma_wait3A_344] : memref<8x64xi32, #tpu.memory_space<vmem>> -> memref<1x64xi32, #tpu.memory_space<vmem>>
      %dma_wait3A_346 = tpu.memref_squeeze %dma_wait3A_345 : memref<1x64xi32, #tpu.memory_space<vmem>> -> memref<64xi32, #tpu.memory_space<vmem>>
      %dma_wait3A_347 = arith.constant 0 : i32
      %dma_wait3A_348 = arith.constant 0 : i32
      %dma_wait3A_349 = tpu.memref_slice %arg10[%dma_wait3A_347, %dma_wait3A_348] : memref<10112x128xf32, #tpu.memory_space<vmem_shared>> -> memref<10112x128xf32, #tpu.memory_space<vmem_shared>>
      %dma_wait3A_350 = tpu.memref_slice %arg14[%rem3A_336] : memref<5x!tpu.dma_semaphore, #tpu.memory_space<semaphore_mem>> -> memref<1x!tpu.dma_semaphore, #tpu.memory_space<semaphore_mem>>
      %dma_wait3A_351 = tpu.memref_squeeze %dma_wait3A_350 : memref<1x!tpu.dma_semaphore, #tpu.memory_space<semaphore_mem>> -> memref<!tpu.dma_semaphore, #tpu.memory_space<semaphore_mem>>
      tpu.wait_indirect_dma semaphore(%dma_wait3A_351 : memref<!tpu.dma_semaphore, #tpu.memory_space<semaphore_mem>>) src(%dma_wait3A_343 : memref<64x128xf32, #tpu.memory_space<vmem>>) dst(%dma_wait3A_349 : memref<10112x128xf32, #tpu.memory_space<vmem_shared>>)
      %rem3A_352 = arith.constant 95 : i32
      %rem3A_353 = arith.constant 5 : i32
      %rem3A_354 = arith.remsi %rem3A_352, %rem3A_353 : i32
      %rem3A_355 = arith.constant 95 : i32
      %rem3A_356 = arith.constant 8 : i32
      %rem3A_357 = arith.remsi %rem3A_355, %rem3A_356 : i32
      %dma_wait3A_358 = arith.constant 0 : i32
      %dma_wait3A_359 = arith.constant 0 : i32
      %dma_wait3A_360 = tpu.memref_slice %arg9[%rem3A_354, %dma_wait3A_358, %dma_wait3A_359] : memref<5x64x128xf32, #tpu.memory_space<vmem>> -> memref<1x64x128xf32, #tpu.memory_space<vmem>>
      %dma_wait3A_361 = tpu.memref_squeeze %dma_wait3A_360 : memref<1x64x128xf32, #tpu.memory_space<vmem>> -> memref<64x128xf32, #tpu.memory_space<vmem>>
      %dma_wait3A_362 = arith.constant 0 : i32
      %dma_wait3A_363 = tpu.memref_slice %arg8[%rem3A_357, %dma_wait3A_362] : memref<8x64xi32, #tpu.memory_space<vmem>> -> memref<1x64xi32, #tpu.memory_space<vmem>>
      %dma_wait3A_364 = tpu.memref_squeeze %dma_wait3A_363 : memref<1x64xi32, #tpu.memory_space<vmem>> -> memref<64xi32, #tpu.memory_space<vmem>>
      %dma_wait3A_365 = arith.constant 0 : i32
      %dma_wait3A_366 = arith.constant 0 : i32
      %dma_wait3A_367 = tpu.memref_slice %arg10[%dma_wait3A_365, %dma_wait3A_366] : memref<10112x128xf32, #tpu.memory_space<vmem_shared>> -> memref<10112x128xf32, #tpu.memory_space<vmem_shared>>
      %dma_wait3A_368 = tpu.memref_slice %arg14[%rem3A_354] : memref<5x!tpu.dma_semaphore, #tpu.memory_space<semaphore_mem>> -> memref<1x!tpu.dma_semaphore, #tpu.memory_space<semaphore_mem>>
      %dma_wait3A_369 = tpu.memref_squeeze %dma_wait3A_368 : memref<1x!tpu.dma_semaphore, #tpu.memory_space<semaphore_mem>> -> memref<!tpu.dma_semaphore, #tpu.memory_space<semaphore_mem>>
      tpu.wait_indirect_dma semaphore(%dma_wait3A_369 : memref<!tpu.dma_semaphore, #tpu.memory_space<semaphore_mem>>) src(%dma_wait3A_361 : memref<64x128xf32, #tpu.memory_space<vmem>>) dst(%dma_wait3A_367 : memref<10112x128xf32, #tpu.memory_space<vmem_shared>>)
    } else {
    }
    %barrier3A_8 = arith.constant 0 : index
    tpu.barrier barrier_id(%barrier3A_8)
    "tpu.region"() ({
      %run_scoped3A = tpu.sem_alloc : memref<!tpu.dma_semaphore, #tpu.memory_space<semaphore_mem>>
      %dma_start3A = arith.constant 0 : i32
      %dma_start3A_9 = tpu.memref_slice %arg6[%arg0, %mul3A_0, %dma_start3A] : memref<2x10112x128xf32, #tpu.memory_space<hbm>> -> memref<1x632x128xf32, #tpu.memory_space<hbm>>
      %dma_start3A_10 = tpu.memref_squeeze %dma_start3A_9 : memref<1x632x128xf32, #tpu.memory_space<hbm>> -> memref<632x128xf32, #tpu.memory_space<hbm>>
      %dma_start3A_11 = arith.constant 0 : i32
      %dma_start3A_12 = tpu.memref_slice %arg10[%mul3A_0, %dma_start3A_11] : memref<10112x128xf32, #tpu.memory_space<vmem_shared>> -> memref<632x128xf32, #tpu.memory_space<vmem_shared>>
      tpu.enqueue_dma source(%dma_start3A_12 : memref<632x128xf32, #tpu.memory_space<vmem_shared>>) target(%dma_start3A_10 : memref<632x128xf32, #tpu.memory_space<hbm>>) target_semaphore(%run_scoped3A : memref<!tpu.dma_semaphore, #tpu.memory_space<semaphore_mem>>)
      %dma_wait3A = arith.constant 0 : i32
      %dma_wait3A_13 = tpu.memref_slice %arg6[%arg0, %mul3A_0, %dma_wait3A] : memref<2x10112x128xf32, #tpu.memory_space<hbm>> -> memref<1x632x128xf32, #tpu.memory_space<hbm>>
      %dma_wait3A_14 = tpu.memref_squeeze %dma_wait3A_13 : memref<1x632x128xf32, #tpu.memory_space<hbm>> -> memref<632x128xf32, #tpu.memory_space<hbm>>
      %dma_wait3A_15 = arith.constant 0 : i32
      %dma_wait3A_16 = tpu.memref_slice %arg10[%mul3A_0, %dma_wait3A_15] : memref<10112x128xf32, #tpu.memory_space<vmem_shared>> -> memref<632x128xf32, #tpu.memory_space<vmem_shared>>
      tpu.wait_dma2 semaphore(%run_scoped3A : memref<!tpu.dma_semaphore, #tpu.memory_space<semaphore_mem>>) src(%dma_wait3A_16 : memref<632x128xf32, #tpu.memory_space<vmem_shared>>) dst(%dma_wait3A_14 : memref<632x128xf32, #tpu.memory_space<hbm>>)
      tpu.yield
    }) : () -> ()
    return
  }
}

module attributes {stable_mosaic.version = 14 : i64} {
  func.func @_mm1_body(%arg0: i32, %arg1: memref<1264x128xf32, #tpu.memory_space<vmem>>, %arg2: memref<128x256xf32, #tpu.memory_space<vmem>>, %arg3: memref<2x1264x1xf32, #tpu.memory_space<vmem>>, %arg4: memref<2x1264x128xf32, #tpu.memory_space<vmem>>, %arg5: memref<1264x1xf32, #tpu.memory_space<vmem>>) attributes {dimension_semantics = [#tpu.dimension_semantics<arbitrary>], iteration_bounds = array<i64: 8>, scalar_prefetch = 0 : i64, scratch_operands = 0 : i64, tpu.core_type = #tpu.core_type<tc>, window_params = [{transform_indices = @transform_0, window_bounds = array<i64: 1264, 128>}, {pipeline_mode = #tpu.pipeline_mode<synchronous>, transform_indices = @transform_1, window_bounds = array<i64: 128, 256>}, {transform_indices = @transform_2, window_bounds = array<i64: 2, 1264, 1>}, {transform_indices = @transform_3, window_bounds = array<i64: 2, 1264, 128>}, {transform_indices = @transform_4, window_bounds = array<i64: 1264, 1>}]} {
    %get3A = arith.constant 0 : index
    %get3A_0 = arith.constant 0 : index
    %get3A_1 = arith.constant 0 : index
    %get3A_2 = vector.load %arg3[%get3A, %get3A_0, %get3A_1] : memref<2x1264x1xf32, #tpu.memory_space<vmem>>, vector<1x1264x1xf32>
    %get3A_3 = vector.shape_cast %get3A_2 : vector<1x1264x1xf32> to vector<1264x1xf32>
    %get3A_4 = arith.constant 1 : index
    %get3A_5 = arith.constant 0 : index
    %get3A_6 = arith.constant 0 : index
    %get3A_7 = vector.load %arg3[%get3A_4, %get3A_5, %get3A_6] : memref<2x1264x1xf32, #tpu.memory_space<vmem>>, vector<1x1264x1xf32>
    %get3A_8 = vector.shape_cast %get3A_7 : vector<1x1264x1xf32> to vector<1264x1xf32>
    %add3A = arith.addf %get3A_3, %get3A_8 : vector<1264x1xf32>
    %add3A_9 = arith.constant 1.000000e+00 : f32
    %add3A_10 = vector.broadcast %add3A_9 : f32 to vector<1264x1xf32>
    %add3A_11 = arith.addf %add3A, %add3A_10 : vector<1264x1xf32>
    %rsqrt3A = math.rsqrt %add3A_11 : vector<1264x1xf32>
    %get3A_12 = arith.constant 0 : index
    %get3A_13 = arith.constant 0 : index
    %get3A_14 = vector.load %arg1[%get3A_12, %get3A_13] : memref<1264x128xf32, #tpu.memory_space<vmem>>, vector<1264x128xf32>
    %get3A_15 = arith.constant 0 : index
    %get3A_16 = arith.constant 0 : index
    %get3A_17 = vector.load %arg2[%get3A_15, %get3A_16] : memref<128x256xf32, #tpu.memory_space<vmem>>, vector<128x256xf32>
    %dot_general3A = arith.constant dense<0.000000e+00> : vector<1264x256xf32>
    %dot_general3A_18 = tpu.matmul %get3A_14, %get3A_17, %dot_general3A {dimension_numbers = #tpu.dot_dimension_numbers<[1], [0], [0], [1], [0, 0, 1, 1], [], []>, transpose_lhs_hint = false} : vector<1264x128xf32>, vector<128x256xf32>, vector<1264x256xf32> -> vector<1264x256xf32>
    %mul3A = vector.broadcast %rsqrt3A : vector<1264x1xf32> to vector<1264x256xf32>
    %mul3A_19 = arith.mulf %dot_general3A_18, %mul3A : vector<1264x256xf32>
    %slice3A = vector.extract_strided_slice %mul3A_19 {offsets = [0, 0], sizes = [1264, 128], strides = [1, 1]} : vector<1264x256xf32> to vector<1264x128xf32>
    %swap3A = arith.constant 0 : index
    %swap3A_20 = arith.constant 0 : index
    %swap3A_21 = arith.constant 0 : index
    %swap3A_22 = vector.load %arg4[%swap3A, %swap3A_20, %swap3A_21] : memref<2x1264x128xf32, #tpu.memory_space<vmem>>, vector<1x1264x128xf32>
    %swap3A_23 = vector.shape_cast %swap3A_22 : vector<1x1264x128xf32> to vector<1264x128xf32>
    %swap3A_24 = vector.shape_cast %slice3A : vector<1264x128xf32> to vector<1x1264x128xf32>
    tpu.vector_store %arg4[%swap3A, %swap3A_20, %swap3A_21], %swap3A_24 {strides = array<i32>} : memref<2x1264x128xf32, #tpu.memory_space<vmem>>, vector<1x1264x128xf32>,
    %slice3A_25 = vector.extract_strided_slice %mul3A_19 {offsets = [0, 128], sizes = [1264, 128], strides = [1, 1]} : vector<1264x256xf32> to vector<1264x128xf32>
    %swap3A_26 = arith.constant 1 : index
    %swap3A_27 = arith.constant 0 : index
    %swap3A_28 = arith.constant 0 : index
    %swap3A_29 = vector.load %arg4[%swap3A_26, %swap3A_27, %swap3A_28] : memref<2x1264x128xf32, #tpu.memory_space<vmem>>, vector<1x1264x128xf32>
    %swap3A_30 = vector.shape_cast %swap3A_29 : vector<1x1264x128xf32> to vector<1264x128xf32>
    %swap3A_31 = vector.shape_cast %slice3A_25 : vector<1264x128xf32> to vector<1x1264x128xf32>
    tpu.vector_store %arg4[%swap3A_26, %swap3A_27, %swap3A_28], %swap3A_31 {strides = array<i32>} : memref<2x1264x128xf32, #tpu.memory_space<vmem>>, vector<1x1264x128xf32>,
    %swap3A_32 = arith.constant 0 : index
    %swap3A_33 = arith.constant 0 : index
    %swap3A_34 = vector.load %arg5[%swap3A_32, %swap3A_33] : memref<1264x1xf32, #tpu.memory_space<vmem>>, vector<1264x1xf32>
    tpu.vector_store %arg5[%swap3A_32, %swap3A_33], %rsqrt3A {strides = array<i32>} : memref<1264x1xf32, #tpu.memory_space<vmem>>, vector<1264x1xf32>,
    return
  }
  func.func @transform_0(%arg0: i32) -> (i32, i32) {
    %c0_i32 = arith.constant 0 : i32
    %c0_i32_0 = arith.constant 0 : i32
    return %arg0, %c0_i32 : i32, i32
  }
  func.func @transform_1(%arg0: i32) -> (i32, i32) {
    %c0_i32 = arith.constant 0 : i32
    %c0_i32_0 = arith.constant 0 : i32
    %c0_i32_1 = arith.constant 0 : i32
    return %c0_i32, %c0_i32_0 : i32, i32
  }
  func.func @transform_2(%arg0: i32) -> (i32, i32, i32) {
    %c0_i32 = arith.constant 0 : i32
    %c0_i32_0 = arith.constant 0 : i32
    %c0_i32_1 = arith.constant 0 : i32
    return %c0_i32, %arg0, %c0_i32_0 : i32, i32, i32
  }
  func.func @transform_3(%arg0: i32) -> (i32, i32, i32) {
    %c0_i32 = arith.constant 0 : i32
    %c0_i32_0 = arith.constant 0 : i32
    %c0_i32_1 = arith.constant 0 : i32
    return %c0_i32, %arg0, %c0_i32_0 : i32, i32, i32
  }
  func.func @transform_4(%arg0: i32) -> (i32, i32) {
    %c0_i32 = arith.constant 0 : i32
    %c0_i32_0 = arith.constant 0 : i32
    return %arg0, %c0_i32 : i32, i32
  }
}

module attributes {stable_mosaic.version = 14 : i64} {
  func.func @_mm2_body(%arg0: i32, %arg1: memref<2x1264x128xf32, #tpu.memory_space<vmem>>, %arg2: memref<2x1264x128xf32, #tpu.memory_space<vmem>>, %arg3: memref<1264x1xf32, #tpu.memory_space<vmem>>, %arg4: memref<1x256xf32, #tpu.memory_space<vmem>>, %arg5: memref<256x128xf32, #tpu.memory_space<vmem>>, %arg6: memref<2x1264x128xf32, #tpu.memory_space<vmem>>) attributes {dimension_semantics = [#tpu.dimension_semantics<arbitrary>], iteration_bounds = array<i64: 8>, scalar_prefetch = 0 : i64, scratch_operands = 0 : i64, tpu.core_type = #tpu.core_type<tc>, window_params = [{transform_indices = @transform_0, window_bounds = array<i64: 2, 1264, 128>}, {transform_indices = @transform_1, window_bounds = array<i64: 2, 1264, 128>}, {transform_indices = @transform_2, window_bounds = array<i64: 1264, 1>}, {pipeline_mode = #tpu.pipeline_mode<synchronous>, transform_indices = @transform_3, window_bounds = array<i64: 1, 256>}, {pipeline_mode = #tpu.pipeline_mode<synchronous>, transform_indices = @transform_4, window_bounds = array<i64: 256, 128>}, {transform_indices = @transform_5, window_bounds = array<i64: 2, 1264, 128>}]} {
    %get3A = arith.constant 0 : index
    %get3A_0 = arith.constant 0 : index
    %get3A_1 = vector.load %arg3[%get3A, %get3A_0] : memref<1264x1xf32, #tpu.memory_space<vmem>>, vector<1264x1xf32>
    %get3A_2 = arith.constant 0 : index
    %get3A_3 = arith.constant 0 : index
    %get3A_4 = arith.constant 0 : index
    %get3A_5 = vector.load %arg1[%get3A_2, %get3A_3, %get3A_4] : memref<2x1264x128xf32, #tpu.memory_space<vmem>>, vector<1x1264x128xf32>
    %get3A_6 = vector.shape_cast %get3A_5 : vector<1x1264x128xf32> to vector<1264x128xf32>
    %get3A_7 = arith.constant 0 : index
    %get3A_8 = arith.constant 0 : index
    %get3A_9 = arith.constant 0 : index
    %get3A_10 = vector.load %arg2[%get3A_7, %get3A_8, %get3A_9] : memref<2x1264x128xf32, #tpu.memory_space<vmem>>, vector<1x1264x128xf32>
    %get3A_11 = vector.shape_cast %get3A_10 : vector<1x1264x128xf32> to vector<1264x128xf32>
    %add3A = arith.addf %get3A_6, %get3A_11 : vector<1264x128xf32>
    %mul3A = vector.broadcast %get3A_1 : vector<1264x1xf32> to vector<1264x128xf32>
    %mul3A_12 = arith.mulf %add3A, %mul3A : vector<1264x128xf32>
    %get3A_13 = arith.constant 0 : index
    %get3A_14 = arith.constant 0 : index
    %get3A_15 = vector.load %arg4[%get3A_13, %get3A_14] : memref<1x256xf32, #tpu.memory_space<vmem>>, vector<1x128xf32>
    %add3A_16 = vector.broadcast %get3A_15 : vector<1x128xf32> to vector<1264x128xf32>
    %add3A_17 = arith.addf %mul3A_12, %add3A_16 : vector<1264x128xf32>
    %max3A = arith.constant 0.000000e+00 : f32
    %max3A_18 = vector.broadcast %max3A : f32 to vector<1264x128xf32>
    %max3A_19 = arith.maximumf %add3A_17, %max3A_18 : vector<1264x128xf32>
    %get3A_20 = arith.constant 1 : index
    %get3A_21 = arith.constant 0 : index
    %get3A_22 = arith.constant 0 : index
    %get3A_23 = vector.load %arg1[%get3A_20, %get3A_21, %get3A_22] : memref<2x1264x128xf32, #tpu.memory_space<vmem>>, vector<1x1264x128xf32>
    %get3A_24 = vector.shape_cast %get3A_23 : vector<1x1264x128xf32> to vector<1264x128xf32>
    %get3A_25 = arith.constant 1 : index
    %get3A_26 = arith.constant 0 : index
    %get3A_27 = arith.constant 0 : index
    %get3A_28 = vector.load %arg2[%get3A_25, %get3A_26, %get3A_27] : memref<2x1264x128xf32, #tpu.memory_space<vmem>>, vector<1x1264x128xf32>
    %get3A_29 = vector.shape_cast %get3A_28 : vector<1x1264x128xf32> to vector<1264x128xf32>
    %add3A_30 = arith.addf %get3A_24, %get3A_29 : vector<1264x128xf32>
    %mul3A_31 = vector.broadcast %get3A_1 : vector<1264x1xf32> to vector<1264x128xf32>
    %mul3A_32 = arith.mulf %add3A_30, %mul3A_31 : vector<1264x128xf32>
    %get3A_33 = arith.constant 0 : index
    %get3A_34 = arith.constant 128 : index
    %get3A_35 = vector.load %arg4[%get3A_33, %get3A_34] : memref<1x256xf32, #tpu.memory_space<vmem>>, vector<1x128xf32>
    %add3A_36 = vector.broadcast %get3A_35 : vector<1x128xf32> to vector<1264x128xf32>
    %add3A_37 = arith.addf %mul3A_32, %add3A_36 : vector<1264x128xf32>
    %max3A_38 = arith.constant 0.000000e+00 : f32
    %max3A_39 = vector.broadcast %max3A_38 : f32 to vector<1264x128xf32>
    %max3A_40 = arith.maximumf %add3A_37, %max3A_39 : vector<1264x128xf32>
    %get3A_41 = arith.constant 0 : index
    %get3A_42 = arith.constant 0 : index
    %get3A_43 = vector.load %arg5[%get3A_41, %get3A_42] : memref<256x128xf32, #tpu.memory_space<vmem>>, vector<256x128xf32>
    %slice3A = vector.extract_strided_slice %get3A_43 {offsets = [0, 0], sizes = [128, 128], strides = [1, 1]} : vector<256x128xf32> to vector<128x128xf32>
    %dot_general3A = arith.constant dense<0.000000e+00> : vector<1264x128xf32>
    %dot_general3A_44 = tpu.matmul %max3A_19, %slice3A, %dot_general3A {dimension_numbers = #tpu.dot_dimension_numbers<[1], [0], [0], [1], [0, 0, 1, 1], [], []>, transpose_lhs_hint = false} : vector<1264x128xf32>, vector<128x128xf32>, vector<1264x128xf32> -> vector<1264x128xf32>
    %slice3A_45 = vector.extract_strided_slice %get3A_43 {offsets = [128, 0], sizes = [128, 128], strides = [1, 1]} : vector<256x128xf32> to vector<128x128xf32>
    %dot_general3A_46 = arith.constant dense<0.000000e+00> : vector<1264x128xf32>
    %dot_general3A_47 = tpu.matmul %max3A_40, %slice3A_45, %dot_general3A_46 {dimension_numbers = #tpu.dot_dimension_numbers<[1], [0], [0], [1], [0, 0, 1, 1], [], []>, transpose_lhs_hint = false} : vector<1264x128xf32>, vector<128x128xf32>, vector<1264x128xf32> -> vector<1264x128xf32>
    %add3A_48 = arith.addf %dot_general3A_44, %dot_general3A_47 : vector<1264x128xf32>
    %mul3A_49 = vector.broadcast %get3A_1 : vector<1264x1xf32> to vector<1264x128xf32>
    %mul3A_50 = arith.mulf %add3A_48, %mul3A_49 : vector<1264x128xf32>
    %swap3A = arith.constant 0 : index
    %swap3A_51 = arith.constant 0 : index
    %swap3A_52 = arith.constant 0 : index
    %swap3A_53 = vector.load %arg6[%swap3A, %swap3A_51, %swap3A_52] : memref<2x1264x128xf32, #tpu.memory_space<vmem>>, vector<1x1264x128xf32>
    %swap3A_54 = vector.shape_cast %swap3A_53 : vector<1x1264x128xf32> to vector<1264x128xf32>
    %swap3A_55 = vector.shape_cast %mul3A_50 : vector<1264x128xf32> to vector<1x1264x128xf32>
    tpu.vector_store %arg6[%swap3A, %swap3A_51, %swap3A_52], %swap3A_55 {strides = array<i32>} : memref<2x1264x128xf32, #tpu.memory_space<vmem>>, vector<1x1264x128xf32>,
    %swap3A_56 = arith.constant 1 : index
    %swap3A_57 = arith.constant 0 : index
    %swap3A_58 = arith.constant 0 : index
    %swap3A_59 = vector.load %arg6[%swap3A_56, %swap3A_57, %swap3A_58] : memref<2x1264x128xf32, #tpu.memory_space<vmem>>, vector<1x1264x128xf32>
    %swap3A_60 = vector.shape_cast %swap3A_59 : vector<1x1264x128xf32> to vector<1264x128xf32>
    %swap3A_61 = vector.shape_cast %mul3A_50 : vector<1264x128xf32> to vector<1x1264x128xf32>
    tpu.vector_store %arg6[%swap3A_56, %swap3A_57, %swap3A_58], %swap3A_61 {strides = array<i32>} : memref<2x1264x128xf32, #tpu.memory_space<vmem>>, vector<1x1264x128xf32>,
    return
  }
  func.func @transform_0(%arg0: i32) -> (i32, i32, i32) {
    %c0_i32 = arith.constant 0 : i32
    %c0_i32_0 = arith.constant 0 : i32
    %c0_i32_1 = arith.constant 0 : i32
    return %c0_i32, %arg0, %c0_i32_0 : i32, i32, i32
  }
  func.func @transform_1(%arg0: i32) -> (i32, i32, i32) {
    %c0_i32 = arith.constant 0 : i32
    %c0_i32_0 = arith.constant 0 : i32
    %c0_i32_1 = arith.constant 0 : i32
    return %c0_i32, %arg0, %c0_i32_0 : i32, i32, i32
  }
  func.func @transform_2(%arg0: i32) -> (i32, i32) {
    %c0_i32 = arith.constant 0 : i32
    %c0_i32_0 = arith.constant 0 : i32
    return %arg0, %c0_i32 : i32, i32
  }
  func.func @transform_3(%arg0: i32) -> (i32, i32) {
    %c0_i32 = arith.constant 0 : i32
    %c0_i32_0 = arith.constant 0 : i32
    %c0_i32_1 = arith.constant 0 : i32
    return %c0_i32, %c0_i32_0 : i32, i32
  }
  func.func @transform_4(%arg0: i32) -> (i32, i32) {
    %c0_i32 = arith.constant 0 : i32
    %c0_i32_0 = arith.constant 0 : i32
    %c0_i32_1 = arith.constant 0 : i32
    return %c0_i32, %c0_i32_0 : i32, i32
  }
  func.func @transform_5(%arg0: i32) -> (i32, i32, i32) {
    %c0_i32 = arith.constant 0 : i32
    %c0_i32_0 = arith.constant 0 : i32
    %c0_i32_1 = arith.constant 0 : i32
    return %c0_i32, %arg0, %c0_i32_0 : i32, i32, i32
  }
}

module attributes {stable_mosaic.version = 14 : i64} {
  func.func @_ep2_body(%arg0: i32, %arg1: memref<2x1264x128xf32, #tpu.memory_space<vmem>>, %arg2: memref<1x1264x128xf32, #tpu.memory_space<vmem>>, %arg3: memref<1264x1xf32, #tpu.memory_space<vmem>>, %arg4: memref<1x128xf32, #tpu.memory_space<vmem>>, %arg5: memref<1264x128xf32, #tpu.memory_space<vmem>>) attributes {dimension_semantics = [#tpu.dimension_semantics<arbitrary>], iteration_bounds = array<i64: 8>, scalar_prefetch = 0 : i64, scratch_operands = 0 : i64, tpu.core_type = #tpu.core_type<tc>, window_params = [{transform_indices = @transform_0, window_bounds = array<i64: 2, 1264, 128>}, {transform_indices = @transform_1, window_bounds = array<i64: 1, 1264, 128>}, {transform_indices = @transform_2, window_bounds = array<i64: 1264, 1>}, {pipeline_mode = #tpu.pipeline_mode<synchronous>, transform_indices = @transform_3, window_bounds = array<i64: 1, 128>}, {transform_indices = @transform_4, window_bounds = array<i64: 1264, 128>}]} {
    %get3A = arith.constant 0 : index
    %get3A_0 = arith.constant 0 : index
    %get3A_1 = arith.constant 0 : index
    %get3A_2 = vector.load %arg1[%get3A, %get3A_0, %get3A_1] : memref<2x1264x128xf32, #tpu.memory_space<vmem>>, vector<1x1264x128xf32>
    %get3A_3 = vector.shape_cast %get3A_2 : vector<1x1264x128xf32> to vector<1264x128xf32>
    %get3A_4 = arith.constant 1 : index
    %get3A_5 = arith.constant 0 : index
    %get3A_6 = arith.constant 0 : index
    %get3A_7 = vector.load %arg1[%get3A_4, %get3A_5, %get3A_6] : memref<2x1264x128xf32, #tpu.memory_space<vmem>>, vector<1x1264x128xf32>
    %get3A_8 = vector.shape_cast %get3A_7 : vector<1x1264x128xf32> to vector<1264x128xf32>
    %add3A = arith.addf %get3A_3, %get3A_8 : vector<1264x128xf32>
    %get3A_9 = arith.constant 0 : index
    %get3A_10 = arith.constant 0 : index
    %get3A_11 = arith.constant 0 : index
    %get3A_12 = vector.load %arg2[%get3A_9, %get3A_10, %get3A_11] : memref<1x1264x128xf32, #tpu.memory_space<vmem>>, vector<1x1264x128xf32>
    %get3A_13 = vector.shape_cast %get3A_12 : vector<1x1264x128xf32> to vector<1264x128xf32>
    %add3A_14 = arith.addf %add3A, %get3A_13 : vector<1264x128xf32>
    %get3A_15 = arith.constant 0 : index
    %get3A_16 = arith.constant 0 : index
    %get3A_17 = vector.load %arg3[%get3A_15, %get3A_16] : memref<1264x1xf32, #tpu.memory_space<vmem>>, vector<1264x1xf32>
    %mul3A = vector.broadcast %get3A_17 : vector<1264x1xf32> to vector<1264x128xf32>
    %mul3A_18 = arith.mulf %add3A_14, %mul3A : vector<1264x128xf32>
    %get3A_19 = arith.constant 0 : index
    %get3A_20 = arith.constant 0 : index
    %get3A_21 = vector.load %arg4[%get3A_19, %get3A_20] : memref<1x128xf32, #tpu.memory_space<vmem>>, vector<1x128xf32>
    %add3A_22 = vector.broadcast %get3A_21 : vector<1x128xf32> to vector<1264x128xf32>
    %add3A_23 = arith.addf %mul3A_18, %add3A_22 : vector<1264x128xf32>
    %max3A = arith.constant 0.000000e+00 : f32
    %max3A_24 = vector.broadcast %max3A : f32 to vector<1264x128xf32>
    %max3A_25 = arith.maximumf %add3A_23, %max3A_24 : vector<1264x128xf32>
    %swap3A = arith.constant 0 : index
    %swap3A_26 = arith.constant 0 : index
    %swap3A_27 = vector.load %arg5[%swap3A, %swap3A_26] : memref<1264x128xf32, #tpu.memory_space<vmem>>, vector<1264x128xf32>
    tpu.vector_store %arg5[%swap3A, %swap3A_26], %max3A_25 {strides = array<i32>} : memref<1264x128xf32, #tpu.memory_space<vmem>>, vector<1264x128xf32>,
    return
  }
  func.func @transform_0(%arg0: i32) -> (i32, i32, i32) {
    %c0_i32 = arith.constant 0 : i32
    %c0_i32_0 = arith.constant 0 : i32
    %c0_i32_1 = arith.constant 0 : i32
    return %c0_i32, %arg0, %c0_i32_0 : i32, i32, i32
  }
  func.func @transform_1(%arg0: i32) -> (i32, i32, i32) {
    %c0_i32 = arith.constant 0 : i32
    %c0_i32_0 = arith.constant 0 : i32
    %c0_i32_1 = arith.constant 0 : i32
    return %c0_i32, %arg0, %c0_i32_0 : i32, i32, i32
  }
  func.func @transform_2(%arg0: i32) -> (i32, i32) {
    %c0_i32 = arith.constant 0 : i32
    %c0_i32_0 = arith.constant 0 : i32
    return %arg0, %c0_i32 : i32, i32
  }
  func.func @transform_3(%arg0: i32) -> (i32, i32) {
    %c0_i32 = arith.constant 0 : i32
    %c0_i32_0 = arith.constant 0 : i32
    %c0_i32_1 = arith.constant 0 : i32
    return %c0_i32, %c0_i32_0 : i32, i32
  }
  func.func @transform_4(%arg0: i32) -> (i32, i32) {
    %c0_i32 = arith.constant 0 : i32
    %c0_i32_0 = arith.constant 0 : i32
    return %arg0, %c0_i32 : i32, i32
  }
}

</mosaic_0001>

<sc_bundles>
// kernel: kernel.11.cloned.1.call-start
scs
__scs_entry_jumppad:
0x0: {  	(pc) =	sbr.rel $0x88, $3  }
0x1: {  	(tag) =	ssettag $0x0;
	lr =	simm.s32 $0x1  }
0x2: {  	[smem:$0x3F9B] =	sst lr;
	_ =	strace $0xD0000000  }
0x3: {  	_ = 	snop  }
0x4: {  	_ = 	snop  }
0x5: {  	_ = 	snop  }
0x6: {  	_ = 	snop  }
0x7: {  	_ = 	snop  }
__scs_overlays_trampoline_lowered:
0x8: {  	[smem:$0x3FAA] =	sst s0  }
0x9: {  	[smem:$0x3FAB] =	sst s1  }
0xa: {  	[smem:$0x3FAC] =	sst s2  }
0xb: {  	[smem:$0x3FAD] =	sst s3  }
0xc: {  	[smem:$0x3FAE] =	sst s4  }
0xd: {  	[smem:$0x3FAF] =	sst s5  }
0xe: {  	[smem:$0x3FB0] =	sst s6  }
0xf: {  	[smem:$0x3FB1] =	sst s7  }
0x10: {  	[smem:$0x3FB2] =	sst s8  }
0x11: {  	[smem:$0x3FB3] =	sst s9;
	s0 =	simm.s32 @!p0 $0x0  }
0x12: {  	s1 =	sld [smem:$0x3F99];
	s0 =	simm.s32 @p0 $0x1  }
0x13: {  	[smem:$0x3FB4] =	sst s0;
	s0 =	simm.s32 @!p1 $0x0  }
0x14: {  	s2 =	sld [smem:$0x3F98];
	s0 =	simm.s32 @p1 $0x1  }
0x15: {  	[smem:$0x3FB5] =	sst s0;
	s0 =	simm.s32 @!p2 $0x0  }
0x16: {  	s3 =	sld [smem:$0x3FDB];
	s0 =	simm.s32 @p2 $0x1  }
0x17: {  	s4 =	simm.s32 $0x1BF5;
	[smem:$0x3FB7] =	sst s0  }
0x18: {  	s0 =	sld [smem:$0x3F9A];
	_ =	swait.ge [sflag:s4], $0x0  }
0x19: {  	s7 =	sld [smem:$0x3F9B]  }
0x1a: {  	s8 =	sadd.s32 $0xFFFFE003, lr  }
0x1b: {  	s9 =	sadd.s32 $0xFFFFFEF7, lr;
	s5 =	simm.s32 $0xFFFFFFFF;
	p2 =	slt.u32 s8, $0xFFFFF086  }
0x1c: {  	p1 =	slt.u32 s9, $0xF7A;
	s5 =	simm.s32 @!p2 $0x0  }
0x1d: {  	s5 =	simm.s32 @p1 $0x1;
	p0 =	seq.s32 s7, s2  }
0x1e: {  	s7 =	smul.u32 @!p0 $0xF7A, s2;
	p2 =	seq.s32 @!p0 s5, $0x0  }
0x1f: {  	s9 =	smul.u32 $0xF7A, s1;
	s8 =	simm.s32 @!p0 $0x1BF5;
	p2 =	por !p2, p0  }
0x20: {  	[sflag:s8] =	ssyncset.s32 @!p0 $0xFFFFF086;
	s6 =	sadd.s32 @!p0 s3, s7;
	s7 =	simm.s32 @!p0 $0x108  }
0x21: {  	s3 =	sadd.s32 s3, s9;
	s6 =	sadd.s32 @!p0 $0x88, s6;
	s7 =	simm.s32 @p2 $0x1082  }
0x22: {  	[simem:s7], [sflag:s8] =	dma.local @!p0 [hbm:s6], $0xF7A  }
0x23: {  	s9 =	sor.u32 $0xD0000000, s2;
	s6 =	simm.s32 $0x108;
	_ =	swait.ge @!p0 [sflag:s8], $0x0  }
0x24: {  	s3 =	sadd.s32 $0x88, s3;
	s6 =	simm.s32 @!p1 $0x1082;
	[sflag:s4] =	ssyncset.s32 $0xFFFFF086  }
0x25: {  	[simem:s6], [sflag:s4] =	dma.local [hbm:s3], $0xF7A  }
0x26: {  	[smem:$0x3F9B] =	sst s1;
	(tag) =	ssettag s2;
	_ =	strace s9  }
0x27: {  	s1 =	sld [smem:$0x3FAB]  }
0x28: {  	s2 =	sld [smem:$0x3FAC]  }
0x29: {  	s4 =	sld [smem:$0x3FAE]  }
0x2a: {  	p0 =	seq.s32 s5, $0x0;
	s5 =	sld [smem:$0x3FAF]  }
0x2b: {  	s6 =	sld [smem:$0x3FB0]  }
0x2c: {  	s7 =	sld [smem:$0x3FB1]  }
0x2d: {  	s3 =	simm.s32 $0x108;
	s8 =	sld [smem:$0x3FB2]  }
0x2e: {  	s3 =	simm.s32 @!p0 $0x1082;
	s9 =	sld [smem:$0x3FB3]  }
0x2f: {  	lr =	sadd.s32 s0, s3;
	s0 =	sld [smem:$0x3FAA]  }
0x30: {  	s3 =	sld [smem:$0x3FAD]  }
0x31: {  	[smem:$0x3FB6] =	sst s10  }
0x32: {  	s10 =	sld [smem:$0x3FB4];
	_ =	sdelay $0x3  }
0x33: {  	p0 =	seq.s32 s10, $0x1;
	s10 =	sld [smem:$0x3FB6];
	_ =	sdelay $0x3  }
0x34: {  	[smem:$0x3FB6] =	sst s10  }
0x35: {  	s10 =	sld [smem:$0x3FB5];
	_ =	sdelay $0x3  }
0x36: {  	p1 =	seq.s32 s10, $0x1;
	s10 =	sld [smem:$0x3FB6];
	_ =	sdelay $0x3  }
0x37: {  	[smem:$0x3FB6] =	sst s10  }
0x38: {  	s10 =	sld [smem:$0x3FB7]  }
0x39: {  	_ = 	snop;
	(pc) =	sbr.ind lr, $3  }
0x3a: {  	_ = 	snop  }
0x3b: {  	_ = 	snop  }
0x3c: {  	p2 =	seq.s32 s10, $0x1;
	s10 =	sld [smem:$0x3FB6]  }
0x3d: {  	_ =	shalt  }
0x3e: {  	_ =	shalt  }
0x3f: {  	_ =	shalt  }
0x40: {  	_ =	shalt  }
0x41: {  	_ =	shalt  }
0x42: {  	_ =	shalt  }
0x43: {  	_ =	shalt  }
0x44: {  	_ =	shalt  }
0x45: {  	_ =	shalt  }
0x46: {  	_ =	shalt  }
0x47: {  	_ =	shalt  }
0x48: {  	_ =	shalt  }
0x49: {  	_ =	shalt  }
0x4a: {  	_ =	shalt  }
0x4b: {  	_ =	shalt  }
0x4c: {  	_ =	shalt  }
0x4d: {  	_ =	shalt  }
0x4e: {  	_ =	shalt  }
0x4f: {  	_ =	shalt  }
0x50: {  	_ =	shalt  }
0x51: {  	_ =	shalt  }
0x52: {  	_ =	shalt  }
0x53: {  	_ =	shalt  }
0x54: {  	_ =	shalt  }
0x55: {  	_ =	shalt  }
0x56: {  	_ =	shalt  }
0x57: {  	_ =	shalt  }
0x58: {  	_ =	shalt  }
0x59: {  	_ =	shalt  }
0x5a: {  	_ =	shalt  }
0x5b: {  	_ =	shalt  }
0x5c: {  	_ =	shalt  }
0x5d: {  	_ =	shalt  }
0x5e: {  	_ =	shalt  }
0x5f: {  	_ =	shalt  }
0x60: {  	_ =	shalt  }
0x61: {  	_ =	shalt  }
0x62: {  	_ =	shalt  }
0x63: {  	_ =	shalt  }
0x64: {  	_ =	shalt  }
0x65: {  	_ =	shalt  }
0x66: {  	_ =	shalt  }
0x67: {  	_ =	shalt  }
0x68: {  	_ =	shalt  }
0x69: {  	_ =	shalt  }
0x6a: {  	_ =	shalt  }
0x6b: {  	_ =	shalt  }
0x6c: {  	_ =	shalt  }
0x6d: {  	_ =	shalt  }
0x6e: {  	_ =	shalt  }
0x6f: {  	_ =	shalt  }
0x70: {  	_ =	shalt  }
0x71: {  	_ =	shalt  }
0x72: {  	_ =	shalt  }
0x73: {  	_ =	shalt  }
0x74: {  	_ =	shalt  }
0x75: {  	_ =	shalt  }
0x76: {  	_ =	shalt  }
0x77: {  	_ =	shalt  }
0x78: {  	_ =	shalt  }
0x79: {  	_ =	shalt  }
0x7a: {  	_ =	shalt  }
0x7b: {  	_ =	shalt  }
0x7c: {  	_ =	shalt  }
0x7d: {  	_ =	shalt  }
0x7e: {  	_ =	shalt  }
0x7f: {  	_ =	shalt  }
0x80: {  	_ =	shalt  }
0x81: {  	_ =	shalt  }
0x82: {  	_ =	shalt  }
0x83: {  	_ =	shalt  }
0x84: {  	_ =	shalt  }
0x85: {  	_ =	shalt  }
0x86: {  	_ =	shalt  }
0x87: {  	_ =	shalt  }
.Lfunc_end0:
.L_simem_size_0:
called_computation.1_lowered:
.L_overlay_start_0:
0x88: {  	s2 =	sld [smem:$0x3FD9]  }
0x89: {  	s3 =	sld [smem:$0x3FFE];
	_ =	sdelay $0x1  }
0x8a: {  	s1 =	srdreg.scid  }
0x8b: {  	s0 =	sand.u32 $0x1, s1  }
0x8c: {  	s17 =	sshll.u32 s0, $0xA;
	s2 =	sadd.s32 s3, s2  }
0x8d: {  	s2 =	sadd.s32 s2, s17  }
0x8e: {  	[smem:$0x3FC2] =	sst s2  }
0x8f: {  	_ = 	snop  }
0x90: {  	s2 =	sld [smem:$0x3FD0];
	(tm) =	ssettm $0x1  }
0x91: {  	s18 =	sld [smem:$0x3FFB];
	_ =	sdelay $0x3  }
0x92: {  	_ =	strace s18  }
0x93: {  	s3 =	sld [smem:$0x3FFC];
	_ =	sdelay $0x3  }
0x94: {  	_ =	strace s3  }
0x95: {  	s3 =	sld [smem:$0x3FFD];
	_ =	sdelay $0x3  }
0x96: {  	_ =	strace s3  }
0x97: {  	_ =	strace $0x8FFFFFFF  }
0x98: {  	s19 =	sld [smem:$0x3FDB];
	_ =	sdelay $0x1  }
0x99: {  	s4 =	simm.s32 $_scs_section_size  }
0x9a: {  	s5 =	simm.s32 $_size__tile_overlayer_lowered;
	s6 =	simm.s32 $_tile_overlayer_lowered  }
0x9b: {  	s22 =	simm.s32 $0x1BFF;
	s21 =	sshll.u32 s6, $0x1;
	s3 =	sadd.s32 s4, s19  }
0x9c: {  	s7 =	simm.s32 $0x0;
	s20 =	sshll.u32 s5, $0x1;
	s5 =	sadd.s32 s21, s3  }
0x9d: {  	[timem:s7], [sflag:s22] =	dma.local [hbm:s5], s20  }
0x9e: {  	_ =	swait.ge [sflag:s22], s20  }
0x9f: {  	s4 =	ssub.s32 $0x0, s20;
	[sflag:s22] =	ssyncset.done $0x0  }
0xa0: {  	[sflag:s22] =	ssyncadd.s32 s4;
	_ =	sdelay $0x1  }
0xa1: {  	s23 =	simm.s32 $0x1B8B  }
0xa2: {  	_ =	swait.ge [sflag:s23], $0x1  }
0xa3: {  	[sflag:s23] =	ssyncset.done $0x0  }
0xa4: {  	s25 =	simm.s32 $0x1B8E;
	s24 =	sld [smem:$0x3FFE];
	[sflag:s23] =	ssyncadd.s32 $0xFFFFFFFF  }
0xa5: {  	s26 =	simm.s32 $execute0_lowered;
	[smem:$0x3FD2] =	sst s25  }
0xa6: {  	s5 =	sshll.u32 s26, $0x1;
	_ =	strace $0x80000049;
	[dreg:$0x1] =	wrdreg $0xFFFFFFFF  }
0xa7: {  	s28 =	simm.s32 $_size_execute0_lowered;
	s3 =	sadd.s32 s3, s5;
	[dreg:$0x0] =	wrdreg $0x0  }
0xa8: {  	s5 =	sshll.u32 s28, $0x1;
	[dreg:$0x2] =	wrdreg s3  }
0xa9: {  	[dreg:$0x3] =	wrdreg s5  }
0xaa: {  	[dreg:$0x4] =	wrdreg $0xC0  }
0xab: {  	_ =	task [dreg:s7], $0x5FFFF  }
0xac: {  	[dreg:$0x1] =	wrdreg $0xFFFFFFFF  }
0xad: {  	[dreg:$0x0] =	wrdreg $0x60  }
0xae: {  	[dreg:$0x2] =	wrdreg s24  }
0xaf: {  	[dreg:$0x3] =	wrdreg s2  }
0xb0: {  	[dreg:$0x4] =	wrdreg $0xA8000  }
0xb1: {  	[dreg:$0x5] =	wrdreg $0x9  }
0xb2: {  	_ =	task.clear_ibuf [dreg:s7], $0x6FFFF;
	_ =	strace $0x90000049  }
0xb3: {  	s29 =	simm.s32 $0x9;
	_ =	strace $0x8000004B  }
0xb4: {  	_ =	swait.ge [sflag:s29], $0x1  }
0xb5: {  	[sflag:s29] =	ssyncadd.s32 $0xFFFFFFFF  }
0xb6: {  	_ =	strace $0x9000004B  }
0xb7: {  	_ =	sfence  }
0xb8: {  	s30 =	sld [smem:$0x0];
	_ =	sdelay $0x2  }
0xb9: {  	s31 =	sshll.u32 s1, $0xD;
	s1 =	sshrl.u32 s1, $0x2  }
0xba: {  	s3 =	sand.u32 $0x4000, s31;
	s1 =	sadd.s32 s1, s30  }
0xbb: {  	s0 =	sor.u32 s3, s0;
	s1 =	sshll.u32 s1, $0x11  }
0xbc: {  	s0 =	sor.u32 s1, s0  }
0xbd: {  	s0 =	sadd.s32 $0x8F2B, s0  }
0xbe: {  	[sflag:s0] =	ssyncadd.remote.s32 $0x1  }
0xbf: {  	_ =	sfence.sel $0xFFFF  }
0xc0: {  	[dreg:$0x0] =	wrdreg $0xFFFFFFFF;
	(pc) =	sbr.abs _section_cstart, $3  }
0xc1: {  	[dreg:$0x1] =	wrdreg $0xFFFFFFFF  }
0xc2: {  	_ =	task.clear_ibuf [dreg:s7], $0x2FFFF;
	_ =	strace $0x9FFFFFFF  }
0xc3: {  	(tm) =	ssettm $0x7FFFFFFF  }
tec
execute0_lowered:
.L_overlay_start_1:
0x0: {  	(tag) =	ssettag $0x1  }
0x1: {  	s0 =	rddreg [dreg:$0x0]  }
0x2: {  	s1 =	rddreg [dreg:$0x1]  }
0x3: {  	s3 =	rddreg [dreg:$0x2];
	s4 =	simm.s32 $0x0;
	s13 =	stileid.u32  }
0x4: {  	s5 =	srdreg.scid;
	s28 =	simm.s32 $0xA;
	s30 =	simm.s32 $0x3  }
0x5: {  	s29 =	simm.s32 $0x1A;
	[smem:$0x7FF] =	sst s4;
	s2 =	smul.u32 $0x13C00, s13  }
0x6: {  	s7 =	sand.u32 $0x1, s5;
	s5 =	sadd.s32 $0x33400, s0;
	s10 =	smul.u32 $0x4F000, s13  }
0x7: {  	s6 =	sadd.s32 $0x82C00, s0;
	s18 =	sshll.u32 s13, $0x6;
	s9 =	smul.u32 $0x13C000, s7  }
0x8: {  	_ =	strace $0x8000004A;
	s14 =	ssub.s32 $0x2, s7;
	s11 =	smul.u32 $0xA0000, s7  }
0x9: {  	s7 =	smul.u32 $0xA000, s13;
	s13 =	simm.s32 $0x0;
	s8 =	sshrl.u32 s2, $0x3  }
0xa: {  	s12 =	sshrl.u32 s14, $0x1;
	s16 =	sshrl.u32 s10, $0x2;
	s8 =	sadd.s32 s8, s0  }
0xb: {  	s10 =	sor.u32 $0x1C1B, s18;
	s19 =	sshrl.u32 s7, $0x3;
	s8 =	sadd.s32 $0xBC00, s8  }
0xc: {  	s15 =	ssub.s32 s14, s12;
	s21 =	sadd.s32 s1, s19;
	[dreg:$0x4] =	wrdreg s8  }
0xd: {  	s2 =	sadd.s32 s2, s9;
	s31 =	smax.u32 s15, $0x1;
	[dreg:$0x6] =	wrdreg s21  }
0xe: {  	s9 =	sadd.s32 s7, s11;
	s23 =	sadd.s32 $0x10, s21;
	[dreg:$0xe] =	wrdreg s31  }
0xf: {  	s11 =	sshrl.u32 s9, $0x3;
	s25 =	sadd.s32 $0x20, s21;
	[dreg:$0x8] =	wrdreg s23  }
0x10: {  	s17 =	sadd.s32 s16, s3;
	s20 =	sadd.s32 s6, s11;
	[dreg:$0xa] =	wrdreg s25  }
0x11: {  	s2 =	sshrl.u32 s2, $0x3;
	s26 =	sadd.s32 $0x30, s21;
	[dreg:$0x5] =	wrdreg s20  }
0x12: {  	s0 =	sadd.s32 s2, s0;
	s22 =	sadd.s32 $0x10, s20;
	[dreg:$0xc] =	wrdreg s26  }
0x13: {  	s21 =	sshrl.u32 s17, $0x3;
	s24 =	sadd.s32 $0x20, s20;
	[dreg:$0x7] =	wrdreg s22  }
0x14: {  	s2 =	simm.s32 $0x40;
	s8 =	sadd.s32 $0x30, s20;
	[dreg:$0x9] =	wrdreg s24  }
0x15: {  	s0 =	sadd.s32 $0xAAC00, s0;
	s23 =	simm.s32 $0xB;
	[dreg:$0xb] =	wrdreg s8  }
0x16: {  	[dreg:$0xd] =	wrdreg s0;
	s22 =	simm.s32 $0x1B;
	s8 =	simm.s32 $0x16  }
.LBB2_1:
0x17: {  	s0 =	rddreg [dreg:$0x4]  }
0x18: {  	[spmem:s21], [sflag:s10] =	dma.local [hbm:s0], $0x2780  }
0x19: {  	_ =	swait.ge [sflag:s22], $0x2780  }
0x1a: {  	[sflag:s22] =	ssyncset.done $0x0  }
0x1b: {  	[sflag:s22] =	ssyncadd.s32 $0xFFFFD880  }
0x1c: {  	[bflag:$0x0] =	sbarrier.arrive $0xFFFF  }
0x1d: {  	s16 =	rddreg [dreg:$0x5]  }
0x1e: {  	[tilespmem:s4], [sflag:$0x1] =	stream.linear.gather [hbm4b:s16+s4], $0x80, $0x38;
	[tilespmem:$0x1E400] =	vst v63  }
0x1f: {  	s11 =	simm.s32 $0x400;
	s17 =	rddreg [dreg:$0x6]  }
0x20: {  	[tilespmem:s11], [sflag:$0x9] =	stream.linear.gather [hbm4b:s17+s4], $0x80, $0x38;
	[tilespmem:$0x1E400] =	vst v63  }
0x21: {  	s18 =	rddreg [dreg:$0x7];
	s11 =	simm.s32 $0x80  }
0x22: {  	[tilespmem:s11], [sflag:$0x2] =	stream.linear.gather [hbm4b:s18+s4], $0x80, $0x38;
	[tilespmem:$0x1E400] =	vst v63  }
0x23: {  	s12 =	simm.s32 $0x480;
	s19 =	rddreg [dreg:$0x8]  }
0x24: {  	[tilespmem:s12], [sflag:$0xA] =	stream.linear.gather [hbm4b:s19+s4], $0x80, $0x38;
	[tilespmem:$0x1E400] =	vst v63  }
0x25: {  	s20 =	rddreg [dreg:$0x9];
	s12 =	simm.s32 $0x100  }
0x26: {  	[tilespmem:s12], [sflag:$0x3] =	stream.linear.gather [hbm4b:s20+s4], $0x80, $0x38;
	[tilespmem:$0x1E400] =	vst v63  }
0x27: {  	s14 =	simm.s32 $0x500;
	s24 =	rddreg [dreg:$0xa]  }
0x28: {  	[tilespmem:s14], [sflag:$0xB] =	stream.linear.gather [hbm4b:s24+s4], $0x80, $0x38;
	[tilespmem:$0x1E400] =	vst v63  }
0x29: {  	s26 =	simm.s32 $0x180;
	s25 =	rddreg [dreg:$0xb]  }
0x2a: {  	[tilespmem:s26], [sflag:$0x4] =	stream.linear.gather [hbm4b:s25+s4], $0x80, $0x38;
	[tilespmem:$0x1E400] =	vst v63  }
0x2b: {  	s15 =	simm.s32 $0x580;
	s16 =	simm.s32 $0x1;
	s14 =	rddreg [dreg:$0xc]  }
0x2c: {  	[tilespmem:s15], [sflag:$0xC] =	stream.linear.gather [hbm4b:s14+s4], $0x80, $0x38;
	[tilespmem:$0x1E400] =	vst v63  }
0x2d: {  	_ =	swait.ge [sflag:s16], $0x80  }
0x2e: {  	[sflag:s16] =	ssyncset.done $0x0  }
0x2f: {  	s17 =	simm.s32 $0x9;
	[sflag:s16] =	ssyncadd.s32 $0xFFFFFF80  }
0x30: {  	_ =	swait.ge [sflag:s17], $0x80  }
0x31: {  	[sflag:s17] =	ssyncset.done $0x0  }
0x32: {  	s18 =	simm.s32 $0x800;
	s19 =	simm.s32 $0x2;
	[sflag:s17] =	ssyncadd.s32 $0xFFFFFF80  }
0x33: {  	[tilespmem:s18], [sflag:$0x11] =	stream.indirect.gather [hbm4b:s5+s2], $0x80, s4, s2, $0xb8;
	[tilespmem:$0x1E400] =	vst v63  }
0x34: {  	_ =	swait.ge [sflag:s19], $0x80  }
0x35: {  	p0 =	por $0x1, $0x1;
	[sflag:s19] =	ssyncset.done $0x0  }
0x36: {  	s0 =	smul.u32 @!p0 $0xCCCD, s4;
	[sflag:s19] =	ssyncadd.s32 $0xFFFFFF80  }
0x37: {  	p1 =	por $0x0, $0x0;
	_ =	swait.ge [sflag:s28], $0x80  }
0x38: {  	p2 =	por @!p1 $0x0, $0x0;
	s0 =	sshrl.u32 @!p0 s0, $0x12;
	[sflag:s28] =	ssyncset.done $0x0  }
0x39: {  	s0 =	smul.u32 @!p0 $0x5, s0;
	s20 =	simm.s32 $0x2800;
	[sflag:s28] =	ssyncadd.s32 $0xFFFFFF80  }
0x3a: {  	[tilespmem:s20], [sflag:$0x12] =	stream.indirect.gather [hbm4b:s5+s2], $0x80, s11, s2, $0xb8;
	[tilespmem:$0x1E400] =	vst v63  }
0x3b: {  	s31 =	simm.s32 @!p1 $0x40;
	s11 =	simm.s32 @!p0 $0xFFFFFFFE;
	_ =	swait.ge [sflag:s30], $0x80  }
0x3c: {  	s0 =	ssub.s32 @!p0 $0x0, s0;
	s11 =	sand.u32 @!p0 $0xFFFF, s11;
	[sflag:s30] =	ssyncset.done $0x0  }
0x3d: {  	s0 =	sand.u32 @!p0 $0xFFFF, s0;
	s11 =	smul.u32 @!p0 $0xCCCD, s11;
	[sflag:s30] =	ssyncadd.s32 $0xFFFFFF80  }
0x3e: {  	s0 =	smov.u32 @p0 s4;
	s24 =	simm.s32 $0x4800;
	_ =	swait.ge [sflag:s23], $0x80  }
0x3f: {  	s14 =	simm.s32 $0x1;
	s11 =	sshrl.u32 @!p0 s11, $0x12;
	[sflag:s23] =	ssyncset.done $0x0  }
0x40: {  	s15 =	simm.s32 $0x200;
	s11 =	smul.u32 @!p0 $0x5, s11;
	[sflag:s23] =	ssyncadd.s32 $0xFFFFFF80  }
0x41: {  	[tilespmem:s24], [sflag:$0x13] =	stream.indirect.gather [hbm4b:s5+s2], $0x80, s12, s2, $0xb8;
	[tilespmem:$0x1E400] =	vst v63  }
0x42: {  	s16 =	simm.s32 $0x280;
	s17 =	sshll.u32 s0, $0xD;
	s11 =	ssub.s32 @!p0 $0xFFFFFFFE, s11  }
0x43: {  	s18 =	sand.u32 $0xE00, s4;
	s17 =	sand.u32 $0x3FFFE000, s17;
	s11 =	sand.u32 @!p0 $0xFFFF, s11  }
0x44: {  	s18 =	sshrl.u32 s18, $0x2;
	s25 =	sor.u32 $0x800, s17;
	s11 =	sadd.s32 @!p0 $0x16, s11  }
0x45: {  	s18 =	sor.u32 $0x400, s18;
	s19 =	sadd.s32 $0x16, s0;
	_ =	swait.ge @!p0 [sflag:s11], $0x2000  }
0x46: {  	s0 =	sadd.s32 $0x11, s0;
	s20 =	simm.s32 @!p1 $0x3;
	[sflag:s11] =	ssyncset.done @!p0 $0x0  }
0x47: {  	s24 =	sand.u32 @!p1 $0x7, s20;
	s20 =	smul.u32 @!p1 $0xCCCD, s20;
	[sflag:s11] =	ssyncadd.s32 @!p0 $0xFFFFE000  }
0x48: {  	s12 =	simm.s32 $0x200;
	s26 =	sadd.s32 @!p1 $0x1, s24;
	_ =	swait.ge [sflag:s0], $0x2000  }
0x49: {  	s17 =	sshll.u32 @!p1 s24, $0x7;
	s20 =	sshrl.u32 @!p1 s20, $0x12;
	[sflag:s0] =	ssyncset.done $0x0  }
0x4a: {  	s20 =	smul.u32 @!p1 $0x5, s20;
	p0 =	por p2, p1;
	[sflag:s0] =	ssyncadd.s32 $0xFFFFE000  }
0x4b: {  	[spmem:s3] =	stream.indirect.scatter.add.f32 [tilespmem:s25], [sflag:s19], $0x80, s18, s2, $0xb8;
	[tilespmem:$0x1E400] =	vst v63  }
0x4c: {  	s11 =	ssub.s32 @!p1 $0x3, s20;
	s20 =	simm.s32 @!p0 $0x4;
	_ =	swait.ge @!p1 [sflag:s26], $0x80  }
0x4d: {  	s11 =	sand.u32 @!p1 $0xFFFF, s11;
	s20 =	sand.u32 @!p0 $0x7, s20;
	[sflag:s26] =	ssyncset.done @!p1 $0x0  }
0x4e: {  	s0 =	sadd.s32 @!p1 $0x9, s24;
	s24 =	sshll.u32 @!p1 s11, $0xD;
	[sflag:s26] =	ssyncadd.s32 @!p1 $0xFFFFFF80  }
0x4f: {  	s11 =	sadd.s32 @!p1 $0x11, s11;
	s18 =	sand.u32 @!p0 $0x1FC00, s12;
	_ =	swait.ge @!p1 [sflag:s0], $0x80  }
0x50: {  	s19 =	sand.u32 @!p0 $0x380, s12;
	s12 =	sadd.s32 @!p0 s9, s18;
	[sflag:s0] =	ssyncset.done @!p1 $0x0  }
0x51: {  	s26 =	sor.u32 @!p1 $0x800, s24;
	[sflag:s0] =	ssyncadd.s32 @!p1 $0xFFFFFF80;
	s0 =	sor.u32 @!p0 s19, s12  }
0x52: {  	s24 =	sshll.u32 @!p0 s20, $0x7;
	s12 =	sadd.s32 @!p0 $0x1, s20;
	s0 =	sshrl.u32 @!p0 s0, $0x3  }
.LBB2_2:
0x53: {  	s0 =	sadd.s32 @!p0 s6, s0;
	s25 =	simm.s32 @!p0 $0x0;
	s18 =	sadd.s32 @!p0 s7, s18  }
0x54: {  	[tilespmem:s26], [sflag:s11] =	stream.indirect.gather @!p1 [hbm4b:s5+s31], $0x80, s17, s31, $0xb8;
	[tilespmem:$0x1E400] =	vst v63  }
0x55: {  	p3 =	slt.u32 s14, $0x2;
	s11 =	sor.u32 @!p0 s19, s18;
	s17 =	sadd.s32 @!p0 $0x9, s20  }
0x56: {  	s20 =	sadd.s32 @!p3 $0xFFFFFFFE, s14;
	s18 =	smul.u32 @!p3 $0xCCCD, s14;
	s11 =	sshrl.u32 @!p0 s11, $0x3  }
0x57: {  	[tilespmem:s24], [sflag:s12] =	stream.linear.gather @!p0 [hbm4b:s0+s25], $0x80, $0x38;
	[tilespmem:$0x1E400] =	vst v63  }
0x58: {  	s11 =	sadd.s32 @!p0 s1, s11;
	s0 =	sand.u32 @!p3 $0xFFFF, s20;
	s12 =	sshrl.u32 @!p3 s18, $0x12  }
0x59: {  	s18 =	smov.u32 s14;
	s14 =	sadd.s32 $0x1, s14;
	s12 =	smul.u32 @!p3 $0x5, s12  }
0x5a: {  	s26 =	smov.u32 s15;
	s0 =	smul.u32 @!p3 $0xCCCD, s0;
	p2 =	sne.s32 s14, $0x13C  }
0x5b: {  	s19 =	smov.u32 s16;
	s12 =	ssub.s32 @!p3 s18, s12  }
0x5c: {  	s0 =	sshrl.u32 @!p3 s0, $0x12;
	s12 =	sand.u32 @!p3 $0xFFFF, s12  }
0x5d: {  	s15 =	sadd.s32 $0x200, s15;
	s0 =	smul.u32 @!p3 $0x5, s0;
	s12 =	smov.u32 @p3 s18  }
0x5e: {  	s16 =	sadd.s32 $0x80, s16;
	s24 =	sor.u32 @!p0 $0x400, s24;
	s31 =	sshll.u32 s12, $0xD  }
0x5f: {  	s0 =	ssub.s32 @!p3 s20, s0;
	s20 =	sand.u32 $0xE00, s26;
	s26 =	sadd.s32 $0x16, s12  }
0x60: {  	s0 =	sand.u32 @!p3 $0xFFFF, s0;
	s31 =	sand.u32 $0x3FFFE000, s31;
	s20 =	sshrl.u32 s20, $0x2  }
0x61: {  	[tilespmem:s24], [sflag:s17] =	stream.linear.gather @!p0 [hbm4b:s11+s25], $0x80, $0x38;
	[tilespmem:$0x1E400] =	vst v63  }
0x62: {  	p1 =	sgt.u32 s18, $0x138;
	s0 =	sadd.s32 @!p3 $0x16, s0;
	s11 =	sadd.s32 $0x11, s12  }
0x63: {  	s12 =	sadd.s32 @!p1 $0x3, s18;
	p0 =	seq.s32 @!p1 s18, $0x138;
	_ =	swait.ge @!p3 [sflag:s0], $0x2000  }
0x64: {  	s24 =	sand.u32 @!p1 $0x7, s12;
	s25 =	smul.u32 @!p1 $0xCCCD, s12;
	[sflag:s0] =	ssyncset.done @!p3 $0x0  }
0x65: {  	[sflag:s0] =	ssyncadd.s32 @!p3 $0xFFFFE000;
	s0 =	sor.u32 $0x800, s31;
	s31 =	sadd.s32 @!p1 $0x1, s24  }
0x66: {  	s17 =	sshll.u32 @!p1 s24, $0x7;
	s25 =	sshrl.u32 @!p1 s25, $0x12;
	_ =	swait.ge [sflag:s11], $0x2000  }
0x67: {  	s20 =	sor.u32 $0x400, s20;
	s25 =	smul.u32 @!p1 $0x5, s25;
	[sflag:s11] =	ssyncset.done $0x0  }
0x68: {  	p0 =	por p0, p1;
	s24 =	sadd.s32 @!p1 $0x9, s24;
	[sflag:s11] =	ssyncadd.s32 $0xFFFFE000  }
0x69: {  	[spmem:s3] =	stream.indirect.scatter.add.f32 [tilespmem:s0], [sflag:s26], $0x80, s20, s2, $0xb8;
	[tilespmem:$0x1E400] =	vst v63  }
0x6a: {  	s0 =	ssub.s32 @!p1 s12, s25  }
0x6b: {  	s12 =	sadd.s32 @!p0 $0x4, s18;
	s18 =	sand.u32 @!p0 $0x1FC00, s19;
	_ =	swait.ge @!p1 [sflag:s31], $0x80  }
0x6c: {  	s19 =	sand.u32 @!p0 $0x380, s19;
	s0 =	sand.u32 @!p1 $0xFFFF, s0;
	[sflag:s31] =	ssyncset.done @!p1 $0x0  }
.Ltmp0:
0x6d: {  	s11 =	sshll.u32 @!p1 s0, $0xD;
	[sflag:s31] =	ssyncadd.s32 @!p1 $0xFFFFFF80;
	(pc) =	sbr.rel @p2 .LBB2_2-.Ltmp0, $4  }
0x6e: {  	s26 =	sor.u32 @!p1 $0x800, s11;
	s11 =	sadd.s32 @!p1 $0x11, s0;
	_ =	swait.ge @!p1 [sflag:s24], $0x80  }
0x6f: {  	s20 =	sand.u32 @!p0 $0x7, s12;
	s0 =	sadd.s32 @!p0 s9, s18;
	[sflag:s24] =	ssyncset.done @!p1 $0x0  }
0x70: {  	s31 =	simm.s32 @!p1 $0x40;
	s0 =	sor.u32 @!p0 s19, s0;
	[sflag:s24] =	ssyncadd.s32 @!p1 $0xFFFFFF80  }
0x71: {  	s12 =	sadd.s32 @!p0 $0x1, s20;
	s0 =	sshrl.u32 @!p0 s0, $0x3;
	s24 =	sshll.u32 @!p0 s20, $0x7  }
0x72: {  	s14 =	sadd.s32 @!p0 s7, s18  }
0x73: {  	[tilespmem:s26], [sflag:s11] =	stream.indirect.gather @!p1 [hbm4b:s5+s31], $0x80, s17, s31, $0xb8;
	[tilespmem:$0x1E400] =	vst v63  }
0x74: {  	s11 =	sor.u32 @!p0 s19, s14  }
0x75: {  	s0 =	sadd.s32 @!p0 s6, s0;
	s14 =	simm.s32 @!p0 $0x0;
	s11 =	sshrl.u32 @!p0 s11, $0x3  }
0x76: {  	[tilespmem:s24], [sflag:s12] =	stream.linear.gather @!p0 [hbm4b:s0+s14], $0x80, $0x38;
	[tilespmem:$0x1E400] =	vst v63  }
0x77: {  	s0 =	sadd.s32 @!p0 $0x9, s20;
	s12 =	sor.u32 @!p0 $0x400, s24;
	s11 =	sadd.s32 @!p0 s1, s11  }
0x78: {  	[tilespmem:s12], [sflag:s0] =	stream.linear.gather @!p0 [hbm4b:s11+s14], $0x80, $0x38;
	[tilespmem:$0x1E400] =	vst v63  }
0x79: {  	_ =	swait.ge [sflag:s29], $0x2000  }
0x7a: {  	[sflag:s29] =	ssyncset.done $0x0  }
0x7b: {  	[sflag:s29] =	ssyncadd.s32 $0xFFFFE000  }
0x7c: {  	_ =	swait.ge [sflag:s8], $0x2000  }
0x7d: {  	[sflag:s8] =	ssyncset.done $0x0  }
0x7e: {  	[sflag:s8] =	ssyncadd.s32 $0xFFFFE000  }
0x7f: {  	[bflag:$0x0] =	sbarrier.arrive $0xFFFF  }
0x80: {  	s26 =	rddreg [dreg:$0xd]  }
0x81: {  	[hbm:s26], [sflag:s10] =	dma.local [spmem:s21], $0x2780  }
0x82: {  	_ =	swait.ge [sflag:s22], $0x2780  }
0x83: {  	s13 =	sadd.s32 $0x1, s13;
	s31 =	rddreg [dreg:$0xe]  }
0x84: {  	p0 =	sne.s32 s13, s31  }
.Ltmp1:
0x85: {  	_ = 	snop;
	(pc) =	sbr.rel @p0 .LBB2_1-.Ltmp1, $3  }
0x86: {  	_ =	sdelay $0x1  }
0x87: {  	[sflag:s22] =	ssyncset.done $0x0  }
0x88: {  	[sflag:s22] =	ssyncadd.s32 $0xFFFFD880  }
0x89: {  	_ =	sfence.sel $0x180000  }
0x8a: {  	[bflag:$0x0] =	sbarrier.arrive $0xFFFF  }
0x8b: {  	_ =	strace $0x9000004A  }
0x8c: {  	s0 =	stileid.u32;
	[bflag:$0x2] =	sbarrier.arrive $0xFFFF  }
0x8d: {  	p0 =	sne.s32 s0, $0x0;
	s0 =	rddreg [dreg:$0x3]  }
0x8e: {  	s0 =	sadd.s32 @!p0 $0x100000, s0  }
0x8f: {  	[sflag:s0] =	ssyncadd.tile.s32 @!p0 $0x1;
	_ =	shalt  }
.Lfunc_end2:
_tile_overlayer_lowered:
.L_overlay_start_2:
0x90: {  	(tag) =	ssettag $0x2  }
0x91: {  	s0 =	rddreg [dreg:$0x0];
	s2 =	stileid.u32  }
0x92: {  	s1 =	rddreg [dreg:$0x1];
	p0 =	sne.s32 s2, $0x0  }
0x93: {  	s3 =	rddreg [dreg:$0x2];
	[bflag:$0x3] =	sbarrier.arrive $0xFFFF;
	s2 =	simm.s32 @!p0 $0x1C1B  }
0x94: {  	[timem:s3], [sflag:s2] =	dma.local @!p0 [hbm:s0], s1  }
0x95: {  	s0 =	simm.s32 @!p0 $0x1B  }
0x96: {  	_ =	swait.ge @!p0 [sflag:s0], s1  }
0x97: {  	s1 =	ssub.s32 @!p0 $0x0, s1;
	[sflag:s0] =	ssyncset.done @!p0 $0x0  }
0x98: {  	[sflag:s0] =	ssyncadd.s32 @!p0 s1  }
0x99: {  	[bflag:$0x3] =	sbarrier.arrive $0xFFFF  }
0x9a: {  	_ =	shalt  }

// kernel: kernel.14.cloned.1.call-start
scs
__scs_entry_jumppad:
0x0: {  	(pc) =	sbr.rel $0x88, $3  }
0x1: {  	(tag) =	ssettag $0x0;
	lr =	simm.s32 $0x1  }
0x2: {  	[smem:$0x3F9B] =	sst lr;
	_ =	strace $0xD0000000  }
0x3: {  	_ = 	snop  }
0x4: {  	_ = 	snop  }
0x5: {  	_ = 	snop  }
0x6: {  	_ = 	snop  }
0x7: {  	_ = 	snop  }
__scs_overlays_trampoline_lowered:
0x8: {  	[smem:$0x3FAA] =	sst s0  }
0x9: {  	[smem:$0x3FAB] =	sst s1  }
0xa: {  	[smem:$0x3FAC] =	sst s2  }
0xb: {  	[smem:$0x3FAD] =	sst s3  }
0xc: {  	[smem:$0x3FAE] =	sst s4  }
0xd: {  	[smem:$0x3FAF] =	sst s5  }
0xe: {  	[smem:$0x3FB0] =	sst s6  }
0xf: {  	[smem:$0x3FB1] =	sst s7  }
0x10: {  	[smem:$0x3FB2] =	sst s8  }
0x11: {  	[smem:$0x3FB3] =	sst s9;
	s0 =	simm.s32 @!p0 $0x0  }
0x12: {  	s1 =	sld [smem:$0x3F99];
	s0 =	simm.s32 @p0 $0x1  }
0x13: {  	[smem:$0x3FB4] =	sst s0;
	s0 =	simm.s32 @!p1 $0x0  }
0x14: {  	s2 =	sld [smem:$0x3F98];
	s0 =	simm.s32 @p1 $0x1  }
0x15: {  	[smem:$0x3FB5] =	sst s0;
	s0 =	simm.s32 @!p2 $0x0  }
0x16: {  	s3 =	sld [smem:$0x3FDB];
	s0 =	simm.s32 @p2 $0x1  }
0x17: {  	s4 =	simm.s32 $0x1BF5;
	[smem:$0x3FB7] =	sst s0  }
0x18: {  	s0 =	sld [smem:$0x3F9A];
	_ =	swait.ge [sflag:s4], $0x0  }
0x19: {  	s7 =	sld [smem:$0x3F9B]  }
0x1a: {  	s8 =	sadd.s32 $0xFFFFE003, lr  }
0x1b: {  	s9 =	sadd.s32 $0xFFFFFEF7, lr;
	s5 =	simm.s32 $0xFFFFFFFF;
	p2 =	slt.u32 s8, $0xFFFFF086  }
0x1c: {  	p1 =	slt.u32 s9, $0xF7A;
	s5 =	simm.s32 @!p2 $0x0  }
0x1d: {  	s5 =	simm.s32 @p1 $0x1;
	p0 =	seq.s32 s7, s2  }
0x1e: {  	s7 =	smul.u32 @!p0 $0xF7A, s2;
	p2 =	seq.s32 @!p0 s5, $0x0  }
0x1f: {  	s9 =	smul.u32 $0xF7A, s1;
	s8 =	simm.s32 @!p0 $0x1BF5;
	p2 =	por !p2, p0  }
0x20: {  	[sflag:s8] =	ssyncset.s32 @!p0 $0xFFFFF086;
	s6 =	sadd.s32 @!p0 s3, s7;
	s7 =	simm.s32 @!p0 $0x108  }
0x21: {  	s3 =	sadd.s32 s3, s9;
	s6 =	sadd.s32 @!p0 $0x88, s6;
	s7 =	simm.s32 @p2 $0x1082  }
0x22: {  	[simem:s7], [sflag:s8] =	dma.local @!p0 [hbm:s6], $0xF7A  }
0x23: {  	s9 =	sor.u32 $0xD0000000, s2;
	s6 =	simm.s32 $0x108;
	_ =	swait.ge @!p0 [sflag:s8], $0x0  }
0x24: {  	s3 =	sadd.s32 $0x88, s3;
	s6 =	simm.s32 @!p1 $0x1082;
	[sflag:s4] =	ssyncset.s32 $0xFFFFF086  }
0x25: {  	[simem:s6], [sflag:s4] =	dma.local [hbm:s3], $0xF7A  }
0x26: {  	[smem:$0x3F9B] =	sst s1;
	(tag) =	ssettag s2;
	_ =	strace s9  }
0x27: {  	s1 =	sld [smem:$0x3FAB]  }
0x28: {  	s2 =	sld [smem:$0x3FAC]  }
0x29: {  	s4 =	sld [smem:$0x3FAE]  }
0x2a: {  	p0 =	seq.s32 s5, $0x0;
	s5 =	sld [smem:$0x3FAF]  }
0x2b: {  	s6 =	sld [smem:$0x3FB0]  }
0x2c: {  	s7 =	sld [smem:$0x3FB1]  }
0x2d: {  	s3 =	simm.s32 $0x108;
	s8 =	sld [smem:$0x3FB2]  }
0x2e: {  	s3 =	simm.s32 @!p0 $0x1082;
	s9 =	sld [smem:$0x3FB3]  }
0x2f: {  	lr =	sadd.s32 s0, s3;
	s0 =	sld [smem:$0x3FAA]  }
0x30: {  	s3 =	sld [smem:$0x3FAD]  }
0x31: {  	[smem:$0x3FB6] =	sst s10  }
0x32: {  	s10 =	sld [smem:$0x3FB4];
	_ =	sdelay $0x3  }
0x33: {  	p0 =	seq.s32 s10, $0x1;
	s10 =	sld [smem:$0x3FB6];
	_ =	sdelay $0x3  }
0x34: {  	[smem:$0x3FB6] =	sst s10  }
0x35: {  	s10 =	sld [smem:$0x3FB5];
	_ =	sdelay $0x3  }
0x36: {  	p1 =	seq.s32 s10, $0x1;
	s10 =	sld [smem:$0x3FB6];
	_ =	sdelay $0x3  }
0x37: {  	[smem:$0x3FB6] =	sst s10  }
0x38: {  	s10 =	sld [smem:$0x3FB7]  }
0x39: {  	_ = 	snop;
	(pc) =	sbr.ind lr, $3  }
0x3a: {  	_ = 	snop  }
0x3b: {  	_ = 	snop  }
0x3c: {  	p2 =	seq.s32 s10, $0x1;
	s10 =	sld [smem:$0x3FB6]  }
0x3d: {  	_ =	shalt  }
0x3e: {  	_ =	shalt  }
0x3f: {  	_ =	shalt  }
0x40: {  	_ =	shalt  }
0x41: {  	_ =	shalt  }
0x42: {  	_ =	shalt  }
0x43: {  	_ =	shalt  }
0x44: {  	_ =	shalt  }
0x45: {  	_ =	shalt  }
0x46: {  	_ =	shalt  }
0x47: {  	_ =	shalt  }
0x48: {  	_ =	shalt  }
0x49: {  	_ =	shalt  }
0x4a: {  	_ =	shalt  }
0x4b: {  	_ =	shalt  }
0x4c: {  	_ =	shalt  }
0x4d: {  	_ =	shalt  }
0x4e: {  	_ =	shalt  }
0x4f: {  	_ =	shalt  }
0x50: {  	_ =	shalt  }
0x51: {  	_ =	shalt  }
0x52: {  	_ =	shalt  }
0x53: {  	_ =	shalt  }
0x54: {  	_ =	shalt  }
0x55: {  	_ =	shalt  }
0x56: {  	_ =	shalt  }
0x57: {  	_ =	shalt  }
0x58: {  	_ =	shalt  }
0x59: {  	_ =	shalt  }
0x5a: {  	_ =	shalt  }
0x5b: {  	_ =	shalt  }
0x5c: {  	_ =	shalt  }
0x5d: {  	_ =	shalt  }
0x5e: {  	_ =	shalt  }
0x5f: {  	_ =	shalt  }
0x60: {  	_ =	shalt  }
0x61: {  	_ =	shalt  }
0x62: {  	_ =	shalt  }
0x63: {  	_ =	shalt  }
0x64: {  	_ =	shalt  }
0x65: {  	_ =	shalt  }
0x66: {  	_ =	shalt  }
0x67: {  	_ =	shalt  }
0x68: {  	_ =	shalt  }
0x69: {  	_ =	shalt  }
0x6a: {  	_ =	shalt  }
0x6b: {  	_ =	shalt  }
0x6c: {  	_ =	shalt  }
0x6d: {  	_ =	shalt  }
0x6e: {  	_ =	shalt  }
0x6f: {  	_ =	shalt  }
0x70: {  	_ =	shalt  }
0x71: {  	_ =	shalt  }
0x72: {  	_ =	shalt  }
0x73: {  	_ =	shalt  }
0x74: {  	_ =	shalt  }
0x75: {  	_ =	shalt  }
0x76: {  	_ =	shalt  }
0x77: {  	_ =	shalt  }
0x78: {  	_ =	shalt  }
0x79: {  	_ =	shalt  }
0x7a: {  	_ =	shalt  }
0x7b: {  	_ =	shalt  }
0x7c: {  	_ =	shalt  }
0x7d: {  	_ =	shalt  }
0x7e: {  	_ =	shalt  }
0x7f: {  	_ =	shalt  }
0x80: {  	_ =	shalt  }
0x81: {  	_ =	shalt  }
0x82: {  	_ =	shalt  }
0x83: {  	_ =	shalt  }
0x84: {  	_ =	shalt  }
0x85: {  	_ =	shalt  }
0x86: {  	_ =	shalt  }
0x87: {  	_ =	shalt  }
.Lfunc_end0:
.L_simem_size_0:
called_computation.2_lowered:
.L_overlay_start_0:
0x88: {  	s2 =	sld [smem:$0x3FD9]  }
0x89: {  	s3 =	sld [smem:$0x3FFE];
	_ =	sdelay $0x1  }
0x8a: {  	s1 =	srdreg.scid  }
0x8b: {  	s0 =	sand.u32 $0x1, s1  }
0x8c: {  	s16 =	sshll.u32 s0, $0xA;
	s2 =	sadd.s32 s3, s2  }
0x8d: {  	s2 =	sadd.s32 s2, s16  }
0x8e: {  	[smem:$0x3FC2] =	sst s2  }
0x8f: {  	_ = 	snop  }
0x90: {  	(tm) =	ssettm $0x1  }
0x91: {  	s17 =	sld [smem:$0x3FFB];
	_ =	sdelay $0x3  }
0x92: {  	_ =	strace s17  }
0x93: {  	s2 =	sld [smem:$0x3FFC];
	_ =	sdelay $0x3  }
0x94: {  	_ =	strace s2  }
0x95: {  	s2 =	sld [smem:$0x3FFD];
	_ =	sdelay $0x3  }
0x96: {  	_ =	strace s2  }
0x97: {  	_ =	strace $0x8FFFFFFF  }
0x98: {  	s18 =	sld [smem:$0x3FDB];
	_ =	sdelay $0x1  }
0x99: {  	s19 =	simm.s32 $_scs_section_size  }
0x9a: {  	s4 =	simm.s32 $_size__tile_overlayer_lowered;
	s5 =	simm.s32 $_tile_overlayer_lowered  }
0x9b: {  	s22 =	simm.s32 $0x1BFF;
	s21 =	sshll.u32 s5, $0x1;
	s2 =	sadd.s32 s19, s18  }
0x9c: {  	s6 =	simm.s32 $0x0;
	s20 =	sshll.u32 s4, $0x1;
	s4 =	sadd.s32 s21, s2  }
0x9d: {  	[timem:s6], [sflag:s22] =	dma.local [hbm:s4], s20  }
0x9e: {  	_ =	swait.ge [sflag:s22], s20  }
0x9f: {  	s3 =	ssub.s32 $0x0, s20;
	[sflag:s22] =	ssyncset.done $0x0  }
0xa0: {  	[sflag:s22] =	ssyncadd.s32 s3;
	_ =	sdelay $0x1  }
0xa1: {  	s23 =	simm.s32 $0x1B8B  }
0xa2: {  	_ =	swait.ge [sflag:s23], $0x1  }
0xa3: {  	[sflag:s23] =	ssyncset.done $0x0  }
0xa4: {  	s25 =	simm.s32 $0x1B8E;
	s24 =	sld [smem:$0x3FFE];
	[sflag:s23] =	ssyncadd.s32 $0xFFFFFFFF  }
0xa5: {  	s26 =	simm.s32 $execute0_lowered;
	[smem:$0x3FD2] =	sst s25  }
0xa6: {  	s4 =	sshll.u32 s26, $0x1;
	_ =	strace $0x8000004C;
	[dreg:$0x1] =	wrdreg $0xFFFFFFFF  }
0xa7: {  	s28 =	simm.s32 $_size_execute0_lowered;
	s2 =	sadd.s32 s2, s4;
	[dreg:$0x0] =	wrdreg $0x0  }
0xa8: {  	s4 =	sshll.u32 s28, $0x1;
	[dreg:$0x2] =	wrdreg s2  }
0xa9: {  	[dreg:$0x3] =	wrdreg s4  }
0xaa: {  	[dreg:$0x4] =	wrdreg $0xC0  }
0xab: {  	_ =	task [dreg:s6], $0x5FFFF  }
0xac: {  	[dreg:$0x1] =	wrdreg $0xFFFFFFFF  }
0xad: {  	[dreg:$0x0] =	wrdreg $0x60  }
0xae: {  	[dreg:$0x2] =	wrdreg s24  }
0xaf: {  	[dreg:$0x3] =	wrdreg $0xA8000  }
0xb0: {  	[dreg:$0x4] =	wrdreg $0x9  }
0xb1: {  	_ =	task.clear_ibuf [dreg:s6], $0x5FFFF;
	_ =	strace $0x9000004C  }
0xb2: {  	s29 =	simm.s32 $0x9;
	_ =	strace $0x8000004E  }
0xb3: {  	_ =	swait.ge [sflag:s29], $0x1  }
0xb4: {  	[sflag:s29] =	ssyncadd.s32 $0xFFFFFFFF  }
0xb5: {  	_ =	strace $0x9000004E  }
0xb6: {  	_ =	sfence  }
0xb7: {  	s30 =	sld [smem:$0x0];
	_ =	sdelay $0x2  }
0xb8: {  	s31 =	sshll.u32 s1, $0xD;
	s1 =	sshrl.u32 s1, $0x2  }
0xb9: {  	s3 =	sand.u32 $0x4000, s31;
	s1 =	sadd.s32 s1, s30  }
0xba: {  	s0 =	sor.u32 s3, s0;
	s1 =	sshll.u32 s1, $0x11  }
0xbb: {  	s0 =	sor.u32 s1, s0  }
0xbc: {  	s0 =	sadd.s32 $0x8F2B, s0  }
0xbd: {  	[sflag:s0] =	ssyncadd.remote.s32 $0x1  }
0xbe: {  	_ =	sfence.sel $0xFFFF  }
0xbf: {  	[dreg:$0x0] =	wrdreg $0xFFFFFFFF;
	(pc) =	sbr.abs _section_cstart, $3  }
0xc0: {  	[dreg:$0x1] =	wrdreg $0xFFFFFFFF  }
0xc1: {  	_ =	task.clear_ibuf [dreg:s6], $0x2FFFF;
	_ =	strace $0x9FFFFFFF  }
0xc2: {  	(tm) =	ssettm $0x7FFFFFFF  }
0xc3: {  	_ =	shalt  }
tec
execute0_lowered:
.L_overlay_start_1:
0x0: {  	(tag) =	ssettag $0x1  }
0x1: {  	s0 =	rddreg [dreg:$0x0]  }
0x2: {  	s2 =	rddreg [dreg:$0x1]  }
0x3: {  	s3 =	simm.s32 $0x0;
	s12 =	stileid.u32;
	s1 =	srdreg.scid  }
0x4: {  	[smem:$0x7FF] =	sst s3;
	s7 =	smul.u32 $0x13C00, s12;
	s1 =	sand.u32 $0x1, s1  }
0x5: {  	s4 =	sadd.s32 $0x33400, s0;
	s5 =	sadd.s32 $0x10D800, s0;
	s10 =	smul.u32 $0x4F000, s12  }
0x6: {  	s6 =	sadd.s32 $0xF9C00, s0;
	s11 =	smul.u32 $0x6E00, s12;
	s26 =	sshll.u32 s12, $0x9  }
0x7: {  	s13 =	sshll.u32 s12, $0x6;
	s20 =	smul.u32 $0x600, s12;
	_ =	strace $0x8000004D  }
0x8: {  	s8 =	smul.u32 $0x13C000, s1;
	s23 =	ssub.s32 $0x2, s1;
	p0 =	seq.s32 s1, $0x1  }
0x9: {  	s9 =	sshrl.u32 s7, $0x3;
	s24 =	sshrl.u32 s23, $0x1;
	s25 =	sshrl.u32 s10, $0x2  }
0xa: {  	s11 =	sand.u32 $0x7FC00, s11;
	s10 =	sand.u32 $0x200, s26;
	s9 =	sadd.s32 s9, s0  }
0xb: {  	s7 =	sadd.s32 s7, s8;
	s8 =	sor.u32 s10, s11;
	s26 =	sadd.s32 $0xBC00, s9  }
0xc: {  	s9 =	sor.u32 $0x1C1B, s13;
	s14 =	sshrl.u32 s8, $0x3;
	[dreg:$0x3] =	wrdreg s26  }
0xd: {  	s7 =	sshrl.u32 s7, $0x3;
	s8 =	sadd.s32 s5, s14;
	[dreg:$0x4] =	wrdreg s9  }
0xe: {  	s16 =	sadd.s32 s6, s14;
	s17 =	sor.u32 $0x10, s14;
	[dreg:$0x5] =	wrdreg s8  }
0xf: {  	s0 =	sadd.s32 s7, s0;
	[dreg:$0x6] =	wrdreg s16;
	s18 =	sadd.s32 s5, s17  }
0x10: {  	s19 =	sor.u32 $0x20, s14;
	s8 =	sadd.s32 s6, s17;
	[dreg:$0x7] =	wrdreg s18  }
0x11: {  	s7 =	ssub.s32 s23, s24;
	s21 =	sadd.s32 s5, s19;
	[dreg:$0x8] =	wrdreg s8  }
0x12: {  	s1 =	sor.u32 $0x30, s14;
	s22 =	sadd.s32 s6, s19;
	[dreg:$0x9] =	wrdreg s21  }
0x13: {  	s23 =	sadd.s32 s25, s2;
	s25 =	sadd.s32 s5, s1;
	[dreg:$0xa] =	wrdreg s22  }
0x14: {  	s15 =	smul.u32 $0x3000, s12;
	s1 =	sadd.s32 s6, s1;
	[dreg:$0xb] =	wrdreg s25  }
0x15: {  	s24 =	sadd.s32 $0xDC00, s20;
	s28 =	sadd.s32 $0x82400, s0;
	[dreg:$0xc] =	wrdreg s1  }
0x16: {  	s11 =	sadd.s32 s24, s5;
	s29 =	smax.u32 s7, $0x1;
	[dreg:$0x15] =	wrdreg s28  }
0x17: {  	s13 =	sshrl.u32 s15, $0x3;
	s14 =	sadd.s32 $0x13C00, s11;
	[dreg:$0x16] =	wrdreg s29  }
0x18: {  	s16 =	sadd.s32 s5, s13;
	s8 =	sadd.s32 s6, s24;
	[dreg:$0xd] =	wrdreg s14  }
0x19: {  	s17 =	sadd.s32 $0x21810, s16;
	[dreg:$0xe] =	wrdreg s8  }
0x1a: {  	s30 =	simm.s32 $0x400;
	s19 =	sadd.s32 $0x21820, s16;
	[dreg:$0xf] =	wrdreg s17  }
0x1b: {  	s18 =	sadd.s32 s6, s13;
	s1 =	sadd.s32 $0x21830, s16;
	[dreg:$0x10] =	wrdreg s19  }
0x1c: {  	s20 =	smul.u32 $0xDC0, s12;
	[dreg:$0x11] =	wrdreg s1;
	s21 =	sadd.s32 $0xDC10, s18  }
.Ltmp0:
0x1d: {  	s22 =	sadd.s32 $0xDC20, s18;
	[dreg:$0x12] =	wrdreg s21;
	(pc) =	sbr.rel .LBB2_1-.Ltmp0, $4  }
0x1e: {  	s24 =	sadd.s32 s20, s5;
	s8 =	sadd.s32 $0xDC30, s18;
	[dreg:$0x13] =	wrdreg s22  }
0x1f: {  	s1 =	sadd.s32 s20, s6;
	s0 =	sadd.s32 $0x40, s24;
	[dreg:$0x14] =	wrdreg s8  }
0x20: {  	s31 =	simm.s32 $0x80;
	[dreg:$0x17] =	wrdreg s0;
	s25 =	sadd.s32 $0x40, s1  }
0x21: {  	s19 =	simm.s32 $0x40;
	s0 =	simm.s32 $0x1B;
	[dreg:$0x18] =	wrdreg s25  }
.LBB2_4:
0x22: {  	s11 =	sadd.s32 @!p1 $0x1, s26  }
0x23: {  	[spmem:s2] =	stream.indirect.scatter.add.f32 [tilespmem:s8], [sflag:s18], $0x80, s1, s19, $0xb8;
	[tilespmem:$0x1E400] =	vst v63  }
0x24: {  	_ =	swait.ge @!p1 [sflag:s11], $0x80  }
0x25: {  	[sflag:s11] =	ssyncset.done @!p1 $0x0  }
0x26: {  	s1 =	sadd.s32 @!p1 $0x9, s26;
	[sflag:s11] =	ssyncadd.s32 @!p1 $0xFFFFFF80  }
0x27: {  	_ =	swait.ge @!p1 [sflag:s1], $0x80  }
0x28: {  	[sflag:s1] =	ssyncset.done @!p1 $0x0  }
0x29: {  	s8 =	simm.s32 @!p1 $0x40;
	s26 =	rddreg [dreg:$0x3];
	[sflag:s1] =	ssyncadd.s32 @!p1 $0xFFFFFF80  }
0x2a: {  	[tilespmem:s29], [sflag:s12] =	stream.indirect.gather @!p1 [hbm4b:s4+s8], $0x80, s24, s8, $0xb8;
	[tilespmem:$0x1E400] =	vst v63  }
0x2b: {  	s23 =	smov.u32 s9;
	s9 =	rddreg [dreg:$0x4];
	s1 =	sadd.s32 @!p2 $0x9, s17  }
0x2c: {  	[tilespmem:s7], [sflag:s20] =	stream.linear.gather @!p2 [hbm4b:s30+s28], $0x80, $0x38;
	[tilespmem:$0x1E400] =	vst v63  }
0x2d: {  	s29 =	rddreg [dreg:$0x16];
	s7 =	simm.s32 $0x19;
	s30 =	simm.s32 $0x400  }
0x2e: {  	[tilespmem:s10], [sflag:s1] =	stream.linear.gather @!p2 [hbm4b:s31+s28], $0x80, $0x38;
	[tilespmem:$0x1E400] =	vst v63  }
0x2f: {  	s1 =	simm.s32 $0x1A;
	s28 =	rddreg [dreg:$0x15];
	s31 =	simm.s32 $0x80  }
.LBB2_8:
0x30: {  	_ =	swait.ge [sflag:s7], $0x2000  }
0x31: {  	[sflag:s7] =	ssyncset.done $0x0  }
0x32: {  	[sflag:s7] =	ssyncadd.s32 $0xFFFFE000  }
0x33: {  	_ =	swait.ge [sflag:s1], $0x2000  }
0x34: {  	s3 =	sadd.s32 $0x1, s3;
	[sflag:s1] =	ssyncset.done $0x0  }
0x35: {  	p1 =	sne.s32 s3, s29;
	[sflag:s1] =	ssyncadd.s32 $0xFFFFE000  }
.Ltmp1:
0x36: {  	[bflag:$0x0] =	sbarrier.arrive $0xFFFF;
	(pc) =	sbr.rel @!p1 .LBB2_9-.Ltmp1, $4  }
0x37: {  	[hbm:s28], [sflag:s9] =	dma.local [spmem:s14], $0x2780  }
0x38: {  	_ =	swait.ge [sflag:s0], $0x2780  }
0x39: {  	[sflag:s0] =	ssyncset.done $0x0  }
0x3a: {  	[sflag:s0] =	ssyncadd.s32 $0xFFFFD880  }
.LBB2_1:
0x3b: {  	s14 =	sshrl.u32 s23, $0x3  }
0x3c: {  	[spmem:s14], [sflag:s9] =	dma.local [hbm:s26], $0x2780  }
.Ltmp2:
0x3d: {  	_ =	swait.ge [sflag:s0], $0x2780;
	(pc) =	sbr.rel @!p0 .LBB2_2-.Ltmp2, $3  }
0x3e: {  	[sflag:s0] =	ssyncset.done $0x0  }
0x3f: {  	[sflag:s0] =	ssyncadd.s32 $0xFFFFD880  }
0x40: {  	[bflag:$0x0] =	sbarrier.arrive $0xFFFF;
	_ =	sdelay $0x1  }
0x41: {  	s1 =	simm.s32 $0x0;
	s7 =	rddreg [dreg:$0xd]  }
0x42: {  	[tilespmem:s1], [sflag:$0x1] =	stream.linear.gather [hbm4b:s7+s1], $0x80, $0x38;
	[tilespmem:$0x1E400] =	vst v63  }
0x43: {  	s12 =	rddreg [dreg:$0xe]  }
0x44: {  	[tilespmem:s30], [sflag:$0x9] =	stream.linear.gather [hbm4b:s12+s1], $0x80, $0x38;
	[tilespmem:$0x1E400] =	vst v63  }
0x45: {  	s13 =	rddreg [dreg:$0xf]  }
0x46: {  	[tilespmem:s31], [sflag:$0x2] =	stream.linear.gather [hbm4b:s13+s1], $0x80, $0x38;
	[tilespmem:$0x1E400] =	vst v63  }
0x47: {  	s16 =	rddreg [dreg:$0x12];
	s8 =	simm.s32 $0x480  }
0x48: {  	[tilespmem:s8], [sflag:$0xA] =	stream.linear.gather [hbm4b:s16+s1], $0x80, $0x38;
	[tilespmem:$0x1E400] =	vst v63  }
0x49: {  	s17 =	rddreg [dreg:$0x10];
	s8 =	simm.s32 $0x100  }
0x4a: {  	[tilespmem:s8], [sflag:$0x3] =	stream.linear.gather [hbm4b:s17+s1], $0x80, $0x38;
	[tilespmem:$0x1E400] =	vst v63  }
0x4b: {  	s18 =	rddreg [dreg:$0x13];
	s10 =	simm.s32 $0x500  }
0x4c: {  	[tilespmem:s10], [sflag:$0xB] =	stream.linear.gather [hbm4b:s18+s1], $0x80, $0x38;
	[tilespmem:$0x1E400] =	vst v63  }
0x4d: {  	s20 =	rddreg [dreg:$0x11];
	s21 =	simm.s32 $0x180  }
0x4e: {  	[tilespmem:s21], [sflag:$0x4] =	stream.linear.gather [hbm4b:s20+s1], $0x80, $0x38;
	[tilespmem:$0x1E400] =	vst v63  }
0x4f: {  	s22 =	rddreg [dreg:$0x14];
	s24 =	simm.s32 $0x580;
	s25 =	simm.s32 $0x1  }
0x50: {  	[tilespmem:s24], [sflag:$0xC] =	stream.linear.gather [hbm4b:s22+s1], $0x80, $0x38;
	[tilespmem:$0x1E400] =	vst v63  }
0x51: {  	_ =	swait.ge [sflag:s25], $0x80  }
0x52: {  	[sflag:s25] =	ssyncset.done $0x0  }
0x53: {  	s10 =	simm.s32 $0x9;
	[sflag:s25] =	ssyncadd.s32 $0xFFFFFF80  }
0x54: {  	_ =	swait.ge [sflag:s10], $0x80  }
0x55: {  	[sflag:s10] =	ssyncset.done $0x0  }
0x56: {  	s11 =	simm.s32 $0x800;
	s12 =	simm.s32 $0x2;
	[sflag:s10] =	ssyncadd.s32 $0xFFFFFF80  }
0x57: {  	[tilespmem:s11], [sflag:$0x11] =	stream.indirect.gather [hbm4b:s4+s19], $0x80, s1, s19, $0xb8;
	[tilespmem:$0x1E400] =	vst v63  }
0x58: {  	_ =	swait.ge [sflag:s12], $0x80  }
0x59: {  	[sflag:s12] =	ssyncset.done $0x0  }
0x5a: {  	s13 =	simm.s32 $0xA;
	[sflag:s12] =	ssyncadd.s32 $0xFFFFFF80  }
0x5b: {  	_ =	swait.ge [sflag:s13], $0x80  }
0x5c: {  	p2 =	por $0x1, $0x1;
	[sflag:s13] =	ssyncset.done $0x0  }
0x5d: {  	s16 =	simm.s32 $0x2800;
	s17 =	simm.s32 $0x3;
	[sflag:s13] =	ssyncadd.s32 $0xFFFFFF80  }
0x5e: {  	[tilespmem:s16], [sflag:$0x12] =	stream.indirect.gather [hbm4b:s4+s19], $0x80, s31, s19, $0xb8;
	[tilespmem:$0x1E400] =	vst v63  }
0x5f: {  	s7 =	simm.s32 @!p2 $0xFFFFFFFE;
	_ =	swait.ge [sflag:s17], $0x80  }
0x60: {  	s7 =	sand.u32 @!p2 $0xFF, s7;
	[sflag:s17] =	ssyncset.done $0x0  }
0x61: {  	s7 =	smul.u32 @!p2 $0xCD, s7;
	s18 =	simm.s32 $0xB;
	[sflag:s17] =	ssyncadd.s32 $0xFFFFFF80  }
0x62: {  	_ =	swait.ge [sflag:s18], $0x80  }
0x63: {  	s7 =	sshrl.u32 @!p2 s7, $0xA;
	[sflag:s18] =	ssyncset.done $0x0  }
0x64: {  	s7 =	smul.u32 @!p2 $0x5, s7;
	s20 =	simm.s32 $0x4800;
	[sflag:s18] =	ssyncadd.s32 $0xFFFFFF80  }
0x65: {  	[tilespmem:s20], [sflag:$0x13] =	stream.indirect.gather [hbm4b:s4+s19], $0x80, s8, s19, $0xb8;
	[tilespmem:$0x1E400] =	vst v63  }
0x66: {  	s8 =	smul.u32 @!p2 $0xCD, s1  }
0x67: {  	s7 =	ssub.s32 @!p2 $0xFFFFFFFE, s7  }
0x68: {  	p1 =	por $0x0, $0x0;
	s7 =	sand.u32 @!p2 $0xFF, s7;
	s8 =	sshrl.u32 @!p2 s8, $0xA  }
0x69: {  	s7 =	sadd.s32 @!p2 $0x16, s7;
	s24 =	simm.s32 $0x1;
	s8 =	sand.u32 @!p2 $0x3F, s8  }
0x6a: {  	s25 =	simm.s32 $0x6E280;
	s12 =	simm.s32 @!p1 $0x3;
	s8 =	smul.u32 @!p2 $0x5, s8  }
0x6b: {  	s13 =	sand.u32 @!p1 $0x7, s12;
	s12 =	smul.u32 @!p1 $0xCD, s12;
	_ =	swait.ge @!p2 [sflag:s7], $0x2000  }
0x6c: {  	s16 =	simm.s32 $0x200;
	[sflag:s7] =	ssyncset.done @!p2 $0x0;
	s8 =	ssub.s32 @!p2 $0x0, s8  }
0x6d: {  	s17 =	sadd.s32 @!p1 $0x1, s13;
	[sflag:s7] =	ssyncadd.s32 @!p2 $0xFFFFE000;
	s8 =	sand.u32 @!p2 $0xFF, s8  }
0x6e: {  	s7 =	sshll.u32 @!p1 s13, $0x7;
	s8 =	smov.u32 @p2 s1;
	s1 =	sand.u32 $0xE00, s1  }
0x6f: {  	p2 =	por @!p1 $0x0, $0x0;
	s21 =	sshll.u32 s8, $0xD;
	s1 =	sshrl.u32 s1, $0x2  }
0x70: {  	s11 =	sadd.s32 $0x16, s8;
	s8 =	sadd.s32 $0x11, s8;
	s10 =	sand.u32 $0x3FFFE000, s21  }
0x71: {  	_ =	swait.ge [sflag:s8], $0x2000;
	s22 =	sor.u32 $0x800, s10;
	s10 =	sshrl.u32 @!p1 s12, $0xA  }
0x72: {  	p2 =	por p2, p1;
	[sflag:s8] =	ssyncset.done $0x0;
	s10 =	sand.u32 @!p1 $0x3F, s10  }
0x73: {  	s1 =	sor.u32 $0x400, s1;
	[sflag:s8] =	ssyncadd.s32 $0xFFFFE000;
	s10 =	smul.u32 @!p1 $0x5, s10  }
0x74: {  	[spmem:s2] =	stream.indirect.scatter.add.f32 [tilespmem:s22], [sflag:s11], $0x80, s1, s19, $0xb8;
	[tilespmem:$0x1E400] =	vst v63  }
0x75: {  	s12 =	sadd.s32 @!p1 $0x9, s13;
	s11 =	simm.s32 @!p1 $0x40;
	s1 =	sadd.s32 @!p2 $0x6E200, s15  }
0x76: {  	_ =	swait.ge @!p1 [sflag:s17], $0x80;
	s1 =	sand.u32 @!p2 $0x1FFC00, s1;
	s8 =	ssub.s32 @!p1 $0x3, s10  }
0x77: {  	s10 =	simm.s32 @!p2 $0x200;
	[sflag:s17] =	ssyncset.done @!p1 $0x0;
	s13 =	sand.u32 @!p1 $0xFF, s8  }
0x78: {  	s18 =	sand.u32 @!p2 $0x380, s10;
	[sflag:s17] =	ssyncadd.s32 @!p1 $0xFFFFFF80;
	s17 =	simm.s32 @!p2 $0x4  }
0x79: {  	s8 =	sshll.u32 @!p1 s13, $0xD;
	_ =	swait.ge @!p1 [sflag:s12], $0x80;
	s10 =	sadd.s32 @!p1 $0x11, s13  }
0x7a: {  	s18 =	sor.u32 @!p2 s18, s1;
	s1 =	sand.u32 @!p2 $0x7, s17;
	s8 =	sor.u32 @!p1 $0x800, s8  }
0x7b: {  	[sflag:s12] =	ssyncset.done @!p1 $0x0;
	s17 =	sadd.s32 @!p2 $0x9E000, s18;
	s13 =	sshll.u32 @!p2 s1, $0x7  }
0x7c: {  	[sflag:s12] =	ssyncadd.s32 @!p1 $0xFFFFFF80;
	s17 =	sshrl.u32 @!p2 s17, $0x3;
	s12 =	sshrl.u32 @!p2 s18, $0x3  }
.LBB2_6:
0x7d: {  	[tilespmem:s8], [sflag:s10] =	stream.indirect.gather @!p1 [hbm4b:s4+s11], $0x80, s7, s11, $0xb8;
	[tilespmem:$0x1E400] =	vst v63  }
0x7e: {  	s8 =	smov.u32 s24;
	s7 =	smov.u32 s16;
	s10 =	smov.u32 s25  }
0x7f: {  	s11 =	sadd.s32 @!p2 $0x1, s1;
	s17 =	sadd.s32 @!p2 s5, s17;
	s18 =	simm.s32 @!p2 $0x0  }
0x80: {  	[tilespmem:s13], [sflag:s11] =	stream.linear.gather @!p2 [hbm4b:s17+s18], $0x80, $0x38;
	[tilespmem:$0x1E400] =	vst v63  }
0x81: {  	p4 =	slt.u32 s24, $0x2;
	s1 =	sadd.s32 @!p2 $0x9, s1;
	s11 =	sor.u32 @!p2 $0x400, s13  }
0x82: {  	s24 =	sadd.s32 $0x1, s24;
	s13 =	sadd.s32 @!p4 $0xFFFFFFFE, s8;
	s17 =	smul.u32 @!p4 $0xCD, s8  }
0x83: {  	p3 =	sne.s32 s24, $0x60;
	s20 =	sand.u32 @!p4 $0xFF, s13  }
0x84: {  	s20 =	smul.u32 @!p4 $0xCD, s20;
	s17 =	sshrl.u32 @!p4 s17, $0xA  }
0x85: {  	s17 =	sand.u32 @!p4 $0x3F, s17  }
0x86: {  	s20 =	sshrl.u32 @!p4 s20, $0xA;
	s17 =	smul.u32 @!p4 $0x5, s17  }
0x87: {  	s16 =	sadd.s32 $0x200, s16;
	s20 =	smul.u32 @!p4 $0x5, s20  }
0x88: {  	s25 =	sadd.s32 $0x80, s25;
	s12 =	sadd.s32 @!p2 s6, s12;
	s17 =	ssub.s32 @!p4 s8, s17  }
0x89: {  	p1 =	sgt.u32 s8, $0x5C;
	s13 =	ssub.s32 @!p4 s13, s20;
	s17 =	sand.u32 @!p4 $0xFF, s17  }
0x8a: {  	s7 =	sand.u32 $0xE00, s7;
	s13 =	sand.u32 @!p4 $0xFF, s13;
	s17 =	smov.u32 @p4 s8  }
0x8b: {  	s7 =	sshrl.u32 s7, $0x2;
	s13 =	sadd.s32 @!p4 $0x16, s13;
	s20 =	sshll.u32 s17, $0xD  }
0x8c: {  	s21 =	sor.u32 $0x400, s7;
	s22 =	sadd.s32 $0x16, s17;
	s20 =	sand.u32 $0x3FFFE000, s20  }
0x8d: {  	[tilespmem:s11], [sflag:s1] =	stream.linear.gather @!p2 [hbm4b:s12+s18], $0x80, $0x38;
	[tilespmem:$0x1E400] =	vst v63  }
0x8e: {  	s12 =	sadd.s32 @!p1 $0x3, s8  }
0x8f: {  	s1 =	sadd.s32 $0x11, s17;
	_ =	swait.ge @!p4 [sflag:s13], $0x2000;
	s11 =	smul.u32 @!p1 $0xCD, s12  }
0x90: {  	p2 =	seq.s32 @!p1 s8, $0x5C;
	s7 =	sand.u32 @!p1 $0x7, s12;
	[sflag:s13] =	ssyncset.done @!p4 $0x0  }
0x91: {  	[sflag:s13] =	ssyncadd.s32 @!p4 $0xFFFFE000;
	s13 =	sadd.s32 @!p1 $0x1, s7;
	s11 =	sshrl.u32 @!p1 s11, $0xA  }
0x92: {  	s17 =	sor.u32 $0x800, s20;
	s18 =	sadd.s32 @!p1 $0x9, s7;
	s11 =	sand.u32 @!p1 $0x3F, s11  }
0x93: {  	s7 =	sshll.u32 @!p1 s7, $0x7;
	_ =	swait.ge [sflag:s1], $0x2000;
	s20 =	smul.u32 @!p1 $0x5, s11  }
0x94: {  	p2 =	por p2, p1;
	s11 =	simm.s32 @!p1 $0x40;
	[sflag:s1] =	ssyncset.done $0x0  }
0x95: {  	[sflag:s1] =	ssyncadd.s32 $0xFFFFE000;
	s1 =	sadd.s32 @!p2 s10, s15;
	s12 =	ssub.s32 @!p1 s12, s20  }
0x96: {  	[spmem:s2] =	stream.indirect.scatter.add.f32 [tilespmem:s17], [sflag:s22], $0x80, s21, s19, $0xb8;
	[tilespmem:$0x1E400] =	vst v63  }
0x97: {  	s10 =	sadd.s32 @!p2 $0xFFF92000, s10;
	s20 =	sadd.s32 @!p2 $0x4, s8;
	_ =	swait.ge @!p1 [sflag:s13], $0x80  }
0x98: {  	s12 =	sand.u32 @!p1 $0xFF, s12;
	s1 =	sand.u32 @!p2 $0x1FFC00, s1;
	s17 =	sand.u32 @!p2 $0x380, s10  }
.Ltmp3:
0x99: {  	s10 =	sshll.u32 @!p1 s12, $0xD;
	[sflag:s13] =	ssyncset.done @!p1 $0x0;
	(pc) =	sbr.rel @p3 .LBB2_6-.Ltmp3, $4  }
0x9a: {  	s8 =	sor.u32 @!p1 $0x800, s10;
	s10 =	sadd.s32 @!p1 $0x11, s12;
	[sflag:s13] =	ssyncadd.s32 @!p1 $0xFFFFFF80  }
0x9b: {  	s12 =	sor.u32 @!p2 s17, s1;
	s1 =	sand.u32 @!p2 $0x7, s20;
	_ =	swait.ge @!p1 [sflag:s18], $0x80  }
0x9c: {  	s17 =	sadd.s32 @!p2 $0x9E000, s12;
	s13 =	sshll.u32 @!p2 s1, $0x7;
	[sflag:s18] =	ssyncset.done @!p1 $0x0  }
0x9d: {  	s12 =	sshrl.u32 @!p2 s12, $0x3;
	s17 =	sshrl.u32 @!p2 s17, $0x3;
	[sflag:s18] =	ssyncadd.s32 @!p1 $0xFFFFFF80  }
0x9e: {  	[tilespmem:s8], [sflag:s10] =	stream.indirect.gather @!p1 [hbm4b:s4+s11], $0x80, s7, s11, $0xb8;
	[tilespmem:$0x1E400] =	vst v63  }
0x9f: {  	s7 =	sadd.s32 @!p2 $0x1, s1  }
.Ltmp4:
0xa0: {  	s8 =	sadd.s32 @!p2 s5, s17;
	s10 =	simm.s32 @!p2 $0x0;
	(pc) =	sbr.rel .LBB2_8-.Ltmp4, $4  }
0xa1: {  	[tilespmem:s13], [sflag:s7] =	stream.linear.gather @!p2 [hbm4b:s8+s10], $0x80, $0x38;
	[tilespmem:$0x1E400] =	vst v63  }
0xa2: {  	s1 =	sadd.s32 @!p2 $0x9, s1;
	s7 =	sor.u32 @!p2 $0x400, s13;
	s8 =	sadd.s32 @!p2 s6, s12  }
0xa3: {  	[tilespmem:s7], [sflag:s1] =	stream.linear.gather @!p2 [hbm4b:s8+s10], $0x80, $0x38;
	[tilespmem:$0x1E400] =	vst v63  }
0xa4: {  	s1 =	simm.s32 $0x16;
	s7 =	simm.s32 $0x1A  }
.LBB2_2:
0xa5: {  	s1 =	simm.s32 $0x0;
	s7 =	rddreg [dreg:$0x5]  }
0xa6: {  	[tilespmem:s1], [sflag:$0x1] =	stream.linear.gather [hbm4b:s7+s1], $0x80, $0x38;
	[tilespmem:$0x1E400] =	vst v63  }
0xa7: {  	s22 =	rddreg [dreg:$0x6]  }
0xa8: {  	[tilespmem:s30], [sflag:$0x9] =	stream.linear.gather [hbm4b:s22+s1], $0x80, $0x38;
	[tilespmem:$0x1E400] =	vst v63  }
0xa9: {  	s9 =	smov.u32 s23;
	s23 =	rddreg [dreg:$0x7]  }
0xaa: {  	[tilespmem:s31], [sflag:$0x2] =	stream.linear.gather [hbm4b:s23+s1], $0x80, $0x38;
	[tilespmem:$0x1E400] =	vst v63  }
0xab: {  	s24 =	rddreg [dreg:$0x8];
	s8 =	simm.s32 $0x480  }
0xac: {  	[tilespmem:s8], [sflag:$0xA] =	stream.linear.gather [hbm4b:s24+s1], $0x80, $0x38;
	[tilespmem:$0x1E400] =	vst v63  }
0xad: {  	s25 =	rddreg [dreg:$0x9];
	s8 =	simm.s32 $0x100  }
0xae: {  	[tilespmem:s8], [sflag:$0x3] =	stream.linear.gather [hbm4b:s25+s1], $0x80, $0x38;
	[tilespmem:$0x1E400] =	vst v63  }
0xaf: {  	s26 =	rddreg [dreg:$0xa];
	s10 =	simm.s32 $0x500  }
0xb0: {  	[tilespmem:s10], [sflag:$0xB] =	stream.linear.gather [hbm4b:s26+s1], $0x80, $0x38;
	[tilespmem:$0x1E400] =	vst v63  }
0xb1: {  	s11 =	simm.s32 $0x180;
	s10 =	rddreg [dreg:$0xb]  }
0xb2: {  	[tilespmem:s11], [sflag:$0x4] =	stream.linear.gather [hbm4b:s10+s1], $0x80, $0x38;
	[tilespmem:$0x1E400] =	vst v63  }
0xb3: {  	s12 =	rddreg [dreg:$0xc];
	s13 =	simm.s32 $0x580;
	s16 =	simm.s32 $0x1  }
0xb4: {  	[tilespmem:s13], [sflag:$0xC] =	stream.linear.gather [hbm4b:s12+s1], $0x80, $0x38;
	[tilespmem:$0x1E400] =	vst v63  }
0xb5: {  	_ =	swait.ge [sflag:s16], $0x80  }
0xb6: {  	[sflag:s16] =	ssyncset.done $0x0  }
0xb7: {  	s17 =	simm.s32 $0x9;
	[sflag:s16] =	ssyncadd.s32 $0xFFFFFF80  }
0xb8: {  	_ =	swait.ge [sflag:s17], $0x80  }
0xb9: {  	[sflag:s17] =	ssyncset.done $0x0  }
0xba: {  	s18 =	simm.s32 $0x800;
	s20 =	simm.s32 $0x2;
	[sflag:s17] =	ssyncadd.s32 $0xFFFFFF80  }
0xbb: {  	[tilespmem:s18], [sflag:$0x11] =	stream.indirect.gather [hbm4b:s4+s19], $0x80, s1, s19, $0xb8;
	[tilespmem:$0x1E400] =	vst v63  }
0xbc: {  	_ =	swait.ge [sflag:s20], $0x80  }
0xbd: {  	[sflag:s20] =	ssyncset.done $0x0  }
0xbe: {  	s21 =	simm.s32 $0xA;
	[sflag:s20] =	ssyncadd.s32 $0xFFFFFF80  }
0xbf: {  	_ =	swait.ge [sflag:s21], $0x80  }
0xc0: {  	[sflag:s21] =	ssyncset.done $0x0  }
0xc1: {  	s22 =	simm.s32 $0x2800;
	s23 =	simm.s32 $0x3;
	[sflag:s21] =	ssyncadd.s32 $0xFFFFFF80  }
0xc2: {  	[tilespmem:s22], [sflag:$0x12] =	stream.indirect.gather [hbm4b:s4+s19], $0x80, s31, s19, $0xb8;
	[tilespmem:$0x1E400] =	vst v63  }
0xc3: {  	_ =	swait.ge [sflag:s23], $0x80  }
0xc4: {  	[sflag:s23] =	ssyncset.done $0x0  }
0xc5: {  	p2 =	por $0x1, $0x1;
	s24 =	simm.s32 $0xB;
	[sflag:s23] =	ssyncadd.s32 $0xFFFFFF80  }
0xc6: {  	s7 =	smul.u32 @!p2 $0xCD, s1;
	_ =	swait.ge [sflag:s24], $0x80  }
0xc7: {  	[sflag:s24] =	ssyncset.done $0x0  }
0xc8: {  	s7 =	sshrl.u32 @!p2 s7, $0xA;
	s25 =	simm.s32 $0x4800;
	[sflag:s24] =	ssyncadd.s32 $0xFFFFFF80  }
0xc9: {  	[tilespmem:s25], [sflag:$0x13] =	stream.indirect.gather [hbm4b:s4+s19], $0x80, s8, s19, $0xb8;
	[tilespmem:$0x1E400] =	vst v63  }
0xca: {  	s7 =	sand.u32 @!p2 $0x3F, s7;
	s8 =	simm.s32 @!p2 $0xFFFFFFFE  }
0xcb: {  	s7 =	smul.u32 @!p2 $0x5, s7;
	s8 =	sand.u32 @!p2 $0xFF, s8  }
0xcc: {  	p1 =	por $0x0, $0x0;
	s8 =	smul.u32 @!p2 $0xCD, s8  }
0xcd: {  	s7 =	ssub.s32 @!p2 $0x0, s7;
	s11 =	simm.s32 @!p1 $0x3  }
0xce: {  	s7 =	sand.u32 @!p2 $0xFF, s7;
	s13 =	smul.u32 @!p1 $0xCD, s11;
	s8 =	sshrl.u32 @!p2 s8, $0xA  }
0xcf: {  	p3 =	por $0x0, $0x0;
	s7 =	smov.u32 @p2 s1;
	s8 =	smul.u32 @!p2 $0x5, s8  }
0xd0: {  	s26 =	sshll.u32 s7, $0xD;
	s12 =	sadd.s32 $0x11, s7;
	s13 =	sshrl.u32 @!p1 s13, $0xA  }
0xd1: {  	s16 =	simm.s32 $0x1;
	s1 =	sand.u32 $0xE00, s1;
	s8 =	ssub.s32 @!p2 $0xFFFFFFFE, s8  }
0xd2: {  	s18 =	sadd.s32 $0x16, s7;
	s1 =	sshrl.u32 s1, $0x2;
	s10 =	sand.u32 @!p2 $0xFF, s8  }
0xd3: {  	s1 =	sor.u32 $0x400, s1;
	s25 =	simm.s32 $0x200;
	s10 =	sadd.s32 @!p2 $0x16, s10  }
0xd4: {  	s8 =	sand.u32 $0x3FFFE000, s26;
	s26 =	sand.u32 @!p1 $0x7, s11;
	_ =	swait.ge @!p2 [sflag:s10], $0x2000  }
0xd5: {  	s11 =	sand.u32 @!p1 $0x3F, s13;
	s8 =	sor.u32 $0x800, s8;
	[sflag:s10] =	ssyncset.done @!p2 $0x0  }
0xd6: {  	[sflag:s10] =	ssyncadd.s32 @!p2 $0xFFFFE000;
	s10 =	smul.u32 @!p1 $0x5, s11;
	p2 =	por @!p1 $0x0, $0x0  }
0xd7: {  	s24 =	sshll.u32 @!p1 s26, $0x7;
	_ =	swait.ge [sflag:s12], $0x2000;
	p2 =	por p2, p1  }
0xd8: {  	[sflag:s12] =	ssyncset.done $0x0;
	s7 =	ssub.s32 @!p1 $0x3, s10;
	s10 =	simm.s32 @!p2 $0x4  }
.Ltmp5:
0xd9: {  	s31 =	rddreg [dreg:$0x18];
	s28 =	simm.s32 @!p2 $0x0;
	(pc) =	sbr.rel @p3 .LBB2_4-.Ltmp5, $4  }
0xda: {  	s30 =	rddreg [dreg:$0x17];
	s7 =	sand.u32 @!p1 $0xFF, s7;
	[sflag:s12] =	ssyncadd.s32 $0xFFFFE000  }
0xdb: {  	s17 =	sand.u32 @!p2 $0x7, s10;
	s13 =	sadd.s32 $0x10, s30;
	s11 =	sshll.u32 @!p1 s7, $0xD  }
0xdc: {  	s12 =	sadd.s32 @!p1 $0x11, s7;
	s7 =	sshll.u32 @!p2 s17, $0x7;
	s20 =	sadd.s32 @!p2 $0x1, s17  }
0xdd: {  	s29 =	sor.u32 @!p1 $0x800, s11;
	s11 =	sadd.s32 $0x10, s31;
	s10 =	sor.u32 @!p2 $0x400, s7  }
.LBB2_3:
0xde: {  	p4 =	slt.u32 s16, $0x2;
	s21 =	sadd.s32 @!p1 $0x1, s26;
	s22 =	sadd.s32 @!p2 $0x9, s17  }
0xdf: {  	[spmem:s2] =	stream.indirect.scatter.add.f32 [tilespmem:s8], [sflag:s18], $0x80, s1, s19, $0xb8;
	[tilespmem:$0x1E400] =	vst v63  }
0xe0: {  	s1 =	sadd.s32 @!p4 $0xFFFFFFFE, s16;
	s8 =	smul.u32 @!p4 $0xCD, s16;
	_ =	swait.ge @!p1 [sflag:s21], $0x80  }
0xe1: {  	s17 =	smov.u32 s16;
	s16 =	sadd.s32 $0x1, s16;
	[sflag:s21] =	ssyncset.done @!p1 $0x0  }
0xe2: {  	s18 =	sand.u32 @!p4 $0xFF, s1;
	s8 =	sshrl.u32 @!p4 s8, $0xA;
	[sflag:s21] =	ssyncadd.s32 @!p1 $0xFFFFFF80  }
0xe3: {  	p3 =	seq.s32 s16, $0xDC;
	s18 =	smul.u32 @!p4 $0xCD, s18;
	s8 =	sand.u32 @!p4 $0x3F, s8  }
0xe4: {  	s8 =	smul.u32 @!p4 $0x5, s8  }
0xe5: {  	s18 =	sshrl.u32 @!p4 s18, $0xA  }
0xe6: {  	s21 =	sadd.s32 @!p1 $0x9, s26;
	s18 =	smul.u32 @!p4 $0x5, s18;
	s8 =	ssub.s32 @!p4 s17, s8  }
0xe7: {  	s23 =	sand.u32 @!p4 $0xFF, s8;
	s8 =	simm.s32 @!p1 $0x40;
	_ =	swait.ge @!p1 [sflag:s21], $0x80  }
0xe8: {  	s1 =	ssub.s32 @!p4 s1, s18;
	s23 =	smov.u32 @p4 s17;
	[sflag:s21] =	ssyncset.done @!p1 $0x0  }
0xe9: {  	s1 =	sand.u32 @!p4 $0xFF, s1;
	s18 =	sshll.u32 s23, $0xD;
	[sflag:s21] =	ssyncadd.s32 @!p1 $0xFFFFFF80  }
0xea: {  	[tilespmem:s29], [sflag:s12] =	stream.indirect.gather @!p1 [hbm4b:s4+s8], $0x80, s24, s8, $0xb8;
	[tilespmem:$0x1E400] =	vst v63  }
0xeb: {  	s8 =	sand.u32 $0x3FFFE000, s18;
	s12 =	sadd.s32 $0x11, s23;
	p1 =	sgt.u32 s17, $0xD8  }
0xec: {  	[tilespmem:s7], [sflag:s20] =	stream.linear.gather @!p2 [hbm4b:s30+s28], $0x80, $0x38;
	[tilespmem:$0x1E400] =	vst v63  }
0xed: {  	s8 =	sor.u32 $0x800, s8;
	s7 =	sand.u32 $0xE00, s25;
	s20 =	sadd.s32 @!p1 $0x3, s17  }
0xee: {  	s7 =	sshrl.u32 s7, $0x2;
	s26 =	sand.u32 @!p1 $0x7, s20;
	s21 =	smul.u32 @!p1 $0xCD, s20  }
0xef: {  	s1 =	sadd.s32 @!p4 $0x16, s1;
	s30 =	smov.u32 s13;
	s24 =	sshll.u32 @!p1 s26, $0x7  }
0xf0: {  	[tilespmem:s10], [sflag:s22] =	stream.linear.gather @!p2 [hbm4b:s31+s28], $0x80, $0x38;
	[tilespmem:$0x1E400] =	vst v63  }
0xf1: {  	s18 =	sadd.s32 $0x16, s23;
	s10 =	sshrl.u32 @!p1 s21, $0xA;
	_ =	swait.ge @!p4 [sflag:s1], $0x2000  }
0xf2: {  	s31 =	smov.u32 s11;
	s10 =	sand.u32 @!p1 $0x3F, s10;
	[sflag:s1] =	ssyncset.done @!p4 $0x0  }
0xf3: {  	p2 =	seq.s32 @!p1 s17, $0xD8;
	[sflag:s1] =	ssyncadd.s32 @!p4 $0xFFFFE000;
	s1 =	smul.u32 @!p1 $0x5, s10  }
0xf4: {  	p2 =	por p2, p1;
	_ =	swait.ge [sflag:s12], $0x2000  }
0xf5: {  	[sflag:s12] =	ssyncset.done $0x0;
	s10 =	ssub.s32 @!p1 s20, s1;
	s1 =	sor.u32 $0x400, s7  }
.Ltmp6:
0xf6: {  	s7 =	sand.u32 @!p1 $0xFF, s10;
	s10 =	sadd.s32 @!p2 $0x4, s17;
	(pc) =	sbr.rel @!p3 .LBB2_3-.Ltmp6, $4  }
0xf7: {  	[sflag:s12] =	ssyncadd.s32 $0xFFFFE000;
	s17 =	sshll.u32 @!p1 s7, $0xD;
	s12 =	sadd.s32 @!p1 $0x11, s7  }
0xf8: {  	s25 =	sadd.s32 $0x200, s25;
	s29 =	sor.u32 @!p1 $0x800, s17;
	s17 =	sand.u32 @!p2 $0x7, s10  }
0xf9: {  	s11 =	sadd.s32 $0x10, s11;
	s7 =	sshll.u32 @!p2 s17, $0x7;
	s20 =	sadd.s32 @!p2 $0x1, s17  }
0xfa: {  	s13 =	sadd.s32 $0x10, s13;
	s28 =	simm.s32 @!p2 $0x0;
	s10 =	sor.u32 @!p2 $0x400, s7  }
.Ltmp7:
0xfb: {  	_ = 	snop;
	(pc) =	sbr.rel .LBB2_4-.Ltmp7, $1  }
0xfc: {  	_ =	sdelay $0x3  }
.LBB2_9:
0xfd: {  	_ =	sfence.sel $0x180000  }
0xfe: {  	[bflag:$0x0] =	sbarrier.arrive $0xFFFF  }
0xff: {  	_ =	strace $0x9000004D  }
0x100: {  	s0 =	stileid.u32;
	[bflag:$0x2] =	sbarrier.arrive $0xFFFF  }
0x101: {  	p0 =	sne.s32 s0, $0x0;
	s0 =	rddreg [dreg:$0x2]  }
0x102: {  	s0 =	sadd.s32 @!p0 $0x100000, s0  }
0x103: {  	[sflag:s0] =	ssyncadd.tile.s32 @!p0 $0x1;
	_ =	shalt  }
.Lfunc_end2:
_tile_overlayer_lowered:
.L_overlay_start_2:
0x104: {  	(tag) =	ssettag $0x2  }
0x105: {  	s0 =	rddreg [dreg:$0x0];
	s2 =	stileid.u32  }
0x106: {  	s1 =	rddreg [dreg:$0x1];
	p0 =	sne.s32 s2, $0x0  }
0x107: {  	s3 =	rddreg [dreg:$0x2];
	[bflag:$0x3] =	sbarrier.arrive $0xFFFF;
	s2 =	simm.s32 @!p0 $0x1C1B  }
0x108: {  	[timem:s3], [sflag:s2] =	dma.local @!p0 [hbm:s0], s1  }
0x109: {  	s0 =	simm.s32 @!p0 $0x1B  }
0x10a: {  	_ =	swait.ge @!p0 [sflag:s0], s1  }
0x10b: {  	s1 =	ssub.s32 @!p0 $0x0, s1;
	[sflag:s0] =	ssyncset.done @!p0 $0x0  }
0x10c: {  	[sflag:s0] =	ssyncadd.s32 @!p0 s1  }
0x10d: {  	[bflag:$0x3] =	sbarrier.arrive $0xFFFF  }
0x10e: {  	_ =	shalt  }

// kernel: kernel.8.cloned.1.call-start
scs
__scs_entry_jumppad:
0x0: {  	(pc) =	sbr.rel $0x88, $3  }
0x1: {  	(tag) =	ssettag $0x0;
	lr =	simm.s32 $0x1  }
0x2: {  	[smem:$0x3F9B] =	sst lr;
	_ =	strace $0xD0000000  }
0x3: {  	_ = 	snop  }
0x4: {  	_ = 	snop  }
0x5: {  	_ = 	snop  }
0x6: {  	_ = 	snop  }
0x7: {  	_ = 	snop  }
__scs_overlays_trampoline_lowered:
0x8: {  	[smem:$0x3FAA] =	sst s0  }
0x9: {  	[smem:$0x3FAB] =	sst s1  }
0xa: {  	[smem:$0x3FAC] =	sst s2  }
0xb: {  	[smem:$0x3FAD] =	sst s3  }
0xc: {  	[smem:$0x3FAE] =	sst s4  }
0xd: {  	[smem:$0x3FAF] =	sst s5  }
0xe: {  	[smem:$0x3FB0] =	sst s6  }
0xf: {  	[smem:$0x3FB1] =	sst s7  }
0x10: {  	[smem:$0x3FB2] =	sst s8  }
0x11: {  	[smem:$0x3FB3] =	sst s9;
	s0 =	simm.s32 @!p0 $0x0  }
0x12: {  	s1 =	sld [smem:$0x3F99];
	s0 =	simm.s32 @p0 $0x1  }
0x13: {  	[smem:$0x3FB4] =	sst s0;
	s0 =	simm.s32 @!p1 $0x0  }
0x14: {  	s2 =	sld [smem:$0x3F98];
	s0 =	simm.s32 @p1 $0x1  }
0x15: {  	[smem:$0x3FB5] =	sst s0;
	s0 =	simm.s32 @!p2 $0x0  }
0x16: {  	s3 =	sld [smem:$0x3FDB];
	s0 =	simm.s32 @p2 $0x1  }
0x17: {  	s4 =	simm.s32 $0x1BF5;
	[smem:$0x3FB7] =	sst s0  }
0x18: {  	s0 =	sld [smem:$0x3F9A];
	_ =	swait.ge [sflag:s4], $0x0  }
0x19: {  	s7 =	sld [smem:$0x3F9B]  }
0x1a: {  	s8 =	sadd.s32 $0xFFFFE003, lr  }
0x1b: {  	s9 =	sadd.s32 $0xFFFFFEF7, lr;
	s5 =	simm.s32 $0xFFFFFFFF;
	p2 =	slt.u32 s8, $0xFFFFF086  }
0x1c: {  	p1 =	slt.u32 s9, $0xF7A;
	s5 =	simm.s32 @!p2 $0x0  }
0x1d: {  	s5 =	simm.s32 @p1 $0x1;
	p0 =	seq.s32 s7, s2  }
0x1e: {  	s7 =	smul.u32 @!p0 $0xF7A, s2;
	p2 =	seq.s32 @!p0 s5, $0x0  }
0x1f: {  	s9 =	smul.u32 $0xF7A, s1;
	s8 =	simm.s32 @!p0 $0x1BF5;
	p2 =	por !p2, p0  }
0x20: {  	[sflag:s8] =	ssyncset.s32 @!p0 $0xFFFFF086;
	s6 =	sadd.s32 @!p0 s3, s7;
	s7 =	simm.s32 @!p0 $0x108  }
0x21: {  	s3 =	sadd.s32 s3, s9;
	s6 =	sadd.s32 @!p0 $0x88, s6;
	s7 =	simm.s32 @p2 $0x1082  }
0x22: {  	[simem:s7], [sflag:s8] =	dma.local @!p0 [hbm:s6], $0xF7A  }
0x23: {  	s9 =	sor.u32 $0xD0000000, s2;
	s6 =	simm.s32 $0x108;
	_ =	swait.ge @!p0 [sflag:s8], $0x0  }
0x24: {  	s3 =	sadd.s32 $0x88, s3;
	s6 =	simm.s32 @!p1 $0x1082;
	[sflag:s4] =	ssyncset.s32 $0xFFFFF086  }
0x25: {  	[simem:s6], [sflag:s4] =	dma.local [hbm:s3], $0xF7A  }
0x26: {  	[smem:$0x3F9B] =	sst s1;
	(tag) =	ssettag s2;
	_ =	strace s9  }
0x27: {  	s1 =	sld [smem:$0x3FAB]  }
0x28: {  	s2 =	sld [smem:$0x3FAC]  }
0x29: {  	s4 =	sld [smem:$0x3FAE]  }
0x2a: {  	p0 =	seq.s32 s5, $0x0;
	s5 =	sld [smem:$0x3FAF]  }
0x2b: {  	s6 =	sld [smem:$0x3FB0]  }
0x2c: {  	s7 =	sld [smem:$0x3FB1]  }
0x2d: {  	s3 =	simm.s32 $0x108;
	s8 =	sld [smem:$0x3FB2]  }
0x2e: {  	s3 =	simm.s32 @!p0 $0x1082;
	s9 =	sld [smem:$0x3FB3]  }
0x2f: {  	lr =	sadd.s32 s0, s3;
	s0 =	sld [smem:$0x3FAA]  }
0x30: {  	s3 =	sld [smem:$0x3FAD]  }
0x31: {  	[smem:$0x3FB6] =	sst s10  }
0x32: {  	s10 =	sld [smem:$0x3FB4];
	_ =	sdelay $0x3  }
0x33: {  	p0 =	seq.s32 s10, $0x1;
	s10 =	sld [smem:$0x3FB6];
	_ =	sdelay $0x3  }
0x34: {  	[smem:$0x3FB6] =	sst s10  }
0x35: {  	s10 =	sld [smem:$0x3FB5];
	_ =	sdelay $0x3  }
0x36: {  	p1 =	seq.s32 s10, $0x1;
	s10 =	sld [smem:$0x3FB6];
	_ =	sdelay $0x3  }
0x37: {  	[smem:$0x3FB6] =	sst s10  }
0x38: {  	s10 =	sld [smem:$0x3FB7]  }
0x39: {  	_ = 	snop;
	(pc) =	sbr.ind lr, $3  }
0x3a: {  	_ = 	snop  }
0x3b: {  	_ = 	snop  }
0x3c: {  	p2 =	seq.s32 s10, $0x1;
	s10 =	sld [smem:$0x3FB6]  }
0x3d: {  	_ =	shalt  }
0x3e: {  	_ =	shalt  }
0x3f: {  	_ =	shalt  }
0x40: {  	_ =	shalt  }
0x41: {  	_ =	shalt  }
0x42: {  	_ =	shalt  }
0x43: {  	_ =	shalt  }
0x44: {  	_ =	shalt  }
0x45: {  	_ =	shalt  }
0x46: {  	_ =	shalt  }
0x47: {  	_ =	shalt  }
0x48: {  	_ =	shalt  }
0x49: {  	_ =	shalt  }
0x4a: {  	_ =	shalt  }
0x4b: {  	_ =	shalt  }
0x4c: {  	_ =	shalt  }
0x4d: {  	_ =	shalt  }
0x4e: {  	_ =	shalt  }
0x4f: {  	_ =	shalt  }
0x50: {  	_ =	shalt  }
0x51: {  	_ =	shalt  }
0x52: {  	_ =	shalt  }
0x53: {  	_ =	shalt  }
0x54: {  	_ =	shalt  }
0x55: {  	_ =	shalt  }
0x56: {  	_ =	shalt  }
0x57: {  	_ =	shalt  }
0x58: {  	_ =	shalt  }
0x59: {  	_ =	shalt  }
0x5a: {  	_ =	shalt  }
0x5b: {  	_ =	shalt  }
0x5c: {  	_ =	shalt  }
0x5d: {  	_ =	shalt  }
0x5e: {  	_ =	shalt  }
0x5f: {  	_ =	shalt  }
0x60: {  	_ =	shalt  }
0x61: {  	_ =	shalt  }
0x62: {  	_ =	shalt  }
0x63: {  	_ =	shalt  }
0x64: {  	_ =	shalt  }
0x65: {  	_ =	shalt  }
0x66: {  	_ =	shalt  }
0x67: {  	_ =	shalt  }
0x68: {  	_ =	shalt  }
0x69: {  	_ =	shalt  }
0x6a: {  	_ =	shalt  }
0x6b: {  	_ =	shalt  }
0x6c: {  	_ =	shalt  }
0x6d: {  	_ =	shalt  }
0x6e: {  	_ =	shalt  }
0x6f: {  	_ =	shalt  }
0x70: {  	_ =	shalt  }
0x71: {  	_ =	shalt  }
0x72: {  	_ =	shalt  }
0x73: {  	_ =	shalt  }
0x74: {  	_ =	shalt  }
0x75: {  	_ =	shalt  }
0x76: {  	_ =	shalt  }
0x77: {  	_ =	shalt  }
0x78: {  	_ =	shalt  }
0x79: {  	_ =	shalt  }
0x7a: {  	_ =	shalt  }
0x7b: {  	_ =	shalt  }
0x7c: {  	_ =	shalt  }
0x7d: {  	_ =	shalt  }
0x7e: {  	_ =	shalt  }
0x7f: {  	_ =	shalt  }
0x80: {  	_ =	shalt  }
0x81: {  	_ =	shalt  }
0x82: {  	_ =	shalt  }
0x83: {  	_ =	shalt  }
0x84: {  	_ =	shalt  }
0x85: {  	_ =	shalt  }
0x86: {  	_ =	shalt  }
0x87: {  	_ =	shalt  }
.Lfunc_end0:
.L_simem_size_0:
called_computation_lowered:
.L_overlay_start_0:
0x88: {  	s2 =	sld [smem:$0x3FD9]  }
0x89: {  	s3 =	sld [smem:$0x3FFE];
	_ =	sdelay $0x1  }
0x8a: {  	s1 =	srdreg.scid  }
0x8b: {  	s0 =	sand.u32 $0x1, s1  }
0x8c: {  	s16 =	sshll.u32 s0, $0xA;
	s2 =	sadd.s32 s3, s2  }
0x8d: {  	s2 =	sadd.s32 s2, s16  }
0x8e: {  	[smem:$0x3FC2] =	sst s2  }
0x8f: {  	_ = 	snop  }
0x90: {  	(tm) =	ssettm $0x1  }
0x91: {  	s17 =	sld [smem:$0x3FFB];
	_ =	sdelay $0x3  }
0x92: {  	_ =	strace s17  }
0x93: {  	s2 =	sld [smem:$0x3FFC];
	_ =	sdelay $0x3  }
0x94: {  	_ =	strace s2  }
0x95: {  	s2 =	sld [smem:$0x3FFD];
	_ =	sdelay $0x3  }
0x96: {  	_ =	strace s2  }
0x97: {  	_ =	strace $0x8FFFFFFF  }
0x98: {  	s18 =	sld [smem:$0x3FDB];
	_ =	sdelay $0x1  }
0x99: {  	s19 =	simm.s32 $_scs_section_size  }
0x9a: {  	s4 =	simm.s32 $_size__tile_overlayer_lowered;
	s5 =	simm.s32 $_tile_overlayer_lowered  }
0x9b: {  	s22 =	simm.s32 $0x1BFF;
	s21 =	sshll.u32 s5, $0x1;
	s2 =	sadd.s32 s19, s18  }
0x9c: {  	s6 =	simm.s32 $0x0;
	s20 =	sshll.u32 s4, $0x1;
	s4 =	sadd.s32 s21, s2  }
0x9d: {  	[timem:s6], [sflag:s22] =	dma.local [hbm:s4], s20  }
0x9e: {  	_ =	swait.ge [sflag:s22], s20  }
0x9f: {  	s3 =	ssub.s32 $0x0, s20;
	[sflag:s22] =	ssyncset.done $0x0  }
0xa0: {  	[sflag:s22] =	ssyncadd.s32 s3;
	_ =	sdelay $0x1  }
0xa1: {  	s23 =	simm.s32 $0x1B8B  }
0xa2: {  	_ =	swait.ge [sflag:s23], $0x1  }
0xa3: {  	[sflag:s23] =	ssyncset.done $0x0  }
0xa4: {  	s25 =	simm.s32 $0x1B8E;
	s24 =	sld [smem:$0x3FFE];
	[sflag:s23] =	ssyncadd.s32 $0xFFFFFFFF  }
0xa5: {  	s26 =	simm.s32 $execute0_lowered;
	[smem:$0x3FD2] =	sst s25  }
0xa6: {  	s4 =	sshll.u32 s26, $0x1;
	_ =	strace $0x80000046;
	[dreg:$0x1] =	wrdreg $0xFFFFFFFF  }
0xa7: {  	s28 =	simm.s32 $_size_execute0_lowered;
	s2 =	sadd.s32 s2, s4;
	[dreg:$0x0] =	wrdreg $0x0  }
0xa8: {  	s4 =	sshll.u32 s28, $0x1;
	[dreg:$0x2] =	wrdreg s2  }
0xa9: {  	[dreg:$0x3] =	wrdreg s4  }
0xaa: {  	[dreg:$0x4] =	wrdreg $0xC0  }
0xab: {  	_ =	task [dreg:s6], $0x5FFFF  }
0xac: {  	[dreg:$0x1] =	wrdreg $0xFFFFFFFF  }
0xad: {  	[dreg:$0x0] =	wrdreg $0x60  }
0xae: {  	[dreg:$0x2] =	wrdreg s24  }
0xaf: {  	[dreg:$0x3] =	wrdreg $0x68000  }
0xb0: {  	[dreg:$0x4] =	wrdreg $0x9  }
0xb1: {  	_ =	task.clear_ibuf [dreg:s6], $0x5FFFF;
	_ =	strace $0x90000046  }
0xb2: {  	s29 =	simm.s32 $0x9;
	_ =	strace $0x80000048  }
0xb3: {  	_ =	swait.ge [sflag:s29], $0x1  }
0xb4: {  	[sflag:s29] =	ssyncadd.s32 $0xFFFFFFFF  }
0xb5: {  	_ =	strace $0x90000048  }
0xb6: {  	_ =	sfence  }
0xb7: {  	s30 =	sld [smem:$0x0];
	_ =	sdelay $0x2  }
0xb8: {  	s31 =	sshll.u32 s1, $0xD;
	s1 =	sshrl.u32 s1, $0x2  }
0xb9: {  	s3 =	sand.u32 $0x4000, s31;
	s1 =	sadd.s32 s1, s30  }
0xba: {  	s0 =	sor.u32 s3, s0;
	s1 =	sshll.u32 s1, $0x11  }
0xbb: {  	s0 =	sor.u32 s1, s0  }
0xbc: {  	s0 =	sadd.s32 $0x8F2B, s0  }
0xbd: {  	[sflag:s0] =	ssyncadd.remote.s32 $0x1  }
0xbe: {  	_ =	sfence.sel $0xFFFF  }
0xbf: {  	[dreg:$0x0] =	wrdreg $0xFFFFFFFF;
	(pc) =	sbr.abs _section_cstart, $3  }
0xc0: {  	[dreg:$0x1] =	wrdreg $0xFFFFFFFF  }
0xc1: {  	_ =	task.clear_ibuf [dreg:s6], $0x2FFFF;
	_ =	strace $0x9FFFFFFF  }
0xc2: {  	(tm) =	ssettm $0x7FFFFFFF  }
0xc3: {  	_ =	shalt  }
tec
execute0_lowered:
.L_overlay_start_1:
0x0: {  	(tag) =	ssettag $0x1  }
0x1: {  	s6 =	rddreg [dreg:$0x0]  }
0x2: {  	s0 =	srdreg.scid;
	s2 =	rddreg [dreg:$0x1];
	s3 =	simm.s32 $0x0  }
0x3: {  	s14 =	simm.s32 $0x2;
	s5 =	sand.u32 $0x1, s0;
	s0 =	stileid.u32  }
0x4: {  	s15 =	simm.s32 $0x1;
	s16 =	simm.s32 $0x0;
	s7 =	smul.u32 $0x13C00, s0  }
0x5: {  	[smem:$0x7FF] =	sst s3;
	s1 =	sshll.u32 s5, $0x4;
	s8 =	smul.u32 $0x13C000, s5  }
0x6: {  	s28 =	smul.u32 $0x4F000, s0;
	s5 =	ssub.s32 $0x2, s5;
	s1 =	sor.u32 s0, s1  }
0x7: {  	s31 =	sshll.u32 s0, $0x6;
	s29 =	sshrl.u32 s5, $0x1;
	s4 =	smul.u32 $0x500, s1  }
0x8: {  	s1 =	rddreg [dreg:$0x2];
	_ =	strace $0x80000047;
	s10 =	sshrl.u32 s7, $0x3  }
0x9: {  	s7 =	sadd.s32 s7, s8;
	s30 =	sshrl.u32 s28, $0x2;
	s12 =	ssub.s32 s5, s29  }
0xa: {  	s10 =	sadd.s32 s10, s6;
	s7 =	sshrl.u32 s7, $0x3;
	s13 =	sadd.s32 s30, s2  }
0xb: {  	s9 =	sadd.s32 s4, s6;
	s4 =	sadd.s32 $0x33400, s6;
	s11 =	sadd.s32 s7, s6  }
0xc: {  	s5 =	sadd.s32 $0xBC00, s10;
	s6 =	sor.u32 $0x1C03, s31;
	s10 =	sshrl.u32 s13, $0x3  }
0xd: {  	s13 =	simm.s32 $0x80;
	s7 =	sadd.s32 $0x1C00, s9;
	s8 =	sadd.s32 $0x33C00, s11  }
0xe: {  	s9 =	smax.u32 s12, $0x1;
	s11 =	simm.s32 $0x3;
	s12 =	simm.s32 $0x2800  }
.LBB2_1:
0xf: {  	[spmem:s10], [sflag:s6] =	dma.local [hbm:s5], $0x2780  }
0x10: {  	_ =	swait.ge [sflag:s11], $0x2780  }
0x11: {  	[sflag:s11] =	ssyncset.done $0x0  }
0x12: {  	[sflag:s11] =	ssyncadd.s32 $0xFFFFD880  }
0x13: {  	[tilespmem:s12], [sflag:$0x3] =	stream.linear.gather [hbm4b:s4+s3], $0x4000, $0x38;
	[tilespmem:$0x1A400] =	vst v63  }
0x14: {  	_ =	swait.ge [sflag:s11], $0x4000  }
0x15: {  	[sflag:s11] =	ssyncset.done $0x0  }
0x16: {  	[sflag:s11] =	ssyncadd.s32 $0xFFFFC000  }
0x17: {  	[tilespmem:s3], [sflag:$0x3] =	stream.linear.gather [hbm4b:s7+s3], $0x2780, $0x38;
	[tilespmem:$0x1A400] =	vst v63  }
0x18: {  	_ =	swait.ge [sflag:s11], $0x2780  }
0x19: {  	[sflag:s11] =	ssyncset.done $0x0  }
0x1a: {  	[sflag:s11] =	ssyncadd.s32 $0xFFFFD880  }
0x1b: {  	s17 =	sand.u32 $0x1, s14;
	[bflag:$0x0] =	sbarrier.arrive $0xFFFF  }
0x1c: {  	[spmem:s2] =	stream.indirect.scatter.add.f32 [tilespmem:s12], [sflag:$0x1], $0x80, s3, s13, $0xb8;
	[tilespmem:$0x1A400] =	vst v63  }
0x1d: {  	s18 =	sadd.s32 $0x1, s17  }
0x1e: {  	[spmem:s2] =	stream.indirect.scatter.add.f32 [tilespmem:s12], [sflag:$0x2], $0x80, s13, s13, $0xb8;
	[tilespmem:$0x1A400] =	vst v63  }
0x1f: {  	_ =	swait.ge [sflag:s18], $0x4000  }
0x20: {  	s19 =	simm.s32 $0x3;
	[sflag:s18] =	ssyncset.done $0x0  }
0x21: {  	s17 =	simm.s32 $0x100;
	s19 =	sand.u32 $0x1, s19;
	[sflag:s18] =	ssyncadd.s32 $0xFFFFC000  }
0x22: {  	[spmem:s2] =	stream.indirect.scatter.add.f32 [tilespmem:s12], [sflag:s18], $0x80, s17, s13, $0xb8;
	[tilespmem:$0x1A400] =	vst v63  }
0x23: {  	s18 =	sadd.s32 $0x1, s19  }
0x24: {  	s19 =	simm.s32 $0x4;
	_ =	swait.ge [sflag:s18], $0x4000  }
.LBB2_2:
0x25: {  	s20 =	sand.u32 $0x1, s19  }
0x26: {  	[sflag:s18] =	ssyncset.done $0x0;
	s17 =	sadd.s32 $0x80, s17;
	p0 =	sne.s32 s19, $0x4E  }
.Ltmp0:
0x27: {  	s20 =	sadd.s32 $0x1, s20;
	[sflag:s18] =	ssyncadd.s32 $0xFFFFC000;
	(pc) =	sbr.rel @p0 .LBB2_2-.Ltmp0, $3  }
0x28: {  	[spmem:s2] =	stream.indirect.scatter.add.f32 [tilespmem:s12], [sflag:s18], $0x80, s17, s13, $0xb8;
	[tilespmem:$0x1A400] =	vst v63  }
0x29: {  	s18 =	smov.u32 s20;
	_ =	swait.ge [sflag:s20], $0x4000;
	_ =	sdelay $0x1  }
0x2a: {  	s19 =	sadd.s32 $0x1, s19  }
0x2b: {  	[sflag:s18] =	ssyncset.done $0x0  }
0x2c: {  	s17 =	sadd.s32 $0x80, s17;
	[sflag:s18] =	ssyncadd.s32 $0xFFFFC000  }
0x2d: {  	[spmem:s2] =	stream.indirect.scatter.add.f32 [tilespmem:s12], [sflag:s18], $0x80, s17, s13, $0xb8;
	[tilespmem:$0x1A400] =	vst v63  }
0x2e: {  	_ =	swait.ge [sflag:s14], $0x4000  }
0x2f: {  	[sflag:s14] =	ssyncset.done $0x0  }
0x30: {  	[sflag:s14] =	ssyncadd.s32 $0xFFFFC000  }
0x31: {  	_ =	swait.ge [sflag:s15], $0x4000  }
0x32: {  	s16 =	sadd.s32 $0x1, s16;
	[sflag:s15] =	ssyncset.done $0x0  }
0x33: {  	p0 =	sne.s32 s16, s9;
	[sflag:s15] =	ssyncadd.s32 $0xFFFFC000  }
.Ltmp1:
0x34: {  	[bflag:$0x0] =	sbarrier.arrive $0xFFFF;
	(pc) =	sbr.rel @p0 .LBB2_1-.Ltmp1, $4  }
0x35: {  	[hbm:s8], [sflag:s6] =	dma.local [spmem:s10], $0x2780  }
0x36: {  	_ =	swait.ge [sflag:s11], $0x2780  }
0x37: {  	[sflag:s11] =	ssyncset.done $0x0  }
0x38: {  	[sflag:s11] =	ssyncadd.s32 $0xFFFFD880  }
0x39: {  	_ =	sfence.sel $0x180000  }
0x3a: {  	[bflag:$0x0] =	sbarrier.arrive $0xFFFF  }
0x3b: {  	p0 =	sne.s32 s0, $0x0;
	_ =	strace $0x90000047  }
0x3c: {  	s0 =	sadd.s32 @!p0 $0x100000, s1;
	[bflag:$0x2] =	sbarrier.arrive $0xFFFF  }
0x3d: {  	[sflag:s0] =	ssyncadd.tile.s32 @!p0 $0x1;
	_ =	shalt  }
.Lfunc_end2:
_tile_overlayer_lowered:
.L_overlay_start_2:
0x3e: {  	(tag) =	ssettag $0x2  }
0x3f: {  	s0 =	rddreg [dreg:$0x0];
	s2 =	stileid.u32  }
0x40: {  	s1 =	rddreg [dreg:$0x1];
	p0 =	sne.s32 s2, $0x0  }
0x41: {  	s3 =	rddreg [dreg:$0x2];
	[bflag:$0x3] =	sbarrier.arrive $0xFFFF;
	s2 =	simm.s32 @!p0 $0x1C03  }
0x42: {  	[timem:s3], [sflag:s2] =	dma.local @!p0 [hbm:s0], s1  }
0x43: {  	s0 =	simm.s32 @!p0 $0x3  }
0x44: {  	_ =	swait.ge @!p0 [sflag:s0], s1  }
0x45: {  	s1 =	ssub.s32 @!p0 $0x0, s1;
	[sflag:s0] =	ssyncset.done @!p0 $0x0  }
0x46: {  	[sflag:s0] =	ssyncadd.s32 @!p0 s1  }
0x47: {  	[bflag:$0x3] =	sbarrier.arrive $0xFFFF  }
0x48: {  	_ =	shalt  }

</sc_bundles>
